<compile_context>
chip_gen: v7x
topology: tpu7x:2x2x1
jax: 0.10.2.dev20260603
libtpu: 0.0.44.dev20260713+nightly
codegen_flags: <defaults>
</compile_context>

<pallas_src>
import functools

import jax
import jax.numpy as jnp
from jax.experimental import pallas as pl
from jax.experimental.pallas import tpu as pltpu
from jax.experimental.pallas import tpu_sc as plsc

LEAKY = 0.1
INF = 3e38



def _fps_kernel(x_ref, o_ref, *, npoint, S, B):
    x = x_ref[...]
    N = S * 128
    nidx = (jax.lax.broadcasted_iota(jnp.int32, (B, S, 128), 1) * 128
            + jax.lax.broadcasted_iota(jnp.int32, (B, S, 128), 2))

    def body(i, state):
        dist, far = state
        o_ref[pl.ds(i, 1), :] = far.reshape(1, B)
        mask = (nidx == far)[:, None, :, :]
        coords = jnp.sum(jnp.where(mask, x, 0.0), axis=(2, 3), keepdims=True)
        d0 = (x[:, 0] - coords[:, 0]) ** 2
        d1 = (x[:, 1] - coords[:, 1]) ** 2
        d2 = (x[:, 2] - coords[:, 2]) ** 2
        d = (d0 + d1) + d2
        dist = jnp.minimum(dist, d)
        m = jnp.max(dist, axis=(1, 2), keepdims=True)
        far = jnp.min(jnp.where(dist == m, nidx, N), axis=(1, 2), keepdims=True)
        return (dist, far)

    init = (jnp.full((B, S, 128), 1e10, jnp.float32),
            jnp.zeros((B, 1, 1), jnp.int32))
    jax.lax.fori_loop(0, npoint, body, init)


def fps_pallas(xyz_bcn, npoint):
    B, _, N = xyz_bcn.shape
    S = N // 128
    x = xyz_bcn.reshape(B, 3, S, 128)
    out = pl.pallas_call(
        functools.partial(_fps_kernel, npoint=npoint, S=S, B=B),
        out_shape=jax.ShapeDtypeStruct((npoint, B), jnp.int32),
    )(x)
    return out.T



def _pcf_kernel(q_ref, pt_ref, tab_ref, w1_ref, b1_ref,
                w2_ref, b2_ref, w3_ref, b3_ref, wl_ref, bl_ref, o_ref,
                dist_ref, acc_ref, *, K, TQ, N, C):
    q = q_ref[0]
    p = pt_ref[0]
    qn = jnp.sum(q * q, axis=1, keepdims=True)
    pn = jnp.sum(p * p, axis=0, keepdims=True)
    dist_ref[...] = qn + pn - 2.0 * jnp.dot(q, p, preferred_element_type=jnp.float32)
    acc_ref[...] = jnp.zeros((TQ, 8, C), jnp.float32)
    nidx = jax.lax.broadcasted_iota(jnp.int32, (TQ, N), 1)
    qpad = jnp.concatenate([q, jnp.zeros((TQ, C - 3), jnp.float32)], axis=1)

    def body(k, m):
        d = dist_ref[...]
        eq = d == m
        idx = jnp.min(jnp.where(eq, nidx, N), axis=1, keepdims=True)
        oh = nidx == idx
        dnew = jnp.where(oh, INF, d)
        dist_ref[...] = dnew
        mnew = jnp.min(dnew, axis=1, keepdims=True)
        raw = jnp.dot(oh.astype(jnp.float32), tab_ref[0],
                      preferred_element_type=jnp.float32)
        npv = raw - qpad
        gx = npv[:, :3]
        h = jnp.maximum(jnp.dot(gx, w1_ref[...], preferred_element_type=jnp.float32) + b1_ref[...], 0.0)
        h = jnp.maximum(jnp.dot(h, w2_ref[...], preferred_element_type=jnp.float32) + b2_ref[...], 0.0)
        wk = jnp.maximum(jnp.dot(h, w3_ref[...], preferred_element_type=jnp.float32) + b3_ref[...], 0.0)
        acc_ref[...] += wk[:, :, None] * npv[:, None, :]
        return mnew

    m0 = jnp.min(dist_ref[...], axis=1, keepdims=True)
    jax.lax.fori_loop(0, K, body, m0)

    O = bl_ref.shape[-1]
    y = jnp.zeros((TQ, O), jnp.float32)
    for w in range(8):
        y = y + jnp.dot(acc_ref[:, w, :], wl_ref[w], preferred_element_type=jnp.float32)
    y = y + bl_ref[...]
    o_ref[0, 0] = jnp.where(y > 0, y, LEAKY * y)


def pointconv_fused(p, new_xyz_nm, xyz_nm, feat_nm, K):
    B, M, _ = new_xyz_nm.shape
    N = xyz_nm.shape[1]
    Cin = feat_nm.shape[2]
    C = 3 + Cin
    O = p["lin"]["W"].shape[0]
    TQ = min(M, 512)
    MT = M // TQ
    pt = jnp.transpose(xyz_nm, (0, 2, 1))
    tab = jnp.concatenate([xyz_nm, feat_nm], axis=2)
    wn = p["wn"]
    w1 = wn[0]["W"].T; b1 = wn[0]["b"][None, :]
    w2 = wn[1]["W"].T; b2 = wn[1]["b"][None, :]
    w3 = wn[2]["W"].T; b3 = wn[2]["b"][None, :]
    wl = p["lin"]["W"].reshape(O, C, 8).transpose(2, 1, 0)
    bl = p["lin"]["b"][None, :]
    const = lambda b, mt: (0, 0)
    out = pl.pallas_call(
        functools.partial(_pcf_kernel, K=K, TQ=TQ, N=N, C=C),
        grid=(B, MT),
        in_specs=[
            pl.BlockSpec((1, TQ, 3), lambda b, mt: (b, mt, 0)),
            pl.BlockSpec((1, 3, N), lambda b, mt: (b, 0, 0)),
            pl.BlockSpec((1, N, C), lambda b, mt: (b, 0, 0)),
            pl.BlockSpec((3, 8), const),
            pl.BlockSpec((1, 8), const),
            pl.BlockSpec((8, 8), const),
            pl.BlockSpec((1, 8), const),
            pl.BlockSpec((8, 8), const),
            pl.BlockSpec((1, 8), const),
            pl.BlockSpec((8, C, O), lambda b, mt: (0, 0, 0)),
            pl.BlockSpec((1, O), const),
        ],
        out_specs=pl.BlockSpec((1, 1, TQ, O), lambda b, mt: (b, mt, 0, 0)),
        out_shape=jax.ShapeDtypeStruct((B, MT, TQ, O), jnp.float32),
        scratch_shapes=[pltpu.VMEM((TQ, N), jnp.float32),
                        pltpu.VMEM((TQ, 8, C), jnp.float32)],
    )(new_xyz_nm, pt, tab, w1, b1, w2, b2, w3, b3, wl, bl)
    return out.reshape(B, M, O)



def _linear_leaky_kernel(x_ref, w_ref, b_ref, o_ref):
    y = jnp.dot(x_ref[...], w_ref[...], preferred_element_type=jnp.float32)
    y = y + b_ref[...]
    o_ref[...] = jnp.where(y > 0, y, LEAKY * y)


def _linear_leaky(x_nm, p):
    B, N, Ci = x_nm.shape
    O = p["W"].shape[0]
    out = pl.pallas_call(
        _linear_leaky_kernel,
        out_shape=jax.ShapeDtypeStruct((B * N, O), jnp.float32),
    )(x_nm.reshape(B * N, Ci), p["W"].T, p["b"][None, :])
    return out.reshape(B, N, O)


def _gather_rows(points, idx):
    B, N, C = points.shape
    M = idx.shape[1]
    CP = 128
    flat = jnp.pad(points, ((0, 0), (0, 0), (0, CP - C))).reshape(B * N, CP)
    offs = idx + (jnp.arange(B, dtype=idx.dtype) * N)[:, None]
    ni = B * M
    W = 128
    inds = offs.reshape(1, ni)
    mesh = plsc.VectorSubcoreMesh(core_axis_name="core",
                                  subcore_axis_name="subcore")

    @functools.partial(
        pl.kernel,
        out_type=jax.ShapeDtypeStruct((ni, CP), jnp.float32),
        mesh=mesh)
    def gather_kernel(x_hbm, i_hbm, o_hbm):
        def body(i_vmem, o_vmem):
            pltpu.sync_copy(x_hbm.at[i_vmem.at[0]], o_vmem)

        pltpu.emit_pipeline(
            body,
            grid=(ni // W,),
            in_specs=[pl.BlockSpec((1, W), index_map=lambda i: (0, i))],
            out_specs=[pl.BlockSpec((W, CP), index_map=lambda i: (i, 0))],
            core_axis_name="subcore",
            dimension_semantics=(pltpu.PARALLEL,),
        )(i_hbm, o_hbm)

    return gather_kernel(flat, inds).reshape(B, M, CP)[:, :, :C]


def _t(a):
    return jnp.transpose(a, (0, 2, 1))


def kernel(xyz, color, params):
    xyz_nm = _t(xyz)
    f0a = _linear_leaky(_t(color), params["level0_lift"])
    f0 = pointconv_fused(params["level0"], xyz_nm, xyz_nm, f0a, 32)
    f0_1 = _linear_leaky(f0, params["level0_1"])

    fps1 = fps_pallas(xyz, 2048)
    nx1 = _gather_rows(xyz_nm, fps1)
    f1r = pointconv_fused(params["level1"], nx1, xyz_nm, f0_1, 32)
    f1 = _linear_leaky(f1r, params["level1_0"])
    f1_2 = _linear_leaky(f1, params["level1_1"])

    fps2 = fps_pallas(_t(nx1), 512)
    nx2 = _gather_rows(nx1, fps2)
    f2r = pointconv_fused(params["level2"], nx2, nx1, f1_2, 32)
    f2 = _linear_leaky(f2r, params["level2_0"])
    f2_3 = _linear_leaky(f2, params["level2_1"])

    fps3 = fps_pallas(_t(nx2), 256)
    nx3 = _gather_rows(nx2, fps3)
    f3r = pointconv_fused(params["level3"], nx3, nx2, f2_3, 32)
    f3 = _linear_leaky(f3r, params["level3_0"])
    f3_4 = _linear_leaky(f3, params["level3_1"])

    fps4 = fps_pallas(_t(nx3), 64)
    nx4 = _gather_rows(nx3, fps4)
    f4 = pointconv_fused(params["level4"], nx4, nx3, f3_4, 32)

    return ((xyz, _t(nx1), _t(nx2), _t(nx3), _t(nx4)),
            (_t(f0), _t(f1), _t(f2), _t(f3), _t(f4)),
            (fps1, fps2, fps3, fps4))

# --- scband reference (transcript-rebuilt; emitter-appended) ---
"""Pipeline reference for scband-point-conv-encoder-13520557048080 (READ-ONLY COPY).

The authoritative reference and input builder live on the scoring server;
editing this copy changes nothing except your own understanding.
"""

import jax, jax.numpy as jnp
import numpy as np

LEAKY = 0.1

def make_params(key):
    ks = list(jax.random.split(key, 64))
    ctr = [0]
    def nk():
        k = ks[ctr[0]]; ctr[0] += 1; return k
    def lin(o, i):
        return {"W": jax.random.normal(nk(), (o, i), jnp.float32) * (1.0 / np.sqrt(i)),
                "b": jnp.zeros((o,), jnp.float32)}
    def wn():
        return [lin(8, 3), lin(8, 8), lin(8, 8)]
    p = {}
    p["level0_lift"] = lin(32, 3)
    p["level0"] = {"wn": wn(), "lin": lin(32, 8 * 35)}
    p["level0_1"] = lin(64, 32)
    p["level1"] = {"wn": wn(), "lin": lin(64, 8 * 67)}
    p["level1_0"] = lin(64, 64)
    p["level1_1"] = lin(128, 64)
    p["level2"] = {"wn": wn(), "lin": lin(128, 8 * 131)}
    p["level2_0"] = lin(128, 128)
    p["level2_1"] = lin(256, 128)
    p["level3"] = {"wn": wn(), "lin": lin(256, 8 * 259)}
    p["level3_0"] = lin(256, 256)
    p["level3_1"] = lin(512, 256)
    p["level4"] = {"wn": wn(), "lin": lin(256, 8 * 515)}
    return p

def conv1d(p, x):
    y = jnp.einsum('oc,bcn->bon', p["W"], x) + p["b"][None, :, None]
    return jnp.where(y > 0, y, LEAKY * y)

def weightnet_apply(layers, x):
    for p in layers:
        x = jnp.einsum('oi,bikn->bokn', p["W"], x) + p["b"][None, :, None, None]
        x = jnp.maximum(x, 0.0)
    return x

def square_distance(src, dst):
    return (jnp.sum(src ** 2, -1)[:, :, None] + jnp.sum(dst ** 2, -1)[:, None, :]
            - 2.0 * jnp.einsum('bsc,bnc->bsn', src, dst))

def knn_point(nsample, xyz, new_xyz):
    d = jax.lax.stop_gradient(square_distance(new_xyz, xyz))
    return jax.lax.top_k(-d, nsample)[1]

def batched_gather(points, idx):
    return jax.vmap(lambda p, i: p[i])(points, idx)

def fps(xyz, npoint):
    xyz = jax.lax.stop_gradient(xyz)
    def single(x):
        N = x.shape[0]
        def body(i, state):
            dist, idxs, far = state
            idxs = idxs.at[i].set(far)
            d = jnp.sum((x - x[far]) ** 2, axis=-1)
            dist = jnp.minimum(dist, d)
            far = jnp.argmax(dist).astype(jnp.int32)
            return (dist, idxs, far)
        init = (jnp.full((N,), 1e10, jnp.float32), jnp.zeros((npoint,), jnp.int32), jnp.array(0, jnp.int32))
        return jax.lax.fori_loop(0, npoint, body, init)[1]
    return jax.vmap(single)(xyz)

def pointconv(p, xyz_bcn, feat_bcn, nsample):
    B = xyz_bcn.shape[0]; N = xyz_bcn.shape[2]
    xyz = jnp.transpose(xyz_bcn, (0, 2, 1))
    pts = jnp.transpose(feat_bcn, (0, 2, 1))
    idx = knn_point(nsample, xyz, xyz)
    gx = batched_gather(xyz, idx) - xyz[:, :, None, :]
    gp = batched_gather(pts, idx)
    new_pts = jnp.concatenate([gx, gp], axis=-1)
    w = weightnet_apply(p["wn"], jnp.transpose(gx, (0, 3, 2, 1)))
    out = jnp.einsum('bnkc,bnkw->bncw', new_pts, jnp.transpose(w, (0, 3, 2, 1))).reshape(B, N, -1)
    out = out @ p["lin"]["W"].T + p["lin"]["b"]
    out = jnp.transpose(out, (0, 2, 1))
    return jnp.where(out > 0, out, LEAKY * out)

def pointconvd(p, xyz_bcn, feat_bcn, npoint, nsample):
    B = xyz_bcn.shape[0]
    xyz = jnp.transpose(xyz_bcn, (0, 2, 1))
    pts = jnp.transpose(feat_bcn, (0, 2, 1))
    fps_idx = fps(xyz, npoint)
    new_xyz = batched_gather(xyz, fps_idx)
    idx = knn_point(nsample, xyz, new_xyz)
    gx = batched_gather(xyz, idx) - new_xyz[:, :, None, :]
    gp = batched_gather(pts, idx)
    new_pts = jnp.concatenate([gx, gp], axis=-1)
    w = weightnet_apply(p["wn"], jnp.transpose(gx, (0, 3, 2, 1)))
    out = jnp.einsum('bnkc,bnkw->bncw', new_pts, jnp.transpose(w, (0, 3, 2, 1))).reshape(B, npoint, -1)
    out = out @ p["lin"]["W"].T + p["lin"]["b"]
    out = jnp.transpose(out, (0, 2, 1))
    out = jnp.where(out > 0, out, LEAKY * out)
    return jnp.transpose(new_xyz, (0, 2, 1)), out, fps_idx

def setup_inputs(seed: int = 0):
    key = jax.random.key(seed)
    k1, k2, k3 = jax.random.split(key, 3)
    B, N = 2, 8192
    xyz = jax.random.normal(k1, (B, 3, N), jnp.float32)
    color = jax.random.uniform(k2, (B, 3, N), jnp.float32)
    params = make_params(k3)
    return {"xyz": xyz, "color": color, "params": params}

def reference(xyz, color, params):
    f0 = conv1d(params["level0_lift"], color)
    f0 = pointconv(params["level0"], xyz, f0, 32)
    f0_1 = conv1d(params["level0_1"], f0)
    pc1, f1, fps1 = pointconvd(params["level1"], xyz, f0_1, 2048, 32)
    f1 = conv1d(params["level1_0"], f1)
    f1_2 = conv1d(params["level1_1"], f1)
    pc2, f2, fps2 = pointconvd(params["level2"], pc1, f1_2, 512, 32)
    f2 = conv1d(params["level2_0"], f2)
    f2_3 = conv1d(params["level2_1"], f2)
    pc3, f3, fps3 = pointconvd(params["level3"], pc2, f2_3, 256, 32)
    f3 = conv1d(params["level3_0"], f3)
    f3_4 = conv1d(params["level3_1"], f3)
    pc4, f4, fps4 = pointconvd(params["level4"], pc3, f3_4, 64, 32)
    return ((xyz, pc1, pc2, pc3, pc4), (f0, f1, f2, f3, f4), (fps1, fps2, fps3, fps4))

if __name__ == "__main__":
    import jax
    _d = setup_inputs()
    print(jax.jit(kernel)(*tuple(_d.values())))

</pallas_src>

<mosaic_0001>
#map = affine_map<(d0, d1) -> (0, 0)>
module attributes {stable_mosaic.version = 14 : i64} {
  func.func @gather_kernel(%arg0: i32, %arg1: i32, %arg2: memref<16384x128xf32, #tpu.memory_space<hbm>>, %arg3: memref<1x4096xi32, #tpu.memory_space<hbm>>, %arg4: memref<4096x128xf32, #tpu.memory_space<hbm>>) attributes {dimension_semantics = [#tpu.dimension_semantics<core_parallel>, #tpu.dimension_semantics<subcore_parallel>], iteration_bounds = array<i64: 2, 16>, scalar_prefetch = 0 : i64, scratch_operands = 0 : i64, tpu.core_type = #tpu.core_type<sc_vector_subcore>, window_params = [{transform_indices = #map}, {transform_indices = #map}, {transform_indices = #map}]} {
    %mul3A = arith.constant 2 : i32
    %mul3A_0 = arith.muli %arg1, %mul3A : i32
    "tpu.region"() ({
      %run_scoped3A = memref.alloca() : memref<2x1x128xi32, #tpu.memory_space<vmem>>
      %run_scoped3A_1 = tpu.sem_alloc : memref<2x!tpu.dma_semaphore, #tpu.memory_space<semaphore_mem>>
      %run_scoped3A_2 = memref.alloca() : memref<2x128x128xf32, #tpu.memory_space<vmem>>
      %run_scoped3A_3 = tpu.sem_alloc : memref<2x!tpu.dma_semaphore, #tpu.memory_space<semaphore_mem>>
      %add3A = arith.constant 0 : i32
      %add3A_4 = arith.addi %add3A, %mul3A_0 : i32
      %select_n3A = arith.constant true
      %select_n3A_5 = arith.constant 0 : i32
      %select_n3A_6 = arith.constant -1 : i32
      %select_n3A_7 = arith.select %select_n3A, %select_n3A_6, %select_n3A_5 : i32
      %eq3A = arith.constant -1 : i32
      %eq3A_8 = arith.cmpi eq, %select_n3A_7, %eq3A : i32
      %select_n3A_9 = arith.constant 1 : i32
      %select_n3A_10 = arith.select %eq3A_8, %select_n3A_9, %select_n3A_7 : i32
      %add3A_11 = arith.addi %select_n3A_10, %mul3A_0 : i32
      %select_n3A_12 = arith.constant true
      %select_n3A_13 = arith.constant 0 : i32
      %select_n3A_14 = arith.constant 1 : i32
      %select_n3A_15 = arith.select %select_n3A_12, %select_n3A_14, %select_n3A_13 : i32
      %eq3A_16 = arith.constant 2 : i32
      %eq3A_17 = arith.cmpi eq, %select_n3A_15, %eq3A_16 : i32
      %select_n3A_18 = arith.constant 0 : i32
      %select_n3A_19 = arith.select %eq3A_17, %select_n3A_18, %select_n3A_15 : i32
      %add3A_20 = arith.addi %select_n3A_19, %mul3A_0 : i32
      %add3A_21 = arith.constant 1 : i32
      %add3A_22 = arith.addi %select_n3A_19, %add3A_21 : i32
      %select_n3A_23 = arith.constant true
      %select_n3A_24 = arith.select %select_n3A_23, %add3A_22, %select_n3A_19 : i32
      %eq3A_25 = arith.constant 2 : i32
      %eq3A_26 = arith.cmpi eq, %select_n3A_24, %eq3A_25 : i32
      %select_n3A_27 = arith.constant 0 : i32
      %select_n3A_28 = arith.select %eq3A_26, %select_n3A_27, %select_n3A_24 : i32
      %add3A_29 = arith.addi %select_n3A_28, %mul3A_0 : i32
      "tpu.trace_start"() <{level = 10 : i32, message = "ep_initialize_0"}> : () -> ()
      %rem3A = arith.constant 0 : i32
      %rem3A_30 = arith.constant 2 : i32
      %rem3A_31 = arith.remui %rem3A, %rem3A_30 : i32
      %mul3A_32 = arith.constant 128 : i32
      %mul3A_33 = arith.muli %mul3A_32, %add3A_4 : i32
      %dma_start3A = arith.constant 0 : i32
      %dma_start3A_34 = arith.constant 0 : i32
      %dma_start3A_35 = tpu.memref_slice %run_scoped3A[%rem3A_31, %dma_start3A, %dma_start3A_34] : memref<2x1x128xi32, #tpu.memory_space<vmem>> -> memref<1x1x128xi32, #tpu.memory_space<vmem>>
      %dma_start3A_36 = tpu.memref_squeeze %dma_start3A_35 : memref<1x1x128xi32, #tpu.memory_space<vmem>> -> memref<1x128xi32, #tpu.memory_space<vmem>>
      %dma_start3A_37 = arith.constant 0 : i32
      %dma_start3A_38 = tpu.memref_slice %arg3[%dma_start3A_37, %mul3A_33] : memref<1x4096xi32, #tpu.memory_space<hbm>> -> memref<1x128xi32, #tpu.memory_space<hbm>>
      %dma_start3A_39 = tpu.memref_slice %run_scoped3A_1[%rem3A_31] : memref<2x!tpu.dma_semaphore, #tpu.memory_space<semaphore_mem>> -> memref<1x!tpu.dma_semaphore, #tpu.memory_space<semaphore_mem>>
      %dma_start3A_40 = tpu.memref_squeeze %dma_start3A_39 : memref<1x!tpu.dma_semaphore, #tpu.memory_space<semaphore_mem>> -> memref<!tpu.dma_semaphore, #tpu.memory_space<semaphore_mem>>
      %dma_start3A_41 = arith.constant 0 : i32
      %dma_start3A_42 = arith.constant 0 : i32
      %dma_start3A_43 = tpu.memref_slice %run_scoped3A[%rem3A_31, %dma_start3A_41, %dma_start3A_42] : memref<2x1x128xi32, #tpu.memory_space<vmem>> -> memref<1x1x128xi32, #tpu.memory_space<vmem>>
      %dma_start3A_44 = tpu.memref_squeeze %dma_start3A_43 : memref<1x1x128xi32, #tpu.memory_space<vmem>> -> memref<1x128xi32, #tpu.memory_space<vmem>>
      %dma_start3A_45 = arith.constant 0 : i32
      %dma_start3A_46 = tpu.memref_slice %arg3[%dma_start3A_45, %mul3A_33] : memref<1x4096xi32, #tpu.memory_space<hbm>> -> memref<1x128xi32, #tpu.memory_space<hbm>>
      tpu.enqueue_dma source(%dma_start3A_46 : memref<1x128xi32, #tpu.memory_space<hbm>>) target(%dma_start3A_44 : memref<1x128xi32, #tpu.memory_space<vmem>>) target_semaphore(%dma_start3A_40 : memref<!tpu.dma_semaphore, #tpu.memory_space<semaphore_mem>>)
      %add3A_47 = arith.constant 0 : i32
      %add3A_48 = arith.constant 1 : i32
      %add3A_49 = arith.addi %add3A_47, %add3A_48 : i32
      %select_n3A_50 = arith.constant true
      %select_n3A_51 = arith.constant 0 : i32
      %select_n3A_52 = arith.select %select_n3A_50, %add3A_49, %select_n3A_51 : i32
      "tpu.trace_stop"() : () -> ()
      %scan3A = arith.constant 0 : i32
      %scan3A_53 = arith.constant 0 : i32
      %scan3A_54 = arith.constant 0 : i32
      %scan3A_55 = arith.constant 0 : i32
      %scan3A_56 = arith.constant 0 : i32
      %scan3A_57 = arith.constant 2 : i32
      %scan3A_58 = arith.addi %scan3A_56, %scan3A_57 : i32
      %scan3A_59 = arith.constant 1 : i32
      %scan3A_60:5 = scf.for %scan3A_114 = %scan3A_56 to %scan3A_58 step %scan3A_59 iter_args(%scan3A_115 = %select_n3A_52, %scan3A_116 = %scan3A, %scan3A_117 = %scan3A_53, %scan3A_118 = %scan3A_54, %scan3A_119 = %scan3A_55) -> (i32, i32, i32, i32, i32)  : i32 {
        %eq3A_120 = arith.constant 0 : i32
        %eq3A_121 = arith.cmpi eq, %scan3A_114, %eq3A_120 : i32
        %eq3A_122 = arith.constant 1 : i32
        %eq3A_123 = arith.cmpi eq, %scan3A_114, %eq3A_122 : i32
        %add3A_124 = arith.addi %scan3A_119, %mul3A_0 : i32
        %sub3A_125 = arith.constant 1 : i32
        %sub3A_126 = arith.subi %scan3A_119, %sub3A_125 : i32
        %select_n3A_127 = arith.constant true
        %select_n3A_128 = arith.select %select_n3A_127, %sub3A_126, %scan3A_119 : i32
        %eq3A_129 = arith.constant -1 : i32
        %eq3A_130 = arith.cmpi eq, %select_n3A_128, %eq3A_129 : i32
        %select_n3A_131 = arith.constant 1 : i32
        %select_n3A_132 = arith.select %eq3A_130, %select_n3A_131, %select_n3A_128 : i32
        %add3A_133 = arith.addi %select_n3A_132, %mul3A_0 : i32
        %add3A_134 = arith.constant 1 : i32
        %add3A_135 = arith.addi %scan3A_119, %add3A_134 : i32
        %select_n3A_136 = arith.constant true
        %select_n3A_137 = arith.select %select_n3A_136, %add3A_135, %scan3A_119 : i32
        %eq3A_138 = arith.constant 2 : i32
        %eq3A_139 = arith.cmpi eq, %select_n3A_137, %eq3A_138 : i32
        %select_n3A_140 = arith.constant 0 : i32
        %select_n3A_141 = arith.select %eq3A_139, %select_n3A_140, %select_n3A_137 : i32
        %add3A_142 = arith.addi %select_n3A_141, %mul3A_0 : i32
        %add3A_143 = arith.constant 1 : i32
        %add3A_144 = arith.addi %select_n3A_141, %add3A_143 : i32
        %select_n3A_145 = arith.constant true
        %select_n3A_146 = arith.select %select_n3A_145, %add3A_144, %select_n3A_141 : i32
        %eq3A_147 = arith.constant 2 : i32
        %eq3A_148 = arith.cmpi eq, %select_n3A_146, %eq3A_147 : i32
        %select_n3A_149 = arith.constant 0 : i32
        %select_n3A_150 = arith.select %eq3A_148, %select_n3A_149, %select_n3A_146 : i32
        %add3A_151 = arith.addi %select_n3A_150, %mul3A_0 : i32
        %ne3A = arith.cmpi ne, %add3A_124, %add3A_142 : i32
        %or3A = arith.constant false
        %or3A_152 = arith.ori %or3A, %ne3A : i1
        %ge3A = arith.constant 1 : i32
        %ge3A_153 = arith.cmpi sge, %scan3A_114, %ge3A : i32
        %not3A = arith.constant true
        %not3A_154 = arith.xori %ge3A_153, %not3A : i1
        %and3A = arith.andi %or3A_152, %not3A_154 : i1
        %convert_element_type3A = arith.extui %and3A : i1 to i32
        %cond3A = arith.constant 0 : i32
        %cond3A_155 = arith.cmpi ne, %convert_element_type3A, %cond3A : i32
        scf.if %cond3A_155 {
          "tpu.trace_start"() <{level = 10 : i32, message = "ep_copy_in"}> : () -> ()
          %rem3A_257 = arith.constant 2 : i32
          %rem3A_258 = arith.remui %scan3A_115, %rem3A_257 : i32
          %mul3A_259 = arith.constant 128 : i32
          %mul3A_260 = arith.muli %mul3A_259, %add3A_142 : i32
          %dma_start3A_261 = arith.constant 0 : i32
          %dma_start3A_262 = arith.constant 0 : i32
          %dma_start3A_263 = tpu.memref_slice %run_scoped3A[%rem3A_258, %dma_start3A_261, %dma_start3A_262] : memref<2x1x128xi32, #tpu.memory_space<vmem>> -> memref<1x1x128xi32, #tpu.memory_space<vmem>>
          %dma_start3A_264 = tpu.memref_squeeze %dma_start3A_263 : memref<1x1x128xi32, #tpu.memory_space<vmem>> -> memref<1x128xi32, #tpu.memory_space<vmem>>
          %dma_start3A_265 = arith.constant 0 : i32
          %dma_start3A_266 = tpu.memref_slice %arg3[%dma_start3A_265, %mul3A_260] : memref<1x4096xi32, #tpu.memory_space<hbm>> -> memref<1x128xi32, #tpu.memory_space<hbm>>
          %dma_start3A_267 = tpu.memref_slice %run_scoped3A_1[%rem3A_258] : memref<2x!tpu.dma_semaphore, #tpu.memory_space<semaphore_mem>> -> memref<1x!tpu.dma_semaphore, #tpu.memory_space<semaphore_mem>>
          %dma_start3A_268 = tpu.memref_squeeze %dma_start3A_267 : memref<1x!tpu.dma_semaphore, #tpu.memory_space<semaphore_mem>> -> memref<!tpu.dma_semaphore, #tpu.memory_space<semaphore_mem>>
          %dma_start3A_269 = arith.constant 0 : i32
          %dma_start3A_270 = arith.constant 0 : i32
          %dma_start3A_271 = tpu.memref_slice %run_scoped3A[%rem3A_258, %dma_start3A_269, %dma_start3A_270] : memref<2x1x128xi32, #tpu.memory_space<vmem>> -> memref<1x1x128xi32, #tpu.memory_space<vmem>>
          %dma_start3A_272 = tpu.memref_squeeze %dma_start3A_271 : memref<1x1x128xi32, #tpu.memory_space<vmem>> -> memref<1x128xi32, #tpu.memory_space<vmem>>
          %dma_start3A_273 = arith.constant 0 : i32
          %dma_start3A_274 = tpu.memref_slice %arg3[%dma_start3A_273, %mul3A_260] : memref<1x4096xi32, #tpu.memory_space<hbm>> -> memref<1x128xi32, #tpu.memory_space<hbm>>
          tpu.enqueue_dma source(%dma_start3A_274 : memref<1x128xi32, #tpu.memory_space<hbm>>) target(%dma_start3A_272 : memref<1x128xi32, #tpu.memory_space<vmem>>) target_semaphore(%dma_start3A_268 : memref<!tpu.dma_semaphore, #tpu.memory_space<semaphore_mem>>)
          "tpu.trace_stop"() : () -> ()
        } else {
        }
        %and3A_156 = arith.constant true
        %and3A_157 = arith.andi %and3A, %and3A_156 : i1
        %add3A_158 = arith.constant 1 : i32
        %add3A_159 = arith.addi %scan3A_115, %add3A_158 : i32
        %select_n3A_160 = arith.select %and3A_157, %add3A_159, %scan3A_115 : i32
        %ne3A_161 = arith.cmpi ne, %add3A_124, %add3A_142 : i32
        %or3A_162 = arith.constant false
        %or3A_163 = arith.ori %or3A_162, %ne3A_161 : i1
        %or3A_164 = arith.constant false
        %or3A_165 = arith.ori %or3A_163, %or3A_164 : i1
        %ge3A_166 = arith.constant 1 : i32
        %ge3A_167 = arith.cmpi sge, %scan3A_114, %ge3A_166 : i32
        %not3A_168 = arith.constant true
        %not3A_169 = arith.xori %ge3A_167, %not3A_168 : i1
        %and3A_170 = arith.andi %or3A_165, %not3A_169 : i1
        %ne3A_171 = arith.cmpi ne, %add3A_124, %add3A_133 : i32
        %or3A_172 = arith.constant false
        %or3A_173 = arith.ori %or3A_172, %ne3A_171 : i1
        %or3A_174 = arith.ori %or3A_173, %eq3A_121 : i1
        %convert_element_type3A_175 = arith.extui %or3A_174 : i1 to i32
        %cond3A_176 = arith.constant 0 : i32
        %cond3A_177 = arith.cmpi ne, %convert_element_type3A_175, %cond3A_176 : i32
        scf.if %cond3A_177 {
          "tpu.trace_start"() <{level = 10 : i32, message = "ep_wait_in"}> : () -> ()
          %mul3A_257 = arith.constant 128 : i32
          %mul3A_258 = arith.muli %mul3A_257, %add3A_124 : i32
          %rem3A_259 = arith.constant 2 : i32
          %rem3A_260 = arith.remui %scan3A_116, %rem3A_259 : i32
          %dma_wait3A_261 = arith.constant 0 : i32
          %dma_wait3A_262 = arith.constant 0 : i32
          %dma_wait3A_263 = tpu.memref_slice %run_scoped3A[%rem3A_260, %dma_wait3A_261, %dma_wait3A_262] : memref<2x1x128xi32, #tpu.memory_space<vmem>> -> memref<1x1x128xi32, #tpu.memory_space<vmem>>
          %dma_wait3A_264 = tpu.memref_squeeze %dma_wait3A_263 : memref<1x1x128xi32, #tpu.memory_space<vmem>> -> memref<1x128xi32, #tpu.memory_space<vmem>>
          %dma_wait3A_265 = arith.constant 0 : i32
          %dma_wait3A_266 = tpu.memref_slice %arg3[%dma_wait3A_265, %mul3A_258] : memref<1x4096xi32, #tpu.memory_space<hbm>> -> memref<1x128xi32, #tpu.memory_space<hbm>>
          %dma_wait3A_267 = tpu.memref_slice %run_scoped3A_1[%rem3A_260] : memref<2x!tpu.dma_semaphore, #tpu.memory_space<semaphore_mem>> -> memref<1x!tpu.dma_semaphore, #tpu.memory_space<semaphore_mem>>
          %dma_wait3A_268 = tpu.memref_squeeze %dma_wait3A_267 : memref<1x!tpu.dma_semaphore, #tpu.memory_space<semaphore_mem>> -> memref<!tpu.dma_semaphore, #tpu.memory_space<semaphore_mem>>
          %dma_wait3A_269 = arith.constant 0 : i32
          %dma_wait3A_270 = arith.constant 0 : i32
          %dma_wait3A_271 = tpu.memref_slice %run_scoped3A[%rem3A_260, %dma_wait3A_269, %dma_wait3A_270] : memref<2x1x128xi32, #tpu.memory_space<vmem>> -> memref<1x1x128xi32, #tpu.memory_space<vmem>>
          %dma_wait3A_272 = tpu.memref_squeeze %dma_wait3A_271 : memref<1x1x128xi32, #tpu.memory_space<vmem>> -> memref<1x128xi32, #tpu.memory_space<vmem>>
          %dma_wait3A_273 = arith.constant 0 : i32
          %dma_wait3A_274 = tpu.memref_slice %arg3[%dma_wait3A_273, %mul3A_258] : memref<1x4096xi32, #tpu.memory_space<hbm>> -> memref<1x128xi32, #tpu.memory_space<hbm>>
          tpu.wait_dma2 semaphore(%dma_wait3A_268 : memref<!tpu.dma_semaphore, #tpu.memory_space<semaphore_mem>>) src(%dma_wait3A_274 : memref<1x128xi32, #tpu.memory_space<hbm>>) dst(%dma_wait3A_272 : memref<1x128xi32, #tpu.memory_space<vmem>>)
          "tpu.trace_stop"() : () -> ()
        } else {
        }
        %ne3A_178 = arith.cmpi ne, %add3A_124, %add3A_133 : i32
        %or3A_179 = arith.constant false
        %or3A_180 = arith.ori %or3A_179, %ne3A_178 : i1
        %or3A_181 = arith.constant false
        %or3A_182 = arith.ori %or3A_180, %or3A_181 : i1
        %or3A_183 = arith.ori %or3A_182, %eq3A_121 : i1
        %convert_element_type3A_184 = arith.extui %or3A_183 : i1 to i32
        %cond3A_185 = arith.constant 0 : i32
        %cond3A_186 = arith.cmpi ne, %convert_element_type3A_184, %cond3A_185 : i32
        scf.if %cond3A_186 {
        } else {
        }
        %rem3A_187 = arith.constant 2 : i32
        %rem3A_188 = arith.remui %scan3A_116, %rem3A_187 : i32
        %rem3A_189 = arith.constant 2 : i32
        %rem3A_190 = arith.remui %scan3A_117, %rem3A_189 : i32
        %run_scoped3A_191 = arith.constant 0 : i32
        "tpu.trace_start"() <{level = 10 : i32, message = "ep_run_kernel"}> : () -> ()
        "tpu.region"() ({
          %run_scoped3A_257 = tpu.sem_alloc : memref<!tpu.dma_semaphore, #tpu.memory_space<semaphore_mem>>
          %dma_start3A_258 = arith.constant 0 : i32
          %dma_start3A_259 = arith.constant 0 : i32
          %dma_start3A_260 = tpu.memref_slice %run_scoped3A_2[%rem3A_190, %dma_start3A_258, %dma_start3A_259] : memref<2x128x128xf32, #tpu.memory_space<vmem>> -> memref<1x128x128xf32, #tpu.memory_space<vmem>>
          %dma_start3A_261 = tpu.memref_squeeze %dma_start3A_260 : memref<1x128x128xf32, #tpu.memory_space<vmem>> -> memref<128x128xf32, #tpu.memory_space<vmem>>
          %dma_start3A_262 = arith.constant 0 : i32
          %dma_start3A_263 = arith.constant 0 : i32
          %dma_start3A_264 = tpu.memref_slice %run_scoped3A[%rem3A_188, %dma_start3A_262, %dma_start3A_263] : memref<2x1x128xi32, #tpu.memory_space<vmem>> -> memref<1x1x128xi32, #tpu.memory_space<vmem>>
          %dma_start3A_265 = tpu.memref_squeeze %dma_start3A_264 : memref<1x1x128xi32, #tpu.memory_space<vmem>> -> memref<1x128xi32, #tpu.memory_space<vmem>>
          %dma_start3A_266 = arith.constant 0 : i32
          %dma_start3A_267 = tpu.memref_slice %dma_start3A_265[%run_scoped3A_191, %dma_start3A_266] : memref<1x128xi32, #tpu.memory_space<vmem>> -> memref<1x128xi32, #tpu.memory_space<vmem>>
          %dma_start3A_268 = tpu.memref_squeeze %dma_start3A_267 : memref<1x128xi32, #tpu.memory_space<vmem>> -> memref<128xi32, #tpu.memory_space<vmem>>
          %dma_start3A_269 = arith.constant 0 : i32
          %dma_start3A_270 = arith.constant 0 : i32
          %dma_start3A_271 = tpu.memref_slice %arg2[%dma_start3A_269, %dma_start3A_270] : memref<16384x128xf32, #tpu.memory_space<hbm>> -> memref<16384x128xf32, #tpu.memory_space<hbm>>
          tpu.enqueue_indirect_dma source(%dma_start3A_271 : memref<16384x128xf32, #tpu.memory_space<hbm>>) target(%dma_start3A_261 : memref<128x128xf32, #tpu.memory_space<vmem>>) offsets(%dma_start3A_268 : memref<128xi32, #tpu.memory_space<vmem>>) semaphore(%run_scoped3A_257 : memref<!tpu.dma_semaphore, #tpu.memory_space<semaphore_mem>>)
          %dma_wait3A_272 = arith.constant 0 : i32
          %dma_wait3A_273 = arith.constant 0 : i32
          %dma_wait3A_274 = tpu.memref_slice %run_scoped3A_2[%rem3A_190, %dma_wait3A_272, %dma_wait3A_273] : memref<2x128x128xf32, #tpu.memory_space<vmem>> -> memref<1x128x128xf32, #tpu.memory_space<vmem>>
          %dma_wait3A_275 = tpu.memref_squeeze %dma_wait3A_274 : memref<1x128x128xf32, #tpu.memory_space<vmem>> -> memref<128x128xf32, #tpu.memory_space<vmem>>
          %dma_wait3A_276 = arith.constant 0 : i32
          %dma_wait3A_277 = arith.constant 0 : i32
          %dma_wait3A_278 = tpu.memref_slice %run_scoped3A[%rem3A_188, %dma_wait3A_276, %dma_wait3A_277] : memref<2x1x128xi32, #tpu.memory_space<vmem>> -> memref<1x1x128xi32, #tpu.memory_space<vmem>>
          %dma_wait3A_279 = tpu.memref_squeeze %dma_wait3A_278 : memref<1x1x128xi32, #tpu.memory_space<vmem>> -> memref<1x128xi32, #tpu.memory_space<vmem>>
          %dma_wait3A_280 = arith.constant 0 : i32
          %dma_wait3A_281 = tpu.memref_slice %dma_wait3A_279[%run_scoped3A_191, %dma_wait3A_280] : memref<1x128xi32, #tpu.memory_space<vmem>> -> memref<1x128xi32, #tpu.memory_space<vmem>>
          %dma_wait3A_282 = tpu.memref_squeeze %dma_wait3A_281 : memref<1x128xi32, #tpu.memory_space<vmem>> -> memref<128xi32, #tpu.memory_space<vmem>>
          %dma_wait3A_283 = arith.constant 0 : i32
          %dma_wait3A_284 = arith.constant 0 : i32
          %dma_wait3A_285 = tpu.memref_slice %arg2[%dma_wait3A_283, %dma_wait3A_284] : memref<16384x128xf32, #tpu.memory_space<hbm>> -> memref<16384x128xf32, #tpu.memory_space<hbm>>
          tpu.wait_indirect_dma semaphore(%run_scoped3A_257 : memref<!tpu.dma_semaphore, #tpu.memory_space<semaphore_mem>>) src(%dma_wait3A_285 : memref<16384x128xf32, #tpu.memory_space<hbm>>) dst(%dma_wait3A_275 : memref<128x128xf32, #tpu.memory_space<vmem>>)
          tpu.yield
        }) : () -> ()
        "tpu.trace_stop"() : () -> ()
        %ne3A_192 = arith.cmpi ne, %add3A_124, %add3A_142 : i32
        %or3A_193 = arith.constant false
        %or3A_194 = arith.ori %or3A_193, %ne3A_192 : i1
        %or3A_195 = arith.ori %or3A_194, %eq3A_123 : i1
        %convert_element_type3A_196 = arith.extui %or3A_195 : i1 to i32
        %cond3A_197 = arith.constant 0 : i32
        %cond3A_198 = arith.cmpi ne, %convert_element_type3A_196, %cond3A_197 : i32
        scf.if %cond3A_198 {
        } else {
        }
        %and3A_199 = arith.constant false
        %and3A_200 = arith.andi %or3A_195, %and3A_199 : i1
        %ne3A_201 = arith.cmpi ne, %add3A_124, %add3A_142 : i32
        %or3A_202 = arith.constant false
        %or3A_203 = arith.ori %or3A_202, %ne3A_201 : i1
        %or3A_204 = arith.constant false
        %or3A_205 = arith.ori %or3A_203, %or3A_204 : i1
        %or3A_206 = arith.ori %or3A_205, %eq3A_123 : i1
        %convert_element_type3A_207 = arith.extui %or3A_206 : i1 to i32
        %cond3A_208 = arith.constant 0 : i32
        %cond3A_209 = arith.cmpi ne, %convert_element_type3A_207, %cond3A_208 : i32
        scf.if %cond3A_209 {
          "tpu.trace_start"() <{level = 10 : i32, message = "ep_copy_out"}> : () -> ()
          %rem3A_257 = arith.constant 2 : i32
          %rem3A_258 = arith.remui %scan3A_117, %rem3A_257 : i32
          %mul3A_259 = arith.constant 128 : i32
          %mul3A_260 = arith.muli %mul3A_259, %add3A_124 : i32
          %dma_start3A_261 = arith.constant 0 : i32
          %dma_start3A_262 = arith.constant 0 : i32
          %dma_start3A_263 = tpu.memref_slice %run_scoped3A_2[%rem3A_258, %dma_start3A_261, %dma_start3A_262] : memref<2x128x128xf32, #tpu.memory_space<vmem>> -> memref<1x128x128xf32, #tpu.memory_space<vmem>>
          %dma_start3A_264 = tpu.memref_squeeze %dma_start3A_263 : memref<1x128x128xf32, #tpu.memory_space<vmem>> -> memref<128x128xf32, #tpu.memory_space<vmem>>
          %dma_start3A_265 = arith.constant 0 : i32
          %dma_start3A_266 = tpu.memref_slice %arg4[%mul3A_260, %dma_start3A_265] : memref<4096x128xf32, #tpu.memory_space<hbm>> -> memref<128x128xf32, #tpu.memory_space<hbm>>
          %dma_start3A_267 = tpu.memref_slice %run_scoped3A_3[%rem3A_258] : memref<2x!tpu.dma_semaphore, #tpu.memory_space<semaphore_mem>> -> memref<1x!tpu.dma_semaphore, #tpu.memory_space<semaphore_mem>>
          %dma_start3A_268 = tpu.memref_squeeze %dma_start3A_267 : memref<1x!tpu.dma_semaphore, #tpu.memory_space<semaphore_mem>> -> memref<!tpu.dma_semaphore, #tpu.memory_space<semaphore_mem>>
          %dma_start3A_269 = arith.constant 0 : i32
          %dma_start3A_270 = tpu.memref_slice %arg4[%mul3A_260, %dma_start3A_269] : memref<4096x128xf32, #tpu.memory_space<hbm>> -> memref<128x128xf32, #tpu.memory_space<hbm>>
          %dma_start3A_271 = arith.constant 0 : i32
          %dma_start3A_272 = arith.constant 0 : i32
          %dma_start3A_273 = tpu.memref_slice %run_scoped3A_2[%rem3A_258, %dma_start3A_271, %dma_start3A_272] : memref<2x128x128xf32, #tpu.memory_space<vmem>> -> memref<1x128x128xf32, #tpu.memory_space<vmem>>
          %dma_start3A_274 = tpu.memref_squeeze %dma_start3A_273 : memref<1x128x128xf32, #tpu.memory_space<vmem>> -> memref<128x128xf32, #tpu.memory_space<vmem>>
          tpu.enqueue_dma source(%dma_start3A_274 : memref<128x128xf32, #tpu.memory_space<vmem>>) target(%dma_start3A_270 : memref<128x128xf32, #tpu.memory_space<hbm>>) target_semaphore(%dma_start3A_268 : memref<!tpu.dma_semaphore, #tpu.memory_space<semaphore_mem>>)
          "tpu.trace_stop"() : () -> ()
        } else {
        }
        %and3A_210 = arith.constant true
        %and3A_211 = arith.andi %or3A_206, %and3A_210 : i1
        %add3A_212 = arith.constant 1 : i32
        %add3A_213 = arith.addi %scan3A_117, %add3A_212 : i32
        %select_n3A_214 = arith.select %and3A_211, %add3A_213, %scan3A_117 : i32
        %ne3A_215 = arith.cmpi ne, %add3A_124, %add3A_133 : i32
        %or3A_216 = arith.constant false
        %or3A_217 = arith.ori %or3A_216, %ne3A_215 : i1
        %not3A_218 = arith.constant true
        %not3A_219 = arith.xori %eq3A_121, %not3A_218 : i1
        %and3A_220 = arith.andi %or3A_217, %not3A_219 : i1
        %convert_element_type3A_221 = arith.extui %and3A_220 : i1 to i32
        %cond3A_222 = arith.constant 0 : i32
        %cond3A_223 = arith.cmpi ne, %convert_element_type3A_221, %cond3A_222 : i32
        scf.if %cond3A_223 {
        } else {
        }
        %and3A_224 = arith.constant false
        %and3A_225 = arith.andi %and3A_220, %and3A_224 : i1
        %ne3A_226 = arith.cmpi ne, %add3A_124, %add3A_133 : i32
        %or3A_227 = arith.constant false
        %or3A_228 = arith.ori %or3A_227, %ne3A_226 : i1
        %or3A_229 = arith.constant false
        %or3A_230 = arith.ori %or3A_228, %or3A_229 : i1
        %not3A_231 = arith.constant true
        %not3A_232 = arith.xori %eq3A_121, %not3A_231 : i1
        %and3A_233 = arith.andi %or3A_230, %not3A_232 : i1
        %convert_element_type3A_234 = arith.extui %and3A_233 : i1 to i32
        %cond3A_235 = arith.constant 0 : i32
        %cond3A_236 = arith.cmpi ne, %convert_element_type3A_234, %cond3A_235 : i32
        scf.if %cond3A_236 {
          "tpu.trace_start"() <{level = 10 : i32, message = "ep_wait_out"}> : () -> ()
          %rem3A_257 = arith.constant 2 : i32
          %rem3A_258 = arith.remui %scan3A_118, %rem3A_257 : i32
          %mul3A_259 = arith.constant 128 : i32
          %mul3A_260 = arith.muli %mul3A_259, %add3A_133 : i32
          %dma_wait3A_261 = arith.constant 0 : i32
          %dma_wait3A_262 = arith.constant 0 : i32
          %dma_wait3A_263 = tpu.memref_slice %run_scoped3A_2[%rem3A_258, %dma_wait3A_261, %dma_wait3A_262] : memref<2x128x128xf32, #tpu.memory_space<vmem>> -> memref<1x128x128xf32, #tpu.memory_space<vmem>>
          %dma_wait3A_264 = tpu.memref_squeeze %dma_wait3A_263 : memref<1x128x128xf32, #tpu.memory_space<vmem>> -> memref<128x128xf32, #tpu.memory_space<vmem>>
          %dma_wait3A_265 = arith.constant 0 : i32
          %dma_wait3A_266 = tpu.memref_slice %arg4[%mul3A_260, %dma_wait3A_265] : memref<4096x128xf32, #tpu.memory_space<hbm>> -> memref<128x128xf32, #tpu.memory_space<hbm>>
          %dma_wait3A_267 = tpu.memref_slice %run_scoped3A_3[%rem3A_258] : memref<2x!tpu.dma_semaphore, #tpu.memory_space<semaphore_mem>> -> memref<1x!tpu.dma_semaphore, #tpu.memory_space<semaphore_mem>>
          %dma_wait3A_268 = tpu.memref_squeeze %dma_wait3A_267 : memref<1x!tpu.dma_semaphore, #tpu.memory_space<semaphore_mem>> -> memref<!tpu.dma_semaphore, #tpu.memory_space<semaphore_mem>>
          %dma_wait3A_269 = arith.constant 0 : i32
          %dma_wait3A_270 = tpu.memref_slice %arg4[%mul3A_260, %dma_wait3A_269] : memref<4096x128xf32, #tpu.memory_space<hbm>> -> memref<128x128xf32, #tpu.memory_space<hbm>>
          %dma_wait3A_271 = arith.constant 0 : i32
          %dma_wait3A_272 = arith.constant 0 : i32
          %dma_wait3A_273 = tpu.memref_slice %run_scoped3A_2[%rem3A_258, %dma_wait3A_271, %dma_wait3A_272] : memref<2x128x128xf32, #tpu.memory_space<vmem>> -> memref<1x128x128xf32, #tpu.memory_space<vmem>>
          %dma_wait3A_274 = tpu.memref_squeeze %dma_wait3A_273 : memref<1x128x128xf32, #tpu.memory_space<vmem>> -> memref<128x128xf32, #tpu.memory_space<vmem>>
          tpu.wait_dma2 semaphore(%dma_wait3A_268 : memref<!tpu.dma_semaphore, #tpu.memory_space<semaphore_mem>>) src(%dma_wait3A_274 : memref<128x128xf32, #tpu.memory_space<vmem>>) dst(%dma_wait3A_270 : memref<128x128xf32, #tpu.memory_space<hbm>>)
          "tpu.trace_stop"() : () -> ()
        } else {
        }
        %and3A_237 = arith.constant true
        %and3A_238 = arith.andi %and3A_233, %and3A_237 : i1
        %add3A_239 = arith.constant 1 : i32
        %add3A_240 = arith.addi %scan3A_118, %add3A_239 : i32
        %select_n3A_241 = arith.select %and3A_238, %add3A_240, %scan3A_118 : i32
        %ne3A_242 = arith.cmpi ne, %add3A_124, %add3A_142 : i32
        %or3A_243 = arith.constant false
        %or3A_244 = arith.ori %or3A_243, %ne3A_242 : i1
        %or3A_245 = arith.ori %or3A_244, %eq3A_123 : i1
        %add3A_246 = arith.constant 1 : i32
        %add3A_247 = arith.addi %scan3A_116, %add3A_246 : i32
        %select_n3A_248 = arith.select %or3A_245, %add3A_247, %scan3A_116 : i32
        %add3A_249 = arith.constant 1 : i32
        %add3A_250 = arith.addi %scan3A_119, %add3A_249 : i32
        %select_n3A_251 = arith.constant true
        %select_n3A_252 = arith.select %select_n3A_251, %add3A_250, %scan3A_119 : i32
        %eq3A_253 = arith.constant 2 : i32
        %eq3A_254 = arith.cmpi eq, %select_n3A_252, %eq3A_253 : i32
        %select_n3A_255 = arith.constant 0 : i32
        %select_n3A_256 = arith.select %eq3A_254, %select_n3A_255, %select_n3A_252 : i32
        scf.yield %select_n3A_160, %select_n3A_248, %select_n3A_214, %select_n3A_241, %select_n3A_256 : i32, i32, i32, i32, i32
      }
      %scan3A_61 = arith.constant 2 : i32
      %sub3A = arith.constant 1 : i32
      %sub3A_62 = arith.subi %scan3A_60#4, %sub3A : i32
      %select_n3A_63 = arith.constant true
      %select_n3A_64 = arith.select %select_n3A_63, %sub3A_62, %scan3A_60#4 : i32
      %eq3A_65 = arith.constant -1 : i32
      %eq3A_66 = arith.cmpi eq, %select_n3A_64, %eq3A_65 : i32
      %select_n3A_67 = arith.constant 1 : i32
      %select_n3A_68 = arith.select %eq3A_66, %select_n3A_67, %select_n3A_64 : i32
      %add3A_69 = arith.addi %select_n3A_68, %mul3A_0 : i32
      %sub3A_70 = arith.constant 1 : i32
      %sub3A_71 = arith.subi %select_n3A_68, %sub3A_70 : i32
      %select_n3A_72 = arith.constant true
      %select_n3A_73 = arith.select %select_n3A_72, %sub3A_71, %select_n3A_68 : i32
      %eq3A_74 = arith.constant -1 : i32
      %eq3A_75 = arith.cmpi eq, %select_n3A_73, %eq3A_74 : i32
      %select_n3A_76 = arith.constant 1 : i32
      %select_n3A_77 = arith.select %eq3A_75, %select_n3A_76, %select_n3A_73 : i32
      %add3A_78 = arith.addi %select_n3A_77, %mul3A_0 : i32
      %add3A_79 = arith.constant 1 : i32
      %add3A_80 = arith.addi %select_n3A_68, %add3A_79 : i32
      %select_n3A_81 = arith.constant true
      %select_n3A_82 = arith.select %select_n3A_81, %add3A_80, %select_n3A_68 : i32
      %eq3A_83 = arith.constant 2 : i32
      %eq3A_84 = arith.cmpi eq, %select_n3A_82, %eq3A_83 : i32
      %select_n3A_85 = arith.constant 0 : i32
      %select_n3A_86 = arith.select %eq3A_84, %select_n3A_85, %select_n3A_82 : i32
      %add3A_87 = arith.addi %select_n3A_86, %mul3A_0 : i32
      %add3A_88 = arith.constant 1 : i32
      %add3A_89 = arith.addi %select_n3A_86, %add3A_88 : i32
      %select_n3A_90 = arith.constant true
      %select_n3A_91 = arith.select %select_n3A_90, %add3A_89, %select_n3A_86 : i32
      %eq3A_92 = arith.constant 2 : i32
      %eq3A_93 = arith.cmpi eq, %select_n3A_91, %eq3A_92 : i32
      %select_n3A_94 = arith.constant 0 : i32
      %select_n3A_95 = arith.select %eq3A_93, %select_n3A_94, %select_n3A_91 : i32
      %add3A_96 = arith.addi %select_n3A_95, %mul3A_0 : i32
      "tpu.trace_start"() <{level = 10 : i32, message = "ep_finalize"}> : () -> ()
      %rem3A_97 = arith.constant 2 : i32
      %rem3A_98 = arith.remui %scan3A_60#3, %rem3A_97 : i32
      %mul3A_99 = arith.constant 128 : i32
      %mul3A_100 = arith.muli %mul3A_99, %add3A_69 : i32
      %dma_wait3A = arith.constant 0 : i32
      %dma_wait3A_101 = arith.constant 0 : i32
      %dma_wait3A_102 = tpu.memref_slice %run_scoped3A_2[%rem3A_98, %dma_wait3A, %dma_wait3A_101] : memref<2x128x128xf32, #tpu.memory_space<vmem>> -> memref<1x128x128xf32, #tpu.memory_space<vmem>>
      %dma_wait3A_103 = tpu.memref_squeeze %dma_wait3A_102 : memref<1x128x128xf32, #tpu.memory_space<vmem>> -> memref<128x128xf32, #tpu.memory_space<vmem>>
      %dma_wait3A_104 = arith.constant 0 : i32
      %dma_wait3A_105 = tpu.memref_slice %arg4[%mul3A_100, %dma_wait3A_104] : memref<4096x128xf32, #tpu.memory_space<hbm>> -> memref<128x128xf32, #tpu.memory_space<hbm>>
      %dma_wait3A_106 = tpu.memref_slice %run_scoped3A_3[%rem3A_98] : memref<2x!tpu.dma_semaphore, #tpu.memory_space<semaphore_mem>> -> memref<1x!tpu.dma_semaphore, #tpu.memory_space<semaphore_mem>>
      %dma_wait3A_107 = tpu.memref_squeeze %dma_wait3A_106 : memref<1x!tpu.dma_semaphore, #tpu.memory_space<semaphore_mem>> -> memref<!tpu.dma_semaphore, #tpu.memory_space<semaphore_mem>>
      %dma_wait3A_108 = arith.constant 0 : i32
      %dma_wait3A_109 = tpu.memref_slice %arg4[%mul3A_100, %dma_wait3A_108] : memref<4096x128xf32, #tpu.memory_space<hbm>> -> memref<128x128xf32, #tpu.memory_space<hbm>>
      %dma_wait3A_110 = arith.constant 0 : i32
      %dma_wait3A_111 = arith.constant 0 : i32
      %dma_wait3A_112 = tpu.memref_slice %run_scoped3A_2[%rem3A_98, %dma_wait3A_110, %dma_wait3A_111] : memref<2x128x128xf32, #tpu.memory_space<vmem>> -> memref<1x128x128xf32, #tpu.memory_space<vmem>>
      %dma_wait3A_113 = tpu.memref_squeeze %dma_wait3A_112 : memref<1x128x128xf32, #tpu.memory_space<vmem>> -> memref<128x128xf32, #tpu.memory_space<vmem>>
      tpu.wait_dma2 semaphore(%dma_wait3A_107 : memref<!tpu.dma_semaphore, #tpu.memory_space<semaphore_mem>>) src(%dma_wait3A_113 : memref<128x128xf32, #tpu.memory_space<vmem>>) dst(%dma_wait3A_109 : memref<128x128xf32, #tpu.memory_space<hbm>>)
      "tpu.trace_stop"() : () -> ()
      tpu.yield
    }) : () -> ()
    return
  }
}

#map = affine_map<(d0, d1) -> (0, 0)>
module attributes {stable_mosaic.version = 14 : i64} {
  func.func @gather_kernel(%arg0: i32, %arg1: i32, %arg2: memref<1024x128xf32, #tpu.memory_space<hbm>>, %arg3: memref<1x512xi32, #tpu.memory_space<hbm>>, %arg4: memref<512x128xf32, #tpu.memory_space<hbm>>) attributes {dimension_semantics = [#tpu.dimension_semantics<core_parallel>, #tpu.dimension_semantics<subcore_parallel>], iteration_bounds = array<i64: 2, 16>, scalar_prefetch = 0 : i64, scratch_operands = 0 : i64, tpu.core_type = #tpu.core_type<sc_vector_subcore>, window_params = [{transform_indices = #map}, {transform_indices = #map}, {transform_indices = #map}]} {
    %lt3A = arith.constant 4 : i32
    %lt3A_0 = arith.cmpi slt, %arg1, %lt3A : i32
    %jit3A = arith.constant 1 : i32
    %jit3A_1 = arith.constant 0 : i32
    %select_n3A = arith.select %lt3A_0, %jit3A, %jit3A_1 : i32
    %lt3A_2 = arith.constant 4 : i32
    %lt3A_3 = arith.cmpi slt, %arg1, %lt3A_2 : i32
    %mul3A = arith.muli %arg1, %select_n3A : i32
    %mul3A_4 = arith.constant 0 : i32
    %mul3A_5 = arith.muli %arg1, %mul3A_4 : i32
    %add3A = arith.constant 4 : i32
    %add3A_6 = arith.addi %mul3A_5, %add3A : i32
    %select_n3A_7 = arith.select %lt3A_3, %mul3A, %add3A_6 : i32
    %mul3A_8 = arith.constant 1 : i32
    %mul3A_9 = arith.muli %mul3A_8, %select_n3A : i32
    "tpu.region"() ({
      %run_scoped3A = memref.alloca() : memref<2x1x128xi32, #tpu.memory_space<vmem>>
      %run_scoped3A_10 = tpu.sem_alloc : memref<2x!tpu.dma_semaphore, #tpu.memory_space<semaphore_mem>>
      %run_scoped3A_11 = memref.alloca() : memref<2x128x128xf32, #tpu.memory_space<vmem>>
      %run_scoped3A_12 = tpu.sem_alloc : memref<2x!tpu.dma_semaphore, #tpu.memory_space<semaphore_mem>>
      %gt3A = arith.constant 0 : i32
      %gt3A_13 = arith.cmpi sgt, %mul3A_9, %gt3A : i32
      %convert_element_type3A = arith.extui %gt3A_13 : i1 to i32
      %cond3A = arith.constant 0 : i32
      %cond3A_14 = arith.cmpi ne, %convert_element_type3A, %cond3A : i32
      scf.if %cond3A_14 {
        %mul3A_15 = arith.constant 1 : i32
        %mul3A_16 = arith.muli %mul3A_15, %select_n3A : i32
        %sub3A = arith.constant 1 : i32
        %sub3A_17 = arith.subi %mul3A_16, %sub3A : i32
        %eq3A = arith.constant 0 : i32
        %eq3A_18 = arith.cmpi eq, %sub3A_17, %eq3A : i32
        %add3A_19 = arith.constant 0 : i32
        %add3A_20 = arith.addi %add3A_19, %select_n3A_7 : i32
        %select_n3A_21 = arith.constant true
        %select_n3A_22 = arith.constant 0 : i32
        %select_n3A_23 = arith.constant -1 : i32
        %select_n3A_24 = arith.select %select_n3A_21, %select_n3A_23, %select_n3A_22 : i32
        %eq3A_25 = arith.constant -1 : i32
        %eq3A_26 = arith.cmpi eq, %select_n3A_24, %eq3A_25 : i32
        %sub3A_27 = arith.constant 1 : i32
        %sub3A_28 = arith.subi %select_n3A, %sub3A_27 : i32
        %select_n3A_29 = arith.select %eq3A_26, %sub3A_28, %select_n3A_24 : i32
        %add3A_30 = arith.addi %select_n3A_29, %select_n3A_7 : i32
        %select_n3A_31 = arith.constant true
        %select_n3A_32 = arith.constant 0 : i32
        %select_n3A_33 = arith.constant 1 : i32
        %select_n3A_34 = arith.select %select_n3A_31, %select_n3A_33, %select_n3A_32 : i32
        %eq3A_35 = arith.cmpi eq, %select_n3A_34, %select_n3A : i32
        %select_n3A_36 = arith.constant 0 : i32
        %select_n3A_37 = arith.select %eq3A_35, %select_n3A_36, %select_n3A_34 : i32
        %add3A_38 = arith.addi %select_n3A_37, %select_n3A_7 : i32
        %add3A_39 = arith.constant 1 : i32
        %add3A_40 = arith.addi %select_n3A_37, %add3A_39 : i32
        %select_n3A_41 = arith.constant true
        %select_n3A_42 = arith.select %select_n3A_41, %add3A_40, %select_n3A_37 : i32
        %eq3A_43 = arith.cmpi eq, %select_n3A_42, %select_n3A : i32
        %select_n3A_44 = arith.constant 0 : i32
        %select_n3A_45 = arith.select %eq3A_43, %select_n3A_44, %select_n3A_42 : i32
        %add3A_46 = arith.addi %select_n3A_45, %select_n3A_7 : i32
        "tpu.trace_start"() <{level = 10 : i32, message = "ep_initialize_0"}> : () -> ()
        %rem3A = arith.constant 0 : i32
        %rem3A_47 = arith.constant 2 : i32
        %rem3A_48 = arith.remui %rem3A, %rem3A_47 : i32
        %mul3A_49 = arith.constant 128 : i32
        %mul3A_50 = arith.muli %mul3A_49, %add3A_20 : i32
        %dma_start3A = arith.constant 0 : i32
        %dma_start3A_51 = arith.constant 0 : i32
        %dma_start3A_52 = tpu.memref_slice %run_scoped3A[%rem3A_48, %dma_start3A, %dma_start3A_51] : memref<2x1x128xi32, #tpu.memory_space<vmem>> -> memref<1x1x128xi32, #tpu.memory_space<vmem>>
        %dma_start3A_53 = tpu.memref_squeeze %dma_start3A_52 : memref<1x1x128xi32, #tpu.memory_space<vmem>> -> memref<1x128xi32, #tpu.memory_space<vmem>>
        %dma_start3A_54 = arith.constant 0 : i32
        %dma_start3A_55 = tpu.memref_slice %arg3[%dma_start3A_54, %mul3A_50] : memref<1x512xi32, #tpu.memory_space<hbm>> -> memref<1x128xi32, #tpu.memory_space<hbm>>
        %dma_start3A_56 = tpu.memref_slice %run_scoped3A_10[%rem3A_48] : memref<2x!tpu.dma_semaphore, #tpu.memory_space<semaphore_mem>> -> memref<1x!tpu.dma_semaphore, #tpu.memory_space<semaphore_mem>>
        %dma_start3A_57 = tpu.memref_squeeze %dma_start3A_56 : memref<1x!tpu.dma_semaphore, #tpu.memory_space<semaphore_mem>> -> memref<!tpu.dma_semaphore, #tpu.memory_space<semaphore_mem>>
        %dma_start3A_58 = arith.constant 0 : i32
        %dma_start3A_59 = arith.constant 0 : i32
        %dma_start3A_60 = tpu.memref_slice %run_scoped3A[%rem3A_48, %dma_start3A_58, %dma_start3A_59] : memref<2x1x128xi32, #tpu.memory_space<vmem>> -> memref<1x1x128xi32, #tpu.memory_space<vmem>>
        %dma_start3A_61 = tpu.memref_squeeze %dma_start3A_60 : memref<1x1x128xi32, #tpu.memory_space<vmem>> -> memref<1x128xi32, #tpu.memory_space<vmem>>
        %dma_start3A_62 = arith.constant 0 : i32
        %dma_start3A_63 = tpu.memref_slice %arg3[%dma_start3A_62, %mul3A_50] : memref<1x512xi32, #tpu.memory_space<hbm>> -> memref<1x128xi32, #tpu.memory_space<hbm>>
        tpu.enqueue_dma source(%dma_start3A_63 : memref<1x128xi32, #tpu.memory_space<hbm>>) target(%dma_start3A_61 : memref<1x128xi32, #tpu.memory_space<vmem>>) target_semaphore(%dma_start3A_57 : memref<!tpu.dma_semaphore, #tpu.memory_space<semaphore_mem>>)
        %add3A_64 = arith.constant 0 : i32
        %add3A_65 = arith.constant 1 : i32
        %add3A_66 = arith.addi %add3A_64, %add3A_65 : i32
        %select_n3A_67 = arith.constant true
        %select_n3A_68 = arith.constant 0 : i32
        %select_n3A_69 = arith.select %select_n3A_67, %add3A_66, %select_n3A_68 : i32
        %while3A = arith.constant 0 : i32
        %while3A_70 = arith.constant 0 : i32
        %while3A_71 = arith.constant 0 : i32
        %while3A_72 = arith.constant 0 : i32
        %while3A_73 = arith.constant 0 : i32
        "tpu.trace_stop"() : () -> ()
        %while3A_74 = arith.subi %mul3A_9, %while3A : i32
        %while3A_75 = arith.addi %while3A, %while3A_74 : i32
        %while3A_76 = arith.constant 1 : i32
        %while3A_77 = arith.divsi %while3A_74, %while3A_76 : i32
        %while3A_78 = arith.muli %while3A_77, %while3A_76 : i32
        %while3A_79 = arith.addi %while3A, %while3A_78 : i32
        %while3A_80 = arith.constant 1 : i32
        %while3A_81:5 = scf.for %while3A_135 = %while3A to %while3A_79 step %while3A_80 iter_args(%while3A_136 = %select_n3A_69, %while3A_137 = %while3A_70, %while3A_138 = %while3A_71, %while3A_139 = %while3A_72, %while3A_140 = %while3A_73) -> (i32, i32, i32, i32, i32)  : i32 {
          %mul3A_141 = arith.constant 1 : i32
          %mul3A_142 = arith.muli %mul3A_141, %select_n3A : i32
          %eq3A_143 = arith.constant 0 : i32
          %eq3A_144 = arith.cmpi eq, %while3A_135, %eq3A_143 : i32
          %sub3A_145 = arith.constant 1 : i32
          %sub3A_146 = arith.subi %mul3A_142, %sub3A_145 : i32
          %eq3A_147 = arith.cmpi eq, %while3A_135, %sub3A_146 : i32
          %add3A_148 = arith.addi %while3A_140, %select_n3A_7 : i32
          %sub3A_149 = arith.constant 1 : i32
          %sub3A_150 = arith.subi %while3A_140, %sub3A_149 : i32
          %select_n3A_151 = arith.constant true
          %select_n3A_152 = arith.select %select_n3A_151, %sub3A_150, %while3A_140 : i32
          %eq3A_153 = arith.constant -1 : i32
          %eq3A_154 = arith.cmpi eq, %select_n3A_152, %eq3A_153 : i32
          %sub3A_155 = arith.constant 1 : i32
          %sub3A_156 = arith.subi %select_n3A, %sub3A_155 : i32
          %select_n3A_157 = arith.select %eq3A_154, %sub3A_156, %select_n3A_152 : i32
          %add3A_158 = arith.addi %select_n3A_157, %select_n3A_7 : i32
          %add3A_159 = arith.constant 1 : i32
          %add3A_160 = arith.addi %while3A_140, %add3A_159 : i32
          %select_n3A_161 = arith.constant true
          %select_n3A_162 = arith.select %select_n3A_161, %add3A_160, %while3A_140 : i32
          %eq3A_163 = arith.cmpi eq, %select_n3A_162, %select_n3A : i32
          %select_n3A_164 = arith.constant 0 : i32
          %select_n3A_165 = arith.select %eq3A_163, %select_n3A_164, %select_n3A_162 : i32
          %add3A_166 = arith.addi %select_n3A_165, %select_n3A_7 : i32
          %add3A_167 = arith.constant 1 : i32
          %add3A_168 = arith.addi %select_n3A_165, %add3A_167 : i32
          %select_n3A_169 = arith.constant true
          %select_n3A_170 = arith.select %select_n3A_169, %add3A_168, %select_n3A_165 : i32
          %eq3A_171 = arith.cmpi eq, %select_n3A_170, %select_n3A : i32
          %select_n3A_172 = arith.constant 0 : i32
          %select_n3A_173 = arith.select %eq3A_171, %select_n3A_172, %select_n3A_170 : i32
          %add3A_174 = arith.addi %select_n3A_173, %select_n3A_7 : i32
          %ne3A = arith.cmpi ne, %add3A_148, %add3A_166 : i32
          %or3A = arith.constant false
          %or3A_175 = arith.ori %or3A, %ne3A : i1
          %sub3A_176 = arith.constant 2 : i32
          %sub3A_177 = arith.subi %mul3A_142, %sub3A_176 : i32
          %add3A_178 = arith.constant 1 : i32
          %add3A_179 = arith.addi %sub3A_177, %add3A_178 : i32
          %ge3A = arith.cmpi sge, %while3A_135, %add3A_179 : i32
          %not3A = arith.constant true
          %not3A_180 = arith.xori %ge3A, %not3A : i1
          %and3A = arith.andi %or3A_175, %not3A_180 : i1
          %convert_element_type3A_181 = arith.extui %and3A : i1 to i32
          %cond3A_182 = arith.constant 0 : i32
          %cond3A_183 = arith.cmpi ne, %convert_element_type3A_181, %cond3A_182 : i32
          scf.if %cond3A_183 {
            "tpu.trace_start"() <{level = 10 : i32, message = "ep_copy_in"}> : () -> ()
            %rem3A_287 = arith.constant 2 : i32
            %rem3A_288 = arith.remui %while3A_136, %rem3A_287 : i32
            %mul3A_289 = arith.constant 128 : i32
            %mul3A_290 = arith.muli %mul3A_289, %add3A_166 : i32
            %dma_start3A_291 = arith.constant 0 : i32
            %dma_start3A_292 = arith.constant 0 : i32
            %dma_start3A_293 = tpu.memref_slice %run_scoped3A[%rem3A_288, %dma_start3A_291, %dma_start3A_292] : memref<2x1x128xi32, #tpu.memory_space<vmem>> -> memref<1x1x128xi32, #tpu.memory_space<vmem>>
            %dma_start3A_294 = tpu.memref_squeeze %dma_start3A_293 : memref<1x1x128xi32, #tpu.memory_space<vmem>> -> memref<1x128xi32, #tpu.memory_space<vmem>>
            %dma_start3A_295 = arith.constant 0 : i32
            %dma_start3A_296 = tpu.memref_slice %arg3[%dma_start3A_295, %mul3A_290] : memref<1x512xi32, #tpu.memory_space<hbm>> -> memref<1x128xi32, #tpu.memory_space<hbm>>
            %dma_start3A_297 = tpu.memref_slice %run_scoped3A_10[%rem3A_288] : memref<2x!tpu.dma_semaphore, #tpu.memory_space<semaphore_mem>> -> memref<1x!tpu.dma_semaphore, #tpu.memory_space<semaphore_mem>>
            %dma_start3A_298 = tpu.memref_squeeze %dma_start3A_297 : memref<1x!tpu.dma_semaphore, #tpu.memory_space<semaphore_mem>> -> memref<!tpu.dma_semaphore, #tpu.memory_space<semaphore_mem>>
            %dma_start3A_299 = arith.constant 0 : i32
            %dma_start3A_300 = arith.constant 0 : i32
            %dma_start3A_301 = tpu.memref_slice %run_scoped3A[%rem3A_288, %dma_start3A_299, %dma_start3A_300] : memref<2x1x128xi32, #tpu.memory_space<vmem>> -> memref<1x1x128xi32, #tpu.memory_space<vmem>>
            %dma_start3A_302 = tpu.memref_squeeze %dma_start3A_301 : memref<1x1x128xi32, #tpu.memory_space<vmem>> -> memref<1x128xi32, #tpu.memory_space<vmem>>
            %dma_start3A_303 = arith.constant 0 : i32
            %dma_start3A_304 = tpu.memref_slice %arg3[%dma_start3A_303, %mul3A_290] : memref<1x512xi32, #tpu.memory_space<hbm>> -> memref<1x128xi32, #tpu.memory_space<hbm>>
            tpu.enqueue_dma source(%dma_start3A_304 : memref<1x128xi32, #tpu.memory_space<hbm>>) target(%dma_start3A_302 : memref<1x128xi32, #tpu.memory_space<vmem>>) target_semaphore(%dma_start3A_298 : memref<!tpu.dma_semaphore, #tpu.memory_space<semaphore_mem>>)
            "tpu.trace_stop"() : () -> ()
          } else {
          }
          %and3A_184 = arith.constant true
          %and3A_185 = arith.andi %and3A, %and3A_184 : i1
          %add3A_186 = arith.constant 1 : i32
          %add3A_187 = arith.addi %while3A_136, %add3A_186 : i32
          %select_n3A_188 = arith.select %and3A_185, %add3A_187, %while3A_136 : i32
          %ne3A_189 = arith.cmpi ne, %add3A_148, %add3A_166 : i32
          %or3A_190 = arith.constant false
          %or3A_191 = arith.ori %or3A_190, %ne3A_189 : i1
          %or3A_192 = arith.constant false
          %or3A_193 = arith.ori %or3A_191, %or3A_192 : i1
          %sub3A_194 = arith.constant 2 : i32
          %sub3A_195 = arith.subi %mul3A_142, %sub3A_194 : i32
          %add3A_196 = arith.constant 1 : i32
          %add3A_197 = arith.addi %sub3A_195, %add3A_196 : i32
          %ge3A_198 = arith.cmpi sge, %while3A_135, %add3A_197 : i32
          %not3A_199 = arith.constant true
          %not3A_200 = arith.xori %ge3A_198, %not3A_199 : i1
          %and3A_201 = arith.andi %or3A_193, %not3A_200 : i1
          %ne3A_202 = arith.cmpi ne, %add3A_148, %add3A_158 : i32
          %or3A_203 = arith.constant false
          %or3A_204 = arith.ori %or3A_203, %ne3A_202 : i1
          %or3A_205 = arith.ori %or3A_204, %eq3A_144 : i1
          %convert_element_type3A_206 = arith.extui %or3A_205 : i1 to i32
          %cond3A_207 = arith.constant 0 : i32
          %cond3A_208 = arith.cmpi ne, %convert_element_type3A_206, %cond3A_207 : i32
          scf.if %cond3A_208 {
            "tpu.trace_start"() <{level = 10 : i32, message = "ep_wait_in"}> : () -> ()
            %mul3A_287 = arith.constant 128 : i32
            %mul3A_288 = arith.muli %mul3A_287, %add3A_148 : i32
            %rem3A_289 = arith.constant 2 : i32
            %rem3A_290 = arith.remui %while3A_137, %rem3A_289 : i32
            %dma_wait3A = arith.constant 0 : i32
            %dma_wait3A_291 = arith.constant 0 : i32
            %dma_wait3A_292 = tpu.memref_slice %run_scoped3A[%rem3A_290, %dma_wait3A, %dma_wait3A_291] : memref<2x1x128xi32, #tpu.memory_space<vmem>> -> memref<1x1x128xi32, #tpu.memory_space<vmem>>
            %dma_wait3A_293 = tpu.memref_squeeze %dma_wait3A_292 : memref<1x1x128xi32, #tpu.memory_space<vmem>> -> memref<1x128xi32, #tpu.memory_space<vmem>>
            %dma_wait3A_294 = arith.constant 0 : i32
            %dma_wait3A_295 = tpu.memref_slice %arg3[%dma_wait3A_294, %mul3A_288] : memref<1x512xi32, #tpu.memory_space<hbm>> -> memref<1x128xi32, #tpu.memory_space<hbm>>
            %dma_wait3A_296 = tpu.memref_slice %run_scoped3A_10[%rem3A_290] : memref<2x!tpu.dma_semaphore, #tpu.memory_space<semaphore_mem>> -> memref<1x!tpu.dma_semaphore, #tpu.memory_space<semaphore_mem>>
            %dma_wait3A_297 = tpu.memref_squeeze %dma_wait3A_296 : memref<1x!tpu.dma_semaphore, #tpu.memory_space<semaphore_mem>> -> memref<!tpu.dma_semaphore, #tpu.memory_space<semaphore_mem>>
            %dma_wait3A_298 = arith.constant 0 : i32
            %dma_wait3A_299 = arith.constant 0 : i32
            %dma_wait3A_300 = tpu.memref_slice %run_scoped3A[%rem3A_290, %dma_wait3A_298, %dma_wait3A_299] : memref<2x1x128xi32, #tpu.memory_space<vmem>> -> memref<1x1x128xi32, #tpu.memory_space<vmem>>
            %dma_wait3A_301 = tpu.memref_squeeze %dma_wait3A_300 : memref<1x1x128xi32, #tpu.memory_space<vmem>> -> memref<1x128xi32, #tpu.memory_space<vmem>>
            %dma_wait3A_302 = arith.constant 0 : i32
            %dma_wait3A_303 = tpu.memref_slice %arg3[%dma_wait3A_302, %mul3A_288] : memref<1x512xi32, #tpu.memory_space<hbm>> -> memref<1x128xi32, #tpu.memory_space<hbm>>
            tpu.wait_dma2 semaphore(%dma_wait3A_297 : memref<!tpu.dma_semaphore, #tpu.memory_space<semaphore_mem>>) src(%dma_wait3A_303 : memref<1x128xi32, #tpu.memory_space<hbm>>) dst(%dma_wait3A_301 : memref<1x128xi32, #tpu.memory_space<vmem>>)
            "tpu.trace_stop"() : () -> ()
          } else {
          }
          %ne3A_209 = arith.cmpi ne, %add3A_148, %add3A_158 : i32
          %or3A_210 = arith.constant false
          %or3A_211 = arith.ori %or3A_210, %ne3A_209 : i1
          %or3A_212 = arith.constant false
          %or3A_213 = arith.ori %or3A_211, %or3A_212 : i1
          %or3A_214 = arith.ori %or3A_213, %eq3A_144 : i1
          %convert_element_type3A_215 = arith.extui %or3A_214 : i1 to i32
          %cond3A_216 = arith.constant 0 : i32
          %cond3A_217 = arith.cmpi ne, %convert_element_type3A_215, %cond3A_216 : i32
          scf.if %cond3A_217 {
          } else {
          }
          %rem3A_218 = arith.constant 2 : i32
          %rem3A_219 = arith.remui %while3A_137, %rem3A_218 : i32
          %rem3A_220 = arith.constant 2 : i32
          %rem3A_221 = arith.remui %while3A_138, %rem3A_220 : i32
          %run_scoped3A_222 = arith.constant 0 : i32
          "tpu.trace_start"() <{level = 10 : i32, message = "ep_run_kernel"}> : () -> ()
          "tpu.region"() ({
            %run_scoped3A_287 = tpu.sem_alloc : memref<!tpu.dma_semaphore, #tpu.memory_space<semaphore_mem>>
            %dma_start3A_288 = arith.constant 0 : i32
            %dma_start3A_289 = arith.constant 0 : i32
            %dma_start3A_290 = tpu.memref_slice %run_scoped3A_11[%rem3A_221, %dma_start3A_288, %dma_start3A_289] : memref<2x128x128xf32, #tpu.memory_space<vmem>> -> memref<1x128x128xf32, #tpu.memory_space<vmem>>
            %dma_start3A_291 = tpu.memref_squeeze %dma_start3A_290 : memref<1x128x128xf32, #tpu.memory_space<vmem>> -> memref<128x128xf32, #tpu.memory_space<vmem>>
            %dma_start3A_292 = arith.constant 0 : i32
            %dma_start3A_293 = arith.constant 0 : i32
            %dma_start3A_294 = tpu.memref_slice %run_scoped3A[%rem3A_219, %dma_start3A_292, %dma_start3A_293] : memref<2x1x128xi32, #tpu.memory_space<vmem>> -> memref<1x1x128xi32, #tpu.memory_space<vmem>>
            %dma_start3A_295 = tpu.memref_squeeze %dma_start3A_294 : memref<1x1x128xi32, #tpu.memory_space<vmem>> -> memref<1x128xi32, #tpu.memory_space<vmem>>
            %dma_start3A_296 = arith.constant 0 : i32
            %dma_start3A_297 = tpu.memref_slice %dma_start3A_295[%run_scoped3A_222, %dma_start3A_296] : memref<1x128xi32, #tpu.memory_space<vmem>> -> memref<1x128xi32, #tpu.memory_space<vmem>>
            %dma_start3A_298 = tpu.memref_squeeze %dma_start3A_297 : memref<1x128xi32, #tpu.memory_space<vmem>> -> memref<128xi32, #tpu.memory_space<vmem>>
            %dma_start3A_299 = arith.constant 0 : i32
            %dma_start3A_300 = arith.constant 0 : i32
            %dma_start3A_301 = tpu.memref_slice %arg2[%dma_start3A_299, %dma_start3A_300] : memref<1024x128xf32, #tpu.memory_space<hbm>> -> memref<1024x128xf32, #tpu.memory_space<hbm>>
            tpu.enqueue_indirect_dma source(%dma_start3A_301 : memref<1024x128xf32, #tpu.memory_space<hbm>>) target(%dma_start3A_291 : memref<128x128xf32, #tpu.memory_space<vmem>>) offsets(%dma_start3A_298 : memref<128xi32, #tpu.memory_space<vmem>>) semaphore(%run_scoped3A_287 : memref<!tpu.dma_semaphore, #tpu.memory_space<semaphore_mem>>)
            %dma_wait3A = arith.constant 0 : i32
            %dma_wait3A_302 = arith.constant 0 : i32
            %dma_wait3A_303 = tpu.memref_slice %run_scoped3A_11[%rem3A_221, %dma_wait3A, %dma_wait3A_302] : memref<2x128x128xf32, #tpu.memory_space<vmem>> -> memref<1x128x128xf32, #tpu.memory_space<vmem>>
            %dma_wait3A_304 = tpu.memref_squeeze %dma_wait3A_303 : memref<1x128x128xf32, #tpu.memory_space<vmem>> -> memref<128x128xf32, #tpu.memory_space<vmem>>
            %dma_wait3A_305 = arith.constant 0 : i32
            %dma_wait3A_306 = arith.constant 0 : i32
            %dma_wait3A_307 = tpu.memref_slice %run_scoped3A[%rem3A_219, %dma_wait3A_305, %dma_wait3A_306] : memref<2x1x128xi32, #tpu.memory_space<vmem>> -> memref<1x1x128xi32, #tpu.memory_space<vmem>>
            %dma_wait3A_308 = tpu.memref_squeeze %dma_wait3A_307 : memref<1x1x128xi32, #tpu.memory_space<vmem>> -> memref<1x128xi32, #tpu.memory_space<vmem>>
            %dma_wait3A_309 = arith.constant 0 : i32
            %dma_wait3A_310 = tpu.memref_slice %dma_wait3A_308[%run_scoped3A_222, %dma_wait3A_309] : memref<1x128xi32, #tpu.memory_space<vmem>> -> memref<1x128xi32, #tpu.memory_space<vmem>>
            %dma_wait3A_311 = tpu.memref_squeeze %dma_wait3A_310 : memref<1x128xi32, #tpu.memory_space<vmem>> -> memref<128xi32, #tpu.memory_space<vmem>>
            %dma_wait3A_312 = arith.constant 0 : i32
            %dma_wait3A_313 = arith.constant 0 : i32
            %dma_wait3A_314 = tpu.memref_slice %arg2[%dma_wait3A_312, %dma_wait3A_313] : memref<1024x128xf32, #tpu.memory_space<hbm>> -> memref<1024x128xf32, #tpu.memory_space<hbm>>
            tpu.wait_indirect_dma semaphore(%run_scoped3A_287 : memref<!tpu.dma_semaphore, #tpu.memory_space<semaphore_mem>>) src(%dma_wait3A_314 : memref<1024x128xf32, #tpu.memory_space<hbm>>) dst(%dma_wait3A_304 : memref<128x128xf32, #tpu.memory_space<vmem>>)
            tpu.yield
          }) : () -> ()
          "tpu.trace_stop"() : () -> ()
          %ne3A_223 = arith.cmpi ne, %add3A_148, %add3A_166 : i32
          %or3A_224 = arith.constant false
          %or3A_225 = arith.ori %or3A_224, %ne3A_223 : i1
          %or3A_226 = arith.ori %or3A_225, %eq3A_147 : i1
          %convert_element_type3A_227 = arith.extui %or3A_226 : i1 to i32
          %cond3A_228 = arith.constant 0 : i32
          %cond3A_229 = arith.cmpi ne, %convert_element_type3A_227, %cond3A_228 : i32
          scf.if %cond3A_229 {
          } else {
          }
          %and3A_230 = arith.constant false
          %and3A_231 = arith.andi %or3A_226, %and3A_230 : i1
          %ne3A_232 = arith.cmpi ne, %add3A_148, %add3A_166 : i32
          %or3A_233 = arith.constant false
          %or3A_234 = arith.ori %or3A_233, %ne3A_232 : i1
          %or3A_235 = arith.constant false
          %or3A_236 = arith.ori %or3A_234, %or3A_235 : i1
          %or3A_237 = arith.ori %or3A_236, %eq3A_147 : i1
          %convert_element_type3A_238 = arith.extui %or3A_237 : i1 to i32
          %cond3A_239 = arith.constant 0 : i32
          %cond3A_240 = arith.cmpi ne, %convert_element_type3A_238, %cond3A_239 : i32
          scf.if %cond3A_240 {
            "tpu.trace_start"() <{level = 10 : i32, message = "ep_copy_out"}> : () -> ()
            %rem3A_287 = arith.constant 2 : i32
            %rem3A_288 = arith.remui %while3A_138, %rem3A_287 : i32
            %mul3A_289 = arith.constant 128 : i32
            %mul3A_290 = arith.muli %mul3A_289, %add3A_148 : i32
            %dma_start3A_291 = arith.constant 0 : i32
            %dma_start3A_292 = arith.constant 0 : i32
            %dma_start3A_293 = tpu.memref_slice %run_scoped3A_11[%rem3A_288, %dma_start3A_291, %dma_start3A_292] : memref<2x128x128xf32, #tpu.memory_space<vmem>> -> memref<1x128x128xf32, #tpu.memory_space<vmem>>
            %dma_start3A_294 = tpu.memref_squeeze %dma_start3A_293 : memref<1x128x128xf32, #tpu.memory_space<vmem>> -> memref<128x128xf32, #tpu.memory_space<vmem>>
            %dma_start3A_295 = arith.constant 0 : i32
            %dma_start3A_296 = tpu.memref_slice %arg4[%mul3A_290, %dma_start3A_295] : memref<512x128xf32, #tpu.memory_space<hbm>> -> memref<128x128xf32, #tpu.memory_space<hbm>>
            %dma_start3A_297 = tpu.memref_slice %run_scoped3A_12[%rem3A_288] : memref<2x!tpu.dma_semaphore, #tpu.memory_space<semaphore_mem>> -> memref<1x!tpu.dma_semaphore, #tpu.memory_space<semaphore_mem>>
            %dma_start3A_298 = tpu.memref_squeeze %dma_start3A_297 : memref<1x!tpu.dma_semaphore, #tpu.memory_space<semaphore_mem>> -> memref<!tpu.dma_semaphore, #tpu.memory_space<semaphore_mem>>
            %dma_start3A_299 = arith.constant 0 : i32
            %dma_start3A_300 = tpu.memref_slice %arg4[%mul3A_290, %dma_start3A_299] : memref<512x128xf32, #tpu.memory_space<hbm>> -> memref<128x128xf32, #tpu.memory_space<hbm>>
            %dma_start3A_301 = arith.constant 0 : i32
            %dma_start3A_302 = arith.constant 0 : i32
            %dma_start3A_303 = tpu.memref_slice %run_scoped3A_11[%rem3A_288, %dma_start3A_301, %dma_start3A_302] : memref<2x128x128xf32, #tpu.memory_space<vmem>> -> memref<1x128x128xf32, #tpu.memory_space<vmem>>
            %dma_start3A_304 = tpu.memref_squeeze %dma_start3A_303 : memref<1x128x128xf32, #tpu.memory_space<vmem>> -> memref<128x128xf32, #tpu.memory_space<vmem>>
            tpu.enqueue_dma source(%dma_start3A_304 : memref<128x128xf32, #tpu.memory_space<vmem>>) target(%dma_start3A_300 : memref<128x128xf32, #tpu.memory_space<hbm>>) target_semaphore(%dma_start3A_298 : memref<!tpu.dma_semaphore, #tpu.memory_space<semaphore_mem>>)
            "tpu.trace_stop"() : () -> ()
          } else {
          }
          %and3A_241 = arith.constant true
          %and3A_242 = arith.andi %or3A_237, %and3A_241 : i1
          %add3A_243 = arith.constant 1 : i32
          %add3A_244 = arith.addi %while3A_138, %add3A_243 : i32
          %select_n3A_245 = arith.select %and3A_242, %add3A_244, %while3A_138 : i32
          %ne3A_246 = arith.cmpi ne, %add3A_148, %add3A_158 : i32
          %or3A_247 = arith.constant false
          %or3A_248 = arith.ori %or3A_247, %ne3A_246 : i1
          %not3A_249 = arith.constant true
          %not3A_250 = arith.xori %eq3A_144, %not3A_249 : i1
          %and3A_251 = arith.andi %or3A_248, %not3A_250 : i1
          %convert_element_type3A_252 = arith.extui %and3A_251 : i1 to i32
          %cond3A_253 = arith.constant 0 : i32
          %cond3A_254 = arith.cmpi ne, %convert_element_type3A_252, %cond3A_253 : i32
          scf.if %cond3A_254 {
          } else {
          }
          %and3A_255 = arith.constant false
          %and3A_256 = arith.andi %and3A_251, %and3A_255 : i1
          %ne3A_257 = arith.cmpi ne, %add3A_148, %add3A_158 : i32
          %or3A_258 = arith.constant false
          %or3A_259 = arith.ori %or3A_258, %ne3A_257 : i1
          %or3A_260 = arith.constant false
          %or3A_261 = arith.ori %or3A_259, %or3A_260 : i1
          %not3A_262 = arith.constant true
          %not3A_263 = arith.xori %eq3A_144, %not3A_262 : i1
          %and3A_264 = arith.andi %or3A_261, %not3A_263 : i1
          %convert_element_type3A_265 = arith.extui %and3A_264 : i1 to i32
          %cond3A_266 = arith.constant 0 : i32
          %cond3A_267 = arith.cmpi ne, %convert_element_type3A_265, %cond3A_266 : i32
          scf.if %cond3A_267 {
            "tpu.trace_start"() <{level = 10 : i32, message = "ep_wait_out"}> : () -> ()
            %rem3A_287 = arith.constant 2 : i32
            %rem3A_288 = arith.remui %while3A_139, %rem3A_287 : i32
            %mul3A_289 = arith.constant 128 : i32
            %mul3A_290 = arith.muli %mul3A_289, %add3A_158 : i32
            %dma_wait3A = arith.constant 0 : i32
            %dma_wait3A_291 = arith.constant 0 : i32
            %dma_wait3A_292 = tpu.memref_slice %run_scoped3A_11[%rem3A_288, %dma_wait3A, %dma_wait3A_291] : memref<2x128x128xf32, #tpu.memory_space<vmem>> -> memref<1x128x128xf32, #tpu.memory_space<vmem>>
            %dma_wait3A_293 = tpu.memref_squeeze %dma_wait3A_292 : memref<1x128x128xf32, #tpu.memory_space<vmem>> -> memref<128x128xf32, #tpu.memory_space<vmem>>
            %dma_wait3A_294 = arith.constant 0 : i32
            %dma_wait3A_295 = tpu.memref_slice %arg4[%mul3A_290, %dma_wait3A_294] : memref<512x128xf32, #tpu.memory_space<hbm>> -> memref<128x128xf32, #tpu.memory_space<hbm>>
            %dma_wait3A_296 = tpu.memref_slice %run_scoped3A_12[%rem3A_288] : memref<2x!tpu.dma_semaphore, #tpu.memory_space<semaphore_mem>> -> memref<1x!tpu.dma_semaphore, #tpu.memory_space<semaphore_mem>>
            %dma_wait3A_297 = tpu.memref_squeeze %dma_wait3A_296 : memref<1x!tpu.dma_semaphore, #tpu.memory_space<semaphore_mem>> -> memref<!tpu.dma_semaphore, #tpu.memory_space<semaphore_mem>>
            %dma_wait3A_298 = arith.constant 0 : i32
            %dma_wait3A_299 = tpu.memref_slice %arg4[%mul3A_290, %dma_wait3A_298] : memref<512x128xf32, #tpu.memory_space<hbm>> -> memref<128x128xf32, #tpu.memory_space<hbm>>
            %dma_wait3A_300 = arith.constant 0 : i32
            %dma_wait3A_301 = arith.constant 0 : i32
            %dma_wait3A_302 = tpu.memref_slice %run_scoped3A_11[%rem3A_288, %dma_wait3A_300, %dma_wait3A_301] : memref<2x128x128xf32, #tpu.memory_space<vmem>> -> memref<1x128x128xf32, #tpu.memory_space<vmem>>
            %dma_wait3A_303 = tpu.memref_squeeze %dma_wait3A_302 : memref<1x128x128xf32, #tpu.memory_space<vmem>> -> memref<128x128xf32, #tpu.memory_space<vmem>>
            tpu.wait_dma2 semaphore(%dma_wait3A_297 : memref<!tpu.dma_semaphore, #tpu.memory_space<semaphore_mem>>) src(%dma_wait3A_303 : memref<128x128xf32, #tpu.memory_space<vmem>>) dst(%dma_wait3A_299 : memref<128x128xf32, #tpu.memory_space<hbm>>)
            "tpu.trace_stop"() : () -> ()
          } else {
          }
          %and3A_268 = arith.constant true
          %and3A_269 = arith.andi %and3A_264, %and3A_268 : i1
          %add3A_270 = arith.constant 1 : i32
          %add3A_271 = arith.addi %while3A_139, %add3A_270 : i32
          %select_n3A_272 = arith.select %and3A_269, %add3A_271, %while3A_139 : i32
          %ne3A_273 = arith.cmpi ne, %add3A_148, %add3A_166 : i32
          %or3A_274 = arith.constant false
          %or3A_275 = arith.ori %or3A_274, %ne3A_273 : i1
          %or3A_276 = arith.ori %or3A_275, %eq3A_147 : i1
          %add3A_277 = arith.constant 1 : i32
          %add3A_278 = arith.addi %while3A_137, %add3A_277 : i32
          %select_n3A_279 = arith.select %or3A_276, %add3A_278, %while3A_137 : i32
          %add3A_280 = arith.constant 1 : i32
          %add3A_281 = arith.addi %while3A_140, %add3A_280 : i32
          %select_n3A_282 = arith.constant true
          %select_n3A_283 = arith.select %select_n3A_282, %add3A_281, %while3A_140 : i32
          %eq3A_284 = arith.cmpi eq, %select_n3A_283, %select_n3A : i32
          %select_n3A_285 = arith.constant 0 : i32
          %select_n3A_286 = arith.select %eq3A_284, %select_n3A_285, %select_n3A_283 : i32
          scf.yield %select_n3A_188, %select_n3A_279, %select_n3A_245, %select_n3A_272, %select_n3A_286 : i32, i32, i32, i32, i32
        }
        %while3A_82 = arith.constant 1 : i32
        %while3A_83:5 = scf.for %while3A_135 = %while3A_79 to %while3A_75 step %while3A_82 iter_args(%while3A_136 = %while3A_81#0, %while3A_137 = %while3A_81#1, %while3A_138 = %while3A_81#2, %while3A_139 = %while3A_81#3, %while3A_140 = %while3A_81#4) -> (i32, i32, i32, i32, i32)  : i32 {
          %mul3A_141 = arith.constant 1 : i32
          %mul3A_142 = arith.muli %mul3A_141, %select_n3A : i32
          %eq3A_143 = arith.constant 0 : i32
          %eq3A_144 = arith.cmpi eq, %while3A_135, %eq3A_143 : i32
          %sub3A_145 = arith.constant 1 : i32
          %sub3A_146 = arith.subi %mul3A_142, %sub3A_145 : i32
          %eq3A_147 = arith.cmpi eq, %while3A_135, %sub3A_146 : i32
          %add3A_148 = arith.addi %while3A_140, %select_n3A_7 : i32
          %sub3A_149 = arith.constant 1 : i32
          %sub3A_150 = arith.subi %while3A_140, %sub3A_149 : i32
          %select_n3A_151 = arith.constant true
          %select_n3A_152 = arith.select %select_n3A_151, %sub3A_150, %while3A_140 : i32
          %eq3A_153 = arith.constant -1 : i32
          %eq3A_154 = arith.cmpi eq, %select_n3A_152, %eq3A_153 : i32
          %sub3A_155 = arith.constant 1 : i32
          %sub3A_156 = arith.subi %select_n3A, %sub3A_155 : i32
          %select_n3A_157 = arith.select %eq3A_154, %sub3A_156, %select_n3A_152 : i32
          %add3A_158 = arith.addi %select_n3A_157, %select_n3A_7 : i32
          %add3A_159 = arith.constant 1 : i32
          %add3A_160 = arith.addi %while3A_140, %add3A_159 : i32
          %select_n3A_161 = arith.constant true
          %select_n3A_162 = arith.select %select_n3A_161, %add3A_160, %while3A_140 : i32
          %eq3A_163 = arith.cmpi eq, %select_n3A_162, %select_n3A : i32
          %select_n3A_164 = arith.constant 0 : i32
          %select_n3A_165 = arith.select %eq3A_163, %select_n3A_164, %select_n3A_162 : i32
          %add3A_166 = arith.addi %select_n3A_165, %select_n3A_7 : i32
          %add3A_167 = arith.constant 1 : i32
          %add3A_168 = arith.addi %select_n3A_165, %add3A_167 : i32
          %select_n3A_169 = arith.constant true
          %select_n3A_170 = arith.select %select_n3A_169, %add3A_168, %select_n3A_165 : i32
          %eq3A_171 = arith.cmpi eq, %select_n3A_170, %select_n3A : i32
          %select_n3A_172 = arith.constant 0 : i32
          %select_n3A_173 = arith.select %eq3A_171, %select_n3A_172, %select_n3A_170 : i32
          %add3A_174 = arith.addi %select_n3A_173, %select_n3A_7 : i32
          %ne3A = arith.cmpi ne, %add3A_148, %add3A_166 : i32
          %or3A = arith.constant false
          %or3A_175 = arith.ori %or3A, %ne3A : i1
          %sub3A_176 = arith.constant 2 : i32
          %sub3A_177 = arith.subi %mul3A_142, %sub3A_176 : i32
          %add3A_178 = arith.constant 1 : i32
          %add3A_179 = arith.addi %sub3A_177, %add3A_178 : i32
          %ge3A = arith.cmpi sge, %while3A_135, %add3A_179 : i32
          %not3A = arith.constant true
          %not3A_180 = arith.xori %ge3A, %not3A : i1
          %and3A = arith.andi %or3A_175, %not3A_180 : i1
          %convert_element_type3A_181 = arith.extui %and3A : i1 to i32
          %cond3A_182 = arith.constant 0 : i32
          %cond3A_183 = arith.cmpi ne, %convert_element_type3A_181, %cond3A_182 : i32
          scf.if %cond3A_183 {
            "tpu.trace_start"() <{level = 10 : i32, message = "ep_copy_in"}> : () -> ()
            %rem3A_287 = arith.constant 2 : i32
            %rem3A_288 = arith.remui %while3A_136, %rem3A_287 : i32
            %mul3A_289 = arith.constant 128 : i32
            %mul3A_290 = arith.muli %mul3A_289, %add3A_166 : i32
            %dma_start3A_291 = arith.constant 0 : i32
            %dma_start3A_292 = arith.constant 0 : i32
            %dma_start3A_293 = tpu.memref_slice %run_scoped3A[%rem3A_288, %dma_start3A_291, %dma_start3A_292] : memref<2x1x128xi32, #tpu.memory_space<vmem>> -> memref<1x1x128xi32, #tpu.memory_space<vmem>>
            %dma_start3A_294 = tpu.memref_squeeze %dma_start3A_293 : memref<1x1x128xi32, #tpu.memory_space<vmem>> -> memref<1x128xi32, #tpu.memory_space<vmem>>
            %dma_start3A_295 = arith.constant 0 : i32
            %dma_start3A_296 = tpu.memref_slice %arg3[%dma_start3A_295, %mul3A_290] : memref<1x512xi32, #tpu.memory_space<hbm>> -> memref<1x128xi32, #tpu.memory_space<hbm>>
            %dma_start3A_297 = tpu.memref_slice %run_scoped3A_10[%rem3A_288] : memref<2x!tpu.dma_semaphore, #tpu.memory_space<semaphore_mem>> -> memref<1x!tpu.dma_semaphore, #tpu.memory_space<semaphore_mem>>
            %dma_start3A_298 = tpu.memref_squeeze %dma_start3A_297 : memref<1x!tpu.dma_semaphore, #tpu.memory_space<semaphore_mem>> -> memref<!tpu.dma_semaphore, #tpu.memory_space<semaphore_mem>>
            %dma_start3A_299 = arith.constant 0 : i32
            %dma_start3A_300 = arith.constant 0 : i32
            %dma_start3A_301 = tpu.memref_slice %run_scoped3A[%rem3A_288, %dma_start3A_299, %dma_start3A_300] : memref<2x1x128xi32, #tpu.memory_space<vmem>> -> memref<1x1x128xi32, #tpu.memory_space<vmem>>
            %dma_start3A_302 = tpu.memref_squeeze %dma_start3A_301 : memref<1x1x128xi32, #tpu.memory_space<vmem>> -> memref<1x128xi32, #tpu.memory_space<vmem>>
            %dma_start3A_303 = arith.constant 0 : i32
            %dma_start3A_304 = tpu.memref_slice %arg3[%dma_start3A_303, %mul3A_290] : memref<1x512xi32, #tpu.memory_space<hbm>> -> memref<1x128xi32, #tpu.memory_space<hbm>>
            tpu.enqueue_dma source(%dma_start3A_304 : memref<1x128xi32, #tpu.memory_space<hbm>>) target(%dma_start3A_302 : memref<1x128xi32, #tpu.memory_space<vmem>>) target_semaphore(%dma_start3A_298 : memref<!tpu.dma_semaphore, #tpu.memory_space<semaphore_mem>>)
            "tpu.trace_stop"() : () -> ()
          } else {
          }
          %and3A_184 = arith.constant true
          %and3A_185 = arith.andi %and3A, %and3A_184 : i1
          %add3A_186 = arith.constant 1 : i32
          %add3A_187 = arith.addi %while3A_136, %add3A_186 : i32
          %select_n3A_188 = arith.select %and3A_185, %add3A_187, %while3A_136 : i32
          %ne3A_189 = arith.cmpi ne, %add3A_148, %add3A_166 : i32
          %or3A_190 = arith.constant false
          %or3A_191 = arith.ori %or3A_190, %ne3A_189 : i1
          %or3A_192 = arith.constant false
          %or3A_193 = arith.ori %or3A_191, %or3A_192 : i1
          %sub3A_194 = arith.constant 2 : i32
          %sub3A_195 = arith.subi %mul3A_142, %sub3A_194 : i32
          %add3A_196 = arith.constant 1 : i32
          %add3A_197 = arith.addi %sub3A_195, %add3A_196 : i32
          %ge3A_198 = arith.cmpi sge, %while3A_135, %add3A_197 : i32
          %not3A_199 = arith.constant true
          %not3A_200 = arith.xori %ge3A_198, %not3A_199 : i1
          %and3A_201 = arith.andi %or3A_193, %not3A_200 : i1
          %ne3A_202 = arith.cmpi ne, %add3A_148, %add3A_158 : i32
          %or3A_203 = arith.constant false
          %or3A_204 = arith.ori %or3A_203, %ne3A_202 : i1
          %or3A_205 = arith.ori %or3A_204, %eq3A_144 : i1
          %convert_element_type3A_206 = arith.extui %or3A_205 : i1 to i32
          %cond3A_207 = arith.constant 0 : i32
          %cond3A_208 = arith.cmpi ne, %convert_element_type3A_206, %cond3A_207 : i32
          scf.if %cond3A_208 {
            "tpu.trace_start"() <{level = 10 : i32, message = "ep_wait_in"}> : () -> ()
            %mul3A_287 = arith.constant 128 : i32
            %mul3A_288 = arith.muli %mul3A_287, %add3A_148 : i32
            %rem3A_289 = arith.constant 2 : i32
            %rem3A_290 = arith.remui %while3A_137, %rem3A_289 : i32
            %dma_wait3A = arith.constant 0 : i32
            %dma_wait3A_291 = arith.constant 0 : i32
            %dma_wait3A_292 = tpu.memref_slice %run_scoped3A[%rem3A_290, %dma_wait3A, %dma_wait3A_291] : memref<2x1x128xi32, #tpu.memory_space<vmem>> -> memref<1x1x128xi32, #tpu.memory_space<vmem>>
            %dma_wait3A_293 = tpu.memref_squeeze %dma_wait3A_292 : memref<1x1x128xi32, #tpu.memory_space<vmem>> -> memref<1x128xi32, #tpu.memory_space<vmem>>
            %dma_wait3A_294 = arith.constant 0 : i32
            %dma_wait3A_295 = tpu.memref_slice %arg3[%dma_wait3A_294, %mul3A_288] : memref<1x512xi32, #tpu.memory_space<hbm>> -> memref<1x128xi32, #tpu.memory_space<hbm>>
            %dma_wait3A_296 = tpu.memref_slice %run_scoped3A_10[%rem3A_290] : memref<2x!tpu.dma_semaphore, #tpu.memory_space<semaphore_mem>> -> memref<1x!tpu.dma_semaphore, #tpu.memory_space<semaphore_mem>>
            %dma_wait3A_297 = tpu.memref_squeeze %dma_wait3A_296 : memref<1x!tpu.dma_semaphore, #tpu.memory_space<semaphore_mem>> -> memref<!tpu.dma_semaphore, #tpu.memory_space<semaphore_mem>>
            %dma_wait3A_298 = arith.constant 0 : i32
            %dma_wait3A_299 = arith.constant 0 : i32
            %dma_wait3A_300 = tpu.memref_slice %run_scoped3A[%rem3A_290, %dma_wait3A_298, %dma_wait3A_299] : memref<2x1x128xi32, #tpu.memory_space<vmem>> -> memref<1x1x128xi32, #tpu.memory_space<vmem>>
            %dma_wait3A_301 = tpu.memref_squeeze %dma_wait3A_300 : memref<1x1x128xi32, #tpu.memory_space<vmem>> -> memref<1x128xi32, #tpu.memory_space<vmem>>
            %dma_wait3A_302 = arith.constant 0 : i32
            %dma_wait3A_303 = tpu.memref_slice %arg3[%dma_wait3A_302, %mul3A_288] : memref<1x512xi32, #tpu.memory_space<hbm>> -> memref<1x128xi32, #tpu.memory_space<hbm>>
            tpu.wait_dma2 semaphore(%dma_wait3A_297 : memref<!tpu.dma_semaphore, #tpu.memory_space<semaphore_mem>>) src(%dma_wait3A_303 : memref<1x128xi32, #tpu.memory_space<hbm>>) dst(%dma_wait3A_301 : memref<1x128xi32, #tpu.memory_space<vmem>>)
            "tpu.trace_stop"() : () -> ()
          } else {
          }
          %ne3A_209 = arith.cmpi ne, %add3A_148, %add3A_158 : i32
          %or3A_210 = arith.constant false
          %or3A_211 = arith.ori %or3A_210, %ne3A_209 : i1
          %or3A_212 = arith.constant false
          %or3A_213 = arith.ori %or3A_211, %or3A_212 : i1
          %or3A_214 = arith.ori %or3A_213, %eq3A_144 : i1
          %convert_element_type3A_215 = arith.extui %or3A_214 : i1 to i32
          %cond3A_216 = arith.constant 0 : i32
          %cond3A_217 = arith.cmpi ne, %convert_element_type3A_215, %cond3A_216 : i32
          scf.if %cond3A_217 {
          } else {
          }
          %rem3A_218 = arith.constant 2 : i32
          %rem3A_219 = arith.remui %while3A_137, %rem3A_218 : i32
          %rem3A_220 = arith.constant 2 : i32
          %rem3A_221 = arith.remui %while3A_138, %rem3A_220 : i32
          %run_scoped3A_222 = arith.constant 0 : i32
          "tpu.trace_start"() <{level = 10 : i32, message = "ep_run_kernel"}> : () -> ()
          "tpu.region"() ({
            %run_scoped3A_287 = tpu.sem_alloc : memref<!tpu.dma_semaphore, #tpu.memory_space<semaphore_mem>>
            %dma_start3A_288 = arith.constant 0 : i32
            %dma_start3A_289 = arith.constant 0 : i32
            %dma_start3A_290 = tpu.memref_slice %run_scoped3A_11[%rem3A_221, %dma_start3A_288, %dma_start3A_289] : memref<2x128x128xf32, #tpu.memory_space<vmem>> -> memref<1x128x128xf32, #tpu.memory_space<vmem>>
            %dma_start3A_291 = tpu.memref_squeeze %dma_start3A_290 : memref<1x128x128xf32, #tpu.memory_space<vmem>> -> memref<128x128xf32, #tpu.memory_space<vmem>>
            %dma_start3A_292 = arith.constant 0 : i32
            %dma_start3A_293 = arith.constant 0 : i32
            %dma_start3A_294 = tpu.memref_slice %run_scoped3A[%rem3A_219, %dma_start3A_292, %dma_start3A_293] : memref<2x1x128xi32, #tpu.memory_space<vmem>> -> memref<1x1x128xi32, #tpu.memory_space<vmem>>
            %dma_start3A_295 = tpu.memref_squeeze %dma_start3A_294 : memref<1x1x128xi32, #tpu.memory_space<vmem>> -> memref<1x128xi32, #tpu.memory_space<vmem>>
            %dma_start3A_296 = arith.constant 0 : i32
            %dma_start3A_297 = tpu.memref_slice %dma_start3A_295[%run_scoped3A_222, %dma_start3A_296] : memref<1x128xi32, #tpu.memory_space<vmem>> -> memref<1x128xi32, #tpu.memory_space<vmem>>
            %dma_start3A_298 = tpu.memref_squeeze %dma_start3A_297 : memref<1x128xi32, #tpu.memory_space<vmem>> -> memref<128xi32, #tpu.memory_space<vmem>>
            %dma_start3A_299 = arith.constant 0 : i32
            %dma_start3A_300 = arith.constant 0 : i32
            %dma_start3A_301 = tpu.memref_slice %arg2[%dma_start3A_299, %dma_start3A_300] : memref<1024x128xf32, #tpu.memory_space<hbm>> -> memref<1024x128xf32, #tpu.memory_space<hbm>>
            tpu.enqueue_indirect_dma source(%dma_start3A_301 : memref<1024x128xf32, #tpu.memory_space<hbm>>) target(%dma_start3A_291 : memref<128x128xf32, #tpu.memory_space<vmem>>) offsets(%dma_start3A_298 : memref<128xi32, #tpu.memory_space<vmem>>) semaphore(%run_scoped3A_287 : memref<!tpu.dma_semaphore, #tpu.memory_space<semaphore_mem>>)
            %dma_wait3A = arith.constant 0 : i32
            %dma_wait3A_302 = arith.constant 0 : i32
            %dma_wait3A_303 = tpu.memref_slice %run_scoped3A_11[%rem3A_221, %dma_wait3A, %dma_wait3A_302] : memref<2x128x128xf32, #tpu.memory_space<vmem>> -> memref<1x128x128xf32, #tpu.memory_space<vmem>>
            %dma_wait3A_304 = tpu.memref_squeeze %dma_wait3A_303 : memref<1x128x128xf32, #tpu.memory_space<vmem>> -> memref<128x128xf32, #tpu.memory_space<vmem>>
            %dma_wait3A_305 = arith.constant 0 : i32
            %dma_wait3A_306 = arith.constant 0 : i32
            %dma_wait3A_307 = tpu.memref_slice %run_scoped3A[%rem3A_219, %dma_wait3A_305, %dma_wait3A_306] : memref<2x1x128xi32, #tpu.memory_space<vmem>> -> memref<1x1x128xi32, #tpu.memory_space<vmem>>
            %dma_wait3A_308 = tpu.memref_squeeze %dma_wait3A_307 : memref<1x1x128xi32, #tpu.memory_space<vmem>> -> memref<1x128xi32, #tpu.memory_space<vmem>>
            %dma_wait3A_309 = arith.constant 0 : i32
            %dma_wait3A_310 = tpu.memref_slice %dma_wait3A_308[%run_scoped3A_222, %dma_wait3A_309] : memref<1x128xi32, #tpu.memory_space<vmem>> -> memref<1x128xi32, #tpu.memory_space<vmem>>
            %dma_wait3A_311 = tpu.memref_squeeze %dma_wait3A_310 : memref<1x128xi32, #tpu.memory_space<vmem>> -> memref<128xi32, #tpu.memory_space<vmem>>
            %dma_wait3A_312 = arith.constant 0 : i32
            %dma_wait3A_313 = arith.constant 0 : i32
            %dma_wait3A_314 = tpu.memref_slice %arg2[%dma_wait3A_312, %dma_wait3A_313] : memref<1024x128xf32, #tpu.memory_space<hbm>> -> memref<1024x128xf32, #tpu.memory_space<hbm>>
            tpu.wait_indirect_dma semaphore(%run_scoped3A_287 : memref<!tpu.dma_semaphore, #tpu.memory_space<semaphore_mem>>) src(%dma_wait3A_314 : memref<1024x128xf32, #tpu.memory_space<hbm>>) dst(%dma_wait3A_304 : memref<128x128xf32, #tpu.memory_space<vmem>>)
            tpu.yield
          }) : () -> ()
          "tpu.trace_stop"() : () -> ()
          %ne3A_223 = arith.cmpi ne, %add3A_148, %add3A_166 : i32
          %or3A_224 = arith.constant false
          %or3A_225 = arith.ori %or3A_224, %ne3A_223 : i1
          %or3A_226 = arith.ori %or3A_225, %eq3A_147 : i1
          %convert_element_type3A_227 = arith.extui %or3A_226 : i1 to i32
          %cond3A_228 = arith.constant 0 : i32
          %cond3A_229 = arith.cmpi ne, %convert_element_type3A_227, %cond3A_228 : i32
          scf.if %cond3A_229 {
          } else {
          }
          %and3A_230 = arith.constant false
          %and3A_231 = arith.andi %or3A_226, %and3A_230 : i1
          %ne3A_232 = arith.cmpi ne, %add3A_148, %add3A_166 : i32
          %or3A_233 = arith.constant false
          %or3A_234 = arith.ori %or3A_233, %ne3A_232 : i1
          %or3A_235 = arith.constant false
          %or3A_236 = arith.ori %or3A_234, %or3A_235 : i1
          %or3A_237 = arith.ori %or3A_236, %eq3A_147 : i1
          %convert_element_type3A_238 = arith.extui %or3A_237 : i1 to i32
          %cond3A_239 = arith.constant 0 : i32
          %cond3A_240 = arith.cmpi ne, %convert_element_type3A_238, %cond3A_239 : i32
          scf.if %cond3A_240 {
            "tpu.trace_start"() <{level = 10 : i32, message = "ep_copy_out"}> : () -> ()
            %rem3A_287 = arith.constant 2 : i32
            %rem3A_288 = arith.remui %while3A_138, %rem3A_287 : i32
            %mul3A_289 = arith.constant 128 : i32
            %mul3A_290 = arith.muli %mul3A_289, %add3A_148 : i32
            %dma_start3A_291 = arith.constant 0 : i32
            %dma_start3A_292 = arith.constant 0 : i32
            %dma_start3A_293 = tpu.memref_slice %run_scoped3A_11[%rem3A_288, %dma_start3A_291, %dma_start3A_292] : memref<2x128x128xf32, #tpu.memory_space<vmem>> -> memref<1x128x128xf32, #tpu.memory_space<vmem>>
            %dma_start3A_294 = tpu.memref_squeeze %dma_start3A_293 : memref<1x128x128xf32, #tpu.memory_space<vmem>> -> memref<128x128xf32, #tpu.memory_space<vmem>>
            %dma_start3A_295 = arith.constant 0 : i32
            %dma_start3A_296 = tpu.memref_slice %arg4[%mul3A_290, %dma_start3A_295] : memref<512x128xf32, #tpu.memory_space<hbm>> -> memref<128x128xf32, #tpu.memory_space<hbm>>
            %dma_start3A_297 = tpu.memref_slice %run_scoped3A_12[%rem3A_288] : memref<2x!tpu.dma_semaphore, #tpu.memory_space<semaphore_mem>> -> memref<1x!tpu.dma_semaphore, #tpu.memory_space<semaphore_mem>>
            %dma_start3A_298 = tpu.memref_squeeze %dma_start3A_297 : memref<1x!tpu.dma_semaphore, #tpu.memory_space<semaphore_mem>> -> memref<!tpu.dma_semaphore, #tpu.memory_space<semaphore_mem>>
            %dma_start3A_299 = arith.constant 0 : i32
            %dma_start3A_300 = tpu.memref_slice %arg4[%mul3A_290, %dma_start3A_299] : memref<512x128xf32, #tpu.memory_space<hbm>> -> memref<128x128xf32, #tpu.memory_space<hbm>>
            %dma_start3A_301 = arith.constant 0 : i32
            %dma_start3A_302 = arith.constant 0 : i32
            %dma_start3A_303 = tpu.memref_slice %run_scoped3A_11[%rem3A_288, %dma_start3A_301, %dma_start3A_302] : memref<2x128x128xf32, #tpu.memory_space<vmem>> -> memref<1x128x128xf32, #tpu.memory_space<vmem>>
            %dma_start3A_304 = tpu.memref_squeeze %dma_start3A_303 : memref<1x128x128xf32, #tpu.memory_space<vmem>> -> memref<128x128xf32, #tpu.memory_space<vmem>>
            tpu.enqueue_dma source(%dma_start3A_304 : memref<128x128xf32, #tpu.memory_space<vmem>>) target(%dma_start3A_300 : memref<128x128xf32, #tpu.memory_space<hbm>>) target_semaphore(%dma_start3A_298 : memref<!tpu.dma_semaphore, #tpu.memory_space<semaphore_mem>>)
            "tpu.trace_stop"() : () -> ()
          } else {
          }
          %and3A_241 = arith.constant true
          %and3A_242 = arith.andi %or3A_237, %and3A_241 : i1
          %add3A_243 = arith.constant 1 : i32
          %add3A_244 = arith.addi %while3A_138, %add3A_243 : i32
          %select_n3A_245 = arith.select %and3A_242, %add3A_244, %while3A_138 : i32
          %ne3A_246 = arith.cmpi ne, %add3A_148, %add3A_158 : i32
          %or3A_247 = arith.constant false
          %or3A_248 = arith.ori %or3A_247, %ne3A_246 : i1
          %not3A_249 = arith.constant true
          %not3A_250 = arith.xori %eq3A_144, %not3A_249 : i1
          %and3A_251 = arith.andi %or3A_248, %not3A_250 : i1
          %convert_element_type3A_252 = arith.extui %and3A_251 : i1 to i32
          %cond3A_253 = arith.constant 0 : i32
          %cond3A_254 = arith.cmpi ne, %convert_element_type3A_252, %cond3A_253 : i32
          scf.if %cond3A_254 {
          } else {
          }
          %and3A_255 = arith.constant false
          %and3A_256 = arith.andi %and3A_251, %and3A_255 : i1
          %ne3A_257 = arith.cmpi ne, %add3A_148, %add3A_158 : i32
          %or3A_258 = arith.constant false
          %or3A_259 = arith.ori %or3A_258, %ne3A_257 : i1
          %or3A_260 = arith.constant false
          %or3A_261 = arith.ori %or3A_259, %or3A_260 : i1
          %not3A_262 = arith.constant true
          %not3A_263 = arith.xori %eq3A_144, %not3A_262 : i1
          %and3A_264 = arith.andi %or3A_261, %not3A_263 : i1
          %convert_element_type3A_265 = arith.extui %and3A_264 : i1 to i32
          %cond3A_266 = arith.constant 0 : i32
          %cond3A_267 = arith.cmpi ne, %convert_element_type3A_265, %cond3A_266 : i32
          scf.if %cond3A_267 {
            "tpu.trace_start"() <{level = 10 : i32, message = "ep_wait_out"}> : () -> ()
            %rem3A_287 = arith.constant 2 : i32
            %rem3A_288 = arith.remui %while3A_139, %rem3A_287 : i32
            %mul3A_289 = arith.constant 128 : i32
            %mul3A_290 = arith.muli %mul3A_289, %add3A_158 : i32
            %dma_wait3A = arith.constant 0 : i32
            %dma_wait3A_291 = arith.constant 0 : i32
            %dma_wait3A_292 = tpu.memref_slice %run_scoped3A_11[%rem3A_288, %dma_wait3A, %dma_wait3A_291] : memref<2x128x128xf32, #tpu.memory_space<vmem>> -> memref<1x128x128xf32, #tpu.memory_space<vmem>>
            %dma_wait3A_293 = tpu.memref_squeeze %dma_wait3A_292 : memref<1x128x128xf32, #tpu.memory_space<vmem>> -> memref<128x128xf32, #tpu.memory_space<vmem>>
            %dma_wait3A_294 = arith.constant 0 : i32
            %dma_wait3A_295 = tpu.memref_slice %arg4[%mul3A_290, %dma_wait3A_294] : memref<512x128xf32, #tpu.memory_space<hbm>> -> memref<128x128xf32, #tpu.memory_space<hbm>>
            %dma_wait3A_296 = tpu.memref_slice %run_scoped3A_12[%rem3A_288] : memref<2x!tpu.dma_semaphore, #tpu.memory_space<semaphore_mem>> -> memref<1x!tpu.dma_semaphore, #tpu.memory_space<semaphore_mem>>
            %dma_wait3A_297 = tpu.memref_squeeze %dma_wait3A_296 : memref<1x!tpu.dma_semaphore, #tpu.memory_space<semaphore_mem>> -> memref<!tpu.dma_semaphore, #tpu.memory_space<semaphore_mem>>
            %dma_wait3A_298 = arith.constant 0 : i32
            %dma_wait3A_299 = tpu.memref_slice %arg4[%mul3A_290, %dma_wait3A_298] : memref<512x128xf32, #tpu.memory_space<hbm>> -> memref<128x128xf32, #tpu.memory_space<hbm>>
            %dma_wait3A_300 = arith.constant 0 : i32
            %dma_wait3A_301 = arith.constant 0 : i32
            %dma_wait3A_302 = tpu.memref_slice %run_scoped3A_11[%rem3A_288, %dma_wait3A_300, %dma_wait3A_301] : memref<2x128x128xf32, #tpu.memory_space<vmem>> -> memref<1x128x128xf32, #tpu.memory_space<vmem>>
            %dma_wait3A_303 = tpu.memref_squeeze %dma_wait3A_302 : memref<1x128x128xf32, #tpu.memory_space<vmem>> -> memref<128x128xf32, #tpu.memory_space<vmem>>
            tpu.wait_dma2 semaphore(%dma_wait3A_297 : memref<!tpu.dma_semaphore, #tpu.memory_space<semaphore_mem>>) src(%dma_wait3A_303 : memref<128x128xf32, #tpu.memory_space<vmem>>) dst(%dma_wait3A_299 : memref<128x128xf32, #tpu.memory_space<hbm>>)
            "tpu.trace_stop"() : () -> ()
          } else {
          }
          %and3A_268 = arith.constant true
          %and3A_269 = arith.andi %and3A_264, %and3A_268 : i1
          %add3A_270 = arith.constant 1 : i32
          %add3A_271 = arith.addi %while3A_139, %add3A_270 : i32
          %select_n3A_272 = arith.select %and3A_269, %add3A_271, %while3A_139 : i32
          %ne3A_273 = arith.cmpi ne, %add3A_148, %add3A_166 : i32
          %or3A_274 = arith.constant false
          %or3A_275 = arith.ori %or3A_274, %ne3A_273 : i1
          %or3A_276 = arith.ori %or3A_275, %eq3A_147 : i1
          %add3A_277 = arith.constant 1 : i32
          %add3A_278 = arith.addi %while3A_137, %add3A_277 : i32
          %select_n3A_279 = arith.select %or3A_276, %add3A_278, %while3A_137 : i32
          %add3A_280 = arith.constant 1 : i32
          %add3A_281 = arith.addi %while3A_140, %add3A_280 : i32
          %select_n3A_282 = arith.constant true
          %select_n3A_283 = arith.select %select_n3A_282, %add3A_281, %while3A_140 : i32
          %eq3A_284 = arith.cmpi eq, %select_n3A_283, %select_n3A : i32
          %select_n3A_285 = arith.constant 0 : i32
          %select_n3A_286 = arith.select %eq3A_284, %select_n3A_285, %select_n3A_283 : i32
          scf.yield %select_n3A_188, %select_n3A_279, %select_n3A_245, %select_n3A_272, %select_n3A_286 : i32, i32, i32, i32, i32
        }
        %sub3A_84 = arith.constant 1 : i32
        %sub3A_85 = arith.subi %while3A_83#4, %sub3A_84 : i32
        %select_n3A_86 = arith.constant true
        %select_n3A_87 = arith.select %select_n3A_86, %sub3A_85, %while3A_83#4 : i32
        %eq3A_88 = arith.constant -1 : i32
        %eq3A_89 = arith.cmpi eq, %select_n3A_87, %eq3A_88 : i32
        %sub3A_90 = arith.constant 1 : i32
        %sub3A_91 = arith.subi %select_n3A, %sub3A_90 : i32
        %select_n3A_92 = arith.select %eq3A_89, %sub3A_91, %select_n3A_87 : i32
        %sub3A_93 = arith.constant 1 : i32
        %sub3A_94 = arith.subi %mul3A_9, %sub3A_93 : i32
        %mul3A_95 = arith.constant 1 : i32
        %mul3A_96 = arith.muli %mul3A_95, %select_n3A : i32
        %eq3A_97 = arith.constant 0 : i32
        %eq3A_98 = arith.cmpi eq, %sub3A_94, %eq3A_97 : i32
        %sub3A_99 = arith.constant 1 : i32
        %sub3A_100 = arith.subi %mul3A_96, %sub3A_99 : i32
        %eq3A_101 = arith.cmpi eq, %sub3A_94, %sub3A_100 : i32
        %add3A_102 = arith.addi %select_n3A_92, %select_n3A_7 : i32
        %sub3A_103 = arith.constant 1 : i32
        %sub3A_104 = arith.subi %select_n3A_92, %sub3A_103 : i32
        %select_n3A_105 = arith.constant true
        %select_n3A_106 = arith.select %select_n3A_105, %sub3A_104, %select_n3A_92 : i32
        %eq3A_107 = arith.constant -1 : i32
        %eq3A_108 = arith.cmpi eq, %select_n3A_106, %eq3A_107 : i32
        %sub3A_109 = arith.constant 1 : i32
        %sub3A_110 = arith.subi %select_n3A, %sub3A_109 : i32
        %select_n3A_111 = arith.select %eq3A_108, %sub3A_110, %select_n3A_106 : i32
        %add3A_112 = arith.addi %select_n3A_111, %select_n3A_7 : i32
        %add3A_113 = arith.constant 1 : i32
        %add3A_114 = arith.addi %select_n3A_92, %add3A_113 : i32
        %select_n3A_115 = arith.constant true
        %select_n3A_116 = arith.select %select_n3A_115, %add3A_114, %select_n3A_92 : i32
        %eq3A_117 = arith.cmpi eq, %select_n3A_116, %select_n3A : i32
        %select_n3A_118 = arith.constant 0 : i32
        %select_n3A_119 = arith.select %eq3A_117, %select_n3A_118, %select_n3A_116 : i32
        %add3A_120 = arith.addi %select_n3A_119, %select_n3A_7 : i32
        %add3A_121 = arith.constant 1 : i32
        %add3A_122 = arith.addi %select_n3A_119, %add3A_121 : i32
        %select_n3A_123 = arith.constant true
        %select_n3A_124 = arith.select %select_n3A_123, %add3A_122, %select_n3A_119 : i32
        %eq3A_125 = arith.cmpi eq, %select_n3A_124, %select_n3A : i32
        %select_n3A_126 = arith.constant 0 : i32
        %select_n3A_127 = arith.select %eq3A_125, %select_n3A_126, %select_n3A_124 : i32
        %add3A_128 = arith.addi %select_n3A_127, %select_n3A_7 : i32
        %convert_element_type3A_129 = arith.extui %eq3A_101 : i1 to i32
        %cond3A_130 = arith.constant 0 : i32
        %cond3A_131 = arith.cmpi ne, %convert_element_type3A_129, %cond3A_130 : i32
        scf.if %cond3A_131 {
        } else {
        }
        %convert_element_type3A_132 = arith.extui %eq3A_101 : i1 to i32
        %cond3A_133 = arith.constant 0 : i32
        %cond3A_134 = arith.cmpi ne, %convert_element_type3A_132, %cond3A_133 : i32
        scf.if %cond3A_134 {
          "tpu.trace_start"() <{level = 10 : i32, message = "ep_finalize"}> : () -> ()
          %rem3A_135 = arith.constant 2 : i32
          %rem3A_136 = arith.remui %while3A_83#3, %rem3A_135 : i32
          %mul3A_137 = arith.constant 128 : i32
          %mul3A_138 = arith.muli %mul3A_137, %add3A_102 : i32
          %dma_wait3A = arith.constant 0 : i32
          %dma_wait3A_139 = arith.constant 0 : i32
          %dma_wait3A_140 = tpu.memref_slice %run_scoped3A_11[%rem3A_136, %dma_wait3A, %dma_wait3A_139] : memref<2x128x128xf32, #tpu.memory_space<vmem>> -> memref<1x128x128xf32, #tpu.memory_space<vmem>>
          %dma_wait3A_141 = tpu.memref_squeeze %dma_wait3A_140 : memref<1x128x128xf32, #tpu.memory_space<vmem>> -> memref<128x128xf32, #tpu.memory_space<vmem>>
          %dma_wait3A_142 = arith.constant 0 : i32
          %dma_wait3A_143 = tpu.memref_slice %arg4[%mul3A_138, %dma_wait3A_142] : memref<512x128xf32, #tpu.memory_space<hbm>> -> memref<128x128xf32, #tpu.memory_space<hbm>>
          %dma_wait3A_144 = tpu.memref_slice %run_scoped3A_12[%rem3A_136] : memref<2x!tpu.dma_semaphore, #tpu.memory_space<semaphore_mem>> -> memref<1x!tpu.dma_semaphore, #tpu.memory_space<semaphore_mem>>
          %dma_wait3A_145 = tpu.memref_squeeze %dma_wait3A_144 : memref<1x!tpu.dma_semaphore, #tpu.memory_space<semaphore_mem>> -> memref<!tpu.dma_semaphore, #tpu.memory_space<semaphore_mem>>
          %dma_wait3A_146 = arith.constant 0 : i32
          %dma_wait3A_147 = tpu.memref_slice %arg4[%mul3A_138, %dma_wait3A_146] : memref<512x128xf32, #tpu.memory_space<hbm>> -> memref<128x128xf32, #tpu.memory_space<hbm>>
          %dma_wait3A_148 = arith.constant 0 : i32
          %dma_wait3A_149 = arith.constant 0 : i32
          %dma_wait3A_150 = tpu.memref_slice %run_scoped3A_11[%rem3A_136, %dma_wait3A_148, %dma_wait3A_149] : memref<2x128x128xf32, #tpu.memory_space<vmem>> -> memref<1x128x128xf32, #tpu.memory_space<vmem>>
          %dma_wait3A_151 = tpu.memref_squeeze %dma_wait3A_150 : memref<1x128x128xf32, #tpu.memory_space<vmem>> -> memref<128x128xf32, #tpu.memory_space<vmem>>
          tpu.wait_dma2 semaphore(%dma_wait3A_145 : memref<!tpu.dma_semaphore, #tpu.memory_space<semaphore_mem>>) src(%dma_wait3A_151 : memref<128x128xf32, #tpu.memory_space<vmem>>) dst(%dma_wait3A_147 : memref<128x128xf32, #tpu.memory_space<hbm>>)
          "tpu.trace_stop"() : () -> ()
        } else {
        }
      } else {
      }
      tpu.yield
    }) : () -> ()
    return
  }
}

#map = affine_map<(d0, d1) -> (0, 0)>
module attributes {stable_mosaic.version = 14 : i64} {
  func.func @gather_kernel(%arg0: i32, %arg1: i32, %arg2: memref<512x128xf32, #tpu.memory_space<hbm>>, %arg3: memref<1x128xi32, #tpu.memory_space<hbm>>, %arg4: memref<128x128xf32, #tpu.memory_space<hbm>>) attributes {dimension_semantics = [#tpu.dimension_semantics<core_parallel>, #tpu.dimension_semantics<subcore_parallel>], iteration_bounds = array<i64: 2, 16>, scalar_prefetch = 0 : i64, scratch_operands = 0 : i64, tpu.core_type = #tpu.core_type<sc_vector_subcore>, window_params = [{transform_indices = #map}, {transform_indices = #map}, {transform_indices = #map}]} {
    %lt3A = arith.constant 1 : i32
    %lt3A_0 = arith.cmpi slt, %arg1, %lt3A : i32
    %jit3A = arith.constant 1 : i32
    %jit3A_1 = arith.constant 0 : i32
    %select_n3A = arith.select %lt3A_0, %jit3A, %jit3A_1 : i32
    %lt3A_2 = arith.constant 1 : i32
    %lt3A_3 = arith.cmpi slt, %arg1, %lt3A_2 : i32
    %mul3A = arith.muli %arg1, %select_n3A : i32
    %mul3A_4 = arith.constant 0 : i32
    %mul3A_5 = arith.muli %arg1, %mul3A_4 : i32
    %add3A = arith.constant 1 : i32
    %add3A_6 = arith.addi %mul3A_5, %add3A : i32
    %select_n3A_7 = arith.select %lt3A_3, %mul3A, %add3A_6 : i32
    %mul3A_8 = arith.constant 1 : i32
    %mul3A_9 = arith.muli %mul3A_8, %select_n3A : i32
    "tpu.region"() ({
      %run_scoped3A = memref.alloca() : memref<2x1x128xi32, #tpu.memory_space<vmem>>
      %run_scoped3A_10 = tpu.sem_alloc : memref<2x!tpu.dma_semaphore, #tpu.memory_space<semaphore_mem>>
      %run_scoped3A_11 = memref.alloca() : memref<2x128x128xf32, #tpu.memory_space<vmem>>
      %run_scoped3A_12 = tpu.sem_alloc : memref<2x!tpu.dma_semaphore, #tpu.memory_space<semaphore_mem>>
      %gt3A = arith.constant 0 : i32
      %gt3A_13 = arith.cmpi sgt, %mul3A_9, %gt3A : i32
      %convert_element_type3A = arith.extui %gt3A_13 : i1 to i32
      %cond3A = arith.constant 0 : i32
      %cond3A_14 = arith.cmpi ne, %convert_element_type3A, %cond3A : i32
      scf.if %cond3A_14 {
        %mul3A_15 = arith.constant 1 : i32
        %mul3A_16 = arith.muli %mul3A_15, %select_n3A : i32
        %sub3A = arith.constant 1 : i32
        %sub3A_17 = arith.subi %mul3A_16, %sub3A : i32
        %eq3A = arith.constant 0 : i32
        %eq3A_18 = arith.cmpi eq, %sub3A_17, %eq3A : i32
        %add3A_19 = arith.constant 0 : i32
        %add3A_20 = arith.addi %add3A_19, %select_n3A_7 : i32
        %select_n3A_21 = arith.constant true
        %select_n3A_22 = arith.constant 0 : i32
        %select_n3A_23 = arith.constant -1 : i32
        %select_n3A_24 = arith.select %select_n3A_21, %select_n3A_23, %select_n3A_22 : i32
        %eq3A_25 = arith.constant -1 : i32
        %eq3A_26 = arith.cmpi eq, %select_n3A_24, %eq3A_25 : i32
        %sub3A_27 = arith.constant 1 : i32
        %sub3A_28 = arith.subi %select_n3A, %sub3A_27 : i32
        %select_n3A_29 = arith.select %eq3A_26, %sub3A_28, %select_n3A_24 : i32
        %add3A_30 = arith.addi %select_n3A_29, %select_n3A_7 : i32
        %select_n3A_31 = arith.constant true
        %select_n3A_32 = arith.constant 0 : i32
        %select_n3A_33 = arith.constant 1 : i32
        %select_n3A_34 = arith.select %select_n3A_31, %select_n3A_33, %select_n3A_32 : i32
        %eq3A_35 = arith.cmpi eq, %select_n3A_34, %select_n3A : i32
        %select_n3A_36 = arith.constant 0 : i32
        %select_n3A_37 = arith.select %eq3A_35, %select_n3A_36, %select_n3A_34 : i32
        %add3A_38 = arith.addi %select_n3A_37, %select_n3A_7 : i32
        %add3A_39 = arith.constant 1 : i32
        %add3A_40 = arith.addi %select_n3A_37, %add3A_39 : i32
        %select_n3A_41 = arith.constant true
        %select_n3A_42 = arith.select %select_n3A_41, %add3A_40, %select_n3A_37 : i32
        %eq3A_43 = arith.cmpi eq, %select_n3A_42, %select_n3A : i32
        %select_n3A_44 = arith.constant 0 : i32
        %select_n3A_45 = arith.select %eq3A_43, %select_n3A_44, %select_n3A_42 : i32
        %add3A_46 = arith.addi %select_n3A_45, %select_n3A_7 : i32
        "tpu.trace_start"() <{level = 10 : i32, message = "ep_initialize_0"}> : () -> ()
        %rem3A = arith.constant 0 : i32
        %rem3A_47 = arith.constant 2 : i32
        %rem3A_48 = arith.remui %rem3A, %rem3A_47 : i32
        %mul3A_49 = arith.constant 128 : i32
        %mul3A_50 = arith.muli %mul3A_49, %add3A_20 : i32
        %dma_start3A = arith.constant 0 : i32
        %dma_start3A_51 = arith.constant 0 : i32
        %dma_start3A_52 = tpu.memref_slice %run_scoped3A[%rem3A_48, %dma_start3A, %dma_start3A_51] : memref<2x1x128xi32, #tpu.memory_space<vmem>> -> memref<1x1x128xi32, #tpu.memory_space<vmem>>
        %dma_start3A_53 = tpu.memref_squeeze %dma_start3A_52 : memref<1x1x128xi32, #tpu.memory_space<vmem>> -> memref<1x128xi32, #tpu.memory_space<vmem>>
        %dma_start3A_54 = arith.constant 0 : i32
        %dma_start3A_55 = tpu.memref_slice %arg3[%dma_start3A_54, %mul3A_50] : memref<1x128xi32, #tpu.memory_space<hbm>> -> memref<1x128xi32, #tpu.memory_space<hbm>>
        %dma_start3A_56 = tpu.memref_slice %run_scoped3A_10[%rem3A_48] : memref<2x!tpu.dma_semaphore, #tpu.memory_space<semaphore_mem>> -> memref<1x!tpu.dma_semaphore, #tpu.memory_space<semaphore_mem>>
        %dma_start3A_57 = tpu.memref_squeeze %dma_start3A_56 : memref<1x!tpu.dma_semaphore, #tpu.memory_space<semaphore_mem>> -> memref<!tpu.dma_semaphore, #tpu.memory_space<semaphore_mem>>
        %dma_start3A_58 = arith.constant 0 : i32
        %dma_start3A_59 = arith.constant 0 : i32
        %dma_start3A_60 = tpu.memref_slice %run_scoped3A[%rem3A_48, %dma_start3A_58, %dma_start3A_59] : memref<2x1x128xi32, #tpu.memory_space<vmem>> -> memref<1x1x128xi32, #tpu.memory_space<vmem>>
        %dma_start3A_61 = tpu.memref_squeeze %dma_start3A_60 : memref<1x1x128xi32, #tpu.memory_space<vmem>> -> memref<1x128xi32, #tpu.memory_space<vmem>>
        %dma_start3A_62 = arith.constant 0 : i32
        %dma_start3A_63 = tpu.memref_slice %arg3[%dma_start3A_62, %mul3A_50] : memref<1x128xi32, #tpu.memory_space<hbm>> -> memref<1x128xi32, #tpu.memory_space<hbm>>
        tpu.enqueue_dma source(%dma_start3A_63 : memref<1x128xi32, #tpu.memory_space<hbm>>) target(%dma_start3A_61 : memref<1x128xi32, #tpu.memory_space<vmem>>) target_semaphore(%dma_start3A_57 : memref<!tpu.dma_semaphore, #tpu.memory_space<semaphore_mem>>)
        %add3A_64 = arith.constant 0 : i32
        %add3A_65 = arith.constant 1 : i32
        %add3A_66 = arith.addi %add3A_64, %add3A_65 : i32
        %select_n3A_67 = arith.constant true
        %select_n3A_68 = arith.constant 0 : i32
        %select_n3A_69 = arith.select %select_n3A_67, %add3A_66, %select_n3A_68 : i32
        %while3A = arith.constant 0 : i32
        %while3A_70 = arith.constant 0 : i32
        %while3A_71 = arith.constant 0 : i32
        %while3A_72 = arith.constant 0 : i32
        %while3A_73 = arith.constant 0 : i32
        "tpu.trace_stop"() : () -> ()
        %while3A_74 = arith.subi %mul3A_9, %while3A : i32
        %while3A_75 = arith.addi %while3A, %while3A_74 : i32
        %while3A_76 = arith.constant 1 : i32
        %while3A_77 = arith.divsi %while3A_74, %while3A_76 : i32
        %while3A_78 = arith.muli %while3A_77, %while3A_76 : i32
        %while3A_79 = arith.addi %while3A, %while3A_78 : i32
        %while3A_80 = arith.constant 1 : i32
        %while3A_81:5 = scf.for %while3A_135 = %while3A to %while3A_79 step %while3A_80 iter_args(%while3A_136 = %select_n3A_69, %while3A_137 = %while3A_70, %while3A_138 = %while3A_71, %while3A_139 = %while3A_72, %while3A_140 = %while3A_73) -> (i32, i32, i32, i32, i32)  : i32 {
          %mul3A_141 = arith.constant 1 : i32
          %mul3A_142 = arith.muli %mul3A_141, %select_n3A : i32
          %eq3A_143 = arith.constant 0 : i32
          %eq3A_144 = arith.cmpi eq, %while3A_135, %eq3A_143 : i32
          %sub3A_145 = arith.constant 1 : i32
          %sub3A_146 = arith.subi %mul3A_142, %sub3A_145 : i32
          %eq3A_147 = arith.cmpi eq, %while3A_135, %sub3A_146 : i32
          %add3A_148 = arith.addi %while3A_140, %select_n3A_7 : i32
          %sub3A_149 = arith.constant 1 : i32
          %sub3A_150 = arith.subi %while3A_140, %sub3A_149 : i32
          %select_n3A_151 = arith.constant true
          %select_n3A_152 = arith.select %select_n3A_151, %sub3A_150, %while3A_140 : i32
          %eq3A_153 = arith.constant -1 : i32
          %eq3A_154 = arith.cmpi eq, %select_n3A_152, %eq3A_153 : i32
          %sub3A_155 = arith.constant 1 : i32
          %sub3A_156 = arith.subi %select_n3A, %sub3A_155 : i32
          %select_n3A_157 = arith.select %eq3A_154, %sub3A_156, %select_n3A_152 : i32
          %add3A_158 = arith.addi %select_n3A_157, %select_n3A_7 : i32
          %add3A_159 = arith.constant 1 : i32
          %add3A_160 = arith.addi %while3A_140, %add3A_159 : i32
          %select_n3A_161 = arith.constant true
          %select_n3A_162 = arith.select %select_n3A_161, %add3A_160, %while3A_140 : i32
          %eq3A_163 = arith.cmpi eq, %select_n3A_162, %select_n3A : i32
          %select_n3A_164 = arith.constant 0 : i32
          %select_n3A_165 = arith.select %eq3A_163, %select_n3A_164, %select_n3A_162 : i32
          %add3A_166 = arith.addi %select_n3A_165, %select_n3A_7 : i32
          %add3A_167 = arith.constant 1 : i32
          %add3A_168 = arith.addi %select_n3A_165, %add3A_167 : i32
          %select_n3A_169 = arith.constant true
          %select_n3A_170 = arith.select %select_n3A_169, %add3A_168, %select_n3A_165 : i32
          %eq3A_171 = arith.cmpi eq, %select_n3A_170, %select_n3A : i32
          %select_n3A_172 = arith.constant 0 : i32
          %select_n3A_173 = arith.select %eq3A_171, %select_n3A_172, %select_n3A_170 : i32
          %add3A_174 = arith.addi %select_n3A_173, %select_n3A_7 : i32
          %ne3A = arith.cmpi ne, %add3A_148, %add3A_166 : i32
          %or3A = arith.constant false
          %or3A_175 = arith.ori %or3A, %ne3A : i1
          %sub3A_176 = arith.constant 2 : i32
          %sub3A_177 = arith.subi %mul3A_142, %sub3A_176 : i32
          %add3A_178 = arith.constant 1 : i32
          %add3A_179 = arith.addi %sub3A_177, %add3A_178 : i32
          %ge3A = arith.cmpi sge, %while3A_135, %add3A_179 : i32
          %not3A = arith.constant true
          %not3A_180 = arith.xori %ge3A, %not3A : i1
          %and3A = arith.andi %or3A_175, %not3A_180 : i1
          %convert_element_type3A_181 = arith.extui %and3A : i1 to i32
          %cond3A_182 = arith.constant 0 : i32
          %cond3A_183 = arith.cmpi ne, %convert_element_type3A_181, %cond3A_182 : i32
          scf.if %cond3A_183 {
            "tpu.trace_start"() <{level = 10 : i32, message = "ep_copy_in"}> : () -> ()
            %rem3A_287 = arith.constant 2 : i32
            %rem3A_288 = arith.remui %while3A_136, %rem3A_287 : i32
            %mul3A_289 = arith.constant 128 : i32
            %mul3A_290 = arith.muli %mul3A_289, %add3A_166 : i32
            %dma_start3A_291 = arith.constant 0 : i32
            %dma_start3A_292 = arith.constant 0 : i32
            %dma_start3A_293 = tpu.memref_slice %run_scoped3A[%rem3A_288, %dma_start3A_291, %dma_start3A_292] : memref<2x1x128xi32, #tpu.memory_space<vmem>> -> memref<1x1x128xi32, #tpu.memory_space<vmem>>
            %dma_start3A_294 = tpu.memref_squeeze %dma_start3A_293 : memref<1x1x128xi32, #tpu.memory_space<vmem>> -> memref<1x128xi32, #tpu.memory_space<vmem>>
            %dma_start3A_295 = arith.constant 0 : i32
            %dma_start3A_296 = tpu.memref_slice %arg3[%dma_start3A_295, %mul3A_290] : memref<1x128xi32, #tpu.memory_space<hbm>> -> memref<1x128xi32, #tpu.memory_space<hbm>>
            %dma_start3A_297 = tpu.memref_slice %run_scoped3A_10[%rem3A_288] : memref<2x!tpu.dma_semaphore, #tpu.memory_space<semaphore_mem>> -> memref<1x!tpu.dma_semaphore, #tpu.memory_space<semaphore_mem>>
            %dma_start3A_298 = tpu.memref_squeeze %dma_start3A_297 : memref<1x!tpu.dma_semaphore, #tpu.memory_space<semaphore_mem>> -> memref<!tpu.dma_semaphore, #tpu.memory_space<semaphore_mem>>
            %dma_start3A_299 = arith.constant 0 : i32
            %dma_start3A_300 = arith.constant 0 : i32
            %dma_start3A_301 = tpu.memref_slice %run_scoped3A[%rem3A_288, %dma_start3A_299, %dma_start3A_300] : memref<2x1x128xi32, #tpu.memory_space<vmem>> -> memref<1x1x128xi32, #tpu.memory_space<vmem>>
            %dma_start3A_302 = tpu.memref_squeeze %dma_start3A_301 : memref<1x1x128xi32, #tpu.memory_space<vmem>> -> memref<1x128xi32, #tpu.memory_space<vmem>>
            %dma_start3A_303 = arith.constant 0 : i32
            %dma_start3A_304 = tpu.memref_slice %arg3[%dma_start3A_303, %mul3A_290] : memref<1x128xi32, #tpu.memory_space<hbm>> -> memref<1x128xi32, #tpu.memory_space<hbm>>
            tpu.enqueue_dma source(%dma_start3A_304 : memref<1x128xi32, #tpu.memory_space<hbm>>) target(%dma_start3A_302 : memref<1x128xi32, #tpu.memory_space<vmem>>) target_semaphore(%dma_start3A_298 : memref<!tpu.dma_semaphore, #tpu.memory_space<semaphore_mem>>)
            "tpu.trace_stop"() : () -> ()
          } else {
          }
          %and3A_184 = arith.constant true
          %and3A_185 = arith.andi %and3A, %and3A_184 : i1
          %add3A_186 = arith.constant 1 : i32
          %add3A_187 = arith.addi %while3A_136, %add3A_186 : i32
          %select_n3A_188 = arith.select %and3A_185, %add3A_187, %while3A_136 : i32
          %ne3A_189 = arith.cmpi ne, %add3A_148, %add3A_166 : i32
          %or3A_190 = arith.constant false
          %or3A_191 = arith.ori %or3A_190, %ne3A_189 : i1
          %or3A_192 = arith.constant false
          %or3A_193 = arith.ori %or3A_191, %or3A_192 : i1
          %sub3A_194 = arith.constant 2 : i32
          %sub3A_195 = arith.subi %mul3A_142, %sub3A_194 : i32
          %add3A_196 = arith.constant 1 : i32
          %add3A_197 = arith.addi %sub3A_195, %add3A_196 : i32
          %ge3A_198 = arith.cmpi sge, %while3A_135, %add3A_197 : i32
          %not3A_199 = arith.constant true
          %not3A_200 = arith.xori %ge3A_198, %not3A_199 : i1
          %and3A_201 = arith.andi %or3A_193, %not3A_200 : i1
          %ne3A_202 = arith.cmpi ne, %add3A_148, %add3A_158 : i32
          %or3A_203 = arith.constant false
          %or3A_204 = arith.ori %or3A_203, %ne3A_202 : i1
          %or3A_205 = arith.ori %or3A_204, %eq3A_144 : i1
          %convert_element_type3A_206 = arith.extui %or3A_205 : i1 to i32
          %cond3A_207 = arith.constant 0 : i32
          %cond3A_208 = arith.cmpi ne, %convert_element_type3A_206, %cond3A_207 : i32
          scf.if %cond3A_208 {
            "tpu.trace_start"() <{level = 10 : i32, message = "ep_wait_in"}> : () -> ()
            %mul3A_287 = arith.constant 128 : i32
            %mul3A_288 = arith.muli %mul3A_287, %add3A_148 : i32
            %rem3A_289 = arith.constant 2 : i32
            %rem3A_290 = arith.remui %while3A_137, %rem3A_289 : i32
            %dma_wait3A = arith.constant 0 : i32
            %dma_wait3A_291 = arith.constant 0 : i32
            %dma_wait3A_292 = tpu.memref_slice %run_scoped3A[%rem3A_290, %dma_wait3A, %dma_wait3A_291] : memref<2x1x128xi32, #tpu.memory_space<vmem>> -> memref<1x1x128xi32, #tpu.memory_space<vmem>>
            %dma_wait3A_293 = tpu.memref_squeeze %dma_wait3A_292 : memref<1x1x128xi32, #tpu.memory_space<vmem>> -> memref<1x128xi32, #tpu.memory_space<vmem>>
            %dma_wait3A_294 = arith.constant 0 : i32
            %dma_wait3A_295 = tpu.memref_slice %arg3[%dma_wait3A_294, %mul3A_288] : memref<1x128xi32, #tpu.memory_space<hbm>> -> memref<1x128xi32, #tpu.memory_space<hbm>>
            %dma_wait3A_296 = tpu.memref_slice %run_scoped3A_10[%rem3A_290] : memref<2x!tpu.dma_semaphore, #tpu.memory_space<semaphore_mem>> -> memref<1x!tpu.dma_semaphore, #tpu.memory_space<semaphore_mem>>
            %dma_wait3A_297 = tpu.memref_squeeze %dma_wait3A_296 : memref<1x!tpu.dma_semaphore, #tpu.memory_space<semaphore_mem>> -> memref<!tpu.dma_semaphore, #tpu.memory_space<semaphore_mem>>
            %dma_wait3A_298 = arith.constant 0 : i32
            %dma_wait3A_299 = arith.constant 0 : i32
            %dma_wait3A_300 = tpu.memref_slice %run_scoped3A[%rem3A_290, %dma_wait3A_298, %dma_wait3A_299] : memref<2x1x128xi32, #tpu.memory_space<vmem>> -> memref<1x1x128xi32, #tpu.memory_space<vmem>>
            %dma_wait3A_301 = tpu.memref_squeeze %dma_wait3A_300 : memref<1x1x128xi32, #tpu.memory_space<vmem>> -> memref<1x128xi32, #tpu.memory_space<vmem>>
            %dma_wait3A_302 = arith.constant 0 : i32
            %dma_wait3A_303 = tpu.memref_slice %arg3[%dma_wait3A_302, %mul3A_288] : memref<1x128xi32, #tpu.memory_space<hbm>> -> memref<1x128xi32, #tpu.memory_space<hbm>>
            tpu.wait_dma2 semaphore(%dma_wait3A_297 : memref<!tpu.dma_semaphore, #tpu.memory_space<semaphore_mem>>) src(%dma_wait3A_303 : memref<1x128xi32, #tpu.memory_space<hbm>>) dst(%dma_wait3A_301 : memref<1x128xi32, #tpu.memory_space<vmem>>)
            "tpu.trace_stop"() : () -> ()
          } else {
          }
          %ne3A_209 = arith.cmpi ne, %add3A_148, %add3A_158 : i32
          %or3A_210 = arith.constant false
          %or3A_211 = arith.ori %or3A_210, %ne3A_209 : i1
          %or3A_212 = arith.constant false
          %or3A_213 = arith.ori %or3A_211, %or3A_212 : i1
          %or3A_214 = arith.ori %or3A_213, %eq3A_144 : i1
          %convert_element_type3A_215 = arith.extui %or3A_214 : i1 to i32
          %cond3A_216 = arith.constant 0 : i32
          %cond3A_217 = arith.cmpi ne, %convert_element_type3A_215, %cond3A_216 : i32
          scf.if %cond3A_217 {
          } else {
          }
          %rem3A_218 = arith.constant 2 : i32
          %rem3A_219 = arith.remui %while3A_137, %rem3A_218 : i32
          %rem3A_220 = arith.constant 2 : i32
          %rem3A_221 = arith.remui %while3A_138, %rem3A_220 : i32
          %run_scoped3A_222 = arith.constant 0 : i32
          "tpu.trace_start"() <{level = 10 : i32, message = "ep_run_kernel"}> : () -> ()
          "tpu.region"() ({
            %run_scoped3A_287 = tpu.sem_alloc : memref<!tpu.dma_semaphore, #tpu.memory_space<semaphore_mem>>
            %dma_start3A_288 = arith.constant 0 : i32
            %dma_start3A_289 = arith.constant 0 : i32
            %dma_start3A_290 = tpu.memref_slice %run_scoped3A_11[%rem3A_221, %dma_start3A_288, %dma_start3A_289] : memref<2x128x128xf32, #tpu.memory_space<vmem>> -> memref<1x128x128xf32, #tpu.memory_space<vmem>>
            %dma_start3A_291 = tpu.memref_squeeze %dma_start3A_290 : memref<1x128x128xf32, #tpu.memory_space<vmem>> -> memref<128x128xf32, #tpu.memory_space<vmem>>
            %dma_start3A_292 = arith.constant 0 : i32
            %dma_start3A_293 = arith.constant 0 : i32
            %dma_start3A_294 = tpu.memref_slice %run_scoped3A[%rem3A_219, %dma_start3A_292, %dma_start3A_293] : memref<2x1x128xi32, #tpu.memory_space<vmem>> -> memref<1x1x128xi32, #tpu.memory_space<vmem>>
            %dma_start3A_295 = tpu.memref_squeeze %dma_start3A_294 : memref<1x1x128xi32, #tpu.memory_space<vmem>> -> memref<1x128xi32, #tpu.memory_space<vmem>>
            %dma_start3A_296 = arith.constant 0 : i32
            %dma_start3A_297 = tpu.memref_slice %dma_start3A_295[%run_scoped3A_222, %dma_start3A_296] : memref<1x128xi32, #tpu.memory_space<vmem>> -> memref<1x128xi32, #tpu.memory_space<vmem>>
            %dma_start3A_298 = tpu.memref_squeeze %dma_start3A_297 : memref<1x128xi32, #tpu.memory_space<vmem>> -> memref<128xi32, #tpu.memory_space<vmem>>
            %dma_start3A_299 = arith.constant 0 : i32
            %dma_start3A_300 = arith.constant 0 : i32
            %dma_start3A_301 = tpu.memref_slice %arg2[%dma_start3A_299, %dma_start3A_300] : memref<512x128xf32, #tpu.memory_space<hbm>> -> memref<512x128xf32, #tpu.memory_space<hbm>>
            tpu.enqueue_indirect_dma source(%dma_start3A_301 : memref<512x128xf32, #tpu.memory_space<hbm>>) target(%dma_start3A_291 : memref<128x128xf32, #tpu.memory_space<vmem>>) offsets(%dma_start3A_298 : memref<128xi32, #tpu.memory_space<vmem>>) semaphore(%run_scoped3A_287 : memref<!tpu.dma_semaphore, #tpu.memory_space<semaphore_mem>>)
            %dma_wait3A = arith.constant 0 : i32
            %dma_wait3A_302 = arith.constant 0 : i32
            %dma_wait3A_303 = tpu.memref_slice %run_scoped3A_11[%rem3A_221, %dma_wait3A, %dma_wait3A_302] : memref<2x128x128xf32, #tpu.memory_space<vmem>> -> memref<1x128x128xf32, #tpu.memory_space<vmem>>
            %dma_wait3A_304 = tpu.memref_squeeze %dma_wait3A_303 : memref<1x128x128xf32, #tpu.memory_space<vmem>> -> memref<128x128xf32, #tpu.memory_space<vmem>>
            %dma_wait3A_305 = arith.constant 0 : i32
            %dma_wait3A_306 = arith.constant 0 : i32
            %dma_wait3A_307 = tpu.memref_slice %run_scoped3A[%rem3A_219, %dma_wait3A_305, %dma_wait3A_306] : memref<2x1x128xi32, #tpu.memory_space<vmem>> -> memref<1x1x128xi32, #tpu.memory_space<vmem>>
            %dma_wait3A_308 = tpu.memref_squeeze %dma_wait3A_307 : memref<1x1x128xi32, #tpu.memory_space<vmem>> -> memref<1x128xi32, #tpu.memory_space<vmem>>
            %dma_wait3A_309 = arith.constant 0 : i32
            %dma_wait3A_310 = tpu.memref_slice %dma_wait3A_308[%run_scoped3A_222, %dma_wait3A_309] : memref<1x128xi32, #tpu.memory_space<vmem>> -> memref<1x128xi32, #tpu.memory_space<vmem>>
            %dma_wait3A_311 = tpu.memref_squeeze %dma_wait3A_310 : memref<1x128xi32, #tpu.memory_space<vmem>> -> memref<128xi32, #tpu.memory_space<vmem>>
            %dma_wait3A_312 = arith.constant 0 : i32
            %dma_wait3A_313 = arith.constant 0 : i32
            %dma_wait3A_314 = tpu.memref_slice %arg2[%dma_wait3A_312, %dma_wait3A_313] : memref<512x128xf32, #tpu.memory_space<hbm>> -> memref<512x128xf32, #tpu.memory_space<hbm>>
            tpu.wait_indirect_dma semaphore(%run_scoped3A_287 : memref<!tpu.dma_semaphore, #tpu.memory_space<semaphore_mem>>) src(%dma_wait3A_314 : memref<512x128xf32, #tpu.memory_space<hbm>>) dst(%dma_wait3A_304 : memref<128x128xf32, #tpu.memory_space<vmem>>)
            tpu.yield
          }) : () -> ()
          "tpu.trace_stop"() : () -> ()
          %ne3A_223 = arith.cmpi ne, %add3A_148, %add3A_166 : i32
          %or3A_224 = arith.constant false
          %or3A_225 = arith.ori %or3A_224, %ne3A_223 : i1
          %or3A_226 = arith.ori %or3A_225, %eq3A_147 : i1
          %convert_element_type3A_227 = arith.extui %or3A_226 : i1 to i32
          %cond3A_228 = arith.constant 0 : i32
          %cond3A_229 = arith.cmpi ne, %convert_element_type3A_227, %cond3A_228 : i32
          scf.if %cond3A_229 {
          } else {
          }
          %and3A_230 = arith.constant false
          %and3A_231 = arith.andi %or3A_226, %and3A_230 : i1
          %ne3A_232 = arith.cmpi ne, %add3A_148, %add3A_166 : i32
          %or3A_233 = arith.constant false
          %or3A_234 = arith.ori %or3A_233, %ne3A_232 : i1
          %or3A_235 = arith.constant false
          %or3A_236 = arith.ori %or3A_234, %or3A_235 : i1
          %or3A_237 = arith.ori %or3A_236, %eq3A_147 : i1
          %convert_element_type3A_238 = arith.extui %or3A_237 : i1 to i32
          %cond3A_239 = arith.constant 0 : i32
          %cond3A_240 = arith.cmpi ne, %convert_element_type3A_238, %cond3A_239 : i32
          scf.if %cond3A_240 {
            "tpu.trace_start"() <{level = 10 : i32, message = "ep_copy_out"}> : () -> ()
            %rem3A_287 = arith.constant 2 : i32
            %rem3A_288 = arith.remui %while3A_138, %rem3A_287 : i32
            %mul3A_289 = arith.constant 128 : i32
            %mul3A_290 = arith.muli %mul3A_289, %add3A_148 : i32
            %dma_start3A_291 = arith.constant 0 : i32
            %dma_start3A_292 = arith.constant 0 : i32
            %dma_start3A_293 = tpu.memref_slice %run_scoped3A_11[%rem3A_288, %dma_start3A_291, %dma_start3A_292] : memref<2x128x128xf32, #tpu.memory_space<vmem>> -> memref<1x128x128xf32, #tpu.memory_space<vmem>>
            %dma_start3A_294 = tpu.memref_squeeze %dma_start3A_293 : memref<1x128x128xf32, #tpu.memory_space<vmem>> -> memref<128x128xf32, #tpu.memory_space<vmem>>
            %dma_start3A_295 = arith.constant 0 : i32
            %dma_start3A_296 = tpu.memref_slice %arg4[%mul3A_290, %dma_start3A_295] : memref<128x128xf32, #tpu.memory_space<hbm>> -> memref<128x128xf32, #tpu.memory_space<hbm>>
            %dma_start3A_297 = tpu.memref_slice %run_scoped3A_12[%rem3A_288] : memref<2x!tpu.dma_semaphore, #tpu.memory_space<semaphore_mem>> -> memref<1x!tpu.dma_semaphore, #tpu.memory_space<semaphore_mem>>
            %dma_start3A_298 = tpu.memref_squeeze %dma_start3A_297 : memref<1x!tpu.dma_semaphore, #tpu.memory_space<semaphore_mem>> -> memref<!tpu.dma_semaphore, #tpu.memory_space<semaphore_mem>>
            %dma_start3A_299 = arith.constant 0 : i32
            %dma_start3A_300 = tpu.memref_slice %arg4[%mul3A_290, %dma_start3A_299] : memref<128x128xf32, #tpu.memory_space<hbm>> -> memref<128x128xf32, #tpu.memory_space<hbm>>
            %dma_start3A_301 = arith.constant 0 : i32
            %dma_start3A_302 = arith.constant 0 : i32
            %dma_start3A_303 = tpu.memref_slice %run_scoped3A_11[%rem3A_288, %dma_start3A_301, %dma_start3A_302] : memref<2x128x128xf32, #tpu.memory_space<vmem>> -> memref<1x128x128xf32, #tpu.memory_space<vmem>>
            %dma_start3A_304 = tpu.memref_squeeze %dma_start3A_303 : memref<1x128x128xf32, #tpu.memory_space<vmem>> -> memref<128x128xf32, #tpu.memory_space<vmem>>
            tpu.enqueue_dma source(%dma_start3A_304 : memref<128x128xf32, #tpu.memory_space<vmem>>) target(%dma_start3A_300 : memref<128x128xf32, #tpu.memory_space<hbm>>) target_semaphore(%dma_start3A_298 : memref<!tpu.dma_semaphore, #tpu.memory_space<semaphore_mem>>)
            "tpu.trace_stop"() : () -> ()
          } else {
          }
          %and3A_241 = arith.constant true
          %and3A_242 = arith.andi %or3A_237, %and3A_241 : i1
          %add3A_243 = arith.constant 1 : i32
          %add3A_244 = arith.addi %while3A_138, %add3A_243 : i32
          %select_n3A_245 = arith.select %and3A_242, %add3A_244, %while3A_138 : i32
          %ne3A_246 = arith.cmpi ne, %add3A_148, %add3A_158 : i32
          %or3A_247 = arith.constant false
          %or3A_248 = arith.ori %or3A_247, %ne3A_246 : i1
          %not3A_249 = arith.constant true
          %not3A_250 = arith.xori %eq3A_144, %not3A_249 : i1
          %and3A_251 = arith.andi %or3A_248, %not3A_250 : i1
          %convert_element_type3A_252 = arith.extui %and3A_251 : i1 to i32
          %cond3A_253 = arith.constant 0 : i32
          %cond3A_254 = arith.cmpi ne, %convert_element_type3A_252, %cond3A_253 : i32
          scf.if %cond3A_254 {
          } else {
          }
          %and3A_255 = arith.constant false
          %and3A_256 = arith.andi %and3A_251, %and3A_255 : i1
          %ne3A_257 = arith.cmpi ne, %add3A_148, %add3A_158 : i32
          %or3A_258 = arith.constant false
          %or3A_259 = arith.ori %or3A_258, %ne3A_257 : i1
          %or3A_260 = arith.constant false
          %or3A_261 = arith.ori %or3A_259, %or3A_260 : i1
          %not3A_262 = arith.constant true
          %not3A_263 = arith.xori %eq3A_144, %not3A_262 : i1
          %and3A_264 = arith.andi %or3A_261, %not3A_263 : i1
          %convert_element_type3A_265 = arith.extui %and3A_264 : i1 to i32
          %cond3A_266 = arith.constant 0 : i32
          %cond3A_267 = arith.cmpi ne, %convert_element_type3A_265, %cond3A_266 : i32
          scf.if %cond3A_267 {
            "tpu.trace_start"() <{level = 10 : i32, message = "ep_wait_out"}> : () -> ()
            %rem3A_287 = arith.constant 2 : i32
            %rem3A_288 = arith.remui %while3A_139, %rem3A_287 : i32
            %mul3A_289 = arith.constant 128 : i32
            %mul3A_290 = arith.muli %mul3A_289, %add3A_158 : i32
            %dma_wait3A = arith.constant 0 : i32
            %dma_wait3A_291 = arith.constant 0 : i32
            %dma_wait3A_292 = tpu.memref_slice %run_scoped3A_11[%rem3A_288, %dma_wait3A, %dma_wait3A_291] : memref<2x128x128xf32, #tpu.memory_space<vmem>> -> memref<1x128x128xf32, #tpu.memory_space<vmem>>
            %dma_wait3A_293 = tpu.memref_squeeze %dma_wait3A_292 : memref<1x128x128xf32, #tpu.memory_space<vmem>> -> memref<128x128xf32, #tpu.memory_space<vmem>>
            %dma_wait3A_294 = arith.constant 0 : i32
            %dma_wait3A_295 = tpu.memref_slice %arg4[%mul3A_290, %dma_wait3A_294] : memref<128x128xf32, #tpu.memory_space<hbm>> -> memref<128x128xf32, #tpu.memory_space<hbm>>
            %dma_wait3A_296 = tpu.memref_slice %run_scoped3A_12[%rem3A_288] : memref<2x!tpu.dma_semaphore, #tpu.memory_space<semaphore_mem>> -> memref<1x!tpu.dma_semaphore, #tpu.memory_space<semaphore_mem>>
            %dma_wait3A_297 = tpu.memref_squeeze %dma_wait3A_296 : memref<1x!tpu.dma_semaphore, #tpu.memory_space<semaphore_mem>> -> memref<!tpu.dma_semaphore, #tpu.memory_space<semaphore_mem>>
            %dma_wait3A_298 = arith.constant 0 : i32
            %dma_wait3A_299 = tpu.memref_slice %arg4[%mul3A_290, %dma_wait3A_298] : memref<128x128xf32, #tpu.memory_space<hbm>> -> memref<128x128xf32, #tpu.memory_space<hbm>>
            %dma_wait3A_300 = arith.constant 0 : i32
            %dma_wait3A_301 = arith.constant 0 : i32
            %dma_wait3A_302 = tpu.memref_slice %run_scoped3A_11[%rem3A_288, %dma_wait3A_300, %dma_wait3A_301] : memref<2x128x128xf32, #tpu.memory_space<vmem>> -> memref<1x128x128xf32, #tpu.memory_space<vmem>>
            %dma_wait3A_303 = tpu.memref_squeeze %dma_wait3A_302 : memref<1x128x128xf32, #tpu.memory_space<vmem>> -> memref<128x128xf32, #tpu.memory_space<vmem>>
            tpu.wait_dma2 semaphore(%dma_wait3A_297 : memref<!tpu.dma_semaphore, #tpu.memory_space<semaphore_mem>>) src(%dma_wait3A_303 : memref<128x128xf32, #tpu.memory_space<vmem>>) dst(%dma_wait3A_299 : memref<128x128xf32, #tpu.memory_space<hbm>>)
            "tpu.trace_stop"() : () -> ()
          } else {
          }
          %and3A_268 = arith.constant true
          %and3A_269 = arith.andi %and3A_264, %and3A_268 : i1
          %add3A_270 = arith.constant 1 : i32
          %add3A_271 = arith.addi %while3A_139, %add3A_270 : i32
          %select_n3A_272 = arith.select %and3A_269, %add3A_271, %while3A_139 : i32
          %ne3A_273 = arith.cmpi ne, %add3A_148, %add3A_166 : i32
          %or3A_274 = arith.constant false
          %or3A_275 = arith.ori %or3A_274, %ne3A_273 : i1
          %or3A_276 = arith.ori %or3A_275, %eq3A_147 : i1
          %add3A_277 = arith.constant 1 : i32
          %add3A_278 = arith.addi %while3A_137, %add3A_277 : i32
          %select_n3A_279 = arith.select %or3A_276, %add3A_278, %while3A_137 : i32
          %add3A_280 = arith.constant 1 : i32
          %add3A_281 = arith.addi %while3A_140, %add3A_280 : i32
          %select_n3A_282 = arith.constant true
          %select_n3A_283 = arith.select %select_n3A_282, %add3A_281, %while3A_140 : i32
          %eq3A_284 = arith.cmpi eq, %select_n3A_283, %select_n3A : i32
          %select_n3A_285 = arith.constant 0 : i32
          %select_n3A_286 = arith.select %eq3A_284, %select_n3A_285, %select_n3A_283 : i32
          scf.yield %select_n3A_188, %select_n3A_279, %select_n3A_245, %select_n3A_272, %select_n3A_286 : i32, i32, i32, i32, i32
        }
        %while3A_82 = arith.constant 1 : i32
        %while3A_83:5 = scf.for %while3A_135 = %while3A_79 to %while3A_75 step %while3A_82 iter_args(%while3A_136 = %while3A_81#0, %while3A_137 = %while3A_81#1, %while3A_138 = %while3A_81#2, %while3A_139 = %while3A_81#3, %while3A_140 = %while3A_81#4) -> (i32, i32, i32, i32, i32)  : i32 {
          %mul3A_141 = arith.constant 1 : i32
          %mul3A_142 = arith.muli %mul3A_141, %select_n3A : i32
          %eq3A_143 = arith.constant 0 : i32
          %eq3A_144 = arith.cmpi eq, %while3A_135, %eq3A_143 : i32
          %sub3A_145 = arith.constant 1 : i32
          %sub3A_146 = arith.subi %mul3A_142, %sub3A_145 : i32
          %eq3A_147 = arith.cmpi eq, %while3A_135, %sub3A_146 : i32
          %add3A_148 = arith.addi %while3A_140, %select_n3A_7 : i32
          %sub3A_149 = arith.constant 1 : i32
          %sub3A_150 = arith.subi %while3A_140, %sub3A_149 : i32
          %select_n3A_151 = arith.constant true
          %select_n3A_152 = arith.select %select_n3A_151, %sub3A_150, %while3A_140 : i32
          %eq3A_153 = arith.constant -1 : i32
          %eq3A_154 = arith.cmpi eq, %select_n3A_152, %eq3A_153 : i32
          %sub3A_155 = arith.constant 1 : i32
          %sub3A_156 = arith.subi %select_n3A, %sub3A_155 : i32
          %select_n3A_157 = arith.select %eq3A_154, %sub3A_156, %select_n3A_152 : i32
          %add3A_158 = arith.addi %select_n3A_157, %select_n3A_7 : i32
          %add3A_159 = arith.constant 1 : i32
          %add3A_160 = arith.addi %while3A_140, %add3A_159 : i32
          %select_n3A_161 = arith.constant true
          %select_n3A_162 = arith.select %select_n3A_161, %add3A_160, %while3A_140 : i32
          %eq3A_163 = arith.cmpi eq, %select_n3A_162, %select_n3A : i32
          %select_n3A_164 = arith.constant 0 : i32
          %select_n3A_165 = arith.select %eq3A_163, %select_n3A_164, %select_n3A_162 : i32
          %add3A_166 = arith.addi %select_n3A_165, %select_n3A_7 : i32
          %add3A_167 = arith.constant 1 : i32
          %add3A_168 = arith.addi %select_n3A_165, %add3A_167 : i32
          %select_n3A_169 = arith.constant true
          %select_n3A_170 = arith.select %select_n3A_169, %add3A_168, %select_n3A_165 : i32
          %eq3A_171 = arith.cmpi eq, %select_n3A_170, %select_n3A : i32
          %select_n3A_172 = arith.constant 0 : i32
          %select_n3A_173 = arith.select %eq3A_171, %select_n3A_172, %select_n3A_170 : i32
          %add3A_174 = arith.addi %select_n3A_173, %select_n3A_7 : i32
          %ne3A = arith.cmpi ne, %add3A_148, %add3A_166 : i32
          %or3A = arith.constant false
          %or3A_175 = arith.ori %or3A, %ne3A : i1
          %sub3A_176 = arith.constant 2 : i32
          %sub3A_177 = arith.subi %mul3A_142, %sub3A_176 : i32
          %add3A_178 = arith.constant 1 : i32
          %add3A_179 = arith.addi %sub3A_177, %add3A_178 : i32
          %ge3A = arith.cmpi sge, %while3A_135, %add3A_179 : i32
          %not3A = arith.constant true
          %not3A_180 = arith.xori %ge3A, %not3A : i1
          %and3A = arith.andi %or3A_175, %not3A_180 : i1
          %convert_element_type3A_181 = arith.extui %and3A : i1 to i32
          %cond3A_182 = arith.constant 0 : i32
          %cond3A_183 = arith.cmpi ne, %convert_element_type3A_181, %cond3A_182 : i32
          scf.if %cond3A_183 {
            "tpu.trace_start"() <{level = 10 : i32, message = "ep_copy_in"}> : () -> ()
            %rem3A_287 = arith.constant 2 : i32
            %rem3A_288 = arith.remui %while3A_136, %rem3A_287 : i32
            %mul3A_289 = arith.constant 128 : i32
            %mul3A_290 = arith.muli %mul3A_289, %add3A_166 : i32
            %dma_start3A_291 = arith.constant 0 : i32
            %dma_start3A_292 = arith.constant 0 : i32
            %dma_start3A_293 = tpu.memref_slice %run_scoped3A[%rem3A_288, %dma_start3A_291, %dma_start3A_292] : memref<2x1x128xi32, #tpu.memory_space<vmem>> -> memref<1x1x128xi32, #tpu.memory_space<vmem>>
            %dma_start3A_294 = tpu.memref_squeeze %dma_start3A_293 : memref<1x1x128xi32, #tpu.memory_space<vmem>> -> memref<1x128xi32, #tpu.memory_space<vmem>>
            %dma_start3A_295 = arith.constant 0 : i32
            %dma_start3A_296 = tpu.memref_slice %arg3[%dma_start3A_295, %mul3A_290] : memref<1x128xi32, #tpu.memory_space<hbm>> -> memref<1x128xi32, #tpu.memory_space<hbm>>
            %dma_start3A_297 = tpu.memref_slice %run_scoped3A_10[%rem3A_288] : memref<2x!tpu.dma_semaphore, #tpu.memory_space<semaphore_mem>> -> memref<1x!tpu.dma_semaphore, #tpu.memory_space<semaphore_mem>>
            %dma_start3A_298 = tpu.memref_squeeze %dma_start3A_297 : memref<1x!tpu.dma_semaphore, #tpu.memory_space<semaphore_mem>> -> memref<!tpu.dma_semaphore, #tpu.memory_space<semaphore_mem>>
            %dma_start3A_299 = arith.constant 0 : i32
            %dma_start3A_300 = arith.constant 0 : i32
            %dma_start3A_301 = tpu.memref_slice %run_scoped3A[%rem3A_288, %dma_start3A_299, %dma_start3A_300] : memref<2x1x128xi32, #tpu.memory_space<vmem>> -> memref<1x1x128xi32, #tpu.memory_space<vmem>>
            %dma_start3A_302 = tpu.memref_squeeze %dma_start3A_301 : memref<1x1x128xi32, #tpu.memory_space<vmem>> -> memref<1x128xi32, #tpu.memory_space<vmem>>
            %dma_start3A_303 = arith.constant 0 : i32
            %dma_start3A_304 = tpu.memref_slice %arg3[%dma_start3A_303, %mul3A_290] : memref<1x128xi32, #tpu.memory_space<hbm>> -> memref<1x128xi32, #tpu.memory_space<hbm>>
            tpu.enqueue_dma source(%dma_start3A_304 : memref<1x128xi32, #tpu.memory_space<hbm>>) target(%dma_start3A_302 : memref<1x128xi32, #tpu.memory_space<vmem>>) target_semaphore(%dma_start3A_298 : memref<!tpu.dma_semaphore, #tpu.memory_space<semaphore_mem>>)
            "tpu.trace_stop"() : () -> ()
          } else {
          }
          %and3A_184 = arith.constant true
          %and3A_185 = arith.andi %and3A, %and3A_184 : i1
          %add3A_186 = arith.constant 1 : i32
          %add3A_187 = arith.addi %while3A_136, %add3A_186 : i32
          %select_n3A_188 = arith.select %and3A_185, %add3A_187, %while3A_136 : i32
          %ne3A_189 = arith.cmpi ne, %add3A_148, %add3A_166 : i32
          %or3A_190 = arith.constant false
          %or3A_191 = arith.ori %or3A_190, %ne3A_189 : i1
          %or3A_192 = arith.constant false
          %or3A_193 = arith.ori %or3A_191, %or3A_192 : i1
          %sub3A_194 = arith.constant 2 : i32
          %sub3A_195 = arith.subi %mul3A_142, %sub3A_194 : i32
          %add3A_196 = arith.constant 1 : i32
          %add3A_197 = arith.addi %sub3A_195, %add3A_196 : i32
          %ge3A_198 = arith.cmpi sge, %while3A_135, %add3A_197 : i32
          %not3A_199 = arith.constant true
          %not3A_200 = arith.xori %ge3A_198, %not3A_199 : i1
          %and3A_201 = arith.andi %or3A_193, %not3A_200 : i1
          %ne3A_202 = arith.cmpi ne, %add3A_148, %add3A_158 : i32
          %or3A_203 = arith.constant false
          %or3A_204 = arith.ori %or3A_203, %ne3A_202 : i1
          %or3A_205 = arith.ori %or3A_204, %eq3A_144 : i1
          %convert_element_type3A_206 = arith.extui %or3A_205 : i1 to i32
          %cond3A_207 = arith.constant 0 : i32
          %cond3A_208 = arith.cmpi ne, %convert_element_type3A_206, %cond3A_207 : i32
          scf.if %cond3A_208 {
            "tpu.trace_start"() <{level = 10 : i32, message = "ep_wait_in"}> : () -> ()
            %mul3A_287 = arith.constant 128 : i32
            %mul3A_288 = arith.muli %mul3A_287, %add3A_148 : i32
            %rem3A_289 = arith.constant 2 : i32
            %rem3A_290 = arith.remui %while3A_137, %rem3A_289 : i32
            %dma_wait3A = arith.constant 0 : i32
            %dma_wait3A_291 = arith.constant 0 : i32
            %dma_wait3A_292 = tpu.memref_slice %run_scoped3A[%rem3A_290, %dma_wait3A, %dma_wait3A_291] : memref<2x1x128xi32, #tpu.memory_space<vmem>> -> memref<1x1x128xi32, #tpu.memory_space<vmem>>
            %dma_wait3A_293 = tpu.memref_squeeze %dma_wait3A_292 : memref<1x1x128xi32, #tpu.memory_space<vmem>> -> memref<1x128xi32, #tpu.memory_space<vmem>>
            %dma_wait3A_294 = arith.constant 0 : i32
            %dma_wait3A_295 = tpu.memref_slice %arg3[%dma_wait3A_294, %mul3A_288] : memref<1x128xi32, #tpu.memory_space<hbm>> -> memref<1x128xi32, #tpu.memory_space<hbm>>
            %dma_wait3A_296 = tpu.memref_slice %run_scoped3A_10[%rem3A_290] : memref<2x!tpu.dma_semaphore, #tpu.memory_space<semaphore_mem>> -> memref<1x!tpu.dma_semaphore, #tpu.memory_space<semaphore_mem>>
            %dma_wait3A_297 = tpu.memref_squeeze %dma_wait3A_296 : memref<1x!tpu.dma_semaphore, #tpu.memory_space<semaphore_mem>> -> memref<!tpu.dma_semaphore, #tpu.memory_space<semaphore_mem>>
            %dma_wait3A_298 = arith.constant 0 : i32
            %dma_wait3A_299 = arith.constant 0 : i32
            %dma_wait3A_300 = tpu.memref_slice %run_scoped3A[%rem3A_290, %dma_wait3A_298, %dma_wait3A_299] : memref<2x1x128xi32, #tpu.memory_space<vmem>> -> memref<1x1x128xi32, #tpu.memory_space<vmem>>
            %dma_wait3A_301 = tpu.memref_squeeze %dma_wait3A_300 : memref<1x1x128xi32, #tpu.memory_space<vmem>> -> memref<1x128xi32, #tpu.memory_space<vmem>>
            %dma_wait3A_302 = arith.constant 0 : i32
            %dma_wait3A_303 = tpu.memref_slice %arg3[%dma_wait3A_302, %mul3A_288] : memref<1x128xi32, #tpu.memory_space<hbm>> -> memref<1x128xi32, #tpu.memory_space<hbm>>
            tpu.wait_dma2 semaphore(%dma_wait3A_297 : memref<!tpu.dma_semaphore, #tpu.memory_space<semaphore_mem>>) src(%dma_wait3A_303 : memref<1x128xi32, #tpu.memory_space<hbm>>) dst(%dma_wait3A_301 : memref<1x128xi32, #tpu.memory_space<vmem>>)
            "tpu.trace_stop"() : () -> ()
          } else {
          }
          %ne3A_209 = arith.cmpi ne, %add3A_148, %add3A_158 : i32
          %or3A_210 = arith.constant false
          %or3A_211 = arith.ori %or3A_210, %ne3A_209 : i1
          %or3A_212 = arith.constant false
          %or3A_213 = arith.ori %or3A_211, %or3A_212 : i1
          %or3A_214 = arith.ori %or3A_213, %eq3A_144 : i1
          %convert_element_type3A_215 = arith.extui %or3A_214 : i1 to i32
          %cond3A_216 = arith.constant 0 : i32
          %cond3A_217 = arith.cmpi ne, %convert_element_type3A_215, %cond3A_216 : i32
          scf.if %cond3A_217 {
          } else {
          }
          %rem3A_218 = arith.constant 2 : i32
          %rem3A_219 = arith.remui %while3A_137, %rem3A_218 : i32
          %rem3A_220 = arith.constant 2 : i32
          %rem3A_221 = arith.remui %while3A_138, %rem3A_220 : i32
          %run_scoped3A_222 = arith.constant 0 : i32
          "tpu.trace_start"() <{level = 10 : i32, message = "ep_run_kernel"}> : () -> ()
          "tpu.region"() ({
            %run_scoped3A_287 = tpu.sem_alloc : memref<!tpu.dma_semaphore, #tpu.memory_space<semaphore_mem>>
            %dma_start3A_288 = arith.constant 0 : i32
            %dma_start3A_289 = arith.constant 0 : i32
            %dma_start3A_290 = tpu.memref_slice %run_scoped3A_11[%rem3A_221, %dma_start3A_288, %dma_start3A_289] : memref<2x128x128xf32, #tpu.memory_space<vmem>> -> memref<1x128x128xf32, #tpu.memory_space<vmem>>
            %dma_start3A_291 = tpu.memref_squeeze %dma_start3A_290 : memref<1x128x128xf32, #tpu.memory_space<vmem>> -> memref<128x128xf32, #tpu.memory_space<vmem>>
            %dma_start3A_292 = arith.constant 0 : i32
            %dma_start3A_293 = arith.constant 0 : i32
            %dma_start3A_294 = tpu.memref_slice %run_scoped3A[%rem3A_219, %dma_start3A_292, %dma_start3A_293] : memref<2x1x128xi32, #tpu.memory_space<vmem>> -> memref<1x1x128xi32, #tpu.memory_space<vmem>>
            %dma_start3A_295 = tpu.memref_squeeze %dma_start3A_294 : memref<1x1x128xi32, #tpu.memory_space<vmem>> -> memref<1x128xi32, #tpu.memory_space<vmem>>
            %dma_start3A_296 = arith.constant 0 : i32
            %dma_start3A_297 = tpu.memref_slice %dma_start3A_295[%run_scoped3A_222, %dma_start3A_296] : memref<1x128xi32, #tpu.memory_space<vmem>> -> memref<1x128xi32, #tpu.memory_space<vmem>>
            %dma_start3A_298 = tpu.memref_squeeze %dma_start3A_297 : memref<1x128xi32, #tpu.memory_space<vmem>> -> memref<128xi32, #tpu.memory_space<vmem>>
            %dma_start3A_299 = arith.constant 0 : i32
            %dma_start3A_300 = arith.constant 0 : i32
            %dma_start3A_301 = tpu.memref_slice %arg2[%dma_start3A_299, %dma_start3A_300] : memref<512x128xf32, #tpu.memory_space<hbm>> -> memref<512x128xf32, #tpu.memory_space<hbm>>
            tpu.enqueue_indirect_dma source(%dma_start3A_301 : memref<512x128xf32, #tpu.memory_space<hbm>>) target(%dma_start3A_291 : memref<128x128xf32, #tpu.memory_space<vmem>>) offsets(%dma_start3A_298 : memref<128xi32, #tpu.memory_space<vmem>>) semaphore(%run_scoped3A_287 : memref<!tpu.dma_semaphore, #tpu.memory_space<semaphore_mem>>)
            %dma_wait3A = arith.constant 0 : i32
            %dma_wait3A_302 = arith.constant 0 : i32
            %dma_wait3A_303 = tpu.memref_slice %run_scoped3A_11[%rem3A_221, %dma_wait3A, %dma_wait3A_302] : memref<2x128x128xf32, #tpu.memory_space<vmem>> -> memref<1x128x128xf32, #tpu.memory_space<vmem>>
            %dma_wait3A_304 = tpu.memref_squeeze %dma_wait3A_303 : memref<1x128x128xf32, #tpu.memory_space<vmem>> -> memref<128x128xf32, #tpu.memory_space<vmem>>
            %dma_wait3A_305 = arith.constant 0 : i32
            %dma_wait3A_306 = arith.constant 0 : i32
            %dma_wait3A_307 = tpu.memref_slice %run_scoped3A[%rem3A_219, %dma_wait3A_305, %dma_wait3A_306] : memref<2x1x128xi32, #tpu.memory_space<vmem>> -> memref<1x1x128xi32, #tpu.memory_space<vmem>>
            %dma_wait3A_308 = tpu.memref_squeeze %dma_wait3A_307 : memref<1x1x128xi32, #tpu.memory_space<vmem>> -> memref<1x128xi32, #tpu.memory_space<vmem>>
            %dma_wait3A_309 = arith.constant 0 : i32
            %dma_wait3A_310 = tpu.memref_slice %dma_wait3A_308[%run_scoped3A_222, %dma_wait3A_309] : memref<1x128xi32, #tpu.memory_space<vmem>> -> memref<1x128xi32, #tpu.memory_space<vmem>>
            %dma_wait3A_311 = tpu.memref_squeeze %dma_wait3A_310 : memref<1x128xi32, #tpu.memory_space<vmem>> -> memref<128xi32, #tpu.memory_space<vmem>>
            %dma_wait3A_312 = arith.constant 0 : i32
            %dma_wait3A_313 = arith.constant 0 : i32
            %dma_wait3A_314 = tpu.memref_slice %arg2[%dma_wait3A_312, %dma_wait3A_313] : memref<512x128xf32, #tpu.memory_space<hbm>> -> memref<512x128xf32, #tpu.memory_space<hbm>>
            tpu.wait_indirect_dma semaphore(%run_scoped3A_287 : memref<!tpu.dma_semaphore, #tpu.memory_space<semaphore_mem>>) src(%dma_wait3A_314 : memref<512x128xf32, #tpu.memory_space<hbm>>) dst(%dma_wait3A_304 : memref<128x128xf32, #tpu.memory_space<vmem>>)
            tpu.yield
          }) : () -> ()
          "tpu.trace_stop"() : () -> ()
          %ne3A_223 = arith.cmpi ne, %add3A_148, %add3A_166 : i32
          %or3A_224 = arith.constant false
          %or3A_225 = arith.ori %or3A_224, %ne3A_223 : i1
          %or3A_226 = arith.ori %or3A_225, %eq3A_147 : i1
          %convert_element_type3A_227 = arith.extui %or3A_226 : i1 to i32
          %cond3A_228 = arith.constant 0 : i32
          %cond3A_229 = arith.cmpi ne, %convert_element_type3A_227, %cond3A_228 : i32
          scf.if %cond3A_229 {
          } else {
          }
          %and3A_230 = arith.constant false
          %and3A_231 = arith.andi %or3A_226, %and3A_230 : i1
          %ne3A_232 = arith.cmpi ne, %add3A_148, %add3A_166 : i32
          %or3A_233 = arith.constant false
          %or3A_234 = arith.ori %or3A_233, %ne3A_232 : i1
          %or3A_235 = arith.constant false
          %or3A_236 = arith.ori %or3A_234, %or3A_235 : i1
          %or3A_237 = arith.ori %or3A_236, %eq3A_147 : i1
          %convert_element_type3A_238 = arith.extui %or3A_237 : i1 to i32
          %cond3A_239 = arith.constant 0 : i32
          %cond3A_240 = arith.cmpi ne, %convert_element_type3A_238, %cond3A_239 : i32
          scf.if %cond3A_240 {
            "tpu.trace_start"() <{level = 10 : i32, message = "ep_copy_out"}> : () -> ()
            %rem3A_287 = arith.constant 2 : i32
            %rem3A_288 = arith.remui %while3A_138, %rem3A_287 : i32
            %mul3A_289 = arith.constant 128 : i32
            %mul3A_290 = arith.muli %mul3A_289, %add3A_148 : i32
            %dma_start3A_291 = arith.constant 0 : i32
            %dma_start3A_292 = arith.constant 0 : i32
            %dma_start3A_293 = tpu.memref_slice %run_scoped3A_11[%rem3A_288, %dma_start3A_291, %dma_start3A_292] : memref<2x128x128xf32, #tpu.memory_space<vmem>> -> memref<1x128x128xf32, #tpu.memory_space<vmem>>
            %dma_start3A_294 = tpu.memref_squeeze %dma_start3A_293 : memref<1x128x128xf32, #tpu.memory_space<vmem>> -> memref<128x128xf32, #tpu.memory_space<vmem>>
            %dma_start3A_295 = arith.constant 0 : i32
            %dma_start3A_296 = tpu.memref_slice %arg4[%mul3A_290, %dma_start3A_295] : memref<128x128xf32, #tpu.memory_space<hbm>> -> memref<128x128xf32, #tpu.memory_space<hbm>>
            %dma_start3A_297 = tpu.memref_slice %run_scoped3A_12[%rem3A_288] : memref<2x!tpu.dma_semaphore, #tpu.memory_space<semaphore_mem>> -> memref<1x!tpu.dma_semaphore, #tpu.memory_space<semaphore_mem>>
            %dma_start3A_298 = tpu.memref_squeeze %dma_start3A_297 : memref<1x!tpu.dma_semaphore, #tpu.memory_space<semaphore_mem>> -> memref<!tpu.dma_semaphore, #tpu.memory_space<semaphore_mem>>
            %dma_start3A_299 = arith.constant 0 : i32
            %dma_start3A_300 = tpu.memref_slice %arg4[%mul3A_290, %dma_start3A_299] : memref<128x128xf32, #tpu.memory_space<hbm>> -> memref<128x128xf32, #tpu.memory_space<hbm>>
            %dma_start3A_301 = arith.constant 0 : i32
            %dma_start3A_302 = arith.constant 0 : i32
            %dma_start3A_303 = tpu.memref_slice %run_scoped3A_11[%rem3A_288, %dma_start3A_301, %dma_start3A_302] : memref<2x128x128xf32, #tpu.memory_space<vmem>> -> memref<1x128x128xf32, #tpu.memory_space<vmem>>
            %dma_start3A_304 = tpu.memref_squeeze %dma_start3A_303 : memref<1x128x128xf32, #tpu.memory_space<vmem>> -> memref<128x128xf32, #tpu.memory_space<vmem>>
            tpu.enqueue_dma source(%dma_start3A_304 : memref<128x128xf32, #tpu.memory_space<vmem>>) target(%dma_start3A_300 : memref<128x128xf32, #tpu.memory_space<hbm>>) target_semaphore(%dma_start3A_298 : memref<!tpu.dma_semaphore, #tpu.memory_space<semaphore_mem>>)
            "tpu.trace_stop"() : () -> ()
          } else {
          }
          %and3A_241 = arith.constant true
          %and3A_242 = arith.andi %or3A_237, %and3A_241 : i1
          %add3A_243 = arith.constant 1 : i32
          %add3A_244 = arith.addi %while3A_138, %add3A_243 : i32
          %select_n3A_245 = arith.select %and3A_242, %add3A_244, %while3A_138 : i32
          %ne3A_246 = arith.cmpi ne, %add3A_148, %add3A_158 : i32
          %or3A_247 = arith.constant false
          %or3A_248 = arith.ori %or3A_247, %ne3A_246 : i1
          %not3A_249 = arith.constant true
          %not3A_250 = arith.xori %eq3A_144, %not3A_249 : i1
          %and3A_251 = arith.andi %or3A_248, %not3A_250 : i1
          %convert_element_type3A_252 = arith.extui %and3A_251 : i1 to i32
          %cond3A_253 = arith.constant 0 : i32
          %cond3A_254 = arith.cmpi ne, %convert_element_type3A_252, %cond3A_253 : i32
          scf.if %cond3A_254 {
          } else {
          }
          %and3A_255 = arith.constant false
          %and3A_256 = arith.andi %and3A_251, %and3A_255 : i1
          %ne3A_257 = arith.cmpi ne, %add3A_148, %add3A_158 : i32
          %or3A_258 = arith.constant false
          %or3A_259 = arith.ori %or3A_258, %ne3A_257 : i1
          %or3A_260 = arith.constant false
          %or3A_261 = arith.ori %or3A_259, %or3A_260 : i1
          %not3A_262 = arith.constant true
          %not3A_263 = arith.xori %eq3A_144, %not3A_262 : i1
          %and3A_264 = arith.andi %or3A_261, %not3A_263 : i1
          %convert_element_type3A_265 = arith.extui %and3A_264 : i1 to i32
          %cond3A_266 = arith.constant 0 : i32
          %cond3A_267 = arith.cmpi ne, %convert_element_type3A_265, %cond3A_266 : i32
          scf.if %cond3A_267 {
            "tpu.trace_start"() <{level = 10 : i32, message = "ep_wait_out"}> : () -> ()
            %rem3A_287 = arith.constant 2 : i32
            %rem3A_288 = arith.remui %while3A_139, %rem3A_287 : i32
            %mul3A_289 = arith.constant 128 : i32
            %mul3A_290 = arith.muli %mul3A_289, %add3A_158 : i32
            %dma_wait3A = arith.constant 0 : i32
            %dma_wait3A_291 = arith.constant 0 : i32
            %dma_wait3A_292 = tpu.memref_slice %run_scoped3A_11[%rem3A_288, %dma_wait3A, %dma_wait3A_291] : memref<2x128x128xf32, #tpu.memory_space<vmem>> -> memref<1x128x128xf32, #tpu.memory_space<vmem>>
            %dma_wait3A_293 = tpu.memref_squeeze %dma_wait3A_292 : memref<1x128x128xf32, #tpu.memory_space<vmem>> -> memref<128x128xf32, #tpu.memory_space<vmem>>
            %dma_wait3A_294 = arith.constant 0 : i32
            %dma_wait3A_295 = tpu.memref_slice %arg4[%mul3A_290, %dma_wait3A_294] : memref<128x128xf32, #tpu.memory_space<hbm>> -> memref<128x128xf32, #tpu.memory_space<hbm>>
            %dma_wait3A_296 = tpu.memref_slice %run_scoped3A_12[%rem3A_288] : memref<2x!tpu.dma_semaphore, #tpu.memory_space<semaphore_mem>> -> memref<1x!tpu.dma_semaphore, #tpu.memory_space<semaphore_mem>>
            %dma_wait3A_297 = tpu.memref_squeeze %dma_wait3A_296 : memref<1x!tpu.dma_semaphore, #tpu.memory_space<semaphore_mem>> -> memref<!tpu.dma_semaphore, #tpu.memory_space<semaphore_mem>>
            %dma_wait3A_298 = arith.constant 0 : i32
            %dma_wait3A_299 = tpu.memref_slice %arg4[%mul3A_290, %dma_wait3A_298] : memref<128x128xf32, #tpu.memory_space<hbm>> -> memref<128x128xf32, #tpu.memory_space<hbm>>
            %dma_wait3A_300 = arith.constant 0 : i32
            %dma_wait3A_301 = arith.constant 0 : i32
            %dma_wait3A_302 = tpu.memref_slice %run_scoped3A_11[%rem3A_288, %dma_wait3A_300, %dma_wait3A_301] : memref<2x128x128xf32, #tpu.memory_space<vmem>> -> memref<1x128x128xf32, #tpu.memory_space<vmem>>
            %dma_wait3A_303 = tpu.memref_squeeze %dma_wait3A_302 : memref<1x128x128xf32, #tpu.memory_space<vmem>> -> memref<128x128xf32, #tpu.memory_space<vmem>>
            tpu.wait_dma2 semaphore(%dma_wait3A_297 : memref<!tpu.dma_semaphore, #tpu.memory_space<semaphore_mem>>) src(%dma_wait3A_303 : memref<128x128xf32, #tpu.memory_space<vmem>>) dst(%dma_wait3A_299 : memref<128x128xf32, #tpu.memory_space<hbm>>)
            "tpu.trace_stop"() : () -> ()
          } else {
          }
          %and3A_268 = arith.constant true
          %and3A_269 = arith.andi %and3A_264, %and3A_268 : i1
          %add3A_270 = arith.constant 1 : i32
          %add3A_271 = arith.addi %while3A_139, %add3A_270 : i32
          %select_n3A_272 = arith.select %and3A_269, %add3A_271, %while3A_139 : i32
          %ne3A_273 = arith.cmpi ne, %add3A_148, %add3A_166 : i32
          %or3A_274 = arith.constant false
          %or3A_275 = arith.ori %or3A_274, %ne3A_273 : i1
          %or3A_276 = arith.ori %or3A_275, %eq3A_147 : i1
          %add3A_277 = arith.constant 1 : i32
          %add3A_278 = arith.addi %while3A_137, %add3A_277 : i32
          %select_n3A_279 = arith.select %or3A_276, %add3A_278, %while3A_137 : i32
          %add3A_280 = arith.constant 1 : i32
          %add3A_281 = arith.addi %while3A_140, %add3A_280 : i32
          %select_n3A_282 = arith.constant true
          %select_n3A_283 = arith.select %select_n3A_282, %add3A_281, %while3A_140 : i32
          %eq3A_284 = arith.cmpi eq, %select_n3A_283, %select_n3A : i32
          %select_n3A_285 = arith.constant 0 : i32
          %select_n3A_286 = arith.select %eq3A_284, %select_n3A_285, %select_n3A_283 : i32
          scf.yield %select_n3A_188, %select_n3A_279, %select_n3A_245, %select_n3A_272, %select_n3A_286 : i32, i32, i32, i32, i32
        }
        %sub3A_84 = arith.constant 1 : i32
        %sub3A_85 = arith.subi %while3A_83#4, %sub3A_84 : i32
        %select_n3A_86 = arith.constant true
        %select_n3A_87 = arith.select %select_n3A_86, %sub3A_85, %while3A_83#4 : i32
        %eq3A_88 = arith.constant -1 : i32
        %eq3A_89 = arith.cmpi eq, %select_n3A_87, %eq3A_88 : i32
        %sub3A_90 = arith.constant 1 : i32
        %sub3A_91 = arith.subi %select_n3A, %sub3A_90 : i32
        %select_n3A_92 = arith.select %eq3A_89, %sub3A_91, %select_n3A_87 : i32
        %sub3A_93 = arith.constant 1 : i32
        %sub3A_94 = arith.subi %mul3A_9, %sub3A_93 : i32
        %mul3A_95 = arith.constant 1 : i32
        %mul3A_96 = arith.muli %mul3A_95, %select_n3A : i32
        %eq3A_97 = arith.constant 0 : i32
        %eq3A_98 = arith.cmpi eq, %sub3A_94, %eq3A_97 : i32
        %sub3A_99 = arith.constant 1 : i32
        %sub3A_100 = arith.subi %mul3A_96, %sub3A_99 : i32
        %eq3A_101 = arith.cmpi eq, %sub3A_94, %sub3A_100 : i32
        %add3A_102 = arith.addi %select_n3A_92, %select_n3A_7 : i32
        %sub3A_103 = arith.constant 1 : i32
        %sub3A_104 = arith.subi %select_n3A_92, %sub3A_103 : i32
        %select_n3A_105 = arith.constant true
        %select_n3A_106 = arith.select %select_n3A_105, %sub3A_104, %select_n3A_92 : i32
        %eq3A_107 = arith.constant -1 : i32
        %eq3A_108 = arith.cmpi eq, %select_n3A_106, %eq3A_107 : i32
        %sub3A_109 = arith.constant 1 : i32
        %sub3A_110 = arith.subi %select_n3A, %sub3A_109 : i32
        %select_n3A_111 = arith.select %eq3A_108, %sub3A_110, %select_n3A_106 : i32
        %add3A_112 = arith.addi %select_n3A_111, %select_n3A_7 : i32
        %add3A_113 = arith.constant 1 : i32
        %add3A_114 = arith.addi %select_n3A_92, %add3A_113 : i32
        %select_n3A_115 = arith.constant true
        %select_n3A_116 = arith.select %select_n3A_115, %add3A_114, %select_n3A_92 : i32
        %eq3A_117 = arith.cmpi eq, %select_n3A_116, %select_n3A : i32
        %select_n3A_118 = arith.constant 0 : i32
        %select_n3A_119 = arith.select %eq3A_117, %select_n3A_118, %select_n3A_116 : i32
        %add3A_120 = arith.addi %select_n3A_119, %select_n3A_7 : i32
        %add3A_121 = arith.constant 1 : i32
        %add3A_122 = arith.addi %select_n3A_119, %add3A_121 : i32
        %select_n3A_123 = arith.constant true
        %select_n3A_124 = arith.select %select_n3A_123, %add3A_122, %select_n3A_119 : i32
        %eq3A_125 = arith.cmpi eq, %select_n3A_124, %select_n3A : i32
        %select_n3A_126 = arith.constant 0 : i32
        %select_n3A_127 = arith.select %eq3A_125, %select_n3A_126, %select_n3A_124 : i32
        %add3A_128 = arith.addi %select_n3A_127, %select_n3A_7 : i32
        %convert_element_type3A_129 = arith.extui %eq3A_101 : i1 to i32
        %cond3A_130 = arith.constant 0 : i32
        %cond3A_131 = arith.cmpi ne, %convert_element_type3A_129, %cond3A_130 : i32
        scf.if %cond3A_131 {
        } else {
        }
        %convert_element_type3A_132 = arith.extui %eq3A_101 : i1 to i32
        %cond3A_133 = arith.constant 0 : i32
        %cond3A_134 = arith.cmpi ne, %convert_element_type3A_132, %cond3A_133 : i32
        scf.if %cond3A_134 {
          "tpu.trace_start"() <{level = 10 : i32, message = "ep_finalize"}> : () -> ()
          %rem3A_135 = arith.constant 2 : i32
          %rem3A_136 = arith.remui %while3A_83#3, %rem3A_135 : i32
          %mul3A_137 = arith.constant 128 : i32
          %mul3A_138 = arith.muli %mul3A_137, %add3A_102 : i32
          %dma_wait3A = arith.constant 0 : i32
          %dma_wait3A_139 = arith.constant 0 : i32
          %dma_wait3A_140 = tpu.memref_slice %run_scoped3A_11[%rem3A_136, %dma_wait3A, %dma_wait3A_139] : memref<2x128x128xf32, #tpu.memory_space<vmem>> -> memref<1x128x128xf32, #tpu.memory_space<vmem>>
          %dma_wait3A_141 = tpu.memref_squeeze %dma_wait3A_140 : memref<1x128x128xf32, #tpu.memory_space<vmem>> -> memref<128x128xf32, #tpu.memory_space<vmem>>
          %dma_wait3A_142 = arith.constant 0 : i32
          %dma_wait3A_143 = tpu.memref_slice %arg4[%mul3A_138, %dma_wait3A_142] : memref<128x128xf32, #tpu.memory_space<hbm>> -> memref<128x128xf32, #tpu.memory_space<hbm>>
          %dma_wait3A_144 = tpu.memref_slice %run_scoped3A_12[%rem3A_136] : memref<2x!tpu.dma_semaphore, #tpu.memory_space<semaphore_mem>> -> memref<1x!tpu.dma_semaphore, #tpu.memory_space<semaphore_mem>>
          %dma_wait3A_145 = tpu.memref_squeeze %dma_wait3A_144 : memref<1x!tpu.dma_semaphore, #tpu.memory_space<semaphore_mem>> -> memref<!tpu.dma_semaphore, #tpu.memory_space<semaphore_mem>>
          %dma_wait3A_146 = arith.constant 0 : i32
          %dma_wait3A_147 = tpu.memref_slice %arg4[%mul3A_138, %dma_wait3A_146] : memref<128x128xf32, #tpu.memory_space<hbm>> -> memref<128x128xf32, #tpu.memory_space<hbm>>
          %dma_wait3A_148 = arith.constant 0 : i32
          %dma_wait3A_149 = arith.constant 0 : i32
          %dma_wait3A_150 = tpu.memref_slice %run_scoped3A_11[%rem3A_136, %dma_wait3A_148, %dma_wait3A_149] : memref<2x128x128xf32, #tpu.memory_space<vmem>> -> memref<1x128x128xf32, #tpu.memory_space<vmem>>
          %dma_wait3A_151 = tpu.memref_squeeze %dma_wait3A_150 : memref<1x128x128xf32, #tpu.memory_space<vmem>> -> memref<128x128xf32, #tpu.memory_space<vmem>>
          tpu.wait_dma2 semaphore(%dma_wait3A_145 : memref<!tpu.dma_semaphore, #tpu.memory_space<semaphore_mem>>) src(%dma_wait3A_151 : memref<128x128xf32, #tpu.memory_space<vmem>>) dst(%dma_wait3A_147 : memref<128x128xf32, #tpu.memory_space<hbm>>)
          "tpu.trace_stop"() : () -> ()
        } else {
        }
      } else {
      }
      tpu.yield
    }) : () -> ()
    return
  }
}

#map = affine_map<(d0, d1) -> (0, 0)>
module attributes {stable_mosaic.version = 14 : i64} {
  func.func @gather_kernel(%arg0: i32, %arg1: i32, %arg2: memref<4096x128xf32, #tpu.memory_space<hbm>>, %arg3: memref<1x1024xi32, #tpu.memory_space<hbm>>, %arg4: memref<1024x128xf32, #tpu.memory_space<hbm>>) attributes {dimension_semantics = [#tpu.dimension_semantics<core_parallel>, #tpu.dimension_semantics<subcore_parallel>], iteration_bounds = array<i64: 2, 16>, scalar_prefetch = 0 : i64, scratch_operands = 0 : i64, tpu.core_type = #tpu.core_type<sc_vector_subcore>, window_params = [{transform_indices = #map}, {transform_indices = #map}, {transform_indices = #map}]} {
    %lt3A = arith.constant 8 : i32
    %lt3A_0 = arith.cmpi slt, %arg1, %lt3A : i32
    %jit3A = arith.constant 1 : i32
    %jit3A_1 = arith.constant 0 : i32
    %select_n3A = arith.select %lt3A_0, %jit3A, %jit3A_1 : i32
    %lt3A_2 = arith.constant 8 : i32
    %lt3A_3 = arith.cmpi slt, %arg1, %lt3A_2 : i32
    %mul3A = arith.muli %arg1, %select_n3A : i32
    %mul3A_4 = arith.constant 0 : i32
    %mul3A_5 = arith.muli %arg1, %mul3A_4 : i32
    %add3A = arith.constant 8 : i32
    %add3A_6 = arith.addi %mul3A_5, %add3A : i32
    %select_n3A_7 = arith.select %lt3A_3, %mul3A, %add3A_6 : i32
    %mul3A_8 = arith.constant 1 : i32
    %mul3A_9 = arith.muli %mul3A_8, %select_n3A : i32
    "tpu.region"() ({
      %run_scoped3A = memref.alloca() : memref<2x1x128xi32, #tpu.memory_space<vmem>>
      %run_scoped3A_10 = tpu.sem_alloc : memref<2x!tpu.dma_semaphore, #tpu.memory_space<semaphore_mem>>
      %run_scoped3A_11 = memref.alloca() : memref<2x128x128xf32, #tpu.memory_space<vmem>>
      %run_scoped3A_12 = tpu.sem_alloc : memref<2x!tpu.dma_semaphore, #tpu.memory_space<semaphore_mem>>
      %gt3A = arith.constant 0 : i32
      %gt3A_13 = arith.cmpi sgt, %mul3A_9, %gt3A : i32
      %convert_element_type3A = arith.extui %gt3A_13 : i1 to i32
      %cond3A = arith.constant 0 : i32
      %cond3A_14 = arith.cmpi ne, %convert_element_type3A, %cond3A : i32
      scf.if %cond3A_14 {
        %mul3A_15 = arith.constant 1 : i32
        %mul3A_16 = arith.muli %mul3A_15, %select_n3A : i32
        %sub3A = arith.constant 1 : i32
        %sub3A_17 = arith.subi %mul3A_16, %sub3A : i32
        %eq3A = arith.constant 0 : i32
        %eq3A_18 = arith.cmpi eq, %sub3A_17, %eq3A : i32
        %add3A_19 = arith.constant 0 : i32
        %add3A_20 = arith.addi %add3A_19, %select_n3A_7 : i32
        %select_n3A_21 = arith.constant true
        %select_n3A_22 = arith.constant 0 : i32
        %select_n3A_23 = arith.constant -1 : i32
        %select_n3A_24 = arith.select %select_n3A_21, %select_n3A_23, %select_n3A_22 : i32
        %eq3A_25 = arith.constant -1 : i32
        %eq3A_26 = arith.cmpi eq, %select_n3A_24, %eq3A_25 : i32
        %sub3A_27 = arith.constant 1 : i32
        %sub3A_28 = arith.subi %select_n3A, %sub3A_27 : i32
        %select_n3A_29 = arith.select %eq3A_26, %sub3A_28, %select_n3A_24 : i32
        %add3A_30 = arith.addi %select_n3A_29, %select_n3A_7 : i32
        %select_n3A_31 = arith.constant true
        %select_n3A_32 = arith.constant 0 : i32
        %select_n3A_33 = arith.constant 1 : i32
        %select_n3A_34 = arith.select %select_n3A_31, %select_n3A_33, %select_n3A_32 : i32
        %eq3A_35 = arith.cmpi eq, %select_n3A_34, %select_n3A : i32
        %select_n3A_36 = arith.constant 0 : i32
        %select_n3A_37 = arith.select %eq3A_35, %select_n3A_36, %select_n3A_34 : i32
        %add3A_38 = arith.addi %select_n3A_37, %select_n3A_7 : i32
        %add3A_39 = arith.constant 1 : i32
        %add3A_40 = arith.addi %select_n3A_37, %add3A_39 : i32
        %select_n3A_41 = arith.constant true
        %select_n3A_42 = arith.select %select_n3A_41, %add3A_40, %select_n3A_37 : i32
        %eq3A_43 = arith.cmpi eq, %select_n3A_42, %select_n3A : i32
        %select_n3A_44 = arith.constant 0 : i32
        %select_n3A_45 = arith.select %eq3A_43, %select_n3A_44, %select_n3A_42 : i32
        %add3A_46 = arith.addi %select_n3A_45, %select_n3A_7 : i32
        "tpu.trace_start"() <{level = 10 : i32, message = "ep_initialize_0"}> : () -> ()
        %rem3A = arith.constant 0 : i32
        %rem3A_47 = arith.constant 2 : i32
        %rem3A_48 = arith.remui %rem3A, %rem3A_47 : i32
        %mul3A_49 = arith.constant 128 : i32
        %mul3A_50 = arith.muli %mul3A_49, %add3A_20 : i32
        %dma_start3A = arith.constant 0 : i32
        %dma_start3A_51 = arith.constant 0 : i32
        %dma_start3A_52 = tpu.memref_slice %run_scoped3A[%rem3A_48, %dma_start3A, %dma_start3A_51] : memref<2x1x128xi32, #tpu.memory_space<vmem>> -> memref<1x1x128xi32, #tpu.memory_space<vmem>>
        %dma_start3A_53 = tpu.memref_squeeze %dma_start3A_52 : memref<1x1x128xi32, #tpu.memory_space<vmem>> -> memref<1x128xi32, #tpu.memory_space<vmem>>
        %dma_start3A_54 = arith.constant 0 : i32
        %dma_start3A_55 = tpu.memref_slice %arg3[%dma_start3A_54, %mul3A_50] : memref<1x1024xi32, #tpu.memory_space<hbm>> -> memref<1x128xi32, #tpu.memory_space<hbm>>
        %dma_start3A_56 = tpu.memref_slice %run_scoped3A_10[%rem3A_48] : memref<2x!tpu.dma_semaphore, #tpu.memory_space<semaphore_mem>> -> memref<1x!tpu.dma_semaphore, #tpu.memory_space<semaphore_mem>>
        %dma_start3A_57 = tpu.memref_squeeze %dma_start3A_56 : memref<1x!tpu.dma_semaphore, #tpu.memory_space<semaphore_mem>> -> memref<!tpu.dma_semaphore, #tpu.memory_space<semaphore_mem>>
        %dma_start3A_58 = arith.constant 0 : i32
        %dma_start3A_59 = arith.constant 0 : i32
        %dma_start3A_60 = tpu.memref_slice %run_scoped3A[%rem3A_48, %dma_start3A_58, %dma_start3A_59] : memref<2x1x128xi32, #tpu.memory_space<vmem>> -> memref<1x1x128xi32, #tpu.memory_space<vmem>>
        %dma_start3A_61 = tpu.memref_squeeze %dma_start3A_60 : memref<1x1x128xi32, #tpu.memory_space<vmem>> -> memref<1x128xi32, #tpu.memory_space<vmem>>
        %dma_start3A_62 = arith.constant 0 : i32
        %dma_start3A_63 = tpu.memref_slice %arg3[%dma_start3A_62, %mul3A_50] : memref<1x1024xi32, #tpu.memory_space<hbm>> -> memref<1x128xi32, #tpu.memory_space<hbm>>
        tpu.enqueue_dma source(%dma_start3A_63 : memref<1x128xi32, #tpu.memory_space<hbm>>) target(%dma_start3A_61 : memref<1x128xi32, #tpu.memory_space<vmem>>) target_semaphore(%dma_start3A_57 : memref<!tpu.dma_semaphore, #tpu.memory_space<semaphore_mem>>)
        %add3A_64 = arith.constant 0 : i32
        %add3A_65 = arith.constant 1 : i32
        %add3A_66 = arith.addi %add3A_64, %add3A_65 : i32
        %select_n3A_67 = arith.constant true
        %select_n3A_68 = arith.constant 0 : i32
        %select_n3A_69 = arith.select %select_n3A_67, %add3A_66, %select_n3A_68 : i32
        %while3A = arith.constant 0 : i32
        %while3A_70 = arith.constant 0 : i32
        %while3A_71 = arith.constant 0 : i32
        %while3A_72 = arith.constant 0 : i32
        %while3A_73 = arith.constant 0 : i32
        "tpu.trace_stop"() : () -> ()
        %while3A_74 = arith.subi %mul3A_9, %while3A : i32
        %while3A_75 = arith.addi %while3A, %while3A_74 : i32
        %while3A_76 = arith.constant 1 : i32
        %while3A_77 = arith.divsi %while3A_74, %while3A_76 : i32
        %while3A_78 = arith.muli %while3A_77, %while3A_76 : i32
        %while3A_79 = arith.addi %while3A, %while3A_78 : i32
        %while3A_80 = arith.constant 1 : i32
        %while3A_81:5 = scf.for %while3A_135 = %while3A to %while3A_79 step %while3A_80 iter_args(%while3A_136 = %select_n3A_69, %while3A_137 = %while3A_70, %while3A_138 = %while3A_71, %while3A_139 = %while3A_72, %while3A_140 = %while3A_73) -> (i32, i32, i32, i32, i32)  : i32 {
          %mul3A_141 = arith.constant 1 : i32
          %mul3A_142 = arith.muli %mul3A_141, %select_n3A : i32
          %eq3A_143 = arith.constant 0 : i32
          %eq3A_144 = arith.cmpi eq, %while3A_135, %eq3A_143 : i32
          %sub3A_145 = arith.constant 1 : i32
          %sub3A_146 = arith.subi %mul3A_142, %sub3A_145 : i32
          %eq3A_147 = arith.cmpi eq, %while3A_135, %sub3A_146 : i32
          %add3A_148 = arith.addi %while3A_140, %select_n3A_7 : i32
          %sub3A_149 = arith.constant 1 : i32
          %sub3A_150 = arith.subi %while3A_140, %sub3A_149 : i32
          %select_n3A_151 = arith.constant true
          %select_n3A_152 = arith.select %select_n3A_151, %sub3A_150, %while3A_140 : i32
          %eq3A_153 = arith.constant -1 : i32
          %eq3A_154 = arith.cmpi eq, %select_n3A_152, %eq3A_153 : i32
          %sub3A_155 = arith.constant 1 : i32
          %sub3A_156 = arith.subi %select_n3A, %sub3A_155 : i32
          %select_n3A_157 = arith.select %eq3A_154, %sub3A_156, %select_n3A_152 : i32
          %add3A_158 = arith.addi %select_n3A_157, %select_n3A_7 : i32
          %add3A_159 = arith.constant 1 : i32
          %add3A_160 = arith.addi %while3A_140, %add3A_159 : i32
          %select_n3A_161 = arith.constant true
          %select_n3A_162 = arith.select %select_n3A_161, %add3A_160, %while3A_140 : i32
          %eq3A_163 = arith.cmpi eq, %select_n3A_162, %select_n3A : i32
          %select_n3A_164 = arith.constant 0 : i32
          %select_n3A_165 = arith.select %eq3A_163, %select_n3A_164, %select_n3A_162 : i32
          %add3A_166 = arith.addi %select_n3A_165, %select_n3A_7 : i32
          %add3A_167 = arith.constant 1 : i32
          %add3A_168 = arith.addi %select_n3A_165, %add3A_167 : i32
          %select_n3A_169 = arith.constant true
          %select_n3A_170 = arith.select %select_n3A_169, %add3A_168, %select_n3A_165 : i32
          %eq3A_171 = arith.cmpi eq, %select_n3A_170, %select_n3A : i32
          %select_n3A_172 = arith.constant 0 : i32
          %select_n3A_173 = arith.select %eq3A_171, %select_n3A_172, %select_n3A_170 : i32
          %add3A_174 = arith.addi %select_n3A_173, %select_n3A_7 : i32
          %ne3A = arith.cmpi ne, %add3A_148, %add3A_166 : i32
          %or3A = arith.constant false
          %or3A_175 = arith.ori %or3A, %ne3A : i1
          %sub3A_176 = arith.constant 2 : i32
          %sub3A_177 = arith.subi %mul3A_142, %sub3A_176 : i32
          %add3A_178 = arith.constant 1 : i32
          %add3A_179 = arith.addi %sub3A_177, %add3A_178 : i32
          %ge3A = arith.cmpi sge, %while3A_135, %add3A_179 : i32
          %not3A = arith.constant true
          %not3A_180 = arith.xori %ge3A, %not3A : i1
          %and3A = arith.andi %or3A_175, %not3A_180 : i1
          %convert_element_type3A_181 = arith.extui %and3A : i1 to i32
          %cond3A_182 = arith.constant 0 : i32
          %cond3A_183 = arith.cmpi ne, %convert_element_type3A_181, %cond3A_182 : i32
          scf.if %cond3A_183 {
            "tpu.trace_start"() <{level = 10 : i32, message = "ep_copy_in"}> : () -> ()
            %rem3A_287 = arith.constant 2 : i32
            %rem3A_288 = arith.remui %while3A_136, %rem3A_287 : i32
            %mul3A_289 = arith.constant 128 : i32
            %mul3A_290 = arith.muli %mul3A_289, %add3A_166 : i32
            %dma_start3A_291 = arith.constant 0 : i32
            %dma_start3A_292 = arith.constant 0 : i32
            %dma_start3A_293 = tpu.memref_slice %run_scoped3A[%rem3A_288, %dma_start3A_291, %dma_start3A_292] : memref<2x1x128xi32, #tpu.memory_space<vmem>> -> memref<1x1x128xi32, #tpu.memory_space<vmem>>
            %dma_start3A_294 = tpu.memref_squeeze %dma_start3A_293 : memref<1x1x128xi32, #tpu.memory_space<vmem>> -> memref<1x128xi32, #tpu.memory_space<vmem>>
            %dma_start3A_295 = arith.constant 0 : i32
            %dma_start3A_296 = tpu.memref_slice %arg3[%dma_start3A_295, %mul3A_290] : memref<1x1024xi32, #tpu.memory_space<hbm>> -> memref<1x128xi32, #tpu.memory_space<hbm>>
            %dma_start3A_297 = tpu.memref_slice %run_scoped3A_10[%rem3A_288] : memref<2x!tpu.dma_semaphore, #tpu.memory_space<semaphore_mem>> -> memref<1x!tpu.dma_semaphore, #tpu.memory_space<semaphore_mem>>
            %dma_start3A_298 = tpu.memref_squeeze %dma_start3A_297 : memref<1x!tpu.dma_semaphore, #tpu.memory_space<semaphore_mem>> -> memref<!tpu.dma_semaphore, #tpu.memory_space<semaphore_mem>>
            %dma_start3A_299 = arith.constant 0 : i32
            %dma_start3A_300 = arith.constant 0 : i32
            %dma_start3A_301 = tpu.memref_slice %run_scoped3A[%rem3A_288, %dma_start3A_299, %dma_start3A_300] : memref<2x1x128xi32, #tpu.memory_space<vmem>> -> memref<1x1x128xi32, #tpu.memory_space<vmem>>
            %dma_start3A_302 = tpu.memref_squeeze %dma_start3A_301 : memref<1x1x128xi32, #tpu.memory_space<vmem>> -> memref<1x128xi32, #tpu.memory_space<vmem>>
            %dma_start3A_303 = arith.constant 0 : i32
            %dma_start3A_304 = tpu.memref_slice %arg3[%dma_start3A_303, %mul3A_290] : memref<1x1024xi32, #tpu.memory_space<hbm>> -> memref<1x128xi32, #tpu.memory_space<hbm>>
            tpu.enqueue_dma source(%dma_start3A_304 : memref<1x128xi32, #tpu.memory_space<hbm>>) target(%dma_start3A_302 : memref<1x128xi32, #tpu.memory_space<vmem>>) target_semaphore(%dma_start3A_298 : memref<!tpu.dma_semaphore, #tpu.memory_space<semaphore_mem>>)
            "tpu.trace_stop"() : () -> ()
          } else {
          }
          %and3A_184 = arith.constant true
          %and3A_185 = arith.andi %and3A, %and3A_184 : i1
          %add3A_186 = arith.constant 1 : i32
          %add3A_187 = arith.addi %while3A_136, %add3A_186 : i32
          %select_n3A_188 = arith.select %and3A_185, %add3A_187, %while3A_136 : i32
          %ne3A_189 = arith.cmpi ne, %add3A_148, %add3A_166 : i32
          %or3A_190 = arith.constant false
          %or3A_191 = arith.ori %or3A_190, %ne3A_189 : i1
          %or3A_192 = arith.constant false
          %or3A_193 = arith.ori %or3A_191, %or3A_192 : i1
          %sub3A_194 = arith.constant 2 : i32
          %sub3A_195 = arith.subi %mul3A_142, %sub3A_194 : i32
          %add3A_196 = arith.constant 1 : i32
          %add3A_197 = arith.addi %sub3A_195, %add3A_196 : i32
          %ge3A_198 = arith.cmpi sge, %while3A_135, %add3A_197 : i32
          %not3A_199 = arith.constant true
          %not3A_200 = arith.xori %ge3A_198, %not3A_199 : i1
          %and3A_201 = arith.andi %or3A_193, %not3A_200 : i1
          %ne3A_202 = arith.cmpi ne, %add3A_148, %add3A_158 : i32
          %or3A_203 = arith.constant false
          %or3A_204 = arith.ori %or3A_203, %ne3A_202 : i1
          %or3A_205 = arith.ori %or3A_204, %eq3A_144 : i1
          %convert_element_type3A_206 = arith.extui %or3A_205 : i1 to i32
          %cond3A_207 = arith.constant 0 : i32
          %cond3A_208 = arith.cmpi ne, %convert_element_type3A_206, %cond3A_207 : i32
          scf.if %cond3A_208 {
            "tpu.trace_start"() <{level = 10 : i32, message = "ep_wait_in"}> : () -> ()
            %mul3A_287 = arith.constant 128 : i32
            %mul3A_288 = arith.muli %mul3A_287, %add3A_148 : i32
            %rem3A_289 = arith.constant 2 : i32
            %rem3A_290 = arith.remui %while3A_137, %rem3A_289 : i32
            %dma_wait3A = arith.constant 0 : i32
            %dma_wait3A_291 = arith.constant 0 : i32
            %dma_wait3A_292 = tpu.memref_slice %run_scoped3A[%rem3A_290, %dma_wait3A, %dma_wait3A_291] : memref<2x1x128xi32, #tpu.memory_space<vmem>> -> memref<1x1x128xi32, #tpu.memory_space<vmem>>
            %dma_wait3A_293 = tpu.memref_squeeze %dma_wait3A_292 : memref<1x1x128xi32, #tpu.memory_space<vmem>> -> memref<1x128xi32, #tpu.memory_space<vmem>>
            %dma_wait3A_294 = arith.constant 0 : i32
            %dma_wait3A_295 = tpu.memref_slice %arg3[%dma_wait3A_294, %mul3A_288] : memref<1x1024xi32, #tpu.memory_space<hbm>> -> memref<1x128xi32, #tpu.memory_space<hbm>>
            %dma_wait3A_296 = tpu.memref_slice %run_scoped3A_10[%rem3A_290] : memref<2x!tpu.dma_semaphore, #tpu.memory_space<semaphore_mem>> -> memref<1x!tpu.dma_semaphore, #tpu.memory_space<semaphore_mem>>
            %dma_wait3A_297 = tpu.memref_squeeze %dma_wait3A_296 : memref<1x!tpu.dma_semaphore, #tpu.memory_space<semaphore_mem>> -> memref<!tpu.dma_semaphore, #tpu.memory_space<semaphore_mem>>
            %dma_wait3A_298 = arith.constant 0 : i32
            %dma_wait3A_299 = arith.constant 0 : i32
            %dma_wait3A_300 = tpu.memref_slice %run_scoped3A[%rem3A_290, %dma_wait3A_298, %dma_wait3A_299] : memref<2x1x128xi32, #tpu.memory_space<vmem>> -> memref<1x1x128xi32, #tpu.memory_space<vmem>>
            %dma_wait3A_301 = tpu.memref_squeeze %dma_wait3A_300 : memref<1x1x128xi32, #tpu.memory_space<vmem>> -> memref<1x128xi32, #tpu.memory_space<vmem>>
            %dma_wait3A_302 = arith.constant 0 : i32
            %dma_wait3A_303 = tpu.memref_slice %arg3[%dma_wait3A_302, %mul3A_288] : memref<1x1024xi32, #tpu.memory_space<hbm>> -> memref<1x128xi32, #tpu.memory_space<hbm>>
            tpu.wait_dma2 semaphore(%dma_wait3A_297 : memref<!tpu.dma_semaphore, #tpu.memory_space<semaphore_mem>>) src(%dma_wait3A_303 : memref<1x128xi32, #tpu.memory_space<hbm>>) dst(%dma_wait3A_301 : memref<1x128xi32, #tpu.memory_space<vmem>>)
            "tpu.trace_stop"() : () -> ()
          } else {
          }
          %ne3A_209 = arith.cmpi ne, %add3A_148, %add3A_158 : i32
          %or3A_210 = arith.constant false
          %or3A_211 = arith.ori %or3A_210, %ne3A_209 : i1
          %or3A_212 = arith.constant false
          %or3A_213 = arith.ori %or3A_211, %or3A_212 : i1
          %or3A_214 = arith.ori %or3A_213, %eq3A_144 : i1
          %convert_element_type3A_215 = arith.extui %or3A_214 : i1 to i32
          %cond3A_216 = arith.constant 0 : i32
          %cond3A_217 = arith.cmpi ne, %convert_element_type3A_215, %cond3A_216 : i32
          scf.if %cond3A_217 {
          } else {
          }
          %rem3A_218 = arith.constant 2 : i32
          %rem3A_219 = arith.remui %while3A_137, %rem3A_218 : i32
          %rem3A_220 = arith.constant 2 : i32
          %rem3A_221 = arith.remui %while3A_138, %rem3A_220 : i32
          %run_scoped3A_222 = arith.constant 0 : i32
          "tpu.trace_start"() <{level = 10 : i32, message = "ep_run_kernel"}> : () -> ()
          "tpu.region"() ({
            %run_scoped3A_287 = tpu.sem_alloc : memref<!tpu.dma_semaphore, #tpu.memory_space<semaphore_mem>>
            %dma_start3A_288 = arith.constant 0 : i32
            %dma_start3A_289 = arith.constant 0 : i32
            %dma_start3A_290 = tpu.memref_slice %run_scoped3A_11[%rem3A_221, %dma_start3A_288, %dma_start3A_289] : memref<2x128x128xf32, #tpu.memory_space<vmem>> -> memref<1x128x128xf32, #tpu.memory_space<vmem>>
            %dma_start3A_291 = tpu.memref_squeeze %dma_start3A_290 : memref<1x128x128xf32, #tpu.memory_space<vmem>> -> memref<128x128xf32, #tpu.memory_space<vmem>>
            %dma_start3A_292 = arith.constant 0 : i32
            %dma_start3A_293 = arith.constant 0 : i32
            %dma_start3A_294 = tpu.memref_slice %run_scoped3A[%rem3A_219, %dma_start3A_292, %dma_start3A_293] : memref<2x1x128xi32, #tpu.memory_space<vmem>> -> memref<1x1x128xi32, #tpu.memory_space<vmem>>
            %dma_start3A_295 = tpu.memref_squeeze %dma_start3A_294 : memref<1x1x128xi32, #tpu.memory_space<vmem>> -> memref<1x128xi32, #tpu.memory_space<vmem>>
            %dma_start3A_296 = arith.constant 0 : i32
            %dma_start3A_297 = tpu.memref_slice %dma_start3A_295[%run_scoped3A_222, %dma_start3A_296] : memref<1x128xi32, #tpu.memory_space<vmem>> -> memref<1x128xi32, #tpu.memory_space<vmem>>
            %dma_start3A_298 = tpu.memref_squeeze %dma_start3A_297 : memref<1x128xi32, #tpu.memory_space<vmem>> -> memref<128xi32, #tpu.memory_space<vmem>>
            %dma_start3A_299 = arith.constant 0 : i32
            %dma_start3A_300 = arith.constant 0 : i32
            %dma_start3A_301 = tpu.memref_slice %arg2[%dma_start3A_299, %dma_start3A_300] : memref<4096x128xf32, #tpu.memory_space<hbm>> -> memref<4096x128xf32, #tpu.memory_space<hbm>>
            tpu.enqueue_indirect_dma source(%dma_start3A_301 : memref<4096x128xf32, #tpu.memory_space<hbm>>) target(%dma_start3A_291 : memref<128x128xf32, #tpu.memory_space<vmem>>) offsets(%dma_start3A_298 : memref<128xi32, #tpu.memory_space<vmem>>) semaphore(%run_scoped3A_287 : memref<!tpu.dma_semaphore, #tpu.memory_space<semaphore_mem>>)
            %dma_wait3A = arith.constant 0 : i32
            %dma_wait3A_302 = arith.constant 0 : i32
            %dma_wait3A_303 = tpu.memref_slice %run_scoped3A_11[%rem3A_221, %dma_wait3A, %dma_wait3A_302] : memref<2x128x128xf32, #tpu.memory_space<vmem>> -> memref<1x128x128xf32, #tpu.memory_space<vmem>>
            %dma_wait3A_304 = tpu.memref_squeeze %dma_wait3A_303 : memref<1x128x128xf32, #tpu.memory_space<vmem>> -> memref<128x128xf32, #tpu.memory_space<vmem>>
            %dma_wait3A_305 = arith.constant 0 : i32
            %dma_wait3A_306 = arith.constant 0 : i32
            %dma_wait3A_307 = tpu.memref_slice %run_scoped3A[%rem3A_219, %dma_wait3A_305, %dma_wait3A_306] : memref<2x1x128xi32, #tpu.memory_space<vmem>> -> memref<1x1x128xi32, #tpu.memory_space<vmem>>
            %dma_wait3A_308 = tpu.memref_squeeze %dma_wait3A_307 : memref<1x1x128xi32, #tpu.memory_space<vmem>> -> memref<1x128xi32, #tpu.memory_space<vmem>>
            %dma_wait3A_309 = arith.constant 0 : i32
            %dma_wait3A_310 = tpu.memref_slice %dma_wait3A_308[%run_scoped3A_222, %dma_wait3A_309] : memref<1x128xi32, #tpu.memory_space<vmem>> -> memref<1x128xi32, #tpu.memory_space<vmem>>
            %dma_wait3A_311 = tpu.memref_squeeze %dma_wait3A_310 : memref<1x128xi32, #tpu.memory_space<vmem>> -> memref<128xi32, #tpu.memory_space<vmem>>
            %dma_wait3A_312 = arith.constant 0 : i32
            %dma_wait3A_313 = arith.constant 0 : i32
            %dma_wait3A_314 = tpu.memref_slice %arg2[%dma_wait3A_312, %dma_wait3A_313] : memref<4096x128xf32, #tpu.memory_space<hbm>> -> memref<4096x128xf32, #tpu.memory_space<hbm>>
            tpu.wait_indirect_dma semaphore(%run_scoped3A_287 : memref<!tpu.dma_semaphore, #tpu.memory_space<semaphore_mem>>) src(%dma_wait3A_314 : memref<4096x128xf32, #tpu.memory_space<hbm>>) dst(%dma_wait3A_304 : memref<128x128xf32, #tpu.memory_space<vmem>>)
            tpu.yield
          }) : () -> ()
          "tpu.trace_stop"() : () -> ()
          %ne3A_223 = arith.cmpi ne, %add3A_148, %add3A_166 : i32
          %or3A_224 = arith.constant false
          %or3A_225 = arith.ori %or3A_224, %ne3A_223 : i1
          %or3A_226 = arith.ori %or3A_225, %eq3A_147 : i1
          %convert_element_type3A_227 = arith.extui %or3A_226 : i1 to i32
          %cond3A_228 = arith.constant 0 : i32
          %cond3A_229 = arith.cmpi ne, %convert_element_type3A_227, %cond3A_228 : i32
          scf.if %cond3A_229 {
          } else {
          }
          %and3A_230 = arith.constant false
          %and3A_231 = arith.andi %or3A_226, %and3A_230 : i1
          %ne3A_232 = arith.cmpi ne, %add3A_148, %add3A_166 : i32
          %or3A_233 = arith.constant false
          %or3A_234 = arith.ori %or3A_233, %ne3A_232 : i1
          %or3A_235 = arith.constant false
          %or3A_236 = arith.ori %or3A_234, %or3A_235 : i1
          %or3A_237 = arith.ori %or3A_236, %eq3A_147 : i1
          %convert_element_type3A_238 = arith.extui %or3A_237 : i1 to i32
          %cond3A_239 = arith.constant 0 : i32
          %cond3A_240 = arith.cmpi ne, %convert_element_type3A_238, %cond3A_239 : i32
          scf.if %cond3A_240 {
            "tpu.trace_start"() <{level = 10 : i32, message = "ep_copy_out"}> : () -> ()
            %rem3A_287 = arith.constant 2 : i32
            %rem3A_288 = arith.remui %while3A_138, %rem3A_287 : i32
            %mul3A_289 = arith.constant 128 : i32
            %mul3A_290 = arith.muli %mul3A_289, %add3A_148 : i32
            %dma_start3A_291 = arith.constant 0 : i32
            %dma_start3A_292 = arith.constant 0 : i32
            %dma_start3A_293 = tpu.memref_slice %run_scoped3A_11[%rem3A_288, %dma_start3A_291, %dma_start3A_292] : memref<2x128x128xf32, #tpu.memory_space<vmem>> -> memref<1x128x128xf32, #tpu.memory_space<vmem>>
            %dma_start3A_294 = tpu.memref_squeeze %dma_start3A_293 : memref<1x128x128xf32, #tpu.memory_space<vmem>> -> memref<128x128xf32, #tpu.memory_space<vmem>>
            %dma_start3A_295 = arith.constant 0 : i32
            %dma_start3A_296 = tpu.memref_slice %arg4[%mul3A_290, %dma_start3A_295] : memref<1024x128xf32, #tpu.memory_space<hbm>> -> memref<128x128xf32, #tpu.memory_space<hbm>>
            %dma_start3A_297 = tpu.memref_slice %run_scoped3A_12[%rem3A_288] : memref<2x!tpu.dma_semaphore, #tpu.memory_space<semaphore_mem>> -> memref<1x!tpu.dma_semaphore, #tpu.memory_space<semaphore_mem>>
            %dma_start3A_298 = tpu.memref_squeeze %dma_start3A_297 : memref<1x!tpu.dma_semaphore, #tpu.memory_space<semaphore_mem>> -> memref<!tpu.dma_semaphore, #tpu.memory_space<semaphore_mem>>
            %dma_start3A_299 = arith.constant 0 : i32
            %dma_start3A_300 = tpu.memref_slice %arg4[%mul3A_290, %dma_start3A_299] : memref<1024x128xf32, #tpu.memory_space<hbm>> -> memref<128x128xf32, #tpu.memory_space<hbm>>
            %dma_start3A_301 = arith.constant 0 : i32
            %dma_start3A_302 = arith.constant 0 : i32
            %dma_start3A_303 = tpu.memref_slice %run_scoped3A_11[%rem3A_288, %dma_start3A_301, %dma_start3A_302] : memref<2x128x128xf32, #tpu.memory_space<vmem>> -> memref<1x128x128xf32, #tpu.memory_space<vmem>>
            %dma_start3A_304 = tpu.memref_squeeze %dma_start3A_303 : memref<1x128x128xf32, #tpu.memory_space<vmem>> -> memref<128x128xf32, #tpu.memory_space<vmem>>
            tpu.enqueue_dma source(%dma_start3A_304 : memref<128x128xf32, #tpu.memory_space<vmem>>) target(%dma_start3A_300 : memref<128x128xf32, #tpu.memory_space<hbm>>) target_semaphore(%dma_start3A_298 : memref<!tpu.dma_semaphore, #tpu.memory_space<semaphore_mem>>)
            "tpu.trace_stop"() : () -> ()
          } else {
          }
          %and3A_241 = arith.constant true
          %and3A_242 = arith.andi %or3A_237, %and3A_241 : i1
          %add3A_243 = arith.constant 1 : i32
          %add3A_244 = arith.addi %while3A_138, %add3A_243 : i32
          %select_n3A_245 = arith.select %and3A_242, %add3A_244, %while3A_138 : i32
          %ne3A_246 = arith.cmpi ne, %add3A_148, %add3A_158 : i32
          %or3A_247 = arith.constant false
          %or3A_248 = arith.ori %or3A_247, %ne3A_246 : i1
          %not3A_249 = arith.constant true
          %not3A_250 = arith.xori %eq3A_144, %not3A_249 : i1
          %and3A_251 = arith.andi %or3A_248, %not3A_250 : i1
          %convert_element_type3A_252 = arith.extui %and3A_251 : i1 to i32
          %cond3A_253 = arith.constant 0 : i32
          %cond3A_254 = arith.cmpi ne, %convert_element_type3A_252, %cond3A_253 : i32
          scf.if %cond3A_254 {
          } else {
          }
          %and3A_255 = arith.constant false
          %and3A_256 = arith.andi %and3A_251, %and3A_255 : i1
          %ne3A_257 = arith.cmpi ne, %add3A_148, %add3A_158 : i32
          %or3A_258 = arith.constant false
          %or3A_259 = arith.ori %or3A_258, %ne3A_257 : i1
          %or3A_260 = arith.constant false
          %or3A_261 = arith.ori %or3A_259, %or3A_260 : i1
          %not3A_262 = arith.constant true
          %not3A_263 = arith.xori %eq3A_144, %not3A_262 : i1
          %and3A_264 = arith.andi %or3A_261, %not3A_263 : i1
          %convert_element_type3A_265 = arith.extui %and3A_264 : i1 to i32
          %cond3A_266 = arith.constant 0 : i32
          %cond3A_267 = arith.cmpi ne, %convert_element_type3A_265, %cond3A_266 : i32
          scf.if %cond3A_267 {
            "tpu.trace_start"() <{level = 10 : i32, message = "ep_wait_out"}> : () -> ()
            %rem3A_287 = arith.constant 2 : i32
            %rem3A_288 = arith.remui %while3A_139, %rem3A_287 : i32
            %mul3A_289 = arith.constant 128 : i32
            %mul3A_290 = arith.muli %mul3A_289, %add3A_158 : i32
            %dma_wait3A = arith.constant 0 : i32
            %dma_wait3A_291 = arith.constant 0 : i32
            %dma_wait3A_292 = tpu.memref_slice %run_scoped3A_11[%rem3A_288, %dma_wait3A, %dma_wait3A_291] : memref<2x128x128xf32, #tpu.memory_space<vmem>> -> memref<1x128x128xf32, #tpu.memory_space<vmem>>
            %dma_wait3A_293 = tpu.memref_squeeze %dma_wait3A_292 : memref<1x128x128xf32, #tpu.memory_space<vmem>> -> memref<128x128xf32, #tpu.memory_space<vmem>>
            %dma_wait3A_294 = arith.constant 0 : i32
            %dma_wait3A_295 = tpu.memref_slice %arg4[%mul3A_290, %dma_wait3A_294] : memref<1024x128xf32, #tpu.memory_space<hbm>> -> memref<128x128xf32, #tpu.memory_space<hbm>>
            %dma_wait3A_296 = tpu.memref_slice %run_scoped3A_12[%rem3A_288] : memref<2x!tpu.dma_semaphore, #tpu.memory_space<semaphore_mem>> -> memref<1x!tpu.dma_semaphore, #tpu.memory_space<semaphore_mem>>
            %dma_wait3A_297 = tpu.memref_squeeze %dma_wait3A_296 : memref<1x!tpu.dma_semaphore, #tpu.memory_space<semaphore_mem>> -> memref<!tpu.dma_semaphore, #tpu.memory_space<semaphore_mem>>
            %dma_wait3A_298 = arith.constant 0 : i32
            %dma_wait3A_299 = tpu.memref_slice %arg4[%mul3A_290, %dma_wait3A_298] : memref<1024x128xf32, #tpu.memory_space<hbm>> -> memref<128x128xf32, #tpu.memory_space<hbm>>
            %dma_wait3A_300 = arith.constant 0 : i32
            %dma_wait3A_301 = arith.constant 0 : i32
            %dma_wait3A_302 = tpu.memref_slice %run_scoped3A_11[%rem3A_288, %dma_wait3A_300, %dma_wait3A_301] : memref<2x128x128xf32, #tpu.memory_space<vmem>> -> memref<1x128x128xf32, #tpu.memory_space<vmem>>
            %dma_wait3A_303 = tpu.memref_squeeze %dma_wait3A_302 : memref<1x128x128xf32, #tpu.memory_space<vmem>> -> memref<128x128xf32, #tpu.memory_space<vmem>>
            tpu.wait_dma2 semaphore(%dma_wait3A_297 : memref<!tpu.dma_semaphore, #tpu.memory_space<semaphore_mem>>) src(%dma_wait3A_303 : memref<128x128xf32, #tpu.memory_space<vmem>>) dst(%dma_wait3A_299 : memref<128x128xf32, #tpu.memory_space<hbm>>)
            "tpu.trace_stop"() : () -> ()
          } else {
          }
          %and3A_268 = arith.constant true
          %and3A_269 = arith.andi %and3A_264, %and3A_268 : i1
          %add3A_270 = arith.constant 1 : i32
          %add3A_271 = arith.addi %while3A_139, %add3A_270 : i32
          %select_n3A_272 = arith.select %and3A_269, %add3A_271, %while3A_139 : i32
          %ne3A_273 = arith.cmpi ne, %add3A_148, %add3A_166 : i32
          %or3A_274 = arith.constant false
          %or3A_275 = arith.ori %or3A_274, %ne3A_273 : i1
          %or3A_276 = arith.ori %or3A_275, %eq3A_147 : i1
          %add3A_277 = arith.constant 1 : i32
          %add3A_278 = arith.addi %while3A_137, %add3A_277 : i32
          %select_n3A_279 = arith.select %or3A_276, %add3A_278, %while3A_137 : i32
          %add3A_280 = arith.constant 1 : i32
          %add3A_281 = arith.addi %while3A_140, %add3A_280 : i32
          %select_n3A_282 = arith.constant true
          %select_n3A_283 = arith.select %select_n3A_282, %add3A_281, %while3A_140 : i32
          %eq3A_284 = arith.cmpi eq, %select_n3A_283, %select_n3A : i32
          %select_n3A_285 = arith.constant 0 : i32
          %select_n3A_286 = arith.select %eq3A_284, %select_n3A_285, %select_n3A_283 : i32
          scf.yield %select_n3A_188, %select_n3A_279, %select_n3A_245, %select_n3A_272, %select_n3A_286 : i32, i32, i32, i32, i32
        }
        %while3A_82 = arith.constant 1 : i32
        %while3A_83:5 = scf.for %while3A_135 = %while3A_79 to %while3A_75 step %while3A_82 iter_args(%while3A_136 = %while3A_81#0, %while3A_137 = %while3A_81#1, %while3A_138 = %while3A_81#2, %while3A_139 = %while3A_81#3, %while3A_140 = %while3A_81#4) -> (i32, i32, i32, i32, i32)  : i32 {
          %mul3A_141 = arith.constant 1 : i32
          %mul3A_142 = arith.muli %mul3A_141, %select_n3A : i32
          %eq3A_143 = arith.constant 0 : i32
          %eq3A_144 = arith.cmpi eq, %while3A_135, %eq3A_143 : i32
          %sub3A_145 = arith.constant 1 : i32
          %sub3A_146 = arith.subi %mul3A_142, %sub3A_145 : i32
          %eq3A_147 = arith.cmpi eq, %while3A_135, %sub3A_146 : i32
          %add3A_148 = arith.addi %while3A_140, %select_n3A_7 : i32
          %sub3A_149 = arith.constant 1 : i32
          %sub3A_150 = arith.subi %while3A_140, %sub3A_149 : i32
          %select_n3A_151 = arith.constant true
          %select_n3A_152 = arith.select %select_n3A_151, %sub3A_150, %while3A_140 : i32
          %eq3A_153 = arith.constant -1 : i32
          %eq3A_154 = arith.cmpi eq, %select_n3A_152, %eq3A_153 : i32
          %sub3A_155 = arith.constant 1 : i32
          %sub3A_156 = arith.subi %select_n3A, %sub3A_155 : i32
          %select_n3A_157 = arith.select %eq3A_154, %sub3A_156, %select_n3A_152 : i32
          %add3A_158 = arith.addi %select_n3A_157, %select_n3A_7 : i32
          %add3A_159 = arith.constant 1 : i32
          %add3A_160 = arith.addi %while3A_140, %add3A_159 : i32
          %select_n3A_161 = arith.constant true
          %select_n3A_162 = arith.select %select_n3A_161, %add3A_160, %while3A_140 : i32
          %eq3A_163 = arith.cmpi eq, %select_n3A_162, %select_n3A : i32
          %select_n3A_164 = arith.constant 0 : i32
          %select_n3A_165 = arith.select %eq3A_163, %select_n3A_164, %select_n3A_162 : i32
          %add3A_166 = arith.addi %select_n3A_165, %select_n3A_7 : i32
          %add3A_167 = arith.constant 1 : i32
          %add3A_168 = arith.addi %select_n3A_165, %add3A_167 : i32
          %select_n3A_169 = arith.constant true
          %select_n3A_170 = arith.select %select_n3A_169, %add3A_168, %select_n3A_165 : i32
          %eq3A_171 = arith.cmpi eq, %select_n3A_170, %select_n3A : i32
          %select_n3A_172 = arith.constant 0 : i32
          %select_n3A_173 = arith.select %eq3A_171, %select_n3A_172, %select_n3A_170 : i32
          %add3A_174 = arith.addi %select_n3A_173, %select_n3A_7 : i32
          %ne3A = arith.cmpi ne, %add3A_148, %add3A_166 : i32
          %or3A = arith.constant false
          %or3A_175 = arith.ori %or3A, %ne3A : i1
          %sub3A_176 = arith.constant 2 : i32
          %sub3A_177 = arith.subi %mul3A_142, %sub3A_176 : i32
          %add3A_178 = arith.constant 1 : i32
          %add3A_179 = arith.addi %sub3A_177, %add3A_178 : i32
          %ge3A = arith.cmpi sge, %while3A_135, %add3A_179 : i32
          %not3A = arith.constant true
          %not3A_180 = arith.xori %ge3A, %not3A : i1
          %and3A = arith.andi %or3A_175, %not3A_180 : i1
          %convert_element_type3A_181 = arith.extui %and3A : i1 to i32
          %cond3A_182 = arith.constant 0 : i32
          %cond3A_183 = arith.cmpi ne, %convert_element_type3A_181, %cond3A_182 : i32
          scf.if %cond3A_183 {
            "tpu.trace_start"() <{level = 10 : i32, message = "ep_copy_in"}> : () -> ()
            %rem3A_287 = arith.constant 2 : i32
            %rem3A_288 = arith.remui %while3A_136, %rem3A_287 : i32
            %mul3A_289 = arith.constant 128 : i32
            %mul3A_290 = arith.muli %mul3A_289, %add3A_166 : i32
            %dma_start3A_291 = arith.constant 0 : i32
            %dma_start3A_292 = arith.constant 0 : i32
            %dma_start3A_293 = tpu.memref_slice %run_scoped3A[%rem3A_288, %dma_start3A_291, %dma_start3A_292] : memref<2x1x128xi32, #tpu.memory_space<vmem>> -> memref<1x1x128xi32, #tpu.memory_space<vmem>>
            %dma_start3A_294 = tpu.memref_squeeze %dma_start3A_293 : memref<1x1x128xi32, #tpu.memory_space<vmem>> -> memref<1x128xi32, #tpu.memory_space<vmem>>
            %dma_start3A_295 = arith.constant 0 : i32
            %dma_start3A_296 = tpu.memref_slice %arg3[%dma_start3A_295, %mul3A_290] : memref<1x1024xi32, #tpu.memory_space<hbm>> -> memref<1x128xi32, #tpu.memory_space<hbm>>
            %dma_start3A_297 = tpu.memref_slice %run_scoped3A_10[%rem3A_288] : memref<2x!tpu.dma_semaphore, #tpu.memory_space<semaphore_mem>> -> memref<1x!tpu.dma_semaphore, #tpu.memory_space<semaphore_mem>>
            %dma_start3A_298 = tpu.memref_squeeze %dma_start3A_297 : memref<1x!tpu.dma_semaphore, #tpu.memory_space<semaphore_mem>> -> memref<!tpu.dma_semaphore, #tpu.memory_space<semaphore_mem>>
            %dma_start3A_299 = arith.constant 0 : i32
            %dma_start3A_300 = arith.constant 0 : i32
            %dma_start3A_301 = tpu.memref_slice %run_scoped3A[%rem3A_288, %dma_start3A_299, %dma_start3A_300] : memref<2x1x128xi32, #tpu.memory_space<vmem>> -> memref<1x1x128xi32, #tpu.memory_space<vmem>>
            %dma_start3A_302 = tpu.memref_squeeze %dma_start3A_301 : memref<1x1x128xi32, #tpu.memory_space<vmem>> -> memref<1x128xi32, #tpu.memory_space<vmem>>
            %dma_start3A_303 = arith.constant 0 : i32
            %dma_start3A_304 = tpu.memref_slice %arg3[%dma_start3A_303, %mul3A_290] : memref<1x1024xi32, #tpu.memory_space<hbm>> -> memref<1x128xi32, #tpu.memory_space<hbm>>
            tpu.enqueue_dma source(%dma_start3A_304 : memref<1x128xi32, #tpu.memory_space<hbm>>) target(%dma_start3A_302 : memref<1x128xi32, #tpu.memory_space<vmem>>) target_semaphore(%dma_start3A_298 : memref<!tpu.dma_semaphore, #tpu.memory_space<semaphore_mem>>)
            "tpu.trace_stop"() : () -> ()
          } else {
          }
          %and3A_184 = arith.constant true
          %and3A_185 = arith.andi %and3A, %and3A_184 : i1
          %add3A_186 = arith.constant 1 : i32
          %add3A_187 = arith.addi %while3A_136, %add3A_186 : i32
          %select_n3A_188 = arith.select %and3A_185, %add3A_187, %while3A_136 : i32
          %ne3A_189 = arith.cmpi ne, %add3A_148, %add3A_166 : i32
          %or3A_190 = arith.constant false
          %or3A_191 = arith.ori %or3A_190, %ne3A_189 : i1
          %or3A_192 = arith.constant false
          %or3A_193 = arith.ori %or3A_191, %or3A_192 : i1
          %sub3A_194 = arith.constant 2 : i32
          %sub3A_195 = arith.subi %mul3A_142, %sub3A_194 : i32
          %add3A_196 = arith.constant 1 : i32
          %add3A_197 = arith.addi %sub3A_195, %add3A_196 : i32
          %ge3A_198 = arith.cmpi sge, %while3A_135, %add3A_197 : i32
          %not3A_199 = arith.constant true
          %not3A_200 = arith.xori %ge3A_198, %not3A_199 : i1
          %and3A_201 = arith.andi %or3A_193, %not3A_200 : i1
          %ne3A_202 = arith.cmpi ne, %add3A_148, %add3A_158 : i32
          %or3A_203 = arith.constant false
          %or3A_204 = arith.ori %or3A_203, %ne3A_202 : i1
          %or3A_205 = arith.ori %or3A_204, %eq3A_144 : i1
          %convert_element_type3A_206 = arith.extui %or3A_205 : i1 to i32
          %cond3A_207 = arith.constant 0 : i32
          %cond3A_208 = arith.cmpi ne, %convert_element_type3A_206, %cond3A_207 : i32
          scf.if %cond3A_208 {
            "tpu.trace_start"() <{level = 10 : i32, message = "ep_wait_in"}> : () -> ()
            %mul3A_287 = arith.constant 128 : i32
            %mul3A_288 = arith.muli %mul3A_287, %add3A_148 : i32
            %rem3A_289 = arith.constant 2 : i32
            %rem3A_290 = arith.remui %while3A_137, %rem3A_289 : i32
            %dma_wait3A = arith.constant 0 : i32
            %dma_wait3A_291 = arith.constant 0 : i32
            %dma_wait3A_292 = tpu.memref_slice %run_scoped3A[%rem3A_290, %dma_wait3A, %dma_wait3A_291] : memref<2x1x128xi32, #tpu.memory_space<vmem>> -> memref<1x1x128xi32, #tpu.memory_space<vmem>>
            %dma_wait3A_293 = tpu.memref_squeeze %dma_wait3A_292 : memref<1x1x128xi32, #tpu.memory_space<vmem>> -> memref<1x128xi32, #tpu.memory_space<vmem>>
            %dma_wait3A_294 = arith.constant 0 : i32
            %dma_wait3A_295 = tpu.memref_slice %arg3[%dma_wait3A_294, %mul3A_288] : memref<1x1024xi32, #tpu.memory_space<hbm>> -> memref<1x128xi32, #tpu.memory_space<hbm>>
            %dma_wait3A_296 = tpu.memref_slice %run_scoped3A_10[%rem3A_290] : memref<2x!tpu.dma_semaphore, #tpu.memory_space<semaphore_mem>> -> memref<1x!tpu.dma_semaphore, #tpu.memory_space<semaphore_mem>>
            %dma_wait3A_297 = tpu.memref_squeeze %dma_wait3A_296 : memref<1x!tpu.dma_semaphore, #tpu.memory_space<semaphore_mem>> -> memref<!tpu.dma_semaphore, #tpu.memory_space<semaphore_mem>>
            %dma_wait3A_298 = arith.constant 0 : i32
            %dma_wait3A_299 = arith.constant 0 : i32
            %dma_wait3A_300 = tpu.memref_slice %run_scoped3A[%rem3A_290, %dma_wait3A_298, %dma_wait3A_299] : memref<2x1x128xi32, #tpu.memory_space<vmem>> -> memref<1x1x128xi32, #tpu.memory_space<vmem>>
            %dma_wait3A_301 = tpu.memref_squeeze %dma_wait3A_300 : memref<1x1x128xi32, #tpu.memory_space<vmem>> -> memref<1x128xi32, #tpu.memory_space<vmem>>
            %dma_wait3A_302 = arith.constant 0 : i32
            %dma_wait3A_303 = tpu.memref_slice %arg3[%dma_wait3A_302, %mul3A_288] : memref<1x1024xi32, #tpu.memory_space<hbm>> -> memref<1x128xi32, #tpu.memory_space<hbm>>
            tpu.wait_dma2 semaphore(%dma_wait3A_297 : memref<!tpu.dma_semaphore, #tpu.memory_space<semaphore_mem>>) src(%dma_wait3A_303 : memref<1x128xi32, #tpu.memory_space<hbm>>) dst(%dma_wait3A_301 : memref<1x128xi32, #tpu.memory_space<vmem>>)
            "tpu.trace_stop"() : () -> ()
          } else {
          }
          %ne3A_209 = arith.cmpi ne, %add3A_148, %add3A_158 : i32
          %or3A_210 = arith.constant false
          %or3A_211 = arith.ori %or3A_210, %ne3A_209 : i1
          %or3A_212 = arith.constant false
          %or3A_213 = arith.ori %or3A_211, %or3A_212 : i1
          %or3A_214 = arith.ori %or3A_213, %eq3A_144 : i1
          %convert_element_type3A_215 = arith.extui %or3A_214 : i1 to i32
          %cond3A_216 = arith.constant 0 : i32
          %cond3A_217 = arith.cmpi ne, %convert_element_type3A_215, %cond3A_216 : i32
          scf.if %cond3A_217 {
          } else {
          }
          %rem3A_218 = arith.constant 2 : i32
          %rem3A_219 = arith.remui %while3A_137, %rem3A_218 : i32
          %rem3A_220 = arith.constant 2 : i32
          %rem3A_221 = arith.remui %while3A_138, %rem3A_220 : i32
          %run_scoped3A_222 = arith.constant 0 : i32
          "tpu.trace_start"() <{level = 10 : i32, message = "ep_run_kernel"}> : () -> ()
          "tpu.region"() ({
            %run_scoped3A_287 = tpu.sem_alloc : memref<!tpu.dma_semaphore, #tpu.memory_space<semaphore_mem>>
            %dma_start3A_288 = arith.constant 0 : i32
            %dma_start3A_289 = arith.constant 0 : i32
            %dma_start3A_290 = tpu.memref_slice %run_scoped3A_11[%rem3A_221, %dma_start3A_288, %dma_start3A_289] : memref<2x128x128xf32, #tpu.memory_space<vmem>> -> memref<1x128x128xf32, #tpu.memory_space<vmem>>
            %dma_start3A_291 = tpu.memref_squeeze %dma_start3A_290 : memref<1x128x128xf32, #tpu.memory_space<vmem>> -> memref<128x128xf32, #tpu.memory_space<vmem>>
            %dma_start3A_292 = arith.constant 0 : i32
            %dma_start3A_293 = arith.constant 0 : i32
            %dma_start3A_294 = tpu.memref_slice %run_scoped3A[%rem3A_219, %dma_start3A_292, %dma_start3A_293] : memref<2x1x128xi32, #tpu.memory_space<vmem>> -> memref<1x1x128xi32, #tpu.memory_space<vmem>>
            %dma_start3A_295 = tpu.memref_squeeze %dma_start3A_294 : memref<1x1x128xi32, #tpu.memory_space<vmem>> -> memref<1x128xi32, #tpu.memory_space<vmem>>
            %dma_start3A_296 = arith.constant 0 : i32
            %dma_start3A_297 = tpu.memref_slice %dma_start3A_295[%run_scoped3A_222, %dma_start3A_296] : memref<1x128xi32, #tpu.memory_space<vmem>> -> memref<1x128xi32, #tpu.memory_space<vmem>>
            %dma_start3A_298 = tpu.memref_squeeze %dma_start3A_297 : memref<1x128xi32, #tpu.memory_space<vmem>> -> memref<128xi32, #tpu.memory_space<vmem>>
            %dma_start3A_299 = arith.constant 0 : i32
            %dma_start3A_300 = arith.constant 0 : i32
            %dma_start3A_301 = tpu.memref_slice %arg2[%dma_start3A_299, %dma_start3A_300] : memref<4096x128xf32, #tpu.memory_space<hbm>> -> memref<4096x128xf32, #tpu.memory_space<hbm>>
            tpu.enqueue_indirect_dma source(%dma_start3A_301 : memref<4096x128xf32, #tpu.memory_space<hbm>>) target(%dma_start3A_291 : memref<128x128xf32, #tpu.memory_space<vmem>>) offsets(%dma_start3A_298 : memref<128xi32, #tpu.memory_space<vmem>>) semaphore(%run_scoped3A_287 : memref<!tpu.dma_semaphore, #tpu.memory_space<semaphore_mem>>)
            %dma_wait3A = arith.constant 0 : i32
            %dma_wait3A_302 = arith.constant 0 : i32
            %dma_wait3A_303 = tpu.memref_slice %run_scoped3A_11[%rem3A_221, %dma_wait3A, %dma_wait3A_302] : memref<2x128x128xf32, #tpu.memory_space<vmem>> -> memref<1x128x128xf32, #tpu.memory_space<vmem>>
            %dma_wait3A_304 = tpu.memref_squeeze %dma_wait3A_303 : memref<1x128x128xf32, #tpu.memory_space<vmem>> -> memref<128x128xf32, #tpu.memory_space<vmem>>
            %dma_wait3A_305 = arith.constant 0 : i32
            %dma_wait3A_306 = arith.constant 0 : i32
            %dma_wait3A_307 = tpu.memref_slice %run_scoped3A[%rem3A_219, %dma_wait3A_305, %dma_wait3A_306] : memref<2x1x128xi32, #tpu.memory_space<vmem>> -> memref<1x1x128xi32, #tpu.memory_space<vmem>>
            %dma_wait3A_308 = tpu.memref_squeeze %dma_wait3A_307 : memref<1x1x128xi32, #tpu.memory_space<vmem>> -> memref<1x128xi32, #tpu.memory_space<vmem>>
            %dma_wait3A_309 = arith.constant 0 : i32
            %dma_wait3A_310 = tpu.memref_slice %dma_wait3A_308[%run_scoped3A_222, %dma_wait3A_309] : memref<1x128xi32, #tpu.memory_space<vmem>> -> memref<1x128xi32, #tpu.memory_space<vmem>>
            %dma_wait3A_311 = tpu.memref_squeeze %dma_wait3A_310 : memref<1x128xi32, #tpu.memory_space<vmem>> -> memref<128xi32, #tpu.memory_space<vmem>>
            %dma_wait3A_312 = arith.constant 0 : i32
            %dma_wait3A_313 = arith.constant 0 : i32
            %dma_wait3A_314 = tpu.memref_slice %arg2[%dma_wait3A_312, %dma_wait3A_313] : memref<4096x128xf32, #tpu.memory_space<hbm>> -> memref<4096x128xf32, #tpu.memory_space<hbm>>
            tpu.wait_indirect_dma semaphore(%run_scoped3A_287 : memref<!tpu.dma_semaphore, #tpu.memory_space<semaphore_mem>>) src(%dma_wait3A_314 : memref<4096x128xf32, #tpu.memory_space<hbm>>) dst(%dma_wait3A_304 : memref<128x128xf32, #tpu.memory_space<vmem>>)
            tpu.yield
          }) : () -> ()
          "tpu.trace_stop"() : () -> ()
          %ne3A_223 = arith.cmpi ne, %add3A_148, %add3A_166 : i32
          %or3A_224 = arith.constant false
          %or3A_225 = arith.ori %or3A_224, %ne3A_223 : i1
          %or3A_226 = arith.ori %or3A_225, %eq3A_147 : i1
          %convert_element_type3A_227 = arith.extui %or3A_226 : i1 to i32
          %cond3A_228 = arith.constant 0 : i32
          %cond3A_229 = arith.cmpi ne, %convert_element_type3A_227, %cond3A_228 : i32
          scf.if %cond3A_229 {
          } else {
          }
          %and3A_230 = arith.constant false
          %and3A_231 = arith.andi %or3A_226, %and3A_230 : i1
          %ne3A_232 = arith.cmpi ne, %add3A_148, %add3A_166 : i32
          %or3A_233 = arith.constant false
          %or3A_234 = arith.ori %or3A_233, %ne3A_232 : i1
          %or3A_235 = arith.constant false
          %or3A_236 = arith.ori %or3A_234, %or3A_235 : i1
          %or3A_237 = arith.ori %or3A_236, %eq3A_147 : i1
          %convert_element_type3A_238 = arith.extui %or3A_237 : i1 to i32
          %cond3A_239 = arith.constant 0 : i32
          %cond3A_240 = arith.cmpi ne, %convert_element_type3A_238, %cond3A_239 : i32
          scf.if %cond3A_240 {
            "tpu.trace_start"() <{level = 10 : i32, message = "ep_copy_out"}> : () -> ()
            %rem3A_287 = arith.constant 2 : i32
            %rem3A_288 = arith.remui %while3A_138, %rem3A_287 : i32
            %mul3A_289 = arith.constant 128 : i32
            %mul3A_290 = arith.muli %mul3A_289, %add3A_148 : i32
            %dma_start3A_291 = arith.constant 0 : i32
            %dma_start3A_292 = arith.constant 0 : i32
            %dma_start3A_293 = tpu.memref_slice %run_scoped3A_11[%rem3A_288, %dma_start3A_291, %dma_start3A_292] : memref<2x128x128xf32, #tpu.memory_space<vmem>> -> memref<1x128x128xf32, #tpu.memory_space<vmem>>
            %dma_start3A_294 = tpu.memref_squeeze %dma_start3A_293 : memref<1x128x128xf32, #tpu.memory_space<vmem>> -> memref<128x128xf32, #tpu.memory_space<vmem>>
            %dma_start3A_295 = arith.constant 0 : i32
            %dma_start3A_296 = tpu.memref_slice %arg4[%mul3A_290, %dma_start3A_295] : memref<1024x128xf32, #tpu.memory_space<hbm>> -> memref<128x128xf32, #tpu.memory_space<hbm>>
            %dma_start3A_297 = tpu.memref_slice %run_scoped3A_12[%rem3A_288] : memref<2x!tpu.dma_semaphore, #tpu.memory_space<semaphore_mem>> -> memref<1x!tpu.dma_semaphore, #tpu.memory_space<semaphore_mem>>
            %dma_start3A_298 = tpu.memref_squeeze %dma_start3A_297 : memref<1x!tpu.dma_semaphore, #tpu.memory_space<semaphore_mem>> -> memref<!tpu.dma_semaphore, #tpu.memory_space<semaphore_mem>>
            %dma_start3A_299 = arith.constant 0 : i32
            %dma_start3A_300 = tpu.memref_slice %arg4[%mul3A_290, %dma_start3A_299] : memref<1024x128xf32, #tpu.memory_space<hbm>> -> memref<128x128xf32, #tpu.memory_space<hbm>>
            %dma_start3A_301 = arith.constant 0 : i32
            %dma_start3A_302 = arith.constant 0 : i32
            %dma_start3A_303 = tpu.memref_slice %run_scoped3A_11[%rem3A_288, %dma_start3A_301, %dma_start3A_302] : memref<2x128x128xf32, #tpu.memory_space<vmem>> -> memref<1x128x128xf32, #tpu.memory_space<vmem>>
            %dma_start3A_304 = tpu.memref_squeeze %dma_start3A_303 : memref<1x128x128xf32, #tpu.memory_space<vmem>> -> memref<128x128xf32, #tpu.memory_space<vmem>>
            tpu.enqueue_dma source(%dma_start3A_304 : memref<128x128xf32, #tpu.memory_space<vmem>>) target(%dma_start3A_300 : memref<128x128xf32, #tpu.memory_space<hbm>>) target_semaphore(%dma_start3A_298 : memref<!tpu.dma_semaphore, #tpu.memory_space<semaphore_mem>>)
            "tpu.trace_stop"() : () -> ()
          } else {
          }
          %and3A_241 = arith.constant true
          %and3A_242 = arith.andi %or3A_237, %and3A_241 : i1
          %add3A_243 = arith.constant 1 : i32
          %add3A_244 = arith.addi %while3A_138, %add3A_243 : i32
          %select_n3A_245 = arith.select %and3A_242, %add3A_244, %while3A_138 : i32
          %ne3A_246 = arith.cmpi ne, %add3A_148, %add3A_158 : i32
          %or3A_247 = arith.constant false
          %or3A_248 = arith.ori %or3A_247, %ne3A_246 : i1
          %not3A_249 = arith.constant true
          %not3A_250 = arith.xori %eq3A_144, %not3A_249 : i1
          %and3A_251 = arith.andi %or3A_248, %not3A_250 : i1
          %convert_element_type3A_252 = arith.extui %and3A_251 : i1 to i32
          %cond3A_253 = arith.constant 0 : i32
          %cond3A_254 = arith.cmpi ne, %convert_element_type3A_252, %cond3A_253 : i32
          scf.if %cond3A_254 {
          } else {
          }
          %and3A_255 = arith.constant false
          %and3A_256 = arith.andi %and3A_251, %and3A_255 : i1
          %ne3A_257 = arith.cmpi ne, %add3A_148, %add3A_158 : i32
          %or3A_258 = arith.constant false
          %or3A_259 = arith.ori %or3A_258, %ne3A_257 : i1
          %or3A_260 = arith.constant false
          %or3A_261 = arith.ori %or3A_259, %or3A_260 : i1
          %not3A_262 = arith.constant true
          %not3A_263 = arith.xori %eq3A_144, %not3A_262 : i1
          %and3A_264 = arith.andi %or3A_261, %not3A_263 : i1
          %convert_element_type3A_265 = arith.extui %and3A_264 : i1 to i32
          %cond3A_266 = arith.constant 0 : i32
          %cond3A_267 = arith.cmpi ne, %convert_element_type3A_265, %cond3A_266 : i32
          scf.if %cond3A_267 {
            "tpu.trace_start"() <{level = 10 : i32, message = "ep_wait_out"}> : () -> ()
            %rem3A_287 = arith.constant 2 : i32
            %rem3A_288 = arith.remui %while3A_139, %rem3A_287 : i32
            %mul3A_289 = arith.constant 128 : i32
            %mul3A_290 = arith.muli %mul3A_289, %add3A_158 : i32
            %dma_wait3A = arith.constant 0 : i32
            %dma_wait3A_291 = arith.constant 0 : i32
            %dma_wait3A_292 = tpu.memref_slice %run_scoped3A_11[%rem3A_288, %dma_wait3A, %dma_wait3A_291] : memref<2x128x128xf32, #tpu.memory_space<vmem>> -> memref<1x128x128xf32, #tpu.memory_space<vmem>>
            %dma_wait3A_293 = tpu.memref_squeeze %dma_wait3A_292 : memref<1x128x128xf32, #tpu.memory_space<vmem>> -> memref<128x128xf32, #tpu.memory_space<vmem>>
            %dma_wait3A_294 = arith.constant 0 : i32
            %dma_wait3A_295 = tpu.memref_slice %arg4[%mul3A_290, %dma_wait3A_294] : memref<1024x128xf32, #tpu.memory_space<hbm>> -> memref<128x128xf32, #tpu.memory_space<hbm>>
            %dma_wait3A_296 = tpu.memref_slice %run_scoped3A_12[%rem3A_288] : memref<2x!tpu.dma_semaphore, #tpu.memory_space<semaphore_mem>> -> memref<1x!tpu.dma_semaphore, #tpu.memory_space<semaphore_mem>>
            %dma_wait3A_297 = tpu.memref_squeeze %dma_wait3A_296 : memref<1x!tpu.dma_semaphore, #tpu.memory_space<semaphore_mem>> -> memref<!tpu.dma_semaphore, #tpu.memory_space<semaphore_mem>>
            %dma_wait3A_298 = arith.constant 0 : i32
            %dma_wait3A_299 = tpu.memref_slice %arg4[%mul3A_290, %dma_wait3A_298] : memref<1024x128xf32, #tpu.memory_space<hbm>> -> memref<128x128xf32, #tpu.memory_space<hbm>>
            %dma_wait3A_300 = arith.constant 0 : i32
            %dma_wait3A_301 = arith.constant 0 : i32
            %dma_wait3A_302 = tpu.memref_slice %run_scoped3A_11[%rem3A_288, %dma_wait3A_300, %dma_wait3A_301] : memref<2x128x128xf32, #tpu.memory_space<vmem>> -> memref<1x128x128xf32, #tpu.memory_space<vmem>>
            %dma_wait3A_303 = tpu.memref_squeeze %dma_wait3A_302 : memref<1x128x128xf32, #tpu.memory_space<vmem>> -> memref<128x128xf32, #tpu.memory_space<vmem>>
            tpu.wait_dma2 semaphore(%dma_wait3A_297 : memref<!tpu.dma_semaphore, #tpu.memory_space<semaphore_mem>>) src(%dma_wait3A_303 : memref<128x128xf32, #tpu.memory_space<vmem>>) dst(%dma_wait3A_299 : memref<128x128xf32, #tpu.memory_space<hbm>>)
            "tpu.trace_stop"() : () -> ()
          } else {
          }
          %and3A_268 = arith.constant true
          %and3A_269 = arith.andi %and3A_264, %and3A_268 : i1
          %add3A_270 = arith.constant 1 : i32
          %add3A_271 = arith.addi %while3A_139, %add3A_270 : i32
          %select_n3A_272 = arith.select %and3A_269, %add3A_271, %while3A_139 : i32
          %ne3A_273 = arith.cmpi ne, %add3A_148, %add3A_166 : i32
          %or3A_274 = arith.constant false
          %or3A_275 = arith.ori %or3A_274, %ne3A_273 : i1
          %or3A_276 = arith.ori %or3A_275, %eq3A_147 : i1
          %add3A_277 = arith.constant 1 : i32
          %add3A_278 = arith.addi %while3A_137, %add3A_277 : i32
          %select_n3A_279 = arith.select %or3A_276, %add3A_278, %while3A_137 : i32
          %add3A_280 = arith.constant 1 : i32
          %add3A_281 = arith.addi %while3A_140, %add3A_280 : i32
          %select_n3A_282 = arith.constant true
          %select_n3A_283 = arith.select %select_n3A_282, %add3A_281, %while3A_140 : i32
          %eq3A_284 = arith.cmpi eq, %select_n3A_283, %select_n3A : i32
          %select_n3A_285 = arith.constant 0 : i32
          %select_n3A_286 = arith.select %eq3A_284, %select_n3A_285, %select_n3A_283 : i32
          scf.yield %select_n3A_188, %select_n3A_279, %select_n3A_245, %select_n3A_272, %select_n3A_286 : i32, i32, i32, i32, i32
        }
        %sub3A_84 = arith.constant 1 : i32
        %sub3A_85 = arith.subi %while3A_83#4, %sub3A_84 : i32
        %select_n3A_86 = arith.constant true
        %select_n3A_87 = arith.select %select_n3A_86, %sub3A_85, %while3A_83#4 : i32
        %eq3A_88 = arith.constant -1 : i32
        %eq3A_89 = arith.cmpi eq, %select_n3A_87, %eq3A_88 : i32
        %sub3A_90 = arith.constant 1 : i32
        %sub3A_91 = arith.subi %select_n3A, %sub3A_90 : i32
        %select_n3A_92 = arith.select %eq3A_89, %sub3A_91, %select_n3A_87 : i32
        %sub3A_93 = arith.constant 1 : i32
        %sub3A_94 = arith.subi %mul3A_9, %sub3A_93 : i32
        %mul3A_95 = arith.constant 1 : i32
        %mul3A_96 = arith.muli %mul3A_95, %select_n3A : i32
        %eq3A_97 = arith.constant 0 : i32
        %eq3A_98 = arith.cmpi eq, %sub3A_94, %eq3A_97 : i32
        %sub3A_99 = arith.constant 1 : i32
        %sub3A_100 = arith.subi %mul3A_96, %sub3A_99 : i32
        %eq3A_101 = arith.cmpi eq, %sub3A_94, %sub3A_100 : i32
        %add3A_102 = arith.addi %select_n3A_92, %select_n3A_7 : i32
        %sub3A_103 = arith.constant 1 : i32
        %sub3A_104 = arith.subi %select_n3A_92, %sub3A_103 : i32
        %select_n3A_105 = arith.constant true
        %select_n3A_106 = arith.select %select_n3A_105, %sub3A_104, %select_n3A_92 : i32
        %eq3A_107 = arith.constant -1 : i32
        %eq3A_108 = arith.cmpi eq, %select_n3A_106, %eq3A_107 : i32
        %sub3A_109 = arith.constant 1 : i32
        %sub3A_110 = arith.subi %select_n3A, %sub3A_109 : i32
        %select_n3A_111 = arith.select %eq3A_108, %sub3A_110, %select_n3A_106 : i32
        %add3A_112 = arith.addi %select_n3A_111, %select_n3A_7 : i32
        %add3A_113 = arith.constant 1 : i32
        %add3A_114 = arith.addi %select_n3A_92, %add3A_113 : i32
        %select_n3A_115 = arith.constant true
        %select_n3A_116 = arith.select %select_n3A_115, %add3A_114, %select_n3A_92 : i32
        %eq3A_117 = arith.cmpi eq, %select_n3A_116, %select_n3A : i32
        %select_n3A_118 = arith.constant 0 : i32
        %select_n3A_119 = arith.select %eq3A_117, %select_n3A_118, %select_n3A_116 : i32
        %add3A_120 = arith.addi %select_n3A_119, %select_n3A_7 : i32
        %add3A_121 = arith.constant 1 : i32
        %add3A_122 = arith.addi %select_n3A_119, %add3A_121 : i32
        %select_n3A_123 = arith.constant true
        %select_n3A_124 = arith.select %select_n3A_123, %add3A_122, %select_n3A_119 : i32
        %eq3A_125 = arith.cmpi eq, %select_n3A_124, %select_n3A : i32
        %select_n3A_126 = arith.constant 0 : i32
        %select_n3A_127 = arith.select %eq3A_125, %select_n3A_126, %select_n3A_124 : i32
        %add3A_128 = arith.addi %select_n3A_127, %select_n3A_7 : i32
        %convert_element_type3A_129 = arith.extui %eq3A_101 : i1 to i32
        %cond3A_130 = arith.constant 0 : i32
        %cond3A_131 = arith.cmpi ne, %convert_element_type3A_129, %cond3A_130 : i32
        scf.if %cond3A_131 {
        } else {
        }
        %convert_element_type3A_132 = arith.extui %eq3A_101 : i1 to i32
        %cond3A_133 = arith.constant 0 : i32
        %cond3A_134 = arith.cmpi ne, %convert_element_type3A_132, %cond3A_133 : i32
        scf.if %cond3A_134 {
          "tpu.trace_start"() <{level = 10 : i32, message = "ep_finalize"}> : () -> ()
          %rem3A_135 = arith.constant 2 : i32
          %rem3A_136 = arith.remui %while3A_83#3, %rem3A_135 : i32
          %mul3A_137 = arith.constant 128 : i32
          %mul3A_138 = arith.muli %mul3A_137, %add3A_102 : i32
          %dma_wait3A = arith.constant 0 : i32
          %dma_wait3A_139 = arith.constant 0 : i32
          %dma_wait3A_140 = tpu.memref_slice %run_scoped3A_11[%rem3A_136, %dma_wait3A, %dma_wait3A_139] : memref<2x128x128xf32, #tpu.memory_space<vmem>> -> memref<1x128x128xf32, #tpu.memory_space<vmem>>
          %dma_wait3A_141 = tpu.memref_squeeze %dma_wait3A_140 : memref<1x128x128xf32, #tpu.memory_space<vmem>> -> memref<128x128xf32, #tpu.memory_space<vmem>>
          %dma_wait3A_142 = arith.constant 0 : i32
          %dma_wait3A_143 = tpu.memref_slice %arg4[%mul3A_138, %dma_wait3A_142] : memref<1024x128xf32, #tpu.memory_space<hbm>> -> memref<128x128xf32, #tpu.memory_space<hbm>>
          %dma_wait3A_144 = tpu.memref_slice %run_scoped3A_12[%rem3A_136] : memref<2x!tpu.dma_semaphore, #tpu.memory_space<semaphore_mem>> -> memref<1x!tpu.dma_semaphore, #tpu.memory_space<semaphore_mem>>
          %dma_wait3A_145 = tpu.memref_squeeze %dma_wait3A_144 : memref<1x!tpu.dma_semaphore, #tpu.memory_space<semaphore_mem>> -> memref<!tpu.dma_semaphore, #tpu.memory_space<semaphore_mem>>
          %dma_wait3A_146 = arith.constant 0 : i32
          %dma_wait3A_147 = tpu.memref_slice %arg4[%mul3A_138, %dma_wait3A_146] : memref<1024x128xf32, #tpu.memory_space<hbm>> -> memref<128x128xf32, #tpu.memory_space<hbm>>
          %dma_wait3A_148 = arith.constant 0 : i32
          %dma_wait3A_149 = arith.constant 0 : i32
          %dma_wait3A_150 = tpu.memref_slice %run_scoped3A_11[%rem3A_136, %dma_wait3A_148, %dma_wait3A_149] : memref<2x128x128xf32, #tpu.memory_space<vmem>> -> memref<1x128x128xf32, #tpu.memory_space<vmem>>
          %dma_wait3A_151 = tpu.memref_squeeze %dma_wait3A_150 : memref<1x128x128xf32, #tpu.memory_space<vmem>> -> memref<128x128xf32, #tpu.memory_space<vmem>>
          tpu.wait_dma2 semaphore(%dma_wait3A_145 : memref<!tpu.dma_semaphore, #tpu.memory_space<semaphore_mem>>) src(%dma_wait3A_151 : memref<128x128xf32, #tpu.memory_space<vmem>>) dst(%dma_wait3A_147 : memref<128x128xf32, #tpu.memory_space<hbm>>)
          "tpu.trace_stop"() : () -> ()
        } else {
        }
      } else {
      }
      tpu.yield
    }) : () -> ()
    return
  }
}

module attributes {stable_mosaic.version = 14 : i64} {
  func.func @_fps_kernel(%arg0: memref<2x3x64x128xf32, #tpu.memory_space<vmem>>, %arg1: memref<2048x2xi32, #tpu.memory_space<vmem>>) attributes {dimension_semantics = [], scalar_prefetch = 0 : i64, scratch_operands = 0 : i64, tpu.core_type = #tpu.core_type<tc>} {
    %get3A = arith.constant 0 : index
    %get3A_0 = arith.constant 0 : index
    %get3A_1 = arith.constant 0 : index
    %get3A_2 = arith.constant 0 : index
    %get3A_3 = vector.load %arg0[%get3A, %get3A_0, %get3A_1, %get3A_2] : memref<2x3x64x128xf32, #tpu.memory_space<vmem>>, vector<2x3x64x128xf32>
    %iota3A = tpu.iota {dimensions = array<i32: 1>} : vector<2x64x128xi32>
    %mul3A = arith.constant 128 : i32
    %mul3A_4 = vector.broadcast %mul3A : i32 to vector<2x64x128xi32>
    %mul3A_5 = arith.muli %iota3A, %mul3A_4 : vector<2x64x128xi32>
    %iota3A_6 = tpu.iota {dimensions = array<i32: 2>} : vector<2x64x128xi32>
    %add3A = arith.addi %mul3A_5, %iota3A_6 : vector<2x64x128xi32>
    %broadcast_in_dim3A = arith.constant 1.000000e+10 : f32
    %broadcast_in_dim3A_7 = vector.broadcast %broadcast_in_dim3A : f32 to vector<2x64x128xf32>
    %broadcast_in_dim3A_8 = arith.constant 0 : i32
    %broadcast_in_dim3A_9 = vector.broadcast %broadcast_in_dim3A_8 : i32 to vector<2x1x1xi32>
    %scan3A = arith.constant 0 : i32
    %scan3A_10 = arith.constant 2048 : i32
    %scan3A_11 = arith.addi %scan3A, %scan3A_10 : i32
    %scan3A_12 = arith.constant 1 : i32
    %scan3A_13:2 = scf.for %scan3A_15 = %scan3A to %scan3A_11 step %scan3A_12 iter_args(%scan3A_16 = %broadcast_in_dim3A_7, %scan3A_17 = %broadcast_in_dim3A_9) -> (vector<2x64x128xf32>, vector<2x1x1xi32>)  : i32 {
      %reshape3A = vector.shape_cast %scan3A_17 : vector<2x1x1xi32> to vector<1x2xi32>
      %swap3A = arith.index_cast %scan3A_15 : i32 to index
      %swap3A_18 = arith.constant 0 : index
      %swap3A_19 = vector.load %arg1[%swap3A, %swap3A_18] : memref<2048x2xi32, #tpu.memory_space<vmem>>, vector<1x2xi32>
      tpu.vector_store %arg1[%swap3A, %swap3A_18], %reshape3A {strides = array<i32>} : memref<2048x2xi32, #tpu.memory_space<vmem>>, vector<1x2xi32>,
      %eq3A = vector.broadcast %scan3A_17 : vector<2x1x1xi32> to vector<2x64x128xi32>
      %eq3A_20 = arith.cmpi eq, %add3A, %eq3A : vector<2x64x128xi32>
      %broadcast_in_dim3A_21 = vector.shape_cast %eq3A_20 : vector<2x64x128xi1> to vector<2x1x64x128xi1>
      %jit3A = arith.constant 0.000000e+00 : f32
      %broadcast_in_dim3A_22 = vector.shape_cast %broadcast_in_dim3A_21 : vector<2x1x64x128xi1> to vector<2x1x64x128xi1>
      %broadcast_in_dim3A_23 = vector.broadcast %broadcast_in_dim3A_22 : vector<2x1x64x128xi1> to vector<2x3x64x128xi1>
      %broadcast_in_dim3A_24 = vector.broadcast %jit3A : f32 to vector<2x3x64x128xf32>
      %select_n3A = arith.select %broadcast_in_dim3A_23, %get3A_3, %broadcast_in_dim3A_24 : vector<2x3x64x128xi1>, vector<2x3x64x128xf32>
      %reduce_sum3A = arith.constant dense<0.000000e+00> : vector<2x3xf32>
      %reduce_sum3A_25 = vector.multi_reduction <add>, %select_n3A, %reduce_sum3A [2, 3] : vector<2x3x64x128xf32> to vector<2x3xf32>
      %broadcast_in_dim3A_26 = vector.shape_cast %reduce_sum3A_25 : vector<2x3xf32> to vector<2x3x1x1xf32>
      %slice3A = vector.extract_strided_slice %get3A_3 {offsets = [0, 0, 0, 0], sizes = [2, 1, 64, 128], strides = [1, 1, 1, 1]} : vector<2x3x64x128xf32> to vector<2x1x64x128xf32>
      %squeeze3A = vector.shape_cast %slice3A : vector<2x1x64x128xf32> to vector<2x64x128xf32>
      %slice3A_27 = vector.extract_strided_slice %broadcast_in_dim3A_26 {offsets = [0, 0, 0, 0], sizes = [2, 1, 1, 1], strides = [1, 1, 1, 1]} : vector<2x3x1x1xf32> to vector<2x1x1x1xf32>
      %squeeze3A_28 = vector.shape_cast %slice3A_27 : vector<2x1x1x1xf32> to vector<2x1x1xf32>
      %sub3A = vector.broadcast %squeeze3A_28 : vector<2x1x1xf32> to vector<2x64x128xf32>
      %sub3A_29 = arith.subf %squeeze3A, %sub3A : vector<2x64x128xf32>
      %integer_pow3A = arith.mulf %sub3A_29, %sub3A_29 : vector<2x64x128xf32>
      %slice3A_30 = vector.extract_strided_slice %get3A_3 {offsets = [0, 1, 0, 0], sizes = [2, 1, 64, 128], strides = [1, 1, 1, 1]} : vector<2x3x64x128xf32> to vector<2x1x64x128xf32>
      %squeeze3A_31 = vector.shape_cast %slice3A_30 : vector<2x1x64x128xf32> to vector<2x64x128xf32>
      %slice3A_32 = vector.extract_strided_slice %broadcast_in_dim3A_26 {offsets = [0, 1, 0, 0], sizes = [2, 1, 1, 1], strides = [1, 1, 1, 1]} : vector<2x3x1x1xf32> to vector<2x1x1x1xf32>
      %squeeze3A_33 = vector.shape_cast %slice3A_32 : vector<2x1x1x1xf32> to vector<2x1x1xf32>
      %sub3A_34 = vector.broadcast %squeeze3A_33 : vector<2x1x1xf32> to vector<2x64x128xf32>
      %sub3A_35 = arith.subf %squeeze3A_31, %sub3A_34 : vector<2x64x128xf32>
      %integer_pow3A_36 = arith.mulf %sub3A_35, %sub3A_35 : vector<2x64x128xf32>
      %slice3A_37 = vector.extract_strided_slice %get3A_3 {offsets = [0, 2, 0, 0], sizes = [2, 1, 64, 128], strides = [1, 1, 1, 1]} : vector<2x3x64x128xf32> to vector<2x1x64x128xf32>
      %squeeze3A_38 = vector.shape_cast %slice3A_37 : vector<2x1x64x128xf32> to vector<2x64x128xf32>
      %slice3A_39 = vector.extract_strided_slice %broadcast_in_dim3A_26 {offsets = [0, 2, 0, 0], sizes = [2, 1, 1, 1], strides = [1, 1, 1, 1]} : vector<2x3x1x1xf32> to vector<2x1x1x1xf32>
      %squeeze3A_40 = vector.shape_cast %slice3A_39 : vector<2x1x1x1xf32> to vector<2x1x1xf32>
      %sub3A_41 = vector.broadcast %squeeze3A_40 : vector<2x1x1xf32> to vector<2x64x128xf32>
      %sub3A_42 = arith.subf %squeeze3A_38, %sub3A_41 : vector<2x64x128xf32>
      %integer_pow3A_43 = arith.mulf %sub3A_42, %sub3A_42 : vector<2x64x128xf32>
      %add3A_44 = arith.addf %integer_pow3A, %integer_pow3A_36 : vector<2x64x128xf32>
      %add3A_45 = arith.addf %add3A_44, %integer_pow3A_43 : vector<2x64x128xf32>
      %min3A = arith.minimumf %scan3A_16, %add3A_45 : vector<2x64x128xf32>
      %reduce_max3A = arith.constant dense<0xFF800000> : vector<2xf32>
      %reduce_max3A_46 = vector.multi_reduction <maximumf>, %min3A, %reduce_max3A [1, 2] : vector<2x64x128xf32> to vector<2xf32>
      %broadcast_in_dim3A_47 = vector.shape_cast %reduce_max3A_46 : vector<2xf32> to vector<2x1x1xf32>
      %eq3A_48 = vector.broadcast %broadcast_in_dim3A_47 : vector<2x1x1xf32> to vector<2x64x128xf32>
      %eq3A_49 = arith.cmpf oeq, %min3A, %eq3A_48 : vector<2x64x128xf32>
      %jit3A_50 = arith.constant 8192 : i32
      %broadcast_in_dim3A_51 = vector.broadcast %jit3A_50 : i32 to vector<2x64x128xi32>
      %select_n3A_52 = arith.select %eq3A_49, %add3A, %broadcast_in_dim3A_51 : vector<2x64x128xi1>, vector<2x64x128xi32>
      %reduce_min3A = arith.constant dense<2147483647> : vector<2xi32>
      %reduce_min3A_53 = vector.multi_reduction <minsi>, %select_n3A_52, %reduce_min3A [1, 2] : vector<2x64x128xi32> to vector<2xi32>
      %broadcast_in_dim3A_54 = vector.shape_cast %reduce_min3A_53 : vector<2xi32> to vector<2x1x1xi32>
      scf.yield %min3A, %broadcast_in_dim3A_54 : vector<2x64x128xf32>, vector<2x1x1xi32>
    }
    %scan3A_14 = arith.constant 2048 : i32
    return
  }
}

module attributes {stable_mosaic.version = 14 : i64} {
  func.func @_fps_kernel(%arg0: memref<2x3x16x128xf32, #tpu.memory_space<vmem>>, %arg1: memref<512x2xi32, #tpu.memory_space<vmem>>) attributes {dimension_semantics = [], scalar_prefetch = 0 : i64, scratch_operands = 0 : i64, tpu.core_type = #tpu.core_type<tc>} {
    %get3A = arith.constant 0 : index
    %get3A_0 = arith.constant 0 : index
    %get3A_1 = arith.constant 0 : index
    %get3A_2 = arith.constant 0 : index
    %get3A_3 = vector.load %arg0[%get3A, %get3A_0, %get3A_1, %get3A_2] : memref<2x3x16x128xf32, #tpu.memory_space<vmem>>, vector<2x3x16x128xf32>
    %iota3A = tpu.iota {dimensions = array<i32: 1>} : vector<2x16x128xi32>
    %mul3A = arith.constant 128 : i32
    %mul3A_4 = vector.broadcast %mul3A : i32 to vector<2x16x128xi32>
    %mul3A_5 = arith.muli %iota3A, %mul3A_4 : vector<2x16x128xi32>
    %iota3A_6 = tpu.iota {dimensions = array<i32: 2>} : vector<2x16x128xi32>
    %add3A = arith.addi %mul3A_5, %iota3A_6 : vector<2x16x128xi32>
    %broadcast_in_dim3A = arith.constant 1.000000e+10 : f32
    %broadcast_in_dim3A_7 = vector.broadcast %broadcast_in_dim3A : f32 to vector<2x16x128xf32>
    %broadcast_in_dim3A_8 = arith.constant 0 : i32
    %broadcast_in_dim3A_9 = vector.broadcast %broadcast_in_dim3A_8 : i32 to vector<2x1x1xi32>
    %scan3A = arith.constant 0 : i32
    %scan3A_10 = arith.constant 512 : i32
    %scan3A_11 = arith.addi %scan3A, %scan3A_10 : i32
    %scan3A_12 = arith.constant 1 : i32
    %scan3A_13:2 = scf.for %scan3A_15 = %scan3A to %scan3A_11 step %scan3A_12 iter_args(%scan3A_16 = %broadcast_in_dim3A_7, %scan3A_17 = %broadcast_in_dim3A_9) -> (vector<2x16x128xf32>, vector<2x1x1xi32>)  : i32 {
      %reshape3A = vector.shape_cast %scan3A_17 : vector<2x1x1xi32> to vector<1x2xi32>
      %swap3A = arith.index_cast %scan3A_15 : i32 to index
      %swap3A_18 = arith.constant 0 : index
      %swap3A_19 = vector.load %arg1[%swap3A, %swap3A_18] : memref<512x2xi32, #tpu.memory_space<vmem>>, vector<1x2xi32>
      tpu.vector_store %arg1[%swap3A, %swap3A_18], %reshape3A {strides = array<i32>} : memref<512x2xi32, #tpu.memory_space<vmem>>, vector<1x2xi32>,
      %eq3A = vector.broadcast %scan3A_17 : vector<2x1x1xi32> to vector<2x16x128xi32>
      %eq3A_20 = arith.cmpi eq, %add3A, %eq3A : vector<2x16x128xi32>
      %broadcast_in_dim3A_21 = vector.shape_cast %eq3A_20 : vector<2x16x128xi1> to vector<2x1x16x128xi1>
      %jit3A = arith.constant 0.000000e+00 : f32
      %broadcast_in_dim3A_22 = vector.shape_cast %broadcast_in_dim3A_21 : vector<2x1x16x128xi1> to vector<2x1x16x128xi1>
      %broadcast_in_dim3A_23 = vector.broadcast %broadcast_in_dim3A_22 : vector<2x1x16x128xi1> to vector<2x3x16x128xi1>
      %broadcast_in_dim3A_24 = vector.broadcast %jit3A : f32 to vector<2x3x16x128xf32>
      %select_n3A = arith.select %broadcast_in_dim3A_23, %get3A_3, %broadcast_in_dim3A_24 : vector<2x3x16x128xi1>, vector<2x3x16x128xf32>
      %reduce_sum3A = arith.constant dense<0.000000e+00> : vector<2x3xf32>
      %reduce_sum3A_25 = vector.multi_reduction <add>, %select_n3A, %reduce_sum3A [2, 3] : vector<2x3x16x128xf32> to vector<2x3xf32>
      %broadcast_in_dim3A_26 = vector.shape_cast %reduce_sum3A_25 : vector<2x3xf32> to vector<2x3x1x1xf32>
      %slice3A = vector.extract_strided_slice %get3A_3 {offsets = [0, 0, 0, 0], sizes = [2, 1, 16, 128], strides = [1, 1, 1, 1]} : vector<2x3x16x128xf32> to vector<2x1x16x128xf32>
      %squeeze3A = vector.shape_cast %slice3A : vector<2x1x16x128xf32> to vector<2x16x128xf32>
      %slice3A_27 = vector.extract_strided_slice %broadcast_in_dim3A_26 {offsets = [0, 0, 0, 0], sizes = [2, 1, 1, 1], strides = [1, 1, 1, 1]} : vector<2x3x1x1xf32> to vector<2x1x1x1xf32>
      %squeeze3A_28 = vector.shape_cast %slice3A_27 : vector<2x1x1x1xf32> to vector<2x1x1xf32>
      %sub3A = vector.broadcast %squeeze3A_28 : vector<2x1x1xf32> to vector<2x16x128xf32>
      %sub3A_29 = arith.subf %squeeze3A, %sub3A : vector<2x16x128xf32>
      %integer_pow3A = arith.mulf %sub3A_29, %sub3A_29 : vector<2x16x128xf32>
      %slice3A_30 = vector.extract_strided_slice %get3A_3 {offsets = [0, 1, 0, 0], sizes = [2, 1, 16, 128], strides = [1, 1, 1, 1]} : vector<2x3x16x128xf32> to vector<2x1x16x128xf32>
      %squeeze3A_31 = vector.shape_cast %slice3A_30 : vector<2x1x16x128xf32> to vector<2x16x128xf32>
      %slice3A_32 = vector.extract_strided_slice %broadcast_in_dim3A_26 {offsets = [0, 1, 0, 0], sizes = [2, 1, 1, 1], strides = [1, 1, 1, 1]} : vector<2x3x1x1xf32> to vector<2x1x1x1xf32>
      %squeeze3A_33 = vector.shape_cast %slice3A_32 : vector<2x1x1x1xf32> to vector<2x1x1xf32>
      %sub3A_34 = vector.broadcast %squeeze3A_33 : vector<2x1x1xf32> to vector<2x16x128xf32>
      %sub3A_35 = arith.subf %squeeze3A_31, %sub3A_34 : vector<2x16x128xf32>
      %integer_pow3A_36 = arith.mulf %sub3A_35, %sub3A_35 : vector<2x16x128xf32>
      %slice3A_37 = vector.extract_strided_slice %get3A_3 {offsets = [0, 2, 0, 0], sizes = [2, 1, 16, 128], strides = [1, 1, 1, 1]} : vector<2x3x16x128xf32> to vector<2x1x16x128xf32>
      %squeeze3A_38 = vector.shape_cast %slice3A_37 : vector<2x1x16x128xf32> to vector<2x16x128xf32>
      %slice3A_39 = vector.extract_strided_slice %broadcast_in_dim3A_26 {offsets = [0, 2, 0, 0], sizes = [2, 1, 1, 1], strides = [1, 1, 1, 1]} : vector<2x3x1x1xf32> to vector<2x1x1x1xf32>
      %squeeze3A_40 = vector.shape_cast %slice3A_39 : vector<2x1x1x1xf32> to vector<2x1x1xf32>
      %sub3A_41 = vector.broadcast %squeeze3A_40 : vector<2x1x1xf32> to vector<2x16x128xf32>
      %sub3A_42 = arith.subf %squeeze3A_38, %sub3A_41 : vector<2x16x128xf32>
      %integer_pow3A_43 = arith.mulf %sub3A_42, %sub3A_42 : vector<2x16x128xf32>
      %add3A_44 = arith.addf %integer_pow3A, %integer_pow3A_36 : vector<2x16x128xf32>
      %add3A_45 = arith.addf %add3A_44, %integer_pow3A_43 : vector<2x16x128xf32>
      %min3A = arith.minimumf %scan3A_16, %add3A_45 : vector<2x16x128xf32>
      %reduce_max3A = arith.constant dense<0xFF800000> : vector<2xf32>
      %reduce_max3A_46 = vector.multi_reduction <maximumf>, %min3A, %reduce_max3A [1, 2] : vector<2x16x128xf32> to vector<2xf32>
      %broadcast_in_dim3A_47 = vector.shape_cast %reduce_max3A_46 : vector<2xf32> to vector<2x1x1xf32>
      %eq3A_48 = vector.broadcast %broadcast_in_dim3A_47 : vector<2x1x1xf32> to vector<2x16x128xf32>
      %eq3A_49 = arith.cmpf oeq, %min3A, %eq3A_48 : vector<2x16x128xf32>
      %jit3A_50 = arith.constant 2048 : i32
      %broadcast_in_dim3A_51 = vector.broadcast %jit3A_50 : i32 to vector<2x16x128xi32>
      %select_n3A_52 = arith.select %eq3A_49, %add3A, %broadcast_in_dim3A_51 : vector<2x16x128xi1>, vector<2x16x128xi32>
      %reduce_min3A = arith.constant dense<2147483647> : vector<2xi32>
      %reduce_min3A_53 = vector.multi_reduction <minsi>, %select_n3A_52, %reduce_min3A [1, 2] : vector<2x16x128xi32> to vector<2xi32>
      %broadcast_in_dim3A_54 = vector.shape_cast %reduce_min3A_53 : vector<2xi32> to vector<2x1x1xi32>
      scf.yield %min3A, %broadcast_in_dim3A_54 : vector<2x16x128xf32>, vector<2x1x1xi32>
    }
    %scan3A_14 = arith.constant 512 : i32
    return
  }
}

module attributes {stable_mosaic.version = 14 : i64} {
  func.func @_fps_kernel(%arg0: memref<2x3x4x128xf32, #tpu.memory_space<vmem>>, %arg1: memref<256x2xi32, #tpu.memory_space<vmem>>) attributes {dimension_semantics = [], scalar_prefetch = 0 : i64, scratch_operands = 0 : i64, tpu.core_type = #tpu.core_type<tc>} {
    %get3A = arith.constant 0 : index
    %get3A_0 = arith.constant 0 : index
    %get3A_1 = arith.constant 0 : index
    %get3A_2 = arith.constant 0 : index
    %get3A_3 = vector.load %arg0[%get3A, %get3A_0, %get3A_1, %get3A_2] : memref<2x3x4x128xf32, #tpu.memory_space<vmem>>, vector<2x3x4x128xf32>
    %iota3A = tpu.iota {dimensions = array<i32: 1>} : vector<2x4x128xi32>
    %mul3A = arith.constant 128 : i32
    %mul3A_4 = vector.broadcast %mul3A : i32 to vector<2x4x128xi32>
    %mul3A_5 = arith.muli %iota3A, %mul3A_4 : vector<2x4x128xi32>
    %iota3A_6 = tpu.iota {dimensions = array<i32: 2>} : vector<2x4x128xi32>
    %add3A = arith.addi %mul3A_5, %iota3A_6 : vector<2x4x128xi32>
    %broadcast_in_dim3A = arith.constant 1.000000e+10 : f32
    %broadcast_in_dim3A_7 = vector.broadcast %broadcast_in_dim3A : f32 to vector<2x4x128xf32>
    %broadcast_in_dim3A_8 = arith.constant 0 : i32
    %broadcast_in_dim3A_9 = vector.broadcast %broadcast_in_dim3A_8 : i32 to vector<2x1x1xi32>
    %scan3A = arith.constant 0 : i32
    %scan3A_10 = arith.constant 256 : i32
    %scan3A_11 = arith.addi %scan3A, %scan3A_10 : i32
    %scan3A_12 = arith.constant 1 : i32
    %scan3A_13:2 = scf.for %scan3A_15 = %scan3A to %scan3A_11 step %scan3A_12 iter_args(%scan3A_16 = %broadcast_in_dim3A_7, %scan3A_17 = %broadcast_in_dim3A_9) -> (vector<2x4x128xf32>, vector<2x1x1xi32>)  : i32 {
      %reshape3A = vector.shape_cast %scan3A_17 : vector<2x1x1xi32> to vector<1x2xi32>
      %swap3A = arith.index_cast %scan3A_15 : i32 to index
      %swap3A_18 = arith.constant 0 : index
      %swap3A_19 = vector.load %arg1[%swap3A, %swap3A_18] : memref<256x2xi32, #tpu.memory_space<vmem>>, vector<1x2xi32>
      tpu.vector_store %arg1[%swap3A, %swap3A_18], %reshape3A {strides = array<i32>} : memref<256x2xi32, #tpu.memory_space<vmem>>, vector<1x2xi32>,
      %eq3A = vector.broadcast %scan3A_17 : vector<2x1x1xi32> to vector<2x4x128xi32>
      %eq3A_20 = arith.cmpi eq, %add3A, %eq3A : vector<2x4x128xi32>
      %broadcast_in_dim3A_21 = vector.shape_cast %eq3A_20 : vector<2x4x128xi1> to vector<2x1x4x128xi1>
      %jit3A = arith.constant 0.000000e+00 : f32
      %broadcast_in_dim3A_22 = vector.shape_cast %broadcast_in_dim3A_21 : vector<2x1x4x128xi1> to vector<2x1x4x128xi1>
      %broadcast_in_dim3A_23 = vector.broadcast %broadcast_in_dim3A_22 : vector<2x1x4x128xi1> to vector<2x3x4x128xi1>
      %broadcast_in_dim3A_24 = vector.broadcast %jit3A : f32 to vector<2x3x4x128xf32>
      %select_n3A = arith.select %broadcast_in_dim3A_23, %get3A_3, %broadcast_in_dim3A_24 : vector<2x3x4x128xi1>, vector<2x3x4x128xf32>
      %reduce_sum3A = arith.constant dense<0.000000e+00> : vector<2x3xf32>
      %reduce_sum3A_25 = vector.multi_reduction <add>, %select_n3A, %reduce_sum3A [2, 3] : vector<2x3x4x128xf32> to vector<2x3xf32>
      %broadcast_in_dim3A_26 = vector.shape_cast %reduce_sum3A_25 : vector<2x3xf32> to vector<2x3x1x1xf32>
      %slice3A = vector.extract_strided_slice %get3A_3 {offsets = [0, 0, 0, 0], sizes = [2, 1, 4, 128], strides = [1, 1, 1, 1]} : vector<2x3x4x128xf32> to vector<2x1x4x128xf32>
      %squeeze3A = vector.shape_cast %slice3A : vector<2x1x4x128xf32> to vector<2x4x128xf32>
      %slice3A_27 = vector.extract_strided_slice %broadcast_in_dim3A_26 {offsets = [0, 0, 0, 0], sizes = [2, 1, 1, 1], strides = [1, 1, 1, 1]} : vector<2x3x1x1xf32> to vector<2x1x1x1xf32>
      %squeeze3A_28 = vector.shape_cast %slice3A_27 : vector<2x1x1x1xf32> to vector<2x1x1xf32>
      %sub3A = vector.broadcast %squeeze3A_28 : vector<2x1x1xf32> to vector<2x4x128xf32>
      %sub3A_29 = arith.subf %squeeze3A, %sub3A : vector<2x4x128xf32>
      %integer_pow3A = arith.mulf %sub3A_29, %sub3A_29 : vector<2x4x128xf32>
      %slice3A_30 = vector.extract_strided_slice %get3A_3 {offsets = [0, 1, 0, 0], sizes = [2, 1, 4, 128], strides = [1, 1, 1, 1]} : vector<2x3x4x128xf32> to vector<2x1x4x128xf32>
      %squeeze3A_31 = vector.shape_cast %slice3A_30 : vector<2x1x4x128xf32> to vector<2x4x128xf32>
      %slice3A_32 = vector.extract_strided_slice %broadcast_in_dim3A_26 {offsets = [0, 1, 0, 0], sizes = [2, 1, 1, 1], strides = [1, 1, 1, 1]} : vector<2x3x1x1xf32> to vector<2x1x1x1xf32>
      %squeeze3A_33 = vector.shape_cast %slice3A_32 : vector<2x1x1x1xf32> to vector<2x1x1xf32>
      %sub3A_34 = vector.broadcast %squeeze3A_33 : vector<2x1x1xf32> to vector<2x4x128xf32>
      %sub3A_35 = arith.subf %squeeze3A_31, %sub3A_34 : vector<2x4x128xf32>
      %integer_pow3A_36 = arith.mulf %sub3A_35, %sub3A_35 : vector<2x4x128xf32>
      %slice3A_37 = vector.extract_strided_slice %get3A_3 {offsets = [0, 2, 0, 0], sizes = [2, 1, 4, 128], strides = [1, 1, 1, 1]} : vector<2x3x4x128xf32> to vector<2x1x4x128xf32>
      %squeeze3A_38 = vector.shape_cast %slice3A_37 : vector<2x1x4x128xf32> to vector<2x4x128xf32>
      %slice3A_39 = vector.extract_strided_slice %broadcast_in_dim3A_26 {offsets = [0, 2, 0, 0], sizes = [2, 1, 1, 1], strides = [1, 1, 1, 1]} : vector<2x3x1x1xf32> to vector<2x1x1x1xf32>
      %squeeze3A_40 = vector.shape_cast %slice3A_39 : vector<2x1x1x1xf32> to vector<2x1x1xf32>
      %sub3A_41 = vector.broadcast %squeeze3A_40 : vector<2x1x1xf32> to vector<2x4x128xf32>
      %sub3A_42 = arith.subf %squeeze3A_38, %sub3A_41 : vector<2x4x128xf32>
      %integer_pow3A_43 = arith.mulf %sub3A_42, %sub3A_42 : vector<2x4x128xf32>
      %add3A_44 = arith.addf %integer_pow3A, %integer_pow3A_36 : vector<2x4x128xf32>
      %add3A_45 = arith.addf %add3A_44, %integer_pow3A_43 : vector<2x4x128xf32>
      %min3A = arith.minimumf %scan3A_16, %add3A_45 : vector<2x4x128xf32>
      %reduce_max3A = arith.constant dense<0xFF800000> : vector<2xf32>
      %reduce_max3A_46 = vector.multi_reduction <maximumf>, %min3A, %reduce_max3A [1, 2] : vector<2x4x128xf32> to vector<2xf32>
      %broadcast_in_dim3A_47 = vector.shape_cast %reduce_max3A_46 : vector<2xf32> to vector<2x1x1xf32>
      %eq3A_48 = vector.broadcast %broadcast_in_dim3A_47 : vector<2x1x1xf32> to vector<2x4x128xf32>
      %eq3A_49 = arith.cmpf oeq, %min3A, %eq3A_48 : vector<2x4x128xf32>
      %jit3A_50 = arith.constant 512 : i32
      %broadcast_in_dim3A_51 = vector.broadcast %jit3A_50 : i32 to vector<2x4x128xi32>
      %select_n3A_52 = arith.select %eq3A_49, %add3A, %broadcast_in_dim3A_51 : vector<2x4x128xi1>, vector<2x4x128xi32>
      %reduce_min3A = arith.constant dense<2147483647> : vector<2xi32>
      %reduce_min3A_53 = vector.multi_reduction <minsi>, %select_n3A_52, %reduce_min3A [1, 2] : vector<2x4x128xi32> to vector<2xi32>
      %broadcast_in_dim3A_54 = vector.shape_cast %reduce_min3A_53 : vector<2xi32> to vector<2x1x1xi32>
      scf.yield %min3A, %broadcast_in_dim3A_54 : vector<2x4x128xf32>, vector<2x1x1xi32>
    }
    %scan3A_14 = arith.constant 256 : i32
    return
  }
}

module attributes {stable_mosaic.version = 14 : i64} {
  func.func @_fps_kernel(%arg0: memref<2x3x2x128xf32, #tpu.memory_space<vmem>>, %arg1: memref<64x2xi32, #tpu.memory_space<vmem>>) attributes {dimension_semantics = [], scalar_prefetch = 0 : i64, scratch_operands = 0 : i64, tpu.core_type = #tpu.core_type<tc>} {
    %get3A = arith.constant 0 : index
    %get3A_0 = arith.constant 0 : index
    %get3A_1 = arith.constant 0 : index
    %get3A_2 = arith.constant 0 : index
    %get3A_3 = vector.load %arg0[%get3A, %get3A_0, %get3A_1, %get3A_2] : memref<2x3x2x128xf32, #tpu.memory_space<vmem>>, vector<2x3x2x128xf32>
    %iota3A = tpu.iota {dimensions = array<i32: 1>} : vector<2x2x128xi32>
    %mul3A = arith.constant 128 : i32
    %mul3A_4 = vector.broadcast %mul3A : i32 to vector<2x2x128xi32>
    %mul3A_5 = arith.muli %iota3A, %mul3A_4 : vector<2x2x128xi32>
    %iota3A_6 = tpu.iota {dimensions = array<i32: 2>} : vector<2x2x128xi32>
    %add3A = arith.addi %mul3A_5, %iota3A_6 : vector<2x2x128xi32>
    %broadcast_in_dim3A = arith.constant 1.000000e+10 : f32
    %broadcast_in_dim3A_7 = vector.broadcast %broadcast_in_dim3A : f32 to vector<2x2x128xf32>
    %broadcast_in_dim3A_8 = arith.constant 0 : i32
    %broadcast_in_dim3A_9 = vector.broadcast %broadcast_in_dim3A_8 : i32 to vector<2x1x1xi32>
    %scan3A = arith.constant 0 : i32
    %scan3A_10 = arith.constant 64 : i32
    %scan3A_11 = arith.addi %scan3A, %scan3A_10 : i32
    %scan3A_12 = arith.constant 1 : i32
    %scan3A_13:2 = scf.for %scan3A_15 = %scan3A to %scan3A_11 step %scan3A_12 iter_args(%scan3A_16 = %broadcast_in_dim3A_7, %scan3A_17 = %broadcast_in_dim3A_9) -> (vector<2x2x128xf32>, vector<2x1x1xi32>)  : i32 {
      %reshape3A = vector.shape_cast %scan3A_17 : vector<2x1x1xi32> to vector<1x2xi32>
      %swap3A = arith.index_cast %scan3A_15 : i32 to index
      %swap3A_18 = arith.constant 0 : index
      %swap3A_19 = vector.load %arg1[%swap3A, %swap3A_18] : memref<64x2xi32, #tpu.memory_space<vmem>>, vector<1x2xi32>
      tpu.vector_store %arg1[%swap3A, %swap3A_18], %reshape3A {strides = array<i32>} : memref<64x2xi32, #tpu.memory_space<vmem>>, vector<1x2xi32>,
      %eq3A = vector.broadcast %scan3A_17 : vector<2x1x1xi32> to vector<2x2x128xi32>
      %eq3A_20 = arith.cmpi eq, %add3A, %eq3A : vector<2x2x128xi32>
      %broadcast_in_dim3A_21 = vector.shape_cast %eq3A_20 : vector<2x2x128xi1> to vector<2x1x2x128xi1>
      %jit3A = arith.constant 0.000000e+00 : f32
      %broadcast_in_dim3A_22 = vector.shape_cast %broadcast_in_dim3A_21 : vector<2x1x2x128xi1> to vector<2x1x2x128xi1>
      %broadcast_in_dim3A_23 = vector.broadcast %broadcast_in_dim3A_22 : vector<2x1x2x128xi1> to vector<2x3x2x128xi1>
      %broadcast_in_dim3A_24 = vector.broadcast %jit3A : f32 to vector<2x3x2x128xf32>
      %select_n3A = arith.select %broadcast_in_dim3A_23, %get3A_3, %broadcast_in_dim3A_24 : vector<2x3x2x128xi1>, vector<2x3x2x128xf32>
      %reduce_sum3A = arith.constant dense<0.000000e+00> : vector<2x3xf32>
      %reduce_sum3A_25 = vector.multi_reduction <add>, %select_n3A, %reduce_sum3A [2, 3] : vector<2x3x2x128xf32> to vector<2x3xf32>
      %broadcast_in_dim3A_26 = vector.shape_cast %reduce_sum3A_25 : vector<2x3xf32> to vector<2x3x1x1xf32>
      %slice3A = vector.extract_strided_slice %get3A_3 {offsets = [0, 0, 0, 0], sizes = [2, 1, 2, 128], strides = [1, 1, 1, 1]} : vector<2x3x2x128xf32> to vector<2x1x2x128xf32>
      %squeeze3A = vector.shape_cast %slice3A : vector<2x1x2x128xf32> to vector<2x2x128xf32>
      %slice3A_27 = vector.extract_strided_slice %broadcast_in_dim3A_26 {offsets = [0, 0, 0, 0], sizes = [2, 1, 1, 1], strides = [1, 1, 1, 1]} : vector<2x3x1x1xf32> to vector<2x1x1x1xf32>
      %squeeze3A_28 = vector.shape_cast %slice3A_27 : vector<2x1x1x1xf32> to vector<2x1x1xf32>
      %sub3A = vector.broadcast %squeeze3A_28 : vector<2x1x1xf32> to vector<2x2x128xf32>
      %sub3A_29 = arith.subf %squeeze3A, %sub3A : vector<2x2x128xf32>
      %integer_pow3A = arith.mulf %sub3A_29, %sub3A_29 : vector<2x2x128xf32>
      %slice3A_30 = vector.extract_strided_slice %get3A_3 {offsets = [0, 1, 0, 0], sizes = [2, 1, 2, 128], strides = [1, 1, 1, 1]} : vector<2x3x2x128xf32> to vector<2x1x2x128xf32>
      %squeeze3A_31 = vector.shape_cast %slice3A_30 : vector<2x1x2x128xf32> to vector<2x2x128xf32>
      %slice3A_32 = vector.extract_strided_slice %broadcast_in_dim3A_26 {offsets = [0, 1, 0, 0], sizes = [2, 1, 1, 1], strides = [1, 1, 1, 1]} : vector<2x3x1x1xf32> to vector<2x1x1x1xf32>
      %squeeze3A_33 = vector.shape_cast %slice3A_32 : vector<2x1x1x1xf32> to vector<2x1x1xf32>
      %sub3A_34 = vector.broadcast %squeeze3A_33 : vector<2x1x1xf32> to vector<2x2x128xf32>
      %sub3A_35 = arith.subf %squeeze3A_31, %sub3A_34 : vector<2x2x128xf32>
      %integer_pow3A_36 = arith.mulf %sub3A_35, %sub3A_35 : vector<2x2x128xf32>
      %slice3A_37 = vector.extract_strided_slice %get3A_3 {offsets = [0, 2, 0, 0], sizes = [2, 1, 2, 128], strides = [1, 1, 1, 1]} : vector<2x3x2x128xf32> to vector<2x1x2x128xf32>
      %squeeze3A_38 = vector.shape_cast %slice3A_37 : vector<2x1x2x128xf32> to vector<2x2x128xf32>
      %slice3A_39 = vector.extract_strided_slice %broadcast_in_dim3A_26 {offsets = [0, 2, 0, 0], sizes = [2, 1, 1, 1], strides = [1, 1, 1, 1]} : vector<2x3x1x1xf32> to vector<2x1x1x1xf32>
      %squeeze3A_40 = vector.shape_cast %slice3A_39 : vector<2x1x1x1xf32> to vector<2x1x1xf32>
      %sub3A_41 = vector.broadcast %squeeze3A_40 : vector<2x1x1xf32> to vector<2x2x128xf32>
      %sub3A_42 = arith.subf %squeeze3A_38, %sub3A_41 : vector<2x2x128xf32>
      %integer_pow3A_43 = arith.mulf %sub3A_42, %sub3A_42 : vector<2x2x128xf32>
      %add3A_44 = arith.addf %integer_pow3A, %integer_pow3A_36 : vector<2x2x128xf32>
      %add3A_45 = arith.addf %add3A_44, %integer_pow3A_43 : vector<2x2x128xf32>
      %min3A = arith.minimumf %scan3A_16, %add3A_45 : vector<2x2x128xf32>
      %reduce_max3A = arith.constant dense<0xFF800000> : vector<2xf32>
      %reduce_max3A_46 = vector.multi_reduction <maximumf>, %min3A, %reduce_max3A [1, 2] : vector<2x2x128xf32> to vector<2xf32>
      %broadcast_in_dim3A_47 = vector.shape_cast %reduce_max3A_46 : vector<2xf32> to vector<2x1x1xf32>
      %eq3A_48 = vector.broadcast %broadcast_in_dim3A_47 : vector<2x1x1xf32> to vector<2x2x128xf32>
      %eq3A_49 = arith.cmpf oeq, %min3A, %eq3A_48 : vector<2x2x128xf32>
      %jit3A_50 = arith.constant 256 : i32
      %broadcast_in_dim3A_51 = vector.broadcast %jit3A_50 : i32 to vector<2x2x128xi32>
      %select_n3A_52 = arith.select %eq3A_49, %add3A, %broadcast_in_dim3A_51 : vector<2x2x128xi1>, vector<2x2x128xi32>
      %reduce_min3A = arith.constant dense<2147483647> : vector<2xi32>
      %reduce_min3A_53 = vector.multi_reduction <minsi>, %select_n3A_52, %reduce_min3A [1, 2] : vector<2x2x128xi32> to vector<2xi32>
      %broadcast_in_dim3A_54 = vector.shape_cast %reduce_min3A_53 : vector<2xi32> to vector<2x1x1xi32>
      scf.yield %min3A, %broadcast_in_dim3A_54 : vector<2x2x128xf32>, vector<2x1x1xi32>
    }
    %scan3A_14 = arith.constant 64 : i32
    return
  }
}

module attributes {stable_mosaic.version = 14 : i64} {
  func.func @_linear_leaky_kernel(%arg0: memref<16384x3xf32, #tpu.memory_space<vmem>>, %arg1: memref<3x32xf32, #tpu.memory_space<vmem>>, %arg2: memref<1x32xf32, #tpu.memory_space<vmem>>, %arg3: memref<16384x32xf32, #tpu.memory_space<vmem>>) attributes {dimension_semantics = [], scalar_prefetch = 0 : i64, scratch_operands = 0 : i64, tpu.core_type = #tpu.core_type<tc>} {
    %get3A = arith.constant 0 : index
    %get3A_0 = arith.constant 0 : index
    %get3A_1 = vector.load %arg0[%get3A, %get3A_0] : memref<16384x3xf32, #tpu.memory_space<vmem>>, vector<16384x3xf32>
    %get3A_2 = arith.constant 0 : index
    %get3A_3 = arith.constant 0 : index
    %get3A_4 = vector.load %arg1[%get3A_2, %get3A_3] : memref<3x32xf32, #tpu.memory_space<vmem>>, vector<3x32xf32>
    %dot_general3A = arith.constant dense<0.000000e+00> : vector<16384x32xf32>
    %dot_general3A_5 = tpu.matmul %get3A_1, %get3A_4, %dot_general3A {dimension_numbers = #tpu.dot_dimension_numbers<[1], [0], [0], [1], [0, 0, 1, 1], [], []>, transpose_lhs_hint = false} : vector<16384x3xf32>, vector<3x32xf32>, vector<16384x32xf32> -> vector<16384x32xf32>
    %get3A_6 = arith.constant 0 : index
    %get3A_7 = arith.constant 0 : index
    %get3A_8 = vector.load %arg2[%get3A_6, %get3A_7] : memref<1x32xf32, #tpu.memory_space<vmem>>, vector<1x32xf32>
    %add3A = vector.broadcast %get3A_8 : vector<1x32xf32> to vector<16384x32xf32>
    %add3A_9 = arith.addf %dot_general3A_5, %add3A : vector<16384x32xf32>
    %gt3A = arith.constant 0.000000e+00 : f32
    %gt3A_10 = vector.broadcast %gt3A : f32 to vector<16384x32xf32>
    %gt3A_11 = arith.cmpf ogt, %add3A_9, %gt3A_10 : vector<16384x32xf32>
    %mul3A = arith.constant 1.000000e-01 : f32
    %mul3A_12 = vector.broadcast %mul3A : f32 to vector<16384x32xf32>
    %mul3A_13 = arith.mulf %mul3A_12, %add3A_9 : vector<16384x32xf32>
    %select_n3A = arith.select %gt3A_11, %add3A_9, %mul3A_13 : vector<16384x32xi1>, vector<16384x32xf32>
    %swap3A = arith.constant 0 : index
    %swap3A_14 = arith.constant 0 : index
    %swap3A_15 = vector.load %arg3[%swap3A, %swap3A_14] : memref<16384x32xf32, #tpu.memory_space<vmem>>, vector<16384x32xf32>
    tpu.vector_store %arg3[%swap3A, %swap3A_14], %select_n3A {strides = array<i32>} : memref<16384x32xf32, #tpu.memory_space<vmem>>, vector<16384x32xf32>,
    return
  }
}

module attributes {stable_mosaic.version = 14 : i64} {
  func.func @_pcf_kernel(%arg0: i32, %arg1: i32, %arg2: memref<1x512x3xf32, #tpu.memory_space<vmem>>, %arg3: memref<1x3x8192xf32, #tpu.memory_space<vmem>>, %arg4: memref<1x8192x35xf32, #tpu.memory_space<vmem>>, %arg5: memref<3x8xf32, #tpu.memory_space<vmem>>, %arg6: memref<1x8xf32, #tpu.memory_space<vmem>>, %arg7: memref<8x8xf32, #tpu.memory_space<vmem>>, %arg8: memref<1x8xf32, #tpu.memory_space<vmem>>, %arg9: memref<8x8xf32, #tpu.memory_space<vmem>>, %arg10: memref<1x8xf32, #tpu.memory_space<vmem>>, %arg11: memref<8x35x32xf32, #tpu.memory_space<vmem>>, %arg12: memref<1x32xf32, #tpu.memory_space<vmem>>, %arg13: memref<1x1x512x32xf32, #tpu.memory_space<vmem>>, %arg14: memref<512x8192xf32, #tpu.memory_space<vmem>>, %arg15: memref<512x8x35xf32, #tpu.memory_space<vmem>>) attributes {dimension_semantics = [#tpu.dimension_semantics<arbitrary>, #tpu.dimension_semantics<arbitrary>], iteration_bounds = array<i64: 2, 16>, scalar_prefetch = 0 : i64, scratch_operands = 2 : i64, tpu.core_type = #tpu.core_type<tc>, window_params = [{transform_indices = @transform_0, window_bounds = array<i64: 1, 512, 3>}, {transform_indices = @transform_1, window_bounds = array<i64: 1, 3, 8192>}, {transform_indices = @transform_2, window_bounds = array<i64: 1, 8192, 35>}, {pipeline_mode = #tpu.pipeline_mode<synchronous>, transform_indices = @transform_3, window_bounds = array<i64: 3, 8>}, {pipeline_mode = #tpu.pipeline_mode<synchronous>, transform_indices = @transform_4, window_bounds = array<i64: 1, 8>}, {pipeline_mode = #tpu.pipeline_mode<synchronous>, transform_indices = @transform_5, window_bounds = array<i64: 8, 8>}, {pipeline_mode = #tpu.pipeline_mode<synchronous>, transform_indices = @transform_6, window_bounds = array<i64: 1, 8>}, {pipeline_mode = #tpu.pipeline_mode<synchronous>, transform_indices = @transform_7, window_bounds = array<i64: 8, 8>}, {pipeline_mode = #tpu.pipeline_mode<synchronous>, transform_indices = @transform_8, window_bounds = array<i64: 1, 8>}, {pipeline_mode = #tpu.pipeline_mode<synchronous>, transform_indices = @transform_9, window_bounds = array<i64: 8, 35, 32>}, {pipeline_mode = #tpu.pipeline_mode<synchronous>, transform_indices = @transform_10, window_bounds = array<i64: 1, 32>}, {transform_indices = @transform_11, window_bounds = array<i64: 1, 1, 512, 32>}]} {
    %get3A = arith.constant 0 : index
    %get3A_0 = arith.constant 0 : index
    %get3A_1 = arith.constant 0 : index
    %get3A_2 = vector.load %arg2[%get3A, %get3A_0, %get3A_1] : memref<1x512x3xf32, #tpu.memory_space<vmem>>, vector<1x512x3xf32>
    %get3A_3 = vector.shape_cast %get3A_2 : vector<1x512x3xf32> to vector<512x3xf32>
    %get3A_4 = arith.constant 0 : index
    %get3A_5 = arith.constant 0 : index
    %get3A_6 = arith.constant 0 : index
    %get3A_7 = vector.load %arg3[%get3A_4, %get3A_5, %get3A_6] : memref<1x3x8192xf32, #tpu.memory_space<vmem>>, vector<1x3x8192xf32>
    %get3A_8 = vector.shape_cast %get3A_7 : vector<1x3x8192xf32> to vector<3x8192xf32>
    %mul3A = arith.mulf %get3A_3, %get3A_3 : vector<512x3xf32>
    %reduce_sum3A = arith.constant dense<0.000000e+00> : vector<512xf32>
    %reduce_sum3A_9 = vector.multi_reduction <add>, %mul3A, %reduce_sum3A [1] : vector<512x3xf32> to vector<512xf32>
    %broadcast_in_dim3A = vector.shape_cast %reduce_sum3A_9 : vector<512xf32> to vector<512x1xf32>
    %mul3A_10 = arith.mulf %get3A_8, %get3A_8 : vector<3x8192xf32>
    %reduce_sum3A_11 = arith.constant dense<0.000000e+00> : vector<8192xf32>
    %reduce_sum3A_12 = vector.multi_reduction <add>, %mul3A_10, %reduce_sum3A_11 [0] : vector<3x8192xf32> to vector<8192xf32>
    %broadcast_in_dim3A_13 = vector.shape_cast %reduce_sum3A_12 : vector<8192xf32> to vector<1x8192xf32>
    %add3A = vector.broadcast %broadcast_in_dim3A : vector<512x1xf32> to vector<512x8192xf32>
    %add3A_14 = vector.broadcast %broadcast_in_dim3A_13 : vector<1x8192xf32> to vector<512x8192xf32>
    %add3A_15 = arith.addf %add3A, %add3A_14 : vector<512x8192xf32>
    %dot_general3A = arith.constant dense<0.000000e+00> : vector<512x8192xf32>
    %dot_general3A_16 = tpu.matmul %get3A_3, %get3A_8, %dot_general3A {dimension_numbers = #tpu.dot_dimension_numbers<[1], [0], [0], [1], [0, 0, 1, 1], [], []>, transpose_lhs_hint = false} : vector<512x3xf32>, vector<3x8192xf32>, vector<512x8192xf32> -> vector<512x8192xf32>
    %mul3A_17 = arith.constant 2.000000e+00 : f32
    %mul3A_18 = vector.broadcast %mul3A_17 : f32 to vector<512x8192xf32>
    %mul3A_19 = arith.mulf %mul3A_18, %dot_general3A_16 : vector<512x8192xf32>
    %sub3A = arith.subf %add3A_15, %mul3A_19 : vector<512x8192xf32>
    %swap3A = arith.constant 0 : index
    %swap3A_20 = arith.constant 0 : index
    %swap3A_21 = vector.load %arg14[%swap3A, %swap3A_20] : memref<512x8192xf32, #tpu.memory_space<vmem>>, vector<512x8192xf32>
    tpu.vector_store %arg14[%swap3A, %swap3A_20], %sub3A {strides = array<i32>} : memref<512x8192xf32, #tpu.memory_space<vmem>>, vector<512x8192xf32>,
    %broadcast_in_dim3A_22 = arith.constant 0.000000e+00 : f32
    %broadcast_in_dim3A_23 = vector.broadcast %broadcast_in_dim3A_22 : f32 to vector<512x8x35xf32>
    %swap3A_24 = arith.constant 0 : index
    %swap3A_25 = arith.constant 0 : index
    %swap3A_26 = arith.constant 0 : index
    %swap3A_27 = vector.load %arg15[%swap3A_24, %swap3A_25, %swap3A_26] : memref<512x8x35xf32, #tpu.memory_space<vmem>>, vector<512x8x35xf32>
    tpu.vector_store %arg15[%swap3A_24, %swap3A_25, %swap3A_26], %broadcast_in_dim3A_23 {strides = array<i32>} : memref<512x8x35xf32, #tpu.memory_space<vmem>>, vector<512x8x35xf32>,
    %iota3A = tpu.iota {dimensions = array<i32: 1>} : vector<512x8192xi32>
    %broadcast_in_dim3A_28 = arith.constant 0.000000e+00 : f32
    %broadcast_in_dim3A_29 = vector.broadcast %broadcast_in_dim3A_28 : f32 to vector<512x32xf32>
    %concatenate3A = tpu.concatenate %get3A_3, %broadcast_in_dim3A_29 in 1 : vector<512x3xf32>, vector<512x32xf32> -> vector<512x35xf32>
    %get3A_30 = arith.constant 0 : index
    %get3A_31 = arith.constant 0 : index
    %get3A_32 = vector.load %arg14[%get3A_30, %get3A_31] : memref<512x8192xf32, #tpu.memory_space<vmem>>, vector<512x8192xf32>
    %reduce_min3A = arith.constant dense<0x7F800000> : vector<512xf32>
    %reduce_min3A_33 = vector.multi_reduction <minimumf>, %get3A_32, %reduce_min3A [1] : vector<512x8192xf32> to vector<512xf32>
    %broadcast_in_dim3A_34 = vector.shape_cast %reduce_min3A_33 : vector<512xf32> to vector<512x1xf32>
    %scan3A = arith.constant 0 : i32
    %scan3A_35 = arith.constant 32 : i32
    %scan3A_36 = arith.addi %scan3A, %scan3A_35 : i32
    %scan3A_37 = arith.constant 1 : i32
    %scan3A_38 = scf.for %scan3A_162 = %scan3A to %scan3A_36 step %scan3A_37 iter_args(%scan3A_163 = %broadcast_in_dim3A_34) -> (vector<512x1xf32>)  : i32 {
      %get3A_164 = arith.constant 0 : index
      %get3A_165 = arith.constant 0 : index
      %get3A_166 = vector.load %arg14[%get3A_164, %get3A_165] : memref<512x8192xf32, #tpu.memory_space<vmem>>, vector<512x8192xf32>
      %eq3A = vector.broadcast %scan3A_163 : vector<512x1xf32> to vector<512x8192xf32>
      %eq3A_167 = arith.cmpf oeq, %get3A_166, %eq3A : vector<512x8192xf32>
      %jit3A = arith.constant 8192 : i32
      %broadcast_in_dim3A_168 = vector.broadcast %jit3A : i32 to vector<512x8192xi32>
      %select_n3A_169 = arith.select %eq3A_167, %iota3A, %broadcast_in_dim3A_168 : vector<512x8192xi1>, vector<512x8192xi32>
      %reduce_min3A_170 = arith.constant dense<2147483647> : vector<512xi32>
      %reduce_min3A_171 = vector.multi_reduction <minsi>, %select_n3A_169, %reduce_min3A_170 [1] : vector<512x8192xi32> to vector<512xi32>
      %broadcast_in_dim3A_172 = vector.shape_cast %reduce_min3A_171 : vector<512xi32> to vector<512x1xi32>
      %eq3A_173 = vector.broadcast %broadcast_in_dim3A_172 : vector<512x1xi32> to vector<512x8192xi32>
      %eq3A_174 = arith.cmpi eq, %iota3A, %eq3A_173 : vector<512x8192xi32>
      %jit3A_175 = arith.constant 3.000000e+38 : f32
      %broadcast_in_dim3A_176 = vector.broadcast %jit3A_175 : f32 to vector<512x8192xf32>
      %select_n3A_177 = arith.select %eq3A_174, %broadcast_in_dim3A_176, %get3A_166 : vector<512x8192xi1>, vector<512x8192xf32>
      %swap3A_178 = arith.constant 0 : index
      %swap3A_179 = arith.constant 0 : index
      %swap3A_180 = vector.load %arg14[%swap3A_178, %swap3A_179] : memref<512x8192xf32, #tpu.memory_space<vmem>>, vector<512x8192xf32>
      tpu.vector_store %arg14[%swap3A_178, %swap3A_179], %select_n3A_177 {strides = array<i32>} : memref<512x8192xf32, #tpu.memory_space<vmem>>, vector<512x8192xf32>,
      %reduce_min3A_181 = arith.constant dense<0x7F800000> : vector<512xf32>
      %reduce_min3A_182 = vector.multi_reduction <minimumf>, %select_n3A_177, %reduce_min3A_181 [1] : vector<512x8192xf32> to vector<512xf32>
      %broadcast_in_dim3A_183 = vector.shape_cast %reduce_min3A_182 : vector<512xf32> to vector<512x1xf32>
      %convert_element_type3A = arith.extui %eq3A_174 : vector<512x8192xi1> to vector<512x8192xi32>
      %convert_element_type3A_184 = arith.sitofp %convert_element_type3A : vector<512x8192xi32> to vector<512x8192xf32>
      %get3A_185 = arith.constant 0 : index
      %get3A_186 = arith.constant 0 : index
      %get3A_187 = arith.constant 0 : index
      %get3A_188 = vector.load %arg4[%get3A_185, %get3A_186, %get3A_187] : memref<1x8192x35xf32, #tpu.memory_space<vmem>>, vector<1x8192x35xf32>
      %get3A_189 = vector.shape_cast %get3A_188 : vector<1x8192x35xf32> to vector<8192x35xf32>
      %dot_general3A_190 = arith.constant dense<0.000000e+00> : vector<512x35xf32>
      %dot_general3A_191 = tpu.matmul %convert_element_type3A_184, %get3A_189, %dot_general3A_190 {dimension_numbers = #tpu.dot_dimension_numbers<[1], [0], [0], [1], [0, 0, 1, 1], [], []>, transpose_lhs_hint = false} : vector<512x8192xf32>, vector<8192x35xf32>, vector<512x35xf32> -> vector<512x35xf32>
      %sub3A_192 = arith.subf %dot_general3A_191, %concatenate3A : vector<512x35xf32>
      %slice3A = vector.extract_strided_slice %sub3A_192 {offsets = [0, 0], sizes = [512, 3], strides = [1, 1]} : vector<512x35xf32> to vector<512x3xf32>
      %get3A_193 = arith.constant 0 : index
      %get3A_194 = arith.constant 0 : index
      %get3A_195 = vector.load %arg5[%get3A_193, %get3A_194] : memref<3x8xf32, #tpu.memory_space<vmem>>, vector<3x8xf32>
      %dot_general3A_196 = arith.constant dense<0.000000e+00> : vector<512x8xf32>
      %dot_general3A_197 = tpu.matmul %slice3A, %get3A_195, %dot_general3A_196 {dimension_numbers = #tpu.dot_dimension_numbers<[1], [0], [0], [1], [0, 0, 1, 1], [], []>, transpose_lhs_hint = false} : vector<512x3xf32>, vector<3x8xf32>, vector<512x8xf32> -> vector<512x8xf32>
      %get3A_198 = arith.constant 0 : index
      %get3A_199 = arith.constant 0 : index
      %get3A_200 = vector.load %arg6[%get3A_198, %get3A_199] : memref<1x8xf32, #tpu.memory_space<vmem>>, vector<1x8xf32>
      %add3A_201 = vector.broadcast %get3A_200 : vector<1x8xf32> to vector<512x8xf32>
      %add3A_202 = arith.addf %dot_general3A_197, %add3A_201 : vector<512x8xf32>
      %max3A = arith.constant 0.000000e+00 : f32
      %max3A_203 = vector.broadcast %max3A : f32 to vector<512x8xf32>
      %max3A_204 = arith.maximumf %add3A_202, %max3A_203 : vector<512x8xf32>
      %get3A_205 = arith.constant 0 : index
      %get3A_206 = arith.constant 0 : index
      %get3A_207 = vector.load %arg7[%get3A_205, %get3A_206] : memref<8x8xf32, #tpu.memory_space<vmem>>, vector<8x8xf32>
      %dot_general3A_208 = arith.constant dense<0.000000e+00> : vector<512x8xf32>
      %dot_general3A_209 = tpu.matmul %max3A_204, %get3A_207, %dot_general3A_208 {dimension_numbers = #tpu.dot_dimension_numbers<[1], [0], [0], [1], [0, 0, 1, 1], [], []>, transpose_lhs_hint = false} : vector<512x8xf32>, vector<8x8xf32>, vector<512x8xf32> -> vector<512x8xf32>
      %get3A_210 = arith.constant 0 : index
      %get3A_211 = arith.constant 0 : index
      %get3A_212 = vector.load %arg8[%get3A_210, %get3A_211] : memref<1x8xf32, #tpu.memory_space<vmem>>, vector<1x8xf32>
      %add3A_213 = vector.broadcast %get3A_212 : vector<1x8xf32> to vector<512x8xf32>
      %add3A_214 = arith.addf %dot_general3A_209, %add3A_213 : vector<512x8xf32>
      %max3A_215 = arith.constant 0.000000e+00 : f32
      %max3A_216 = vector.broadcast %max3A_215 : f32 to vector<512x8xf32>
      %max3A_217 = arith.maximumf %add3A_214, %max3A_216 : vector<512x8xf32>
      %get3A_218 = arith.constant 0 : index
      %get3A_219 = arith.constant 0 : index
      %get3A_220 = vector.load %arg9[%get3A_218, %get3A_219] : memref<8x8xf32, #tpu.memory_space<vmem>>, vector<8x8xf32>
      %dot_general3A_221 = arith.constant dense<0.000000e+00> : vector<512x8xf32>
      %dot_general3A_222 = tpu.matmul %max3A_217, %get3A_220, %dot_general3A_221 {dimension_numbers = #tpu.dot_dimension_numbers<[1], [0], [0], [1], [0, 0, 1, 1], [], []>, transpose_lhs_hint = false} : vector<512x8xf32>, vector<8x8xf32>, vector<512x8xf32> -> vector<512x8xf32>
      %get3A_223 = arith.constant 0 : index
      %get3A_224 = arith.constant 0 : index
      %get3A_225 = vector.load %arg10[%get3A_223, %get3A_224] : memref<1x8xf32, #tpu.memory_space<vmem>>, vector<1x8xf32>
      %add3A_226 = vector.broadcast %get3A_225 : vector<1x8xf32> to vector<512x8xf32>
      %add3A_227 = arith.addf %dot_general3A_222, %add3A_226 : vector<512x8xf32>
      %max3A_228 = arith.constant 0.000000e+00 : f32
      %max3A_229 = vector.broadcast %max3A_228 : f32 to vector<512x8xf32>
      %max3A_230 = arith.maximumf %add3A_227, %max3A_229 : vector<512x8xf32>
      %get3A_231 = arith.constant 0 : index
      %get3A_232 = arith.constant 0 : index
      %get3A_233 = arith.constant 0 : index
      %get3A_234 = vector.load %arg15[%get3A_231, %get3A_232, %get3A_233] : memref<512x8x35xf32, #tpu.memory_space<vmem>>, vector<512x8x35xf32>
      %broadcast_in_dim3A_235 = vector.shape_cast %max3A_230 : vector<512x8xf32> to vector<512x8x1xf32>
      %broadcast_in_dim3A_236 = vector.shape_cast %sub3A_192 : vector<512x35xf32> to vector<512x1x35xf32>
      %mul3A_237 = vector.broadcast %broadcast_in_dim3A_235 : vector<512x8x1xf32> to vector<512x8x35xf32>
      %mul3A_238 = vector.broadcast %broadcast_in_dim3A_236 : vector<512x1x35xf32> to vector<512x8x35xf32>
      %mul3A_239 = arith.mulf %mul3A_237, %mul3A_238 : vector<512x8x35xf32>
      %add3A_240 = arith.addf %get3A_234, %mul3A_239 : vector<512x8x35xf32>
      %swap3A_241 = arith.constant 0 : index
      %swap3A_242 = arith.constant 0 : index
      %swap3A_243 = arith.constant 0 : index
      %swap3A_244 = vector.load %arg15[%swap3A_241, %swap3A_242, %swap3A_243] : memref<512x8x35xf32, #tpu.memory_space<vmem>>, vector<512x8x35xf32>
      tpu.vector_store %arg15[%swap3A_241, %swap3A_242, %swap3A_243], %add3A_240 {strides = array<i32>} : memref<512x8x35xf32, #tpu.memory_space<vmem>>, vector<512x8x35xf32>,
      scf.yield %broadcast_in_dim3A_183 : vector<512x1xf32>
    }
    %broadcast_in_dim3A_39 = arith.constant 0.000000e+00 : f32
    %broadcast_in_dim3A_40 = vector.broadcast %broadcast_in_dim3A_39 : f32 to vector<512x32xf32>
    %get3A_41 = arith.constant 0 : index
    %get3A_42 = arith.constant 0 : index
    %get3A_43 = arith.constant 0 : index
    %get3A_44 = vector.load %arg15[%get3A_41, %get3A_42, %get3A_43] : memref<512x8x35xf32, #tpu.memory_space<vmem>>, vector<512x1x35xf32>
    %get3A_45 = vector.shape_cast %get3A_44 : vector<512x1x35xf32> to vector<512x35xf32>
    %get3A_46 = arith.constant 0 : index
    %get3A_47 = arith.constant 0 : index
    %get3A_48 = arith.constant 0 : index
    %get3A_49 = vector.load %arg11[%get3A_46, %get3A_47, %get3A_48] : memref<8x35x32xf32, #tpu.memory_space<vmem>>, vector<1x35x32xf32>
    %get3A_50 = vector.shape_cast %get3A_49 : vector<1x35x32xf32> to vector<35x32xf32>
    %dot_general3A_51 = arith.constant dense<0.000000e+00> : vector<512x32xf32>
    %dot_general3A_52 = tpu.matmul %get3A_45, %get3A_50, %dot_general3A_51 {dimension_numbers = #tpu.dot_dimension_numbers<[1], [0], [0], [1], [0, 0, 1, 1], [], []>, transpose_lhs_hint = false} : vector<512x35xf32>, vector<35x32xf32>, vector<512x32xf32> -> vector<512x32xf32>
    %add3A_53 = arith.addf %broadcast_in_dim3A_40, %dot_general3A_52 : vector<512x32xf32>
    %get3A_54 = arith.constant 0 : index
    %get3A_55 = arith.constant 1 : index
    %get3A_56 = arith.constant 0 : index
    %get3A_57 = vector.load %arg15[%get3A_54, %get3A_55, %get3A_56] : memref<512x8x35xf32, #tpu.memory_space<vmem>>, vector<512x1x35xf32>
    %get3A_58 = vector.shape_cast %get3A_57 : vector<512x1x35xf32> to vector<512x35xf32>
    %get3A_59 = arith.constant 1 : index
    %get3A_60 = arith.constant 0 : index
    %get3A_61 = arith.constant 0 : index
    %get3A_62 = vector.load %arg11[%get3A_59, %get3A_60, %get3A_61] : memref<8x35x32xf32, #tpu.memory_space<vmem>>, vector<1x35x32xf32>
    %get3A_63 = vector.shape_cast %get3A_62 : vector<1x35x32xf32> to vector<35x32xf32>
    %dot_general3A_64 = arith.constant dense<0.000000e+00> : vector<512x32xf32>
    %dot_general3A_65 = tpu.matmul %get3A_58, %get3A_63, %dot_general3A_64 {dimension_numbers = #tpu.dot_dimension_numbers<[1], [0], [0], [1], [0, 0, 1, 1], [], []>, transpose_lhs_hint = false} : vector<512x35xf32>, vector<35x32xf32>, vector<512x32xf32> -> vector<512x32xf32>
    %add3A_66 = arith.addf %add3A_53, %dot_general3A_65 : vector<512x32xf32>
    %get3A_67 = arith.constant 0 : index
    %get3A_68 = arith.constant 2 : index
    %get3A_69 = arith.constant 0 : index
    %get3A_70 = vector.load %arg15[%get3A_67, %get3A_68, %get3A_69] : memref<512x8x35xf32, #tpu.memory_space<vmem>>, vector<512x1x35xf32>
    %get3A_71 = vector.shape_cast %get3A_70 : vector<512x1x35xf32> to vector<512x35xf32>
    %get3A_72 = arith.constant 2 : index
    %get3A_73 = arith.constant 0 : index
    %get3A_74 = arith.constant 0 : index
    %get3A_75 = vector.load %arg11[%get3A_72, %get3A_73, %get3A_74] : memref<8x35x32xf32, #tpu.memory_space<vmem>>, vector<1x35x32xf32>
    %get3A_76 = vector.shape_cast %get3A_75 : vector<1x35x32xf32> to vector<35x32xf32>
    %dot_general3A_77 = arith.constant dense<0.000000e+00> : vector<512x32xf32>
    %dot_general3A_78 = tpu.matmul %get3A_71, %get3A_76, %dot_general3A_77 {dimension_numbers = #tpu.dot_dimension_numbers<[1], [0], [0], [1], [0, 0, 1, 1], [], []>, transpose_lhs_hint = false} : vector<512x35xf32>, vector<35x32xf32>, vector<512x32xf32> -> vector<512x32xf32>
    %add3A_79 = arith.addf %add3A_66, %dot_general3A_78 : vector<512x32xf32>
    %get3A_80 = arith.constant 0 : index
    %get3A_81 = arith.constant 3 : index
    %get3A_82 = arith.constant 0 : index
    %get3A_83 = vector.load %arg15[%get3A_80, %get3A_81, %get3A_82] : memref<512x8x35xf32, #tpu.memory_space<vmem>>, vector<512x1x35xf32>
    %get3A_84 = vector.shape_cast %get3A_83 : vector<512x1x35xf32> to vector<512x35xf32>
    %get3A_85 = arith.constant 3 : index
    %get3A_86 = arith.constant 0 : index
    %get3A_87 = arith.constant 0 : index
    %get3A_88 = vector.load %arg11[%get3A_85, %get3A_86, %get3A_87] : memref<8x35x32xf32, #tpu.memory_space<vmem>>, vector<1x35x32xf32>
    %get3A_89 = vector.shape_cast %get3A_88 : vector<1x35x32xf32> to vector<35x32xf32>
    %dot_general3A_90 = arith.constant dense<0.000000e+00> : vector<512x32xf32>
    %dot_general3A_91 = tpu.matmul %get3A_84, %get3A_89, %dot_general3A_90 {dimension_numbers = #tpu.dot_dimension_numbers<[1], [0], [0], [1], [0, 0, 1, 1], [], []>, transpose_lhs_hint = false} : vector<512x35xf32>, vector<35x32xf32>, vector<512x32xf32> -> vector<512x32xf32>
    %add3A_92 = arith.addf %add3A_79, %dot_general3A_91 : vector<512x32xf32>
    %get3A_93 = arith.constant 0 : index
    %get3A_94 = arith.constant 4 : index
    %get3A_95 = arith.constant 0 : index
    %get3A_96 = vector.load %arg15[%get3A_93, %get3A_94, %get3A_95] : memref<512x8x35xf32, #tpu.memory_space<vmem>>, vector<512x1x35xf32>
    %get3A_97 = vector.shape_cast %get3A_96 : vector<512x1x35xf32> to vector<512x35xf32>
    %get3A_98 = arith.constant 4 : index
    %get3A_99 = arith.constant 0 : index
    %get3A_100 = arith.constant 0 : index
    %get3A_101 = vector.load %arg11[%get3A_98, %get3A_99, %get3A_100] : memref<8x35x32xf32, #tpu.memory_space<vmem>>, vector<1x35x32xf32>
    %get3A_102 = vector.shape_cast %get3A_101 : vector<1x35x32xf32> to vector<35x32xf32>
    %dot_general3A_103 = arith.constant dense<0.000000e+00> : vector<512x32xf32>
    %dot_general3A_104 = tpu.matmul %get3A_97, %get3A_102, %dot_general3A_103 {dimension_numbers = #tpu.dot_dimension_numbers<[1], [0], [0], [1], [0, 0, 1, 1], [], []>, transpose_lhs_hint = false} : vector<512x35xf32>, vector<35x32xf32>, vector<512x32xf32> -> vector<512x32xf32>
    %add3A_105 = arith.addf %add3A_92, %dot_general3A_104 : vector<512x32xf32>
    %get3A_106 = arith.constant 0 : index
    %get3A_107 = arith.constant 5 : index
    %get3A_108 = arith.constant 0 : index
    %get3A_109 = vector.load %arg15[%get3A_106, %get3A_107, %get3A_108] : memref<512x8x35xf32, #tpu.memory_space<vmem>>, vector<512x1x35xf32>
    %get3A_110 = vector.shape_cast %get3A_109 : vector<512x1x35xf32> to vector<512x35xf32>
    %get3A_111 = arith.constant 5 : index
    %get3A_112 = arith.constant 0 : index
    %get3A_113 = arith.constant 0 : index
    %get3A_114 = vector.load %arg11[%get3A_111, %get3A_112, %get3A_113] : memref<8x35x32xf32, #tpu.memory_space<vmem>>, vector<1x35x32xf32>
    %get3A_115 = vector.shape_cast %get3A_114 : vector<1x35x32xf32> to vector<35x32xf32>
    %dot_general3A_116 = arith.constant dense<0.000000e+00> : vector<512x32xf32>
    %dot_general3A_117 = tpu.matmul %get3A_110, %get3A_115, %dot_general3A_116 {dimension_numbers = #tpu.dot_dimension_numbers<[1], [0], [0], [1], [0, 0, 1, 1], [], []>, transpose_lhs_hint = false} : vector<512x35xf32>, vector<35x32xf32>, vector<512x32xf32> -> vector<512x32xf32>
    %add3A_118 = arith.addf %add3A_105, %dot_general3A_117 : vector<512x32xf32>
    %get3A_119 = arith.constant 0 : index
    %get3A_120 = arith.constant 6 : index
    %get3A_121 = arith.constant 0 : index
    %get3A_122 = vector.load %arg15[%get3A_119, %get3A_120, %get3A_121] : memref<512x8x35xf32, #tpu.memory_space<vmem>>, vector<512x1x35xf32>
    %get3A_123 = vector.shape_cast %get3A_122 : vector<512x1x35xf32> to vector<512x35xf32>
    %get3A_124 = arith.constant 6 : index
    %get3A_125 = arith.constant 0 : index
    %get3A_126 = arith.constant 0 : index
    %get3A_127 = vector.load %arg11[%get3A_124, %get3A_125, %get3A_126] : memref<8x35x32xf32, #tpu.memory_space<vmem>>, vector<1x35x32xf32>
    %get3A_128 = vector.shape_cast %get3A_127 : vector<1x35x32xf32> to vector<35x32xf32>
    %dot_general3A_129 = arith.constant dense<0.000000e+00> : vector<512x32xf32>
    %dot_general3A_130 = tpu.matmul %get3A_123, %get3A_128, %dot_general3A_129 {dimension_numbers = #tpu.dot_dimension_numbers<[1], [0], [0], [1], [0, 0, 1, 1], [], []>, transpose_lhs_hint = false} : vector<512x35xf32>, vector<35x32xf32>, vector<512x32xf32> -> vector<512x32xf32>
    %add3A_131 = arith.addf %add3A_118, %dot_general3A_130 : vector<512x32xf32>
    %get3A_132 = arith.constant 0 : index
    %get3A_133 = arith.constant 7 : index
    %get3A_134 = arith.constant 0 : index
    %get3A_135 = vector.load %arg15[%get3A_132, %get3A_133, %get3A_134] : memref<512x8x35xf32, #tpu.memory_space<vmem>>, vector<512x1x35xf32>
    %get3A_136 = vector.shape_cast %get3A_135 : vector<512x1x35xf32> to vector<512x35xf32>
    %get3A_137 = arith.constant 7 : index
    %get3A_138 = arith.constant 0 : index
    %get3A_139 = arith.constant 0 : index
    %get3A_140 = vector.load %arg11[%get3A_137, %get3A_138, %get3A_139] : memref<8x35x32xf32, #tpu.memory_space<vmem>>, vector<1x35x32xf32>
    %get3A_141 = vector.shape_cast %get3A_140 : vector<1x35x32xf32> to vector<35x32xf32>
    %dot_general3A_142 = arith.constant dense<0.000000e+00> : vector<512x32xf32>
    %dot_general3A_143 = tpu.matmul %get3A_136, %get3A_141, %dot_general3A_142 {dimension_numbers = #tpu.dot_dimension_numbers<[1], [0], [0], [1], [0, 0, 1, 1], [], []>, transpose_lhs_hint = false} : vector<512x35xf32>, vector<35x32xf32>, vector<512x32xf32> -> vector<512x32xf32>
    %add3A_144 = arith.addf %add3A_131, %dot_general3A_143 : vector<512x32xf32>
    %get3A_145 = arith.constant 0 : index
    %get3A_146 = arith.constant 0 : index
    %get3A_147 = vector.load %arg12[%get3A_145, %get3A_146] : memref<1x32xf32, #tpu.memory_space<vmem>>, vector<1x32xf32>
    %add3A_148 = vector.broadcast %get3A_147 : vector<1x32xf32> to vector<512x32xf32>
    %add3A_149 = arith.addf %add3A_144, %add3A_148 : vector<512x32xf32>
    %gt3A = arith.constant 0.000000e+00 : f32
    %gt3A_150 = vector.broadcast %gt3A : f32 to vector<512x32xf32>
    %gt3A_151 = arith.cmpf ogt, %add3A_149, %gt3A_150 : vector<512x32xf32>
    %mul3A_152 = arith.constant 1.000000e-01 : f32
    %mul3A_153 = vector.broadcast %mul3A_152 : f32 to vector<512x32xf32>
    %mul3A_154 = arith.mulf %mul3A_153, %add3A_149 : vector<512x32xf32>
    %select_n3A = arith.select %gt3A_151, %add3A_149, %mul3A_154 : vector<512x32xi1>, vector<512x32xf32>
    %swap3A_155 = arith.constant 0 : index
    %swap3A_156 = arith.constant 0 : index
    %swap3A_157 = arith.constant 0 : index
    %swap3A_158 = arith.constant 0 : index
    %swap3A_159 = vector.load %arg13[%swap3A_155, %swap3A_156, %swap3A_157, %swap3A_158] : memref<1x1x512x32xf32, #tpu.memory_space<vmem>>, vector<1x1x512x32xf32>
    %swap3A_160 = vector.shape_cast %swap3A_159 : vector<1x1x512x32xf32> to vector<512x32xf32>
    %swap3A_161 = vector.shape_cast %select_n3A : vector<512x32xf32> to vector<1x1x512x32xf32>
    tpu.vector_store %arg13[%swap3A_155, %swap3A_156, %swap3A_157, %swap3A_158], %swap3A_161 {strides = array<i32>} : memref<1x1x512x32xf32, #tpu.memory_space<vmem>>, vector<1x1x512x32xf32>,
    return
  }
  func.func @transform_0(%arg0: i32, %arg1: i32) -> (i32, i32, i32) {
    %c0_i32 = arith.constant 0 : i32
    %c0_i32_0 = arith.constant 0 : i32
    return %arg0, %arg1, %c0_i32 : i32, i32, i32
  }
  func.func @transform_1(%arg0: i32, %arg1: i32) -> (i32, i32, i32) {
    %c0_i32 = arith.constant 0 : i32
    %c0_i32_0 = arith.constant 0 : i32
    %c0_i32_1 = arith.constant 0 : i32
    return %arg0, %c0_i32, %c0_i32_0 : i32, i32, i32
  }
  func.func @transform_2(%arg0: i32, %arg1: i32) -> (i32, i32, i32) {
    %c0_i32 = arith.constant 0 : i32
    %c0_i32_0 = arith.constant 0 : i32
    %c0_i32_1 = arith.constant 0 : i32
    return %arg0, %c0_i32, %c0_i32_0 : i32, i32, i32
  }
  func.func @transform_3(%arg0: i32, %arg1: i32) -> (i32, i32) {
    %c0_i32 = arith.constant 0 : i32
    %c0_i32_0 = arith.constant 0 : i32
    %c0_i32_1 = arith.constant 0 : i32
    return %c0_i32, %c0_i32_0 : i32, i32
  }
  func.func @transform_4(%arg0: i32, %arg1: i32) -> (i32, i32) {
    %c0_i32 = arith.constant 0 : i32
    %c0_i32_0 = arith.constant 0 : i32
    %c0_i32_1 = arith.constant 0 : i32
    return %c0_i32, %c0_i32_0 : i32, i32
  }
  func.func @transform_5(%arg0: i32, %arg1: i32) -> (i32, i32) {
    %c0_i32 = arith.constant 0 : i32
    %c0_i32_0 = arith.constant 0 : i32
    %c0_i32_1 = arith.constant 0 : i32
    return %c0_i32, %c0_i32_0 : i32, i32
  }
  func.func @transform_6(%arg0: i32, %arg1: i32) -> (i32, i32) {
    %c0_i32 = arith.constant 0 : i32
    %c0_i32_0 = arith.constant 0 : i32
    %c0_i32_1 = arith.constant 0 : i32
    return %c0_i32, %c0_i32_0 : i32, i32
  }
  func.func @transform_7(%arg0: i32, %arg1: i32) -> (i32, i32) {
    %c0_i32 = arith.constant 0 : i32
    %c0_i32_0 = arith.constant 0 : i32
    %c0_i32_1 = arith.constant 0 : i32
    return %c0_i32, %c0_i32_0 : i32, i32
  }
  func.func @transform_8(%arg0: i32, %arg1: i32) -> (i32, i32) {
    %c0_i32 = arith.constant 0 : i32
    %c0_i32_0 = arith.constant 0 : i32
    %c0_i32_1 = arith.constant 0 : i32
    return %c0_i32, %c0_i32_0 : i32, i32
  }
  func.func @transform_9(%arg0: i32, %arg1: i32) -> (i32, i32, i32) {
    %c0_i32 = arith.constant 0 : i32
    %c0_i32_0 = arith.constant 0 : i32
    %c0_i32_1 = arith.constant 0 : i32
    %c0_i32_2 = arith.constant 0 : i32
    return %c0_i32, %c0_i32_0, %c0_i32_1 : i32, i32, i32
  }
  func.func @transform_10(%arg0: i32, %arg1: i32) -> (i32, i32) {
    %c0_i32 = arith.constant 0 : i32
    %c0_i32_0 = arith.constant 0 : i32
    %c0_i32_1 = arith.constant 0 : i32
    return %c0_i32, %c0_i32_0 : i32, i32
  }
  func.func @transform_11(%arg0: i32, %arg1: i32) -> (i32, i32, i32, i32) {
    %c0_i32 = arith.constant 0 : i32
    %c0_i32_0 = arith.constant 0 : i32
    %c0_i32_1 = arith.constant 0 : i32
    return %arg0, %arg1, %c0_i32, %c0_i32_0 : i32, i32, i32, i32
  }
}

module attributes {stable_mosaic.version = 14 : i64} {
  func.func @_linear_leaky_kernel(%arg0: memref<16384x32xf32, #tpu.memory_space<vmem>>, %arg1: memref<32x64xf32, #tpu.memory_space<vmem>>, %arg2: memref<1x64xf32, #tpu.memory_space<vmem>>, %arg3: memref<16384x64xf32, #tpu.memory_space<vmem>>) attributes {dimension_semantics = [], scalar_prefetch = 0 : i64, scratch_operands = 0 : i64, tpu.core_type = #tpu.core_type<tc>} {
    %get3A = arith.constant 0 : index
    %get3A_0 = arith.constant 0 : index
    %get3A_1 = vector.load %arg0[%get3A, %get3A_0] : memref<16384x32xf32, #tpu.memory_space<vmem>>, vector<16384x32xf32>
    %get3A_2 = arith.constant 0 : index
    %get3A_3 = arith.constant 0 : index
    %get3A_4 = vector.load %arg1[%get3A_2, %get3A_3] : memref<32x64xf32, #tpu.memory_space<vmem>>, vector<32x64xf32>
    %dot_general3A = arith.constant dense<0.000000e+00> : vector<16384x64xf32>
    %dot_general3A_5 = tpu.matmul %get3A_1, %get3A_4, %dot_general3A {dimension_numbers = #tpu.dot_dimension_numbers<[1], [0], [0], [1], [0, 0, 1, 1], [], []>, transpose_lhs_hint = false} : vector<16384x32xf32>, vector<32x64xf32>, vector<16384x64xf32> -> vector<16384x64xf32>
    %get3A_6 = arith.constant 0 : index
    %get3A_7 = arith.constant 0 : index
    %get3A_8 = vector.load %arg2[%get3A_6, %get3A_7] : memref<1x64xf32, #tpu.memory_space<vmem>>, vector<1x64xf32>
    %add3A = vector.broadcast %get3A_8 : vector<1x64xf32> to vector<16384x64xf32>
    %add3A_9 = arith.addf %dot_general3A_5, %add3A : vector<16384x64xf32>
    %gt3A = arith.constant 0.000000e+00 : f32
    %gt3A_10 = vector.broadcast %gt3A : f32 to vector<16384x64xf32>
    %gt3A_11 = arith.cmpf ogt, %add3A_9, %gt3A_10 : vector<16384x64xf32>
    %mul3A = arith.constant 1.000000e-01 : f32
    %mul3A_12 = vector.broadcast %mul3A : f32 to vector<16384x64xf32>
    %mul3A_13 = arith.mulf %mul3A_12, %add3A_9 : vector<16384x64xf32>
    %select_n3A = arith.select %gt3A_11, %add3A_9, %mul3A_13 : vector<16384x64xi1>, vector<16384x64xf32>
    %swap3A = arith.constant 0 : index
    %swap3A_14 = arith.constant 0 : index
    %swap3A_15 = vector.load %arg3[%swap3A, %swap3A_14] : memref<16384x64xf32, #tpu.memory_space<vmem>>, vector<16384x64xf32>
    tpu.vector_store %arg3[%swap3A, %swap3A_14], %select_n3A {strides = array<i32>} : memref<16384x64xf32, #tpu.memory_space<vmem>>, vector<16384x64xf32>,
    return
  }
}

module attributes {stable_mosaic.version = 14 : i64} {
  func.func @_pcf_kernel(%arg0: i32, %arg1: i32, %arg2: memref<1x512x3xf32, #tpu.memory_space<vmem>>, %arg3: memref<1x3x8192xf32, #tpu.memory_space<vmem>>, %arg4: memref<1x8192x67xf32, #tpu.memory_space<vmem>>, %arg5: memref<3x8xf32, #tpu.memory_space<vmem>>, %arg6: memref<1x8xf32, #tpu.memory_space<vmem>>, %arg7: memref<8x8xf32, #tpu.memory_space<vmem>>, %arg8: memref<1x8xf32, #tpu.memory_space<vmem>>, %arg9: memref<8x8xf32, #tpu.memory_space<vmem>>, %arg10: memref<1x8xf32, #tpu.memory_space<vmem>>, %arg11: memref<8x67x64xf32, #tpu.memory_space<vmem>>, %arg12: memref<1x64xf32, #tpu.memory_space<vmem>>, %arg13: memref<1x1x512x64xf32, #tpu.memory_space<vmem>>, %arg14: memref<512x8192xf32, #tpu.memory_space<vmem>>, %arg15: memref<512x8x67xf32, #tpu.memory_space<vmem>>) attributes {dimension_semantics = [#tpu.dimension_semantics<arbitrary>, #tpu.dimension_semantics<arbitrary>], iteration_bounds = array<i64: 2, 4>, scalar_prefetch = 0 : i64, scratch_operands = 2 : i64, tpu.core_type = #tpu.core_type<tc>, window_params = [{transform_indices = @transform_0, window_bounds = array<i64: 1, 512, 3>}, {transform_indices = @transform_1, window_bounds = array<i64: 1, 3, 8192>}, {transform_indices = @transform_2, window_bounds = array<i64: 1, 8192, 67>}, {pipeline_mode = #tpu.pipeline_mode<synchronous>, transform_indices = @transform_3, window_bounds = array<i64: 3, 8>}, {pipeline_mode = #tpu.pipeline_mode<synchronous>, transform_indices = @transform_4, window_bounds = array<i64: 1, 8>}, {pipeline_mode = #tpu.pipeline_mode<synchronous>, transform_indices = @transform_5, window_bounds = array<i64: 8, 8>}, {pipeline_mode = #tpu.pipeline_mode<synchronous>, transform_indices = @transform_6, window_bounds = array<i64: 1, 8>}, {pipeline_mode = #tpu.pipeline_mode<synchronous>, transform_indices = @transform_7, window_bounds = array<i64: 8, 8>}, {pipeline_mode = #tpu.pipeline_mode<synchronous>, transform_indices = @transform_8, window_bounds = array<i64: 1, 8>}, {pipeline_mode = #tpu.pipeline_mode<synchronous>, transform_indices = @transform_9, window_bounds = array<i64: 8, 67, 64>}, {pipeline_mode = #tpu.pipeline_mode<synchronous>, transform_indices = @transform_10, window_bounds = array<i64: 1, 64>}, {transform_indices = @transform_11, window_bounds = array<i64: 1, 1, 512, 64>}]} {
    %get3A = arith.constant 0 : index
    %get3A_0 = arith.constant 0 : index
    %get3A_1 = arith.constant 0 : index
    %get3A_2 = vector.load %arg2[%get3A, %get3A_0, %get3A_1] : memref<1x512x3xf32, #tpu.memory_space<vmem>>, vector<1x512x3xf32>
    %get3A_3 = vector.shape_cast %get3A_2 : vector<1x512x3xf32> to vector<512x3xf32>
    %get3A_4 = arith.constant 0 : index
    %get3A_5 = arith.constant 0 : index
    %get3A_6 = arith.constant 0 : index
    %get3A_7 = vector.load %arg3[%get3A_4, %get3A_5, %get3A_6] : memref<1x3x8192xf32, #tpu.memory_space<vmem>>, vector<1x3x8192xf32>
    %get3A_8 = vector.shape_cast %get3A_7 : vector<1x3x8192xf32> to vector<3x8192xf32>
    %mul3A = arith.mulf %get3A_3, %get3A_3 : vector<512x3xf32>
    %reduce_sum3A = arith.constant dense<0.000000e+00> : vector<512xf32>
    %reduce_sum3A_9 = vector.multi_reduction <add>, %mul3A, %reduce_sum3A [1] : vector<512x3xf32> to vector<512xf32>
    %broadcast_in_dim3A = vector.shape_cast %reduce_sum3A_9 : vector<512xf32> to vector<512x1xf32>
    %mul3A_10 = arith.mulf %get3A_8, %get3A_8 : vector<3x8192xf32>
    %reduce_sum3A_11 = arith.constant dense<0.000000e+00> : vector<8192xf32>
    %reduce_sum3A_12 = vector.multi_reduction <add>, %mul3A_10, %reduce_sum3A_11 [0] : vector<3x8192xf32> to vector<8192xf32>
    %broadcast_in_dim3A_13 = vector.shape_cast %reduce_sum3A_12 : vector<8192xf32> to vector<1x8192xf32>
    %add3A = vector.broadcast %broadcast_in_dim3A : vector<512x1xf32> to vector<512x8192xf32>
    %add3A_14 = vector.broadcast %broadcast_in_dim3A_13 : vector<1x8192xf32> to vector<512x8192xf32>
    %add3A_15 = arith.addf %add3A, %add3A_14 : vector<512x8192xf32>
    %dot_general3A = arith.constant dense<0.000000e+00> : vector<512x8192xf32>
    %dot_general3A_16 = tpu.matmul %get3A_3, %get3A_8, %dot_general3A {dimension_numbers = #tpu.dot_dimension_numbers<[1], [0], [0], [1], [0, 0, 1, 1], [], []>, transpose_lhs_hint = false} : vector<512x3xf32>, vector<3x8192xf32>, vector<512x8192xf32> -> vector<512x8192xf32>
    %mul3A_17 = arith.constant 2.000000e+00 : f32
    %mul3A_18 = vector.broadcast %mul3A_17 : f32 to vector<512x8192xf32>
    %mul3A_19 = arith.mulf %mul3A_18, %dot_general3A_16 : vector<512x8192xf32>
    %sub3A = arith.subf %add3A_15, %mul3A_19 : vector<512x8192xf32>
    %swap3A = arith.constant 0 : index
    %swap3A_20 = arith.constant 0 : index
    %swap3A_21 = vector.load %arg14[%swap3A, %swap3A_20] : memref<512x8192xf32, #tpu.memory_space<vmem>>, vector<512x8192xf32>
    tpu.vector_store %arg14[%swap3A, %swap3A_20], %sub3A {strides = array<i32>} : memref<512x8192xf32, #tpu.memory_space<vmem>>, vector<512x8192xf32>,
    %broadcast_in_dim3A_22 = arith.constant 0.000000e+00 : f32
    %broadcast_in_dim3A_23 = vector.broadcast %broadcast_in_dim3A_22 : f32 to vector<512x8x67xf32>
    %swap3A_24 = arith.constant 0 : index
    %swap3A_25 = arith.constant 0 : index
    %swap3A_26 = arith.constant 0 : index
    %swap3A_27 = vector.load %arg15[%swap3A_24, %swap3A_25, %swap3A_26] : memref<512x8x67xf32, #tpu.memory_space<vmem>>, vector<512x8x67xf32>
    tpu.vector_store %arg15[%swap3A_24, %swap3A_25, %swap3A_26], %broadcast_in_dim3A_23 {strides = array<i32>} : memref<512x8x67xf32, #tpu.memory_space<vmem>>, vector<512x8x67xf32>,
    %iota3A = tpu.iota {dimensions = array<i32: 1>} : vector<512x8192xi32>
    %broadcast_in_dim3A_28 = arith.constant 0.000000e+00 : f32
    %broadcast_in_dim3A_29 = vector.broadcast %broadcast_in_dim3A_28 : f32 to vector<512x64xf32>
    %concatenate3A = tpu.concatenate %get3A_3, %broadcast_in_dim3A_29 in 1 : vector<512x3xf32>, vector<512x64xf32> -> vector<512x67xf32>
    %get3A_30 = arith.constant 0 : index
    %get3A_31 = arith.constant 0 : index
    %get3A_32 = vector.load %arg14[%get3A_30, %get3A_31] : memref<512x8192xf32, #tpu.memory_space<vmem>>, vector<512x8192xf32>
    %reduce_min3A = arith.constant dense<0x7F800000> : vector<512xf32>
    %reduce_min3A_33 = vector.multi_reduction <minimumf>, %get3A_32, %reduce_min3A [1] : vector<512x8192xf32> to vector<512xf32>
    %broadcast_in_dim3A_34 = vector.shape_cast %reduce_min3A_33 : vector<512xf32> to vector<512x1xf32>
    %scan3A = arith.constant 0 : i32
    %scan3A_35 = arith.constant 32 : i32
    %scan3A_36 = arith.addi %scan3A, %scan3A_35 : i32
    %scan3A_37 = arith.constant 1 : i32
    %scan3A_38 = scf.for %scan3A_162 = %scan3A to %scan3A_36 step %scan3A_37 iter_args(%scan3A_163 = %broadcast_in_dim3A_34) -> (vector<512x1xf32>)  : i32 {
      %get3A_164 = arith.constant 0 : index
      %get3A_165 = arith.constant 0 : index
      %get3A_166 = vector.load %arg14[%get3A_164, %get3A_165] : memref<512x8192xf32, #tpu.memory_space<vmem>>, vector<512x8192xf32>
      %eq3A = vector.broadcast %scan3A_163 : vector<512x1xf32> to vector<512x8192xf32>
      %eq3A_167 = arith.cmpf oeq, %get3A_166, %eq3A : vector<512x8192xf32>
      %jit3A = arith.constant 8192 : i32
      %broadcast_in_dim3A_168 = vector.broadcast %jit3A : i32 to vector<512x8192xi32>
      %select_n3A_169 = arith.select %eq3A_167, %iota3A, %broadcast_in_dim3A_168 : vector<512x8192xi1>, vector<512x8192xi32>
      %reduce_min3A_170 = arith.constant dense<2147483647> : vector<512xi32>
      %reduce_min3A_171 = vector.multi_reduction <minsi>, %select_n3A_169, %reduce_min3A_170 [1] : vector<512x8192xi32> to vector<512xi32>
      %broadcast_in_dim3A_172 = vector.shape_cast %reduce_min3A_171 : vector<512xi32> to vector<512x1xi32>
      %eq3A_173 = vector.broadcast %broadcast_in_dim3A_172 : vector<512x1xi32> to vector<512x8192xi32>
      %eq3A_174 = arith.cmpi eq, %iota3A, %eq3A_173 : vector<512x8192xi32>
      %jit3A_175 = arith.constant 3.000000e+38 : f32
      %broadcast_in_dim3A_176 = vector.broadcast %jit3A_175 : f32 to vector<512x8192xf32>
      %select_n3A_177 = arith.select %eq3A_174, %broadcast_in_dim3A_176, %get3A_166 : vector<512x8192xi1>, vector<512x8192xf32>
      %swap3A_178 = arith.constant 0 : index
      %swap3A_179 = arith.constant 0 : index
      %swap3A_180 = vector.load %arg14[%swap3A_178, %swap3A_179] : memref<512x8192xf32, #tpu.memory_space<vmem>>, vector<512x8192xf32>
      tpu.vector_store %arg14[%swap3A_178, %swap3A_179], %select_n3A_177 {strides = array<i32>} : memref<512x8192xf32, #tpu.memory_space<vmem>>, vector<512x8192xf32>,
      %reduce_min3A_181 = arith.constant dense<0x7F800000> : vector<512xf32>
      %reduce_min3A_182 = vector.multi_reduction <minimumf>, %select_n3A_177, %reduce_min3A_181 [1] : vector<512x8192xf32> to vector<512xf32>
      %broadcast_in_dim3A_183 = vector.shape_cast %reduce_min3A_182 : vector<512xf32> to vector<512x1xf32>
      %convert_element_type3A = arith.extui %eq3A_174 : vector<512x8192xi1> to vector<512x8192xi32>
      %convert_element_type3A_184 = arith.sitofp %convert_element_type3A : vector<512x8192xi32> to vector<512x8192xf32>
      %get3A_185 = arith.constant 0 : index
      %get3A_186 = arith.constant 0 : index
      %get3A_187 = arith.constant 0 : index
      %get3A_188 = vector.load %arg4[%get3A_185, %get3A_186, %get3A_187] : memref<1x8192x67xf32, #tpu.memory_space<vmem>>, vector<1x8192x67xf32>
      %get3A_189 = vector.shape_cast %get3A_188 : vector<1x8192x67xf32> to vector<8192x67xf32>
      %dot_general3A_190 = arith.constant dense<0.000000e+00> : vector<512x67xf32>
      %dot_general3A_191 = tpu.matmul %convert_element_type3A_184, %get3A_189, %dot_general3A_190 {dimension_numbers = #tpu.dot_dimension_numbers<[1], [0], [0], [1], [0, 0, 1, 1], [], []>, transpose_lhs_hint = false} : vector<512x8192xf32>, vector<8192x67xf32>, vector<512x67xf32> -> vector<512x67xf32>
      %sub3A_192 = arith.subf %dot_general3A_191, %concatenate3A : vector<512x67xf32>
      %slice3A = vector.extract_strided_slice %sub3A_192 {offsets = [0, 0], sizes = [512, 3], strides = [1, 1]} : vector<512x67xf32> to vector<512x3xf32>
      %get3A_193 = arith.constant 0 : index
      %get3A_194 = arith.constant 0 : index
      %get3A_195 = vector.load %arg5[%get3A_193, %get3A_194] : memref<3x8xf32, #tpu.memory_space<vmem>>, vector<3x8xf32>
      %dot_general3A_196 = arith.constant dense<0.000000e+00> : vector<512x8xf32>
      %dot_general3A_197 = tpu.matmul %slice3A, %get3A_195, %dot_general3A_196 {dimension_numbers = #tpu.dot_dimension_numbers<[1], [0], [0], [1], [0, 0, 1, 1], [], []>, transpose_lhs_hint = false} : vector<512x3xf32>, vector<3x8xf32>, vector<512x8xf32> -> vector<512x8xf32>
      %get3A_198 = arith.constant 0 : index
      %get3A_199 = arith.constant 0 : index
      %get3A_200 = vector.load %arg6[%get3A_198, %get3A_199] : memref<1x8xf32, #tpu.memory_space<vmem>>, vector<1x8xf32>
      %add3A_201 = vector.broadcast %get3A_200 : vector<1x8xf32> to vector<512x8xf32>
      %add3A_202 = arith.addf %dot_general3A_197, %add3A_201 : vector<512x8xf32>
      %max3A = arith.constant 0.000000e+00 : f32
      %max3A_203 = vector.broadcast %max3A : f32 to vector<512x8xf32>
      %max3A_204 = arith.maximumf %add3A_202, %max3A_203 : vector<512x8xf32>
      %get3A_205 = arith.constant 0 : index
      %get3A_206 = arith.constant 0 : index
      %get3A_207 = vector.load %arg7[%get3A_205, %get3A_206] : memref<8x8xf32, #tpu.memory_space<vmem>>, vector<8x8xf32>
      %dot_general3A_208 = arith.constant dense<0.000000e+00> : vector<512x8xf32>
      %dot_general3A_209 = tpu.matmul %max3A_204, %get3A_207, %dot_general3A_208 {dimension_numbers = #tpu.dot_dimension_numbers<[1], [0], [0], [1], [0, 0, 1, 1], [], []>, transpose_lhs_hint = false} : vector<512x8xf32>, vector<8x8xf32>, vector<512x8xf32> -> vector<512x8xf32>
      %get3A_210 = arith.constant 0 : index
      %get3A_211 = arith.constant 0 : index
      %get3A_212 = vector.load %arg8[%get3A_210, %get3A_211] : memref<1x8xf32, #tpu.memory_space<vmem>>, vector<1x8xf32>
      %add3A_213 = vector.broadcast %get3A_212 : vector<1x8xf32> to vector<512x8xf32>
      %add3A_214 = arith.addf %dot_general3A_209, %add3A_213 : vector<512x8xf32>
      %max3A_215 = arith.constant 0.000000e+00 : f32
      %max3A_216 = vector.broadcast %max3A_215 : f32 to vector<512x8xf32>
      %max3A_217 = arith.maximumf %add3A_214, %max3A_216 : vector<512x8xf32>
      %get3A_218 = arith.constant 0 : index
      %get3A_219 = arith.constant 0 : index
      %get3A_220 = vector.load %arg9[%get3A_218, %get3A_219] : memref<8x8xf32, #tpu.memory_space<vmem>>, vector<8x8xf32>
      %dot_general3A_221 = arith.constant dense<0.000000e+00> : vector<512x8xf32>
      %dot_general3A_222 = tpu.matmul %max3A_217, %get3A_220, %dot_general3A_221 {dimension_numbers = #tpu.dot_dimension_numbers<[1], [0], [0], [1], [0, 0, 1, 1], [], []>, transpose_lhs_hint = false} : vector<512x8xf32>, vector<8x8xf32>, vector<512x8xf32> -> vector<512x8xf32>
      %get3A_223 = arith.constant 0 : index
      %get3A_224 = arith.constant 0 : index
      %get3A_225 = vector.load %arg10[%get3A_223, %get3A_224] : memref<1x8xf32, #tpu.memory_space<vmem>>, vector<1x8xf32>
      %add3A_226 = vector.broadcast %get3A_225 : vector<1x8xf32> to vector<512x8xf32>
      %add3A_227 = arith.addf %dot_general3A_222, %add3A_226 : vector<512x8xf32>
      %max3A_228 = arith.constant 0.000000e+00 : f32
      %max3A_229 = vector.broadcast %max3A_228 : f32 to vector<512x8xf32>
      %max3A_230 = arith.maximumf %add3A_227, %max3A_229 : vector<512x8xf32>
      %get3A_231 = arith.constant 0 : index
      %get3A_232 = arith.constant 0 : index
      %get3A_233 = arith.constant 0 : index
      %get3A_234 = vector.load %arg15[%get3A_231, %get3A_232, %get3A_233] : memref<512x8x67xf32, #tpu.memory_space<vmem>>, vector<512x8x67xf32>
      %broadcast_in_dim3A_235 = vector.shape_cast %max3A_230 : vector<512x8xf32> to vector<512x8x1xf32>
      %broadcast_in_dim3A_236 = vector.shape_cast %sub3A_192 : vector<512x67xf32> to vector<512x1x67xf32>
      %mul3A_237 = vector.broadcast %broadcast_in_dim3A_235 : vector<512x8x1xf32> to vector<512x8x67xf32>
      %mul3A_238 = vector.broadcast %broadcast_in_dim3A_236 : vector<512x1x67xf32> to vector<512x8x67xf32>
      %mul3A_239 = arith.mulf %mul3A_237, %mul3A_238 : vector<512x8x67xf32>
      %add3A_240 = arith.addf %get3A_234, %mul3A_239 : vector<512x8x67xf32>
      %swap3A_241 = arith.constant 0 : index
      %swap3A_242 = arith.constant 0 : index
      %swap3A_243 = arith.constant 0 : index
      %swap3A_244 = vector.load %arg15[%swap3A_241, %swap3A_242, %swap3A_243] : memref<512x8x67xf32, #tpu.memory_space<vmem>>, vector<512x8x67xf32>
      tpu.vector_store %arg15[%swap3A_241, %swap3A_242, %swap3A_243], %add3A_240 {strides = array<i32>} : memref<512x8x67xf32, #tpu.memory_space<vmem>>, vector<512x8x67xf32>,
      scf.yield %broadcast_in_dim3A_183 : vector<512x1xf32>
    }
    %broadcast_in_dim3A_39 = arith.constant 0.000000e+00 : f32
    %broadcast_in_dim3A_40 = vector.broadcast %broadcast_in_dim3A_39 : f32 to vector<512x64xf32>
    %get3A_41 = arith.constant 0 : index
    %get3A_42 = arith.constant 0 : index
    %get3A_43 = arith.constant 0 : index
    %get3A_44 = vector.load %arg15[%get3A_41, %get3A_42, %get3A_43] : memref<512x8x67xf32, #tpu.memory_space<vmem>>, vector<512x1x67xf32>
    %get3A_45 = vector.shape_cast %get3A_44 : vector<512x1x67xf32> to vector<512x67xf32>
    %get3A_46 = arith.constant 0 : index
    %get3A_47 = arith.constant 0 : index
    %get3A_48 = arith.constant 0 : index
    %get3A_49 = vector.load %arg11[%get3A_46, %get3A_47, %get3A_48] : memref<8x67x64xf32, #tpu.memory_space<vmem>>, vector<1x67x64xf32>
    %get3A_50 = vector.shape_cast %get3A_49 : vector<1x67x64xf32> to vector<67x64xf32>
    %dot_general3A_51 = arith.constant dense<0.000000e+00> : vector<512x64xf32>
    %dot_general3A_52 = tpu.matmul %get3A_45, %get3A_50, %dot_general3A_51 {dimension_numbers = #tpu.dot_dimension_numbers<[1], [0], [0], [1], [0, 0, 1, 1], [], []>, transpose_lhs_hint = false} : vector<512x67xf32>, vector<67x64xf32>, vector<512x64xf32> -> vector<512x64xf32>
    %add3A_53 = arith.addf %broadcast_in_dim3A_40, %dot_general3A_52 : vector<512x64xf32>
    %get3A_54 = arith.constant 0 : index
    %get3A_55 = arith.constant 1 : index
    %get3A_56 = arith.constant 0 : index
    %get3A_57 = vector.load %arg15[%get3A_54, %get3A_55, %get3A_56] : memref<512x8x67xf32, #tpu.memory_space<vmem>>, vector<512x1x67xf32>
    %get3A_58 = vector.shape_cast %get3A_57 : vector<512x1x67xf32> to vector<512x67xf32>
    %get3A_59 = arith.constant 1 : index
    %get3A_60 = arith.constant 0 : index
    %get3A_61 = arith.constant 0 : index
    %get3A_62 = vector.load %arg11[%get3A_59, %get3A_60, %get3A_61] : memref<8x67x64xf32, #tpu.memory_space<vmem>>, vector<1x67x64xf32>
    %get3A_63 = vector.shape_cast %get3A_62 : vector<1x67x64xf32> to vector<67x64xf32>
    %dot_general3A_64 = arith.constant dense<0.000000e+00> : vector<512x64xf32>
    %dot_general3A_65 = tpu.matmul %get3A_58, %get3A_63, %dot_general3A_64 {dimension_numbers = #tpu.dot_dimension_numbers<[1], [0], [0], [1], [0, 0, 1, 1], [], []>, transpose_lhs_hint = false} : vector<512x67xf32>, vector<67x64xf32>, vector<512x64xf32> -> vector<512x64xf32>
    %add3A_66 = arith.addf %add3A_53, %dot_general3A_65 : vector<512x64xf32>
    %get3A_67 = arith.constant 0 : index
    %get3A_68 = arith.constant 2 : index
    %get3A_69 = arith.constant 0 : index
    %get3A_70 = vector.load %arg15[%get3A_67, %get3A_68, %get3A_69] : memref<512x8x67xf32, #tpu.memory_space<vmem>>, vector<512x1x67xf32>
    %get3A_71 = vector.shape_cast %get3A_70 : vector<512x1x67xf32> to vector<512x67xf32>
    %get3A_72 = arith.constant 2 : index
    %get3A_73 = arith.constant 0 : index
    %get3A_74 = arith.constant 0 : index
    %get3A_75 = vector.load %arg11[%get3A_72, %get3A_73, %get3A_74] : memref<8x67x64xf32, #tpu.memory_space<vmem>>, vector<1x67x64xf32>
    %get3A_76 = vector.shape_cast %get3A_75 : vector<1x67x64xf32> to vector<67x64xf32>
    %dot_general3A_77 = arith.constant dense<0.000000e+00> : vector<512x64xf32>
    %dot_general3A_78 = tpu.matmul %get3A_71, %get3A_76, %dot_general3A_77 {dimension_numbers = #tpu.dot_dimension_numbers<[1], [0], [0], [1], [0, 0, 1, 1], [], []>, transpose_lhs_hint = false} : vector<512x67xf32>, vector<67x64xf32>, vector<512x64xf32> -> vector<512x64xf32>
    %add3A_79 = arith.addf %add3A_66, %dot_general3A_78 : vector<512x64xf32>
    %get3A_80 = arith.constant 0 : index
    %get3A_81 = arith.constant 3 : index
    %get3A_82 = arith.constant 0 : index
    %get3A_83 = vector.load %arg15[%get3A_80, %get3A_81, %get3A_82] : memref<512x8x67xf32, #tpu.memory_space<vmem>>, vector<512x1x67xf32>
    %get3A_84 = vector.shape_cast %get3A_83 : vector<512x1x67xf32> to vector<512x67xf32>
    %get3A_85 = arith.constant 3 : index
    %get3A_86 = arith.constant 0 : index
    %get3A_87 = arith.constant 0 : index
    %get3A_88 = vector.load %arg11[%get3A_85, %get3A_86, %get3A_87] : memref<8x67x64xf32, #tpu.memory_space<vmem>>, vector<1x67x64xf32>
    %get3A_89 = vector.shape_cast %get3A_88 : vector<1x67x64xf32> to vector<67x64xf32>
    %dot_general3A_90 = arith.constant dense<0.000000e+00> : vector<512x64xf32>
    %dot_general3A_91 = tpu.matmul %get3A_84, %get3A_89, %dot_general3A_90 {dimension_numbers = #tpu.dot_dimension_numbers<[1], [0], [0], [1], [0, 0, 1, 1], [], []>, transpose_lhs_hint = false} : vector<512x67xf32>, vector<67x64xf32>, vector<512x64xf32> -> vector<512x64xf32>
    %add3A_92 = arith.addf %add3A_79, %dot_general3A_91 : vector<512x64xf32>
    %get3A_93 = arith.constant 0 : index
    %get3A_94 = arith.constant 4 : index
    %get3A_95 = arith.constant 0 : index
    %get3A_96 = vector.load %arg15[%get3A_93, %get3A_94, %get3A_95] : memref<512x8x67xf32, #tpu.memory_space<vmem>>, vector<512x1x67xf32>
    %get3A_97 = vector.shape_cast %get3A_96 : vector<512x1x67xf32> to vector<512x67xf32>
    %get3A_98 = arith.constant 4 : index
    %get3A_99 = arith.constant 0 : index
    %get3A_100 = arith.constant 0 : index
    %get3A_101 = vector.load %arg11[%get3A_98, %get3A_99, %get3A_100] : memref<8x67x64xf32, #tpu.memory_space<vmem>>, vector<1x67x64xf32>
    %get3A_102 = vector.shape_cast %get3A_101 : vector<1x67x64xf32> to vector<67x64xf32>
    %dot_general3A_103 = arith.constant dense<0.000000e+00> : vector<512x64xf32>
    %dot_general3A_104 = tpu.matmul %get3A_97, %get3A_102, %dot_general3A_103 {dimension_numbers = #tpu.dot_dimension_numbers<[1], [0], [0], [1], [0, 0, 1, 1], [], []>, transpose_lhs_hint = false} : vector<512x67xf32>, vector<67x64xf32>, vector<512x64xf32> -> vector<512x64xf32>
    %add3A_105 = arith.addf %add3A_92, %dot_general3A_104 : vector<512x64xf32>
    %get3A_106 = arith.constant 0 : index
    %get3A_107 = arith.constant 5 : index
    %get3A_108 = arith.constant 0 : index
    %get3A_109 = vector.load %arg15[%get3A_106, %get3A_107, %get3A_108] : memref<512x8x67xf32, #tpu.memory_space<vmem>>, vector<512x1x67xf32>
    %get3A_110 = vector.shape_cast %get3A_109 : vector<512x1x67xf32> to vector<512x67xf32>
    %get3A_111 = arith.constant 5 : index
    %get3A_112 = arith.constant 0 : index
    %get3A_113 = arith.constant 0 : index
    %get3A_114 = vector.load %arg11[%get3A_111, %get3A_112, %get3A_113] : memref<8x67x64xf32, #tpu.memory_space<vmem>>, vector<1x67x64xf32>
    %get3A_115 = vector.shape_cast %get3A_114 : vector<1x67x64xf32> to vector<67x64xf32>
    %dot_general3A_116 = arith.constant dense<0.000000e+00> : vector<512x64xf32>
    %dot_general3A_117 = tpu.matmul %get3A_110, %get3A_115, %dot_general3A_116 {dimension_numbers = #tpu.dot_dimension_numbers<[1], [0], [0], [1], [0, 0, 1, 1], [], []>, transpose_lhs_hint = false} : vector<512x67xf32>, vector<67x64xf32>, vector<512x64xf32> -> vector<512x64xf32>
    %add3A_118 = arith.addf %add3A_105, %dot_general3A_117 : vector<512x64xf32>
    %get3A_119 = arith.constant 0 : index
    %get3A_120 = arith.constant 6 : index
    %get3A_121 = arith.constant 0 : index
    %get3A_122 = vector.load %arg15[%get3A_119, %get3A_120, %get3A_121] : memref<512x8x67xf32, #tpu.memory_space<vmem>>, vector<512x1x67xf32>
    %get3A_123 = vector.shape_cast %get3A_122 : vector<512x1x67xf32> to vector<512x67xf32>
    %get3A_124 = arith.constant 6 : index
    %get3A_125 = arith.constant 0 : index
    %get3A_126 = arith.constant 0 : index
    %get3A_127 = vector.load %arg11[%get3A_124, %get3A_125, %get3A_126] : memref<8x67x64xf32, #tpu.memory_space<vmem>>, vector<1x67x64xf32>
    %get3A_128 = vector.shape_cast %get3A_127 : vector<1x67x64xf32> to vector<67x64xf32>
    %dot_general3A_129 = arith.constant dense<0.000000e+00> : vector<512x64xf32>
    %dot_general3A_130 = tpu.matmul %get3A_123, %get3A_128, %dot_general3A_129 {dimension_numbers = #tpu.dot_dimension_numbers<[1], [0], [0], [1], [0, 0, 1, 1], [], []>, transpose_lhs_hint = false} : vector<512x67xf32>, vector<67x64xf32>, vector<512x64xf32> -> vector<512x64xf32>
    %add3A_131 = arith.addf %add3A_118, %dot_general3A_130 : vector<512x64xf32>
    %get3A_132 = arith.constant 0 : index
    %get3A_133 = arith.constant 7 : index
    %get3A_134 = arith.constant 0 : index
    %get3A_135 = vector.load %arg15[%get3A_132, %get3A_133, %get3A_134] : memref<512x8x67xf32, #tpu.memory_space<vmem>>, vector<512x1x67xf32>
    %get3A_136 = vector.shape_cast %get3A_135 : vector<512x1x67xf32> to vector<512x67xf32>
    %get3A_137 = arith.constant 7 : index
    %get3A_138 = arith.constant 0 : index
    %get3A_139 = arith.constant 0 : index
    %get3A_140 = vector.load %arg11[%get3A_137, %get3A_138, %get3A_139] : memref<8x67x64xf32, #tpu.memory_space<vmem>>, vector<1x67x64xf32>
    %get3A_141 = vector.shape_cast %get3A_140 : vector<1x67x64xf32> to vector<67x64xf32>
    %dot_general3A_142 = arith.constant dense<0.000000e+00> : vector<512x64xf32>
    %dot_general3A_143 = tpu.matmul %get3A_136, %get3A_141, %dot_general3A_142 {dimension_numbers = #tpu.dot_dimension_numbers<[1], [0], [0], [1], [0, 0, 1, 1], [], []>, transpose_lhs_hint = false} : vector<512x67xf32>, vector<67x64xf32>, vector<512x64xf32> -> vector<512x64xf32>
    %add3A_144 = arith.addf %add3A_131, %dot_general3A_143 : vector<512x64xf32>
    %get3A_145 = arith.constant 0 : index
    %get3A_146 = arith.constant 0 : index
    %get3A_147 = vector.load %arg12[%get3A_145, %get3A_146] : memref<1x64xf32, #tpu.memory_space<vmem>>, vector<1x64xf32>
    %add3A_148 = vector.broadcast %get3A_147 : vector<1x64xf32> to vector<512x64xf32>
    %add3A_149 = arith.addf %add3A_144, %add3A_148 : vector<512x64xf32>
    %gt3A = arith.constant 0.000000e+00 : f32
    %gt3A_150 = vector.broadcast %gt3A : f32 to vector<512x64xf32>
    %gt3A_151 = arith.cmpf ogt, %add3A_149, %gt3A_150 : vector<512x64xf32>
    %mul3A_152 = arith.constant 1.000000e-01 : f32
    %mul3A_153 = vector.broadcast %mul3A_152 : f32 to vector<512x64xf32>
    %mul3A_154 = arith.mulf %mul3A_153, %add3A_149 : vector<512x64xf32>
    %select_n3A = arith.select %gt3A_151, %add3A_149, %mul3A_154 : vector<512x64xi1>, vector<512x64xf32>
    %swap3A_155 = arith.constant 0 : index
    %swap3A_156 = arith.constant 0 : index
    %swap3A_157 = arith.constant 0 : index
    %swap3A_158 = arith.constant 0 : index
    %swap3A_159 = vector.load %arg13[%swap3A_155, %swap3A_156, %swap3A_157, %swap3A_158] : memref<1x1x512x64xf32, #tpu.memory_space<vmem>>, vector<1x1x512x64xf32>
    %swap3A_160 = vector.shape_cast %swap3A_159 : vector<1x1x512x64xf32> to vector<512x64xf32>
    %swap3A_161 = vector.shape_cast %select_n3A : vector<512x64xf32> to vector<1x1x512x64xf32>
    tpu.vector_store %arg13[%swap3A_155, %swap3A_156, %swap3A_157, %swap3A_158], %swap3A_161 {strides = array<i32>} : memref<1x1x512x64xf32, #tpu.memory_space<vmem>>, vector<1x1x512x64xf32>,
    return
  }
  func.func @transform_0(%arg0: i32, %arg1: i32) -> (i32, i32, i32) {
    %c0_i32 = arith.constant 0 : i32
    %c0_i32_0 = arith.constant 0 : i32
    return %arg0, %arg1, %c0_i32 : i32, i32, i32
  }
  func.func @transform_1(%arg0: i32, %arg1: i32) -> (i32, i32, i32) {
    %c0_i32 = arith.constant 0 : i32
    %c0_i32_0 = arith.constant 0 : i32
    %c0_i32_1 = arith.constant 0 : i32
    return %arg0, %c0_i32, %c0_i32_0 : i32, i32, i32
  }
  func.func @transform_2(%arg0: i32, %arg1: i32) -> (i32, i32, i32) {
    %c0_i32 = arith.constant 0 : i32
    %c0_i32_0 = arith.constant 0 : i32
    %c0_i32_1 = arith.constant 0 : i32
    return %arg0, %c0_i32, %c0_i32_0 : i32, i32, i32
  }
  func.func @transform_3(%arg0: i32, %arg1: i32) -> (i32, i32) {
    %c0_i32 = arith.constant 0 : i32
    %c0_i32_0 = arith.constant 0 : i32
    %c0_i32_1 = arith.constant 0 : i32
    return %c0_i32, %c0_i32_0 : i32, i32
  }
  func.func @transform_4(%arg0: i32, %arg1: i32) -> (i32, i32) {
    %c0_i32 = arith.constant 0 : i32
    %c0_i32_0 = arith.constant 0 : i32
    %c0_i32_1 = arith.constant 0 : i32
    return %c0_i32, %c0_i32_0 : i32, i32
  }
  func.func @transform_5(%arg0: i32, %arg1: i32) -> (i32, i32) {
    %c0_i32 = arith.constant 0 : i32
    %c0_i32_0 = arith.constant 0 : i32
    %c0_i32_1 = arith.constant 0 : i32
    return %c0_i32, %c0_i32_0 : i32, i32
  }
  func.func @transform_6(%arg0: i32, %arg1: i32) -> (i32, i32) {
    %c0_i32 = arith.constant 0 : i32
    %c0_i32_0 = arith.constant 0 : i32
    %c0_i32_1 = arith.constant 0 : i32
    return %c0_i32, %c0_i32_0 : i32, i32
  }
  func.func @transform_7(%arg0: i32, %arg1: i32) -> (i32, i32) {
    %c0_i32 = arith.constant 0 : i32
    %c0_i32_0 = arith.constant 0 : i32
    %c0_i32_1 = arith.constant 0 : i32
    return %c0_i32, %c0_i32_0 : i32, i32
  }
  func.func @transform_8(%arg0: i32, %arg1: i32) -> (i32, i32) {
    %c0_i32 = arith.constant 0 : i32
    %c0_i32_0 = arith.constant 0 : i32
    %c0_i32_1 = arith.constant 0 : i32
    return %c0_i32, %c0_i32_0 : i32, i32
  }
  func.func @transform_9(%arg0: i32, %arg1: i32) -> (i32, i32, i32) {
    %c0_i32 = arith.constant 0 : i32
    %c0_i32_0 = arith.constant 0 : i32
    %c0_i32_1 = arith.constant 0 : i32
    %c0_i32_2 = arith.constant 0 : i32
    return %c0_i32, %c0_i32_0, %c0_i32_1 : i32, i32, i32
  }
  func.func @transform_10(%arg0: i32, %arg1: i32) -> (i32, i32) {
    %c0_i32 = arith.constant 0 : i32
    %c0_i32_0 = arith.constant 0 : i32
    %c0_i32_1 = arith.constant 0 : i32
    return %c0_i32, %c0_i32_0 : i32, i32
  }
  func.func @transform_11(%arg0: i32, %arg1: i32) -> (i32, i32, i32, i32) {
    %c0_i32 = arith.constant 0 : i32
    %c0_i32_0 = arith.constant 0 : i32
    %c0_i32_1 = arith.constant 0 : i32
    return %arg0, %arg1, %c0_i32, %c0_i32_0 : i32, i32, i32, i32
  }
}

module attributes {stable_mosaic.version = 14 : i64} {
  func.func @_linear_leaky_kernel(%arg0: memref<4096x64xf32, #tpu.memory_space<vmem>>, %arg1: memref<64x64xf32, #tpu.memory_space<vmem>>, %arg2: memref<1x64xf32, #tpu.memory_space<vmem>>, %arg3: memref<4096x64xf32, #tpu.memory_space<vmem>>) attributes {dimension_semantics = [], scalar_prefetch = 0 : i64, scratch_operands = 0 : i64, tpu.core_type = #tpu.core_type<tc>} {
    %get3A = arith.constant 0 : index
    %get3A_0 = arith.constant 0 : index
    %get3A_1 = vector.load %arg0[%get3A, %get3A_0] : memref<4096x64xf32, #tpu.memory_space<vmem>>, vector<4096x64xf32>
    %get3A_2 = arith.constant 0 : index
    %get3A_3 = arith.constant 0 : index
    %get3A_4 = vector.load %arg1[%get3A_2, %get3A_3] : memref<64x64xf32, #tpu.memory_space<vmem>>, vector<64x64xf32>
    %dot_general3A = arith.constant dense<0.000000e+00> : vector<4096x64xf32>
    %dot_general3A_5 = tpu.matmul %get3A_1, %get3A_4, %dot_general3A {dimension_numbers = #tpu.dot_dimension_numbers<[1], [0], [0], [1], [0, 0, 1, 1], [], []>, transpose_lhs_hint = false} : vector<4096x64xf32>, vector<64x64xf32>, vector<4096x64xf32> -> vector<4096x64xf32>
    %get3A_6 = arith.constant 0 : index
    %get3A_7 = arith.constant 0 : index
    %get3A_8 = vector.load %arg2[%get3A_6, %get3A_7] : memref<1x64xf32, #tpu.memory_space<vmem>>, vector<1x64xf32>
    %add3A = vector.broadcast %get3A_8 : vector<1x64xf32> to vector<4096x64xf32>
    %add3A_9 = arith.addf %dot_general3A_5, %add3A : vector<4096x64xf32>
    %gt3A = arith.constant 0.000000e+00 : f32
    %gt3A_10 = vector.broadcast %gt3A : f32 to vector<4096x64xf32>
    %gt3A_11 = arith.cmpf ogt, %add3A_9, %gt3A_10 : vector<4096x64xf32>
    %mul3A = arith.constant 1.000000e-01 : f32
    %mul3A_12 = vector.broadcast %mul3A : f32 to vector<4096x64xf32>
    %mul3A_13 = arith.mulf %mul3A_12, %add3A_9 : vector<4096x64xf32>
    %select_n3A = arith.select %gt3A_11, %add3A_9, %mul3A_13 : vector<4096x64xi1>, vector<4096x64xf32>
    %swap3A = arith.constant 0 : index
    %swap3A_14 = arith.constant 0 : index
    %swap3A_15 = vector.load %arg3[%swap3A, %swap3A_14] : memref<4096x64xf32, #tpu.memory_space<vmem>>, vector<4096x64xf32>
    tpu.vector_store %arg3[%swap3A, %swap3A_14], %select_n3A {strides = array<i32>} : memref<4096x64xf32, #tpu.memory_space<vmem>>, vector<4096x64xf32>,
    return
  }
}

module attributes {stable_mosaic.version = 14 : i64} {
  func.func @_linear_leaky_kernel(%arg0: memref<4096x64xf32, #tpu.memory_space<vmem>>, %arg1: memref<64x128xf32, #tpu.memory_space<vmem>>, %arg2: memref<1x128xf32, #tpu.memory_space<vmem>>, %arg3: memref<4096x128xf32, #tpu.memory_space<vmem>>) attributes {dimension_semantics = [], scalar_prefetch = 0 : i64, scratch_operands = 0 : i64, tpu.core_type = #tpu.core_type<tc>} {
    %get3A = arith.constant 0 : index
    %get3A_0 = arith.constant 0 : index
    %get3A_1 = vector.load %arg0[%get3A, %get3A_0] : memref<4096x64xf32, #tpu.memory_space<vmem>>, vector<4096x64xf32>
    %get3A_2 = arith.constant 0 : index
    %get3A_3 = arith.constant 0 : index
    %get3A_4 = vector.load %arg1[%get3A_2, %get3A_3] : memref<64x128xf32, #tpu.memory_space<vmem>>, vector<64x128xf32>
    %dot_general3A = arith.constant dense<0.000000e+00> : vector<4096x128xf32>
    %dot_general3A_5 = tpu.matmul %get3A_1, %get3A_4, %dot_general3A {dimension_numbers = #tpu.dot_dimension_numbers<[1], [0], [0], [1], [0, 0, 1, 1], [], []>, transpose_lhs_hint = false} : vector<4096x64xf32>, vector<64x128xf32>, vector<4096x128xf32> -> vector<4096x128xf32>
    %get3A_6 = arith.constant 0 : index
    %get3A_7 = arith.constant 0 : index
    %get3A_8 = vector.load %arg2[%get3A_6, %get3A_7] : memref<1x128xf32, #tpu.memory_space<vmem>>, vector<1x128xf32>
    %add3A = vector.broadcast %get3A_8 : vector<1x128xf32> to vector<4096x128xf32>
    %add3A_9 = arith.addf %dot_general3A_5, %add3A : vector<4096x128xf32>
    %gt3A = arith.constant 0.000000e+00 : f32
    %gt3A_10 = vector.broadcast %gt3A : f32 to vector<4096x128xf32>
    %gt3A_11 = arith.cmpf ogt, %add3A_9, %gt3A_10 : vector<4096x128xf32>
    %mul3A = arith.constant 1.000000e-01 : f32
    %mul3A_12 = vector.broadcast %mul3A : f32 to vector<4096x128xf32>
    %mul3A_13 = arith.mulf %mul3A_12, %add3A_9 : vector<4096x128xf32>
    %select_n3A = arith.select %gt3A_11, %add3A_9, %mul3A_13 : vector<4096x128xi1>, vector<4096x128xf32>
    %swap3A = arith.constant 0 : index
    %swap3A_14 = arith.constant 0 : index
    %swap3A_15 = vector.load %arg3[%swap3A, %swap3A_14] : memref<4096x128xf32, #tpu.memory_space<vmem>>, vector<4096x128xf32>
    tpu.vector_store %arg3[%swap3A, %swap3A_14], %select_n3A {strides = array<i32>} : memref<4096x128xf32, #tpu.memory_space<vmem>>, vector<4096x128xf32>,
    return
  }
}

module attributes {stable_mosaic.version = 14 : i64} {
  func.func @_pcf_kernel(%arg0: i32, %arg1: i32, %arg2: memref<1x512x3xf32, #tpu.memory_space<vmem>>, %arg3: memref<1x3x2048xf32, #tpu.memory_space<vmem>>, %arg4: memref<1x2048x131xf32, #tpu.memory_space<vmem>>, %arg5: memref<3x8xf32, #tpu.memory_space<vmem>>, %arg6: memref<1x8xf32, #tpu.memory_space<vmem>>, %arg7: memref<8x8xf32, #tpu.memory_space<vmem>>, %arg8: memref<1x8xf32, #tpu.memory_space<vmem>>, %arg9: memref<8x8xf32, #tpu.memory_space<vmem>>, %arg10: memref<1x8xf32, #tpu.memory_space<vmem>>, %arg11: memref<8x131x128xf32, #tpu.memory_space<vmem>>, %arg12: memref<1x128xf32, #tpu.memory_space<vmem>>, %arg13: memref<1x1x512x128xf32, #tpu.memory_space<vmem>>, %arg14: memref<512x2048xf32, #tpu.memory_space<vmem>>, %arg15: memref<512x8x131xf32, #tpu.memory_space<vmem>>) attributes {dimension_semantics = [#tpu.dimension_semantics<arbitrary>, #tpu.dimension_semantics<arbitrary>], iteration_bounds = array<i64: 2, 1>, scalar_prefetch = 0 : i64, scratch_operands = 2 : i64, tpu.core_type = #tpu.core_type<tc>, window_params = [{transform_indices = @transform_0, window_bounds = array<i64: 1, 512, 3>}, {transform_indices = @transform_1, window_bounds = array<i64: 1, 3, 2048>}, {transform_indices = @transform_2, window_bounds = array<i64: 1, 2048, 131>}, {pipeline_mode = #tpu.pipeline_mode<synchronous>, transform_indices = @transform_3, window_bounds = array<i64: 3, 8>}, {pipeline_mode = #tpu.pipeline_mode<synchronous>, transform_indices = @transform_4, window_bounds = array<i64: 1, 8>}, {pipeline_mode = #tpu.pipeline_mode<synchronous>, transform_indices = @transform_5, window_bounds = array<i64: 8, 8>}, {pipeline_mode = #tpu.pipeline_mode<synchronous>, transform_indices = @transform_6, window_bounds = array<i64: 1, 8>}, {pipeline_mode = #tpu.pipeline_mode<synchronous>, transform_indices = @transform_7, window_bounds = array<i64: 8, 8>}, {pipeline_mode = #tpu.pipeline_mode<synchronous>, transform_indices = @transform_8, window_bounds = array<i64: 1, 8>}, {pipeline_mode = #tpu.pipeline_mode<synchronous>, transform_indices = @transform_9, window_bounds = array<i64: 8, 131, 128>}, {pipeline_mode = #tpu.pipeline_mode<synchronous>, transform_indices = @transform_10, window_bounds = array<i64: 1, 128>}, {transform_indices = @transform_11, window_bounds = array<i64: 1, 1, 512, 128>}]} {
    %get3A = arith.constant 0 : index
    %get3A_0 = arith.constant 0 : index
    %get3A_1 = arith.constant 0 : index
    %get3A_2 = vector.load %arg2[%get3A, %get3A_0, %get3A_1] : memref<1x512x3xf32, #tpu.memory_space<vmem>>, vector<1x512x3xf32>
    %get3A_3 = vector.shape_cast %get3A_2 : vector<1x512x3xf32> to vector<512x3xf32>
    %get3A_4 = arith.constant 0 : index
    %get3A_5 = arith.constant 0 : index
    %get3A_6 = arith.constant 0 : index
    %get3A_7 = vector.load %arg3[%get3A_4, %get3A_5, %get3A_6] : memref<1x3x2048xf32, #tpu.memory_space<vmem>>, vector<1x3x2048xf32>
    %get3A_8 = vector.shape_cast %get3A_7 : vector<1x3x2048xf32> to vector<3x2048xf32>
    %mul3A = arith.mulf %get3A_3, %get3A_3 : vector<512x3xf32>
    %reduce_sum3A = arith.constant dense<0.000000e+00> : vector<512xf32>
    %reduce_sum3A_9 = vector.multi_reduction <add>, %mul3A, %reduce_sum3A [1] : vector<512x3xf32> to vector<512xf32>
    %broadcast_in_dim3A = vector.shape_cast %reduce_sum3A_9 : vector<512xf32> to vector<512x1xf32>
    %mul3A_10 = arith.mulf %get3A_8, %get3A_8 : vector<3x2048xf32>
    %reduce_sum3A_11 = arith.constant dense<0.000000e+00> : vector<2048xf32>
    %reduce_sum3A_12 = vector.multi_reduction <add>, %mul3A_10, %reduce_sum3A_11 [0] : vector<3x2048xf32> to vector<2048xf32>
    %broadcast_in_dim3A_13 = vector.shape_cast %reduce_sum3A_12 : vector<2048xf32> to vector<1x2048xf32>
    %add3A = vector.broadcast %broadcast_in_dim3A : vector<512x1xf32> to vector<512x2048xf32>
    %add3A_14 = vector.broadcast %broadcast_in_dim3A_13 : vector<1x2048xf32> to vector<512x2048xf32>
    %add3A_15 = arith.addf %add3A, %add3A_14 : vector<512x2048xf32>
    %dot_general3A = arith.constant dense<0.000000e+00> : vector<512x2048xf32>
    %dot_general3A_16 = tpu.matmul %get3A_3, %get3A_8, %dot_general3A {dimension_numbers = #tpu.dot_dimension_numbers<[1], [0], [0], [1], [0, 0, 1, 1], [], []>, transpose_lhs_hint = false} : vector<512x3xf32>, vector<3x2048xf32>, vector<512x2048xf32> -> vector<512x2048xf32>
    %mul3A_17 = arith.constant 2.000000e+00 : f32
    %mul3A_18 = vector.broadcast %mul3A_17 : f32 to vector<512x2048xf32>
    %mul3A_19 = arith.mulf %mul3A_18, %dot_general3A_16 : vector<512x2048xf32>
    %sub3A = arith.subf %add3A_15, %mul3A_19 : vector<512x2048xf32>
    %swap3A = arith.constant 0 : index
    %swap3A_20 = arith.constant 0 : index
    %swap3A_21 = vector.load %arg14[%swap3A, %swap3A_20] : memref<512x2048xf32, #tpu.memory_space<vmem>>, vector<512x2048xf32>
    tpu.vector_store %arg14[%swap3A, %swap3A_20], %sub3A {strides = array<i32>} : memref<512x2048xf32, #tpu.memory_space<vmem>>, vector<512x2048xf32>,
    %broadcast_in_dim3A_22 = arith.constant 0.000000e+00 : f32
    %broadcast_in_dim3A_23 = vector.broadcast %broadcast_in_dim3A_22 : f32 to vector<512x8x131xf32>
    %swap3A_24 = arith.constant 0 : index
    %swap3A_25 = arith.constant 0 : index
    %swap3A_26 = arith.constant 0 : index
    %swap3A_27 = vector.load %arg15[%swap3A_24, %swap3A_25, %swap3A_26] : memref<512x8x131xf32, #tpu.memory_space<vmem>>, vector<512x8x131xf32>
    tpu.vector_store %arg15[%swap3A_24, %swap3A_25, %swap3A_26], %broadcast_in_dim3A_23 {strides = array<i32>} : memref<512x8x131xf32, #tpu.memory_space<vmem>>, vector<512x8x131xf32>,
    %iota3A = tpu.iota {dimensions = array<i32: 1>} : vector<512x2048xi32>
    %broadcast_in_dim3A_28 = arith.constant 0.000000e+00 : f32
    %broadcast_in_dim3A_29 = vector.broadcast %broadcast_in_dim3A_28 : f32 to vector<512x128xf32>
    %concatenate3A = tpu.concatenate %get3A_3, %broadcast_in_dim3A_29 in 1 : vector<512x3xf32>, vector<512x128xf32> -> vector<512x131xf32>
    %get3A_30 = arith.constant 0 : index
    %get3A_31 = arith.constant 0 : index
    %get3A_32 = vector.load %arg14[%get3A_30, %get3A_31] : memref<512x2048xf32, #tpu.memory_space<vmem>>, vector<512x2048xf32>
    %reduce_min3A = arith.constant dense<0x7F800000> : vector<512xf32>
    %reduce_min3A_33 = vector.multi_reduction <minimumf>, %get3A_32, %reduce_min3A [1] : vector<512x2048xf32> to vector<512xf32>
    %broadcast_in_dim3A_34 = vector.shape_cast %reduce_min3A_33 : vector<512xf32> to vector<512x1xf32>
    %scan3A = arith.constant 0 : i32
    %scan3A_35 = arith.constant 32 : i32
    %scan3A_36 = arith.addi %scan3A, %scan3A_35 : i32
    %scan3A_37 = arith.constant 1 : i32
    %scan3A_38 = scf.for %scan3A_162 = %scan3A to %scan3A_36 step %scan3A_37 iter_args(%scan3A_163 = %broadcast_in_dim3A_34) -> (vector<512x1xf32>)  : i32 {
      %get3A_164 = arith.constant 0 : index
      %get3A_165 = arith.constant 0 : index
      %get3A_166 = vector.load %arg14[%get3A_164, %get3A_165] : memref<512x2048xf32, #tpu.memory_space<vmem>>, vector<512x2048xf32>
      %eq3A = vector.broadcast %scan3A_163 : vector<512x1xf32> to vector<512x2048xf32>
      %eq3A_167 = arith.cmpf oeq, %get3A_166, %eq3A : vector<512x2048xf32>
      %jit3A = arith.constant 2048 : i32
      %broadcast_in_dim3A_168 = vector.broadcast %jit3A : i32 to vector<512x2048xi32>
      %select_n3A_169 = arith.select %eq3A_167, %iota3A, %broadcast_in_dim3A_168 : vector<512x2048xi1>, vector<512x2048xi32>
      %reduce_min3A_170 = arith.constant dense<2147483647> : vector<512xi32>
      %reduce_min3A_171 = vector.multi_reduction <minsi>, %select_n3A_169, %reduce_min3A_170 [1] : vector<512x2048xi32> to vector<512xi32>
      %broadcast_in_dim3A_172 = vector.shape_cast %reduce_min3A_171 : vector<512xi32> to vector<512x1xi32>
      %eq3A_173 = vector.broadcast %broadcast_in_dim3A_172 : vector<512x1xi32> to vector<512x2048xi32>
      %eq3A_174 = arith.cmpi eq, %iota3A, %eq3A_173 : vector<512x2048xi32>
      %jit3A_175 = arith.constant 3.000000e+38 : f32
      %broadcast_in_dim3A_176 = vector.broadcast %jit3A_175 : f32 to vector<512x2048xf32>
      %select_n3A_177 = arith.select %eq3A_174, %broadcast_in_dim3A_176, %get3A_166 : vector<512x2048xi1>, vector<512x2048xf32>
      %swap3A_178 = arith.constant 0 : index
      %swap3A_179 = arith.constant 0 : index
      %swap3A_180 = vector.load %arg14[%swap3A_178, %swap3A_179] : memref<512x2048xf32, #tpu.memory_space<vmem>>, vector<512x2048xf32>
      tpu.vector_store %arg14[%swap3A_178, %swap3A_179], %select_n3A_177 {strides = array<i32>} : memref<512x2048xf32, #tpu.memory_space<vmem>>, vector<512x2048xf32>,
      %reduce_min3A_181 = arith.constant dense<0x7F800000> : vector<512xf32>
      %reduce_min3A_182 = vector.multi_reduction <minimumf>, %select_n3A_177, %reduce_min3A_181 [1] : vector<512x2048xf32> to vector<512xf32>
      %broadcast_in_dim3A_183 = vector.shape_cast %reduce_min3A_182 : vector<512xf32> to vector<512x1xf32>
      %convert_element_type3A = arith.extui %eq3A_174 : vector<512x2048xi1> to vector<512x2048xi32>
      %convert_element_type3A_184 = arith.sitofp %convert_element_type3A : vector<512x2048xi32> to vector<512x2048xf32>
      %get3A_185 = arith.constant 0 : index
      %get3A_186 = arith.constant 0 : index
      %get3A_187 = arith.constant 0 : index
      %get3A_188 = vector.load %arg4[%get3A_185, %get3A_186, %get3A_187] : memref<1x2048x131xf32, #tpu.memory_space<vmem>>, vector<1x2048x131xf32>
      %get3A_189 = vector.shape_cast %get3A_188 : vector<1x2048x131xf32> to vector<2048x131xf32>
      %dot_general3A_190 = arith.constant dense<0.000000e+00> : vector<512x131xf32>
      %dot_general3A_191 = tpu.matmul %convert_element_type3A_184, %get3A_189, %dot_general3A_190 {dimension_numbers = #tpu.dot_dimension_numbers<[1], [0], [0], [1], [0, 0, 1, 1], [], []>, transpose_lhs_hint = false} : vector<512x2048xf32>, vector<2048x131xf32>, vector<512x131xf32> -> vector<512x131xf32>
      %sub3A_192 = arith.subf %dot_general3A_191, %concatenate3A : vector<512x131xf32>
      %slice3A = vector.extract_strided_slice %sub3A_192 {offsets = [0, 0], sizes = [512, 3], strides = [1, 1]} : vector<512x131xf32> to vector<512x3xf32>
      %get3A_193 = arith.constant 0 : index
      %get3A_194 = arith.constant 0 : index
      %get3A_195 = vector.load %arg5[%get3A_193, %get3A_194] : memref<3x8xf32, #tpu.memory_space<vmem>>, vector<3x8xf32>
      %dot_general3A_196 = arith.constant dense<0.000000e+00> : vector<512x8xf32>
      %dot_general3A_197 = tpu.matmul %slice3A, %get3A_195, %dot_general3A_196 {dimension_numbers = #tpu.dot_dimension_numbers<[1], [0], [0], [1], [0, 0, 1, 1], [], []>, transpose_lhs_hint = false} : vector<512x3xf32>, vector<3x8xf32>, vector<512x8xf32> -> vector<512x8xf32>
      %get3A_198 = arith.constant 0 : index
      %get3A_199 = arith.constant 0 : index
      %get3A_200 = vector.load %arg6[%get3A_198, %get3A_199] : memref<1x8xf32, #tpu.memory_space<vmem>>, vector<1x8xf32>
      %add3A_201 = vector.broadcast %get3A_200 : vector<1x8xf32> to vector<512x8xf32>
      %add3A_202 = arith.addf %dot_general3A_197, %add3A_201 : vector<512x8xf32>
      %max3A = arith.constant 0.000000e+00 : f32
      %max3A_203 = vector.broadcast %max3A : f32 to vector<512x8xf32>
      %max3A_204 = arith.maximumf %add3A_202, %max3A_203 : vector<512x8xf32>
      %get3A_205 = arith.constant 0 : index
      %get3A_206 = arith.constant 0 : index
      %get3A_207 = vector.load %arg7[%get3A_205, %get3A_206] : memref<8x8xf32, #tpu.memory_space<vmem>>, vector<8x8xf32>
      %dot_general3A_208 = arith.constant dense<0.000000e+00> : vector<512x8xf32>
      %dot_general3A_209 = tpu.matmul %max3A_204, %get3A_207, %dot_general3A_208 {dimension_numbers = #tpu.dot_dimension_numbers<[1], [0], [0], [1], [0, 0, 1, 1], [], []>, transpose_lhs_hint = false} : vector<512x8xf32>, vector<8x8xf32>, vector<512x8xf32> -> vector<512x8xf32>
      %get3A_210 = arith.constant 0 : index
      %get3A_211 = arith.constant 0 : index
      %get3A_212 = vector.load %arg8[%get3A_210, %get3A_211] : memref<1x8xf32, #tpu.memory_space<vmem>>, vector<1x8xf32>
      %add3A_213 = vector.broadcast %get3A_212 : vector<1x8xf32> to vector<512x8xf32>
      %add3A_214 = arith.addf %dot_general3A_209, %add3A_213 : vector<512x8xf32>
      %max3A_215 = arith.constant 0.000000e+00 : f32
      %max3A_216 = vector.broadcast %max3A_215 : f32 to vector<512x8xf32>
      %max3A_217 = arith.maximumf %add3A_214, %max3A_216 : vector<512x8xf32>
      %get3A_218 = arith.constant 0 : index
      %get3A_219 = arith.constant 0 : index
      %get3A_220 = vector.load %arg9[%get3A_218, %get3A_219] : memref<8x8xf32, #tpu.memory_space<vmem>>, vector<8x8xf32>
      %dot_general3A_221 = arith.constant dense<0.000000e+00> : vector<512x8xf32>
      %dot_general3A_222 = tpu.matmul %max3A_217, %get3A_220, %dot_general3A_221 {dimension_numbers = #tpu.dot_dimension_numbers<[1], [0], [0], [1], [0, 0, 1, 1], [], []>, transpose_lhs_hint = false} : vector<512x8xf32>, vector<8x8xf32>, vector<512x8xf32> -> vector<512x8xf32>
      %get3A_223 = arith.constant 0 : index
      %get3A_224 = arith.constant 0 : index
      %get3A_225 = vector.load %arg10[%get3A_223, %get3A_224] : memref<1x8xf32, #tpu.memory_space<vmem>>, vector<1x8xf32>
      %add3A_226 = vector.broadcast %get3A_225 : vector<1x8xf32> to vector<512x8xf32>
      %add3A_227 = arith.addf %dot_general3A_222, %add3A_226 : vector<512x8xf32>
      %max3A_228 = arith.constant 0.000000e+00 : f32
      %max3A_229 = vector.broadcast %max3A_228 : f32 to vector<512x8xf32>
      %max3A_230 = arith.maximumf %add3A_227, %max3A_229 : vector<512x8xf32>
      %get3A_231 = arith.constant 0 : index
      %get3A_232 = arith.constant 0 : index
      %get3A_233 = arith.constant 0 : index
      %get3A_234 = vector.load %arg15[%get3A_231, %get3A_232, %get3A_233] : memref<512x8x131xf32, #tpu.memory_space<vmem>>, vector<512x8x131xf32>
      %broadcast_in_dim3A_235 = vector.shape_cast %max3A_230 : vector<512x8xf32> to vector<512x8x1xf32>
      %broadcast_in_dim3A_236 = vector.shape_cast %sub3A_192 : vector<512x131xf32> to vector<512x1x131xf32>
      %mul3A_237 = vector.broadcast %broadcast_in_dim3A_235 : vector<512x8x1xf32> to vector<512x8x131xf32>
      %mul3A_238 = vector.broadcast %broadcast_in_dim3A_236 : vector<512x1x131xf32> to vector<512x8x131xf32>
      %mul3A_239 = arith.mulf %mul3A_237, %mul3A_238 : vector<512x8x131xf32>
      %add3A_240 = arith.addf %get3A_234, %mul3A_239 : vector<512x8x131xf32>
      %swap3A_241 = arith.constant 0 : index
      %swap3A_242 = arith.constant 0 : index
      %swap3A_243 = arith.constant 0 : index
      %swap3A_244 = vector.load %arg15[%swap3A_241, %swap3A_242, %swap3A_243] : memref<512x8x131xf32, #tpu.memory_space<vmem>>, vector<512x8x131xf32>
      tpu.vector_store %arg15[%swap3A_241, %swap3A_242, %swap3A_243], %add3A_240 {strides = array<i32>} : memref<512x8x131xf32, #tpu.memory_space<vmem>>, vector<512x8x131xf32>,
      scf.yield %broadcast_in_dim3A_183 : vector<512x1xf32>
    }
    %broadcast_in_dim3A_39 = arith.constant 0.000000e+00 : f32
    %broadcast_in_dim3A_40 = vector.broadcast %broadcast_in_dim3A_39 : f32 to vector<512x128xf32>
    %get3A_41 = arith.constant 0 : index
    %get3A_42 = arith.constant 0 : index
    %get3A_43 = arith.constant 0 : index
    %get3A_44 = vector.load %arg15[%get3A_41, %get3A_42, %get3A_43] : memref<512x8x131xf32, #tpu.memory_space<vmem>>, vector<512x1x131xf32>
    %get3A_45 = vector.shape_cast %get3A_44 : vector<512x1x131xf32> to vector<512x131xf32>
    %get3A_46 = arith.constant 0 : index
    %get3A_47 = arith.constant 0 : index
    %get3A_48 = arith.constant 0 : index
    %get3A_49 = vector.load %arg11[%get3A_46, %get3A_47, %get3A_48] : memref<8x131x128xf32, #tpu.memory_space<vmem>>, vector<1x131x128xf32>
    %get3A_50 = vector.shape_cast %get3A_49 : vector<1x131x128xf32> to vector<131x128xf32>
    %dot_general3A_51 = arith.constant dense<0.000000e+00> : vector<512x128xf32>
    %dot_general3A_52 = tpu.matmul %get3A_45, %get3A_50, %dot_general3A_51 {dimension_numbers = #tpu.dot_dimension_numbers<[1], [0], [0], [1], [0, 0, 1, 1], [], []>, transpose_lhs_hint = false} : vector<512x131xf32>, vector<131x128xf32>, vector<512x128xf32> -> vector<512x128xf32>
    %add3A_53 = arith.addf %broadcast_in_dim3A_40, %dot_general3A_52 : vector<512x128xf32>
    %get3A_54 = arith.constant 0 : index
    %get3A_55 = arith.constant 1 : index
    %get3A_56 = arith.constant 0 : index
    %get3A_57 = vector.load %arg15[%get3A_54, %get3A_55, %get3A_56] : memref<512x8x131xf32, #tpu.memory_space<vmem>>, vector<512x1x131xf32>
    %get3A_58 = vector.shape_cast %get3A_57 : vector<512x1x131xf32> to vector<512x131xf32>
    %get3A_59 = arith.constant 1 : index
    %get3A_60 = arith.constant 0 : index
    %get3A_61 = arith.constant 0 : index
    %get3A_62 = vector.load %arg11[%get3A_59, %get3A_60, %get3A_61] : memref<8x131x128xf32, #tpu.memory_space<vmem>>, vector<1x131x128xf32>
    %get3A_63 = vector.shape_cast %get3A_62 : vector<1x131x128xf32> to vector<131x128xf32>
    %dot_general3A_64 = arith.constant dense<0.000000e+00> : vector<512x128xf32>
    %dot_general3A_65 = tpu.matmul %get3A_58, %get3A_63, %dot_general3A_64 {dimension_numbers = #tpu.dot_dimension_numbers<[1], [0], [0], [1], [0, 0, 1, 1], [], []>, transpose_lhs_hint = false} : vector<512x131xf32>, vector<131x128xf32>, vector<512x128xf32> -> vector<512x128xf32>
    %add3A_66 = arith.addf %add3A_53, %dot_general3A_65 : vector<512x128xf32>
    %get3A_67 = arith.constant 0 : index
    %get3A_68 = arith.constant 2 : index
    %get3A_69 = arith.constant 0 : index
    %get3A_70 = vector.load %arg15[%get3A_67, %get3A_68, %get3A_69] : memref<512x8x131xf32, #tpu.memory_space<vmem>>, vector<512x1x131xf32>
    %get3A_71 = vector.shape_cast %get3A_70 : vector<512x1x131xf32> to vector<512x131xf32>
    %get3A_72 = arith.constant 2 : index
    %get3A_73 = arith.constant 0 : index
    %get3A_74 = arith.constant 0 : index
    %get3A_75 = vector.load %arg11[%get3A_72, %get3A_73, %get3A_74] : memref<8x131x128xf32, #tpu.memory_space<vmem>>, vector<1x131x128xf32>
    %get3A_76 = vector.shape_cast %get3A_75 : vector<1x131x128xf32> to vector<131x128xf32>
    %dot_general3A_77 = arith.constant dense<0.000000e+00> : vector<512x128xf32>
    %dot_general3A_78 = tpu.matmul %get3A_71, %get3A_76, %dot_general3A_77 {dimension_numbers = #tpu.dot_dimension_numbers<[1], [0], [0], [1], [0, 0, 1, 1], [], []>, transpose_lhs_hint = false} : vector<512x131xf32>, vector<131x128xf32>, vector<512x128xf32> -> vector<512x128xf32>
    %add3A_79 = arith.addf %add3A_66, %dot_general3A_78 : vector<512x128xf32>
    %get3A_80 = arith.constant 0 : index
    %get3A_81 = arith.constant 3 : index
    %get3A_82 = arith.constant 0 : index
    %get3A_83 = vector.load %arg15[%get3A_80, %get3A_81, %get3A_82] : memref<512x8x131xf32, #tpu.memory_space<vmem>>, vector<512x1x131xf32>
    %get3A_84 = vector.shape_cast %get3A_83 : vector<512x1x131xf32> to vector<512x131xf32>
    %get3A_85 = arith.constant 3 : index
    %get3A_86 = arith.constant 0 : index
    %get3A_87 = arith.constant 0 : index
    %get3A_88 = vector.load %arg11[%get3A_85, %get3A_86, %get3A_87] : memref<8x131x128xf32, #tpu.memory_space<vmem>>, vector<1x131x128xf32>
    %get3A_89 = vector.shape_cast %get3A_88 : vector<1x131x128xf32> to vector<131x128xf32>
    %dot_general3A_90 = arith.constant dense<0.000000e+00> : vector<512x128xf32>
    %dot_general3A_91 = tpu.matmul %get3A_84, %get3A_89, %dot_general3A_90 {dimension_numbers = #tpu.dot_dimension_numbers<[1], [0], [0], [1], [0, 0, 1, 1], [], []>, transpose_lhs_hint = false} : vector<512x131xf32>, vector<131x128xf32>, vector<512x128xf32> -> vector<512x128xf32>
    %add3A_92 = arith.addf %add3A_79, %dot_general3A_91 : vector<512x128xf32>
    %get3A_93 = arith.constant 0 : index
    %get3A_94 = arith.constant 4 : index
    %get3A_95 = arith.constant 0 : index
    %get3A_96 = vector.load %arg15[%get3A_93, %get3A_94, %get3A_95] : memref<512x8x131xf32, #tpu.memory_space<vmem>>, vector<512x1x131xf32>
    %get3A_97 = vector.shape_cast %get3A_96 : vector<512x1x131xf32> to vector<512x131xf32>
    %get3A_98 = arith.constant 4 : index
    %get3A_99 = arith.constant 0 : index
    %get3A_100 = arith.constant 0 : index
    %get3A_101 = vector.load %arg11[%get3A_98, %get3A_99, %get3A_100] : memref<8x131x128xf32, #tpu.memory_space<vmem>>, vector<1x131x128xf32>
    %get3A_102 = vector.shape_cast %get3A_101 : vector<1x131x128xf32> to vector<131x128xf32>
    %dot_general3A_103 = arith.constant dense<0.000000e+00> : vector<512x128xf32>
    %dot_general3A_104 = tpu.matmul %get3A_97, %get3A_102, %dot_general3A_103 {dimension_numbers = #tpu.dot_dimension_numbers<[1], [0], [0], [1], [0, 0, 1, 1], [], []>, transpose_lhs_hint = false} : vector<512x131xf32>, vector<131x128xf32>, vector<512x128xf32> -> vector<512x128xf32>
    %add3A_105 = arith.addf %add3A_92, %dot_general3A_104 : vector<512x128xf32>
    %get3A_106 = arith.constant 0 : index
    %get3A_107 = arith.constant 5 : index
    %get3A_108 = arith.constant 0 : index
    %get3A_109 = vector.load %arg15[%get3A_106, %get3A_107, %get3A_108] : memref<512x8x131xf32, #tpu.memory_space<vmem>>, vector<512x1x131xf32>
    %get3A_110 = vector.shape_cast %get3A_109 : vector<512x1x131xf32> to vector<512x131xf32>
    %get3A_111 = arith.constant 5 : index
    %get3A_112 = arith.constant 0 : index
    %get3A_113 = arith.constant 0 : index
    %get3A_114 = vector.load %arg11[%get3A_111, %get3A_112, %get3A_113] : memref<8x131x128xf32, #tpu.memory_space<vmem>>, vector<1x131x128xf32>
    %get3A_115 = vector.shape_cast %get3A_114 : vector<1x131x128xf32> to vector<131x128xf32>
    %dot_general3A_116 = arith.constant dense<0.000000e+00> : vector<512x128xf32>
    %dot_general3A_117 = tpu.matmul %get3A_110, %get3A_115, %dot_general3A_116 {dimension_numbers = #tpu.dot_dimension_numbers<[1], [0], [0], [1], [0, 0, 1, 1], [], []>, transpose_lhs_hint = false} : vector<512x131xf32>, vector<131x128xf32>, vector<512x128xf32> -> vector<512x128xf32>
    %add3A_118 = arith.addf %add3A_105, %dot_general3A_117 : vector<512x128xf32>
    %get3A_119 = arith.constant 0 : index
    %get3A_120 = arith.constant 6 : index
    %get3A_121 = arith.constant 0 : index
    %get3A_122 = vector.load %arg15[%get3A_119, %get3A_120, %get3A_121] : memref<512x8x131xf32, #tpu.memory_space<vmem>>, vector<512x1x131xf32>
    %get3A_123 = vector.shape_cast %get3A_122 : vector<512x1x131xf32> to vector<512x131xf32>
    %get3A_124 = arith.constant 6 : index
    %get3A_125 = arith.constant 0 : index
    %get3A_126 = arith.constant 0 : index
    %get3A_127 = vector.load %arg11[%get3A_124, %get3A_125, %get3A_126] : memref<8x131x128xf32, #tpu.memory_space<vmem>>, vector<1x131x128xf32>
    %get3A_128 = vector.shape_cast %get3A_127 : vector<1x131x128xf32> to vector<131x128xf32>
    %dot_general3A_129 = arith.constant dense<0.000000e+00> : vector<512x128xf32>
    %dot_general3A_130 = tpu.matmul %get3A_123, %get3A_128, %dot_general3A_129 {dimension_numbers = #tpu.dot_dimension_numbers<[1], [0], [0], [1], [0, 0, 1, 1], [], []>, transpose_lhs_hint = false} : vector<512x131xf32>, vector<131x128xf32>, vector<512x128xf32> -> vector<512x128xf32>
    %add3A_131 = arith.addf %add3A_118, %dot_general3A_130 : vector<512x128xf32>
    %get3A_132 = arith.constant 0 : index
    %get3A_133 = arith.constant 7 : index
    %get3A_134 = arith.constant 0 : index
    %get3A_135 = vector.load %arg15[%get3A_132, %get3A_133, %get3A_134] : memref<512x8x131xf32, #tpu.memory_space<vmem>>, vector<512x1x131xf32>
    %get3A_136 = vector.shape_cast %get3A_135 : vector<512x1x131xf32> to vector<512x131xf32>
    %get3A_137 = arith.constant 7 : index
    %get3A_138 = arith.constant 0 : index
    %get3A_139 = arith.constant 0 : index
    %get3A_140 = vector.load %arg11[%get3A_137, %get3A_138, %get3A_139] : memref<8x131x128xf32, #tpu.memory_space<vmem>>, vector<1x131x128xf32>
    %get3A_141 = vector.shape_cast %get3A_140 : vector<1x131x128xf32> to vector<131x128xf32>
    %dot_general3A_142 = arith.constant dense<0.000000e+00> : vector<512x128xf32>
    %dot_general3A_143 = tpu.matmul %get3A_136, %get3A_141, %dot_general3A_142 {dimension_numbers = #tpu.dot_dimension_numbers<[1], [0], [0], [1], [0, 0, 1, 1], [], []>, transpose_lhs_hint = false} : vector<512x131xf32>, vector<131x128xf32>, vector<512x128xf32> -> vector<512x128xf32>
    %add3A_144 = arith.addf %add3A_131, %dot_general3A_143 : vector<512x128xf32>
    %get3A_145 = arith.constant 0 : index
    %get3A_146 = arith.constant 0 : index
    %get3A_147 = vector.load %arg12[%get3A_145, %get3A_146] : memref<1x128xf32, #tpu.memory_space<vmem>>, vector<1x128xf32>
    %add3A_148 = vector.broadcast %get3A_147 : vector<1x128xf32> to vector<512x128xf32>
    %add3A_149 = arith.addf %add3A_144, %add3A_148 : vector<512x128xf32>
    %gt3A = arith.constant 0.000000e+00 : f32
    %gt3A_150 = vector.broadcast %gt3A : f32 to vector<512x128xf32>
    %gt3A_151 = arith.cmpf ogt, %add3A_149, %gt3A_150 : vector<512x128xf32>
    %mul3A_152 = arith.constant 1.000000e-01 : f32
    %mul3A_153 = vector.broadcast %mul3A_152 : f32 to vector<512x128xf32>
    %mul3A_154 = arith.mulf %mul3A_153, %add3A_149 : vector<512x128xf32>
    %select_n3A = arith.select %gt3A_151, %add3A_149, %mul3A_154 : vector<512x128xi1>, vector<512x128xf32>
    %swap3A_155 = arith.constant 0 : index
    %swap3A_156 = arith.constant 0 : index
    %swap3A_157 = arith.constant 0 : index
    %swap3A_158 = arith.constant 0 : index
    %swap3A_159 = vector.load %arg13[%swap3A_155, %swap3A_156, %swap3A_157, %swap3A_158] : memref<1x1x512x128xf32, #tpu.memory_space<vmem>>, vector<1x1x512x128xf32>
    %swap3A_160 = vector.shape_cast %swap3A_159 : vector<1x1x512x128xf32> to vector<512x128xf32>
    %swap3A_161 = vector.shape_cast %select_n3A : vector<512x128xf32> to vector<1x1x512x128xf32>
    tpu.vector_store %arg13[%swap3A_155, %swap3A_156, %swap3A_157, %swap3A_158], %swap3A_161 {strides = array<i32>} : memref<1x1x512x128xf32, #tpu.memory_space<vmem>>, vector<1x1x512x128xf32>,
    return
  }
  func.func @transform_0(%arg0: i32, %arg1: i32) -> (i32, i32, i32) {
    %c0_i32 = arith.constant 0 : i32
    %c0_i32_0 = arith.constant 0 : i32
    return %arg0, %arg1, %c0_i32 : i32, i32, i32
  }
  func.func @transform_1(%arg0: i32, %arg1: i32) -> (i32, i32, i32) {
    %c0_i32 = arith.constant 0 : i32
    %c0_i32_0 = arith.constant 0 : i32
    %c0_i32_1 = arith.constant 0 : i32
    return %arg0, %c0_i32, %c0_i32_0 : i32, i32, i32
  }
  func.func @transform_2(%arg0: i32, %arg1: i32) -> (i32, i32, i32) {
    %c0_i32 = arith.constant 0 : i32
    %c0_i32_0 = arith.constant 0 : i32
    %c0_i32_1 = arith.constant 0 : i32
    return %arg0, %c0_i32, %c0_i32_0 : i32, i32, i32
  }
  func.func @transform_3(%arg0: i32, %arg1: i32) -> (i32, i32) {
    %c0_i32 = arith.constant 0 : i32
    %c0_i32_0 = arith.constant 0 : i32
    %c0_i32_1 = arith.constant 0 : i32
    return %c0_i32, %c0_i32_0 : i32, i32
  }
  func.func @transform_4(%arg0: i32, %arg1: i32) -> (i32, i32) {
    %c0_i32 = arith.constant 0 : i32
    %c0_i32_0 = arith.constant 0 : i32
    %c0_i32_1 = arith.constant 0 : i32
    return %c0_i32, %c0_i32_0 : i32, i32
  }
  func.func @transform_5(%arg0: i32, %arg1: i32) -> (i32, i32) {
    %c0_i32 = arith.constant 0 : i32
    %c0_i32_0 = arith.constant 0 : i32
    %c0_i32_1 = arith.constant 0 : i32
    return %c0_i32, %c0_i32_0 : i32, i32
  }
  func.func @transform_6(%arg0: i32, %arg1: i32) -> (i32, i32) {
    %c0_i32 = arith.constant 0 : i32
    %c0_i32_0 = arith.constant 0 : i32
    %c0_i32_1 = arith.constant 0 : i32
    return %c0_i32, %c0_i32_0 : i32, i32
  }
  func.func @transform_7(%arg0: i32, %arg1: i32) -> (i32, i32) {
    %c0_i32 = arith.constant 0 : i32
    %c0_i32_0 = arith.constant 0 : i32
    %c0_i32_1 = arith.constant 0 : i32
    return %c0_i32, %c0_i32_0 : i32, i32
  }
  func.func @transform_8(%arg0: i32, %arg1: i32) -> (i32, i32) {
    %c0_i32 = arith.constant 0 : i32
    %c0_i32_0 = arith.constant 0 : i32
    %c0_i32_1 = arith.constant 0 : i32
    return %c0_i32, %c0_i32_0 : i32, i32
  }
  func.func @transform_9(%arg0: i32, %arg1: i32) -> (i32, i32, i32) {
    %c0_i32 = arith.constant 0 : i32
    %c0_i32_0 = arith.constant 0 : i32
    %c0_i32_1 = arith.constant 0 : i32
    %c0_i32_2 = arith.constant 0 : i32
    return %c0_i32, %c0_i32_0, %c0_i32_1 : i32, i32, i32
  }
  func.func @transform_10(%arg0: i32, %arg1: i32) -> (i32, i32) {
    %c0_i32 = arith.constant 0 : i32
    %c0_i32_0 = arith.constant 0 : i32
    %c0_i32_1 = arith.constant 0 : i32
    return %c0_i32, %c0_i32_0 : i32, i32
  }
  func.func @transform_11(%arg0: i32, %arg1: i32) -> (i32, i32, i32, i32) {
    %c0_i32 = arith.constant 0 : i32
    %c0_i32_0 = arith.constant 0 : i32
    %c0_i32_1 = arith.constant 0 : i32
    return %arg0, %arg1, %c0_i32, %c0_i32_0 : i32, i32, i32, i32
  }
}

module attributes {stable_mosaic.version = 14 : i64} {
  func.func @_linear_leaky_kernel(%arg0: memref<1024x128xf32, #tpu.memory_space<vmem>>, %arg1: memref<128x128xf32, #tpu.memory_space<vmem>>, %arg2: memref<1x128xf32, #tpu.memory_space<vmem>>, %arg3: memref<1024x128xf32, #tpu.memory_space<vmem>>) attributes {dimension_semantics = [], scalar_prefetch = 0 : i64, scratch_operands = 0 : i64, tpu.core_type = #tpu.core_type<tc>} {
    %get3A = arith.constant 0 : index
    %get3A_0 = arith.constant 0 : index
    %get3A_1 = vector.load %arg0[%get3A, %get3A_0] : memref<1024x128xf32, #tpu.memory_space<vmem>>, vector<1024x128xf32>
    %get3A_2 = arith.constant 0 : index
    %get3A_3 = arith.constant 0 : index
    %get3A_4 = vector.load %arg1[%get3A_2, %get3A_3] : memref<128x128xf32, #tpu.memory_space<vmem>>, vector<128x128xf32>
    %dot_general3A = arith.constant dense<0.000000e+00> : vector<1024x128xf32>
    %dot_general3A_5 = tpu.matmul %get3A_1, %get3A_4, %dot_general3A {dimension_numbers = #tpu.dot_dimension_numbers<[1], [0], [0], [1], [0, 0, 1, 1], [], []>, transpose_lhs_hint = false} : vector<1024x128xf32>, vector<128x128xf32>, vector<1024x128xf32> -> vector<1024x128xf32>
    %get3A_6 = arith.constant 0 : index
    %get3A_7 = arith.constant 0 : index
    %get3A_8 = vector.load %arg2[%get3A_6, %get3A_7] : memref<1x128xf32, #tpu.memory_space<vmem>>, vector<1x128xf32>
    %add3A = vector.broadcast %get3A_8 : vector<1x128xf32> to vector<1024x128xf32>
    %add3A_9 = arith.addf %dot_general3A_5, %add3A : vector<1024x128xf32>
    %gt3A = arith.constant 0.000000e+00 : f32
    %gt3A_10 = vector.broadcast %gt3A : f32 to vector<1024x128xf32>
    %gt3A_11 = arith.cmpf ogt, %add3A_9, %gt3A_10 : vector<1024x128xf32>
    %mul3A = arith.constant 1.000000e-01 : f32
    %mul3A_12 = vector.broadcast %mul3A : f32 to vector<1024x128xf32>
    %mul3A_13 = arith.mulf %mul3A_12, %add3A_9 : vector<1024x128xf32>
    %select_n3A = arith.select %gt3A_11, %add3A_9, %mul3A_13 : vector<1024x128xi1>, vector<1024x128xf32>
    %swap3A = arith.constant 0 : index
    %swap3A_14 = arith.constant 0 : index
    %swap3A_15 = vector.load %arg3[%swap3A, %swap3A_14] : memref<1024x128xf32, #tpu.memory_space<vmem>>, vector<1024x128xf32>
    tpu.vector_store %arg3[%swap3A, %swap3A_14], %select_n3A {strides = array<i32>} : memref<1024x128xf32, #tpu.memory_space<vmem>>, vector<1024x128xf32>,
    return
  }
}

module attributes {stable_mosaic.version = 14 : i64} {
  func.func @_linear_leaky_kernel(%arg0: memref<1024x128xf32, #tpu.memory_space<vmem>>, %arg1: memref<128x256xf32, #tpu.memory_space<vmem>>, %arg2: memref<1x256xf32, #tpu.memory_space<vmem>>, %arg3: memref<1024x256xf32, #tpu.memory_space<vmem>>) attributes {dimension_semantics = [], scalar_prefetch = 0 : i64, scratch_operands = 0 : i64, tpu.core_type = #tpu.core_type<tc>} {
    %get3A = arith.constant 0 : index
    %get3A_0 = arith.constant 0 : index
    %get3A_1 = vector.load %arg0[%get3A, %get3A_0] : memref<1024x128xf32, #tpu.memory_space<vmem>>, vector<1024x128xf32>
    %get3A_2 = arith.constant 0 : index
    %get3A_3 = arith.constant 0 : index
    %get3A_4 = vector.load %arg1[%get3A_2, %get3A_3] : memref<128x256xf32, #tpu.memory_space<vmem>>, vector<128x256xf32>
    %dot_general3A = arith.constant dense<0.000000e+00> : vector<1024x256xf32>
    %dot_general3A_5 = tpu.matmul %get3A_1, %get3A_4, %dot_general3A {dimension_numbers = #tpu.dot_dimension_numbers<[1], [0], [0], [1], [0, 0, 1, 1], [], []>, transpose_lhs_hint = false} : vector<1024x128xf32>, vector<128x256xf32>, vector<1024x256xf32> -> vector<1024x256xf32>
    %get3A_6 = arith.constant 0 : index
    %get3A_7 = arith.constant 0 : index
    %get3A_8 = vector.load %arg2[%get3A_6, %get3A_7] : memref<1x256xf32, #tpu.memory_space<vmem>>, vector<1x256xf32>
    %add3A = vector.broadcast %get3A_8 : vector<1x256xf32> to vector<1024x256xf32>
    %add3A_9 = arith.addf %dot_general3A_5, %add3A : vector<1024x256xf32>
    %gt3A = arith.constant 0.000000e+00 : f32
    %gt3A_10 = vector.broadcast %gt3A : f32 to vector<1024x256xf32>
    %gt3A_11 = arith.cmpf ogt, %add3A_9, %gt3A_10 : vector<1024x256xf32>
    %mul3A = arith.constant 1.000000e-01 : f32
    %mul3A_12 = vector.broadcast %mul3A : f32 to vector<1024x256xf32>
    %mul3A_13 = arith.mulf %mul3A_12, %add3A_9 : vector<1024x256xf32>
    %select_n3A = arith.select %gt3A_11, %add3A_9, %mul3A_13 : vector<1024x256xi1>, vector<1024x256xf32>
    %swap3A = arith.constant 0 : index
    %swap3A_14 = arith.constant 0 : index
    %swap3A_15 = vector.load %arg3[%swap3A, %swap3A_14] : memref<1024x256xf32, #tpu.memory_space<vmem>>, vector<1024x256xf32>
    tpu.vector_store %arg3[%swap3A, %swap3A_14], %select_n3A {strides = array<i32>} : memref<1024x256xf32, #tpu.memory_space<vmem>>, vector<1024x256xf32>,
    return
  }
}

module attributes {stable_mosaic.version = 14 : i64} {
  func.func @_pcf_kernel(%arg0: i32, %arg1: i32, %arg2: memref<1x256x3xf32, #tpu.memory_space<vmem>>, %arg3: memref<1x3x512xf32, #tpu.memory_space<vmem>>, %arg4: memref<1x512x259xf32, #tpu.memory_space<vmem>>, %arg5: memref<3x8xf32, #tpu.memory_space<vmem>>, %arg6: memref<1x8xf32, #tpu.memory_space<vmem>>, %arg7: memref<8x8xf32, #tpu.memory_space<vmem>>, %arg8: memref<1x8xf32, #tpu.memory_space<vmem>>, %arg9: memref<8x8xf32, #tpu.memory_space<vmem>>, %arg10: memref<1x8xf32, #tpu.memory_space<vmem>>, %arg11: memref<8x259x256xf32, #tpu.memory_space<vmem>>, %arg12: memref<1x256xf32, #tpu.memory_space<vmem>>, %arg13: memref<1x1x256x256xf32, #tpu.memory_space<vmem>>, %arg14: memref<256x512xf32, #tpu.memory_space<vmem>>, %arg15: memref<256x8x259xf32, #tpu.memory_space<vmem>>) attributes {dimension_semantics = [#tpu.dimension_semantics<arbitrary>, #tpu.dimension_semantics<arbitrary>], iteration_bounds = array<i64: 2, 1>, scalar_prefetch = 0 : i64, scratch_operands = 2 : i64, tpu.core_type = #tpu.core_type<tc>, window_params = [{transform_indices = @transform_0, window_bounds = array<i64: 1, 256, 3>}, {transform_indices = @transform_1, window_bounds = array<i64: 1, 3, 512>}, {transform_indices = @transform_2, window_bounds = array<i64: 1, 512, 259>}, {pipeline_mode = #tpu.pipeline_mode<synchronous>, transform_indices = @transform_3, window_bounds = array<i64: 3, 8>}, {pipeline_mode = #tpu.pipeline_mode<synchronous>, transform_indices = @transform_4, window_bounds = array<i64: 1, 8>}, {pipeline_mode = #tpu.pipeline_mode<synchronous>, transform_indices = @transform_5, window_bounds = array<i64: 8, 8>}, {pipeline_mode = #tpu.pipeline_mode<synchronous>, transform_indices = @transform_6, window_bounds = array<i64: 1, 8>}, {pipeline_mode = #tpu.pipeline_mode<synchronous>, transform_indices = @transform_7, window_bounds = array<i64: 8, 8>}, {pipeline_mode = #tpu.pipeline_mode<synchronous>, transform_indices = @transform_8, window_bounds = array<i64: 1, 8>}, {pipeline_mode = #tpu.pipeline_mode<synchronous>, transform_indices = @transform_9, window_bounds = array<i64: 8, 259, 256>}, {pipeline_mode = #tpu.pipeline_mode<synchronous>, transform_indices = @transform_10, window_bounds = array<i64: 1, 256>}, {transform_indices = @transform_11, window_bounds = array<i64: 1, 1, 256, 256>}]} {
    %get3A = arith.constant 0 : index
    %get3A_0 = arith.constant 0 : index
    %get3A_1 = arith.constant 0 : index
    %get3A_2 = vector.load %arg2[%get3A, %get3A_0, %get3A_1] : memref<1x256x3xf32, #tpu.memory_space<vmem>>, vector<1x256x3xf32>
    %get3A_3 = vector.shape_cast %get3A_2 : vector<1x256x3xf32> to vector<256x3xf32>
    %get3A_4 = arith.constant 0 : index
    %get3A_5 = arith.constant 0 : index
    %get3A_6 = arith.constant 0 : index
    %get3A_7 = vector.load %arg3[%get3A_4, %get3A_5, %get3A_6] : memref<1x3x512xf32, #tpu.memory_space<vmem>>, vector<1x3x512xf32>
    %get3A_8 = vector.shape_cast %get3A_7 : vector<1x3x512xf32> to vector<3x512xf32>
    %mul3A = arith.mulf %get3A_3, %get3A_3 : vector<256x3xf32>
    %reduce_sum3A = arith.constant dense<0.000000e+00> : vector<256xf32>
    %reduce_sum3A_9 = vector.multi_reduction <add>, %mul3A, %reduce_sum3A [1] : vector<256x3xf32> to vector<256xf32>
    %broadcast_in_dim3A = vector.shape_cast %reduce_sum3A_9 : vector<256xf32> to vector<256x1xf32>
    %mul3A_10 = arith.mulf %get3A_8, %get3A_8 : vector<3x512xf32>
    %reduce_sum3A_11 = arith.constant dense<0.000000e+00> : vector<512xf32>
    %reduce_sum3A_12 = vector.multi_reduction <add>, %mul3A_10, %reduce_sum3A_11 [0] : vector<3x512xf32> to vector<512xf32>
    %broadcast_in_dim3A_13 = vector.shape_cast %reduce_sum3A_12 : vector<512xf32> to vector<1x512xf32>
    %add3A = vector.broadcast %broadcast_in_dim3A : vector<256x1xf32> to vector<256x512xf32>
    %add3A_14 = vector.broadcast %broadcast_in_dim3A_13 : vector<1x512xf32> to vector<256x512xf32>
    %add3A_15 = arith.addf %add3A, %add3A_14 : vector<256x512xf32>
    %dot_general3A = arith.constant dense<0.000000e+00> : vector<256x512xf32>
    %dot_general3A_16 = tpu.matmul %get3A_3, %get3A_8, %dot_general3A {dimension_numbers = #tpu.dot_dimension_numbers<[1], [0], [0], [1], [0, 0, 1, 1], [], []>, transpose_lhs_hint = false} : vector<256x3xf32>, vector<3x512xf32>, vector<256x512xf32> -> vector<256x512xf32>
    %mul3A_17 = arith.constant 2.000000e+00 : f32
    %mul3A_18 = vector.broadcast %mul3A_17 : f32 to vector<256x512xf32>
    %mul3A_19 = arith.mulf %mul3A_18, %dot_general3A_16 : vector<256x512xf32>
    %sub3A = arith.subf %add3A_15, %mul3A_19 : vector<256x512xf32>
    %swap3A = arith.constant 0 : index
    %swap3A_20 = arith.constant 0 : index
    %swap3A_21 = vector.load %arg14[%swap3A, %swap3A_20] : memref<256x512xf32, #tpu.memory_space<vmem>>, vector<256x512xf32>
    tpu.vector_store %arg14[%swap3A, %swap3A_20], %sub3A {strides = array<i32>} : memref<256x512xf32, #tpu.memory_space<vmem>>, vector<256x512xf32>,
    %broadcast_in_dim3A_22 = arith.constant 0.000000e+00 : f32
    %broadcast_in_dim3A_23 = vector.broadcast %broadcast_in_dim3A_22 : f32 to vector<256x8x259xf32>
    %swap3A_24 = arith.constant 0 : index
    %swap3A_25 = arith.constant 0 : index
    %swap3A_26 = arith.constant 0 : index
    %swap3A_27 = vector.load %arg15[%swap3A_24, %swap3A_25, %swap3A_26] : memref<256x8x259xf32, #tpu.memory_space<vmem>>, vector<256x8x259xf32>
    tpu.vector_store %arg15[%swap3A_24, %swap3A_25, %swap3A_26], %broadcast_in_dim3A_23 {strides = array<i32>} : memref<256x8x259xf32, #tpu.memory_space<vmem>>, vector<256x8x259xf32>,
    %iota3A = tpu.iota {dimensions = array<i32: 1>} : vector<256x512xi32>
    %broadcast_in_dim3A_28 = arith.constant 0.000000e+00 : f32
    %broadcast_in_dim3A_29 = vector.broadcast %broadcast_in_dim3A_28 : f32 to vector<256x256xf32>
    %concatenate3A = tpu.concatenate %get3A_3, %broadcast_in_dim3A_29 in 1 : vector<256x3xf32>, vector<256x256xf32> -> vector<256x259xf32>
    %get3A_30 = arith.constant 0 : index
    %get3A_31 = arith.constant 0 : index
    %get3A_32 = vector.load %arg14[%get3A_30, %get3A_31] : memref<256x512xf32, #tpu.memory_space<vmem>>, vector<256x512xf32>
    %reduce_min3A = arith.constant dense<0x7F800000> : vector<256xf32>
    %reduce_min3A_33 = vector.multi_reduction <minimumf>, %get3A_32, %reduce_min3A [1] : vector<256x512xf32> to vector<256xf32>
    %broadcast_in_dim3A_34 = vector.shape_cast %reduce_min3A_33 : vector<256xf32> to vector<256x1xf32>
    %scan3A = arith.constant 0 : i32
    %scan3A_35 = arith.constant 32 : i32
    %scan3A_36 = arith.addi %scan3A, %scan3A_35 : i32
    %scan3A_37 = arith.constant 1 : i32
    %scan3A_38 = scf.for %scan3A_162 = %scan3A to %scan3A_36 step %scan3A_37 iter_args(%scan3A_163 = %broadcast_in_dim3A_34) -> (vector<256x1xf32>)  : i32 {
      %get3A_164 = arith.constant 0 : index
      %get3A_165 = arith.constant 0 : index
      %get3A_166 = vector.load %arg14[%get3A_164, %get3A_165] : memref<256x512xf32, #tpu.memory_space<vmem>>, vector<256x512xf32>
      %eq3A = vector.broadcast %scan3A_163 : vector<256x1xf32> to vector<256x512xf32>
      %eq3A_167 = arith.cmpf oeq, %get3A_166, %eq3A : vector<256x512xf32>
      %jit3A = arith.constant 512 : i32
      %broadcast_in_dim3A_168 = vector.broadcast %jit3A : i32 to vector<256x512xi32>
      %select_n3A_169 = arith.select %eq3A_167, %iota3A, %broadcast_in_dim3A_168 : vector<256x512xi1>, vector<256x512xi32>
      %reduce_min3A_170 = arith.constant dense<2147483647> : vector<256xi32>
      %reduce_min3A_171 = vector.multi_reduction <minsi>, %select_n3A_169, %reduce_min3A_170 [1] : vector<256x512xi32> to vector<256xi32>
      %broadcast_in_dim3A_172 = vector.shape_cast %reduce_min3A_171 : vector<256xi32> to vector<256x1xi32>
      %eq3A_173 = vector.broadcast %broadcast_in_dim3A_172 : vector<256x1xi32> to vector<256x512xi32>
      %eq3A_174 = arith.cmpi eq, %iota3A, %eq3A_173 : vector<256x512xi32>
      %jit3A_175 = arith.constant 3.000000e+38 : f32
      %broadcast_in_dim3A_176 = vector.broadcast %jit3A_175 : f32 to vector<256x512xf32>
      %select_n3A_177 = arith.select %eq3A_174, %broadcast_in_dim3A_176, %get3A_166 : vector<256x512xi1>, vector<256x512xf32>
      %swap3A_178 = arith.constant 0 : index
      %swap3A_179 = arith.constant 0 : index
      %swap3A_180 = vector.load %arg14[%swap3A_178, %swap3A_179] : memref<256x512xf32, #tpu.memory_space<vmem>>, vector<256x512xf32>
      tpu.vector_store %arg14[%swap3A_178, %swap3A_179], %select_n3A_177 {strides = array<i32>} : memref<256x512xf32, #tpu.memory_space<vmem>>, vector<256x512xf32>,
      %reduce_min3A_181 = arith.constant dense<0x7F800000> : vector<256xf32>
      %reduce_min3A_182 = vector.multi_reduction <minimumf>, %select_n3A_177, %reduce_min3A_181 [1] : vector<256x512xf32> to vector<256xf32>
      %broadcast_in_dim3A_183 = vector.shape_cast %reduce_min3A_182 : vector<256xf32> to vector<256x1xf32>
      %convert_element_type3A = arith.extui %eq3A_174 : vector<256x512xi1> to vector<256x512xi32>
      %convert_element_type3A_184 = arith.sitofp %convert_element_type3A : vector<256x512xi32> to vector<256x512xf32>
      %get3A_185 = arith.constant 0 : index
      %get3A_186 = arith.constant 0 : index
      %get3A_187 = arith.constant 0 : index
      %get3A_188 = vector.load %arg4[%get3A_185, %get3A_186, %get3A_187] : memref<1x512x259xf32, #tpu.memory_space<vmem>>, vector<1x512x259xf32>
      %get3A_189 = vector.shape_cast %get3A_188 : vector<1x512x259xf32> to vector<512x259xf32>
      %dot_general3A_190 = arith.constant dense<0.000000e+00> : vector<256x259xf32>
      %dot_general3A_191 = tpu.matmul %convert_element_type3A_184, %get3A_189, %dot_general3A_190 {dimension_numbers = #tpu.dot_dimension_numbers<[1], [0], [0], [1], [0, 0, 1, 1], [], []>, transpose_lhs_hint = false} : vector<256x512xf32>, vector<512x259xf32>, vector<256x259xf32> -> vector<256x259xf32>
      %sub3A_192 = arith.subf %dot_general3A_191, %concatenate3A : vector<256x259xf32>
      %slice3A = vector.extract_strided_slice %sub3A_192 {offsets = [0, 0], sizes = [256, 3], strides = [1, 1]} : vector<256x259xf32> to vector<256x3xf32>
      %get3A_193 = arith.constant 0 : index
      %get3A_194 = arith.constant 0 : index
      %get3A_195 = vector.load %arg5[%get3A_193, %get3A_194] : memref<3x8xf32, #tpu.memory_space<vmem>>, vector<3x8xf32>
      %dot_general3A_196 = arith.constant dense<0.000000e+00> : vector<256x8xf32>
      %dot_general3A_197 = tpu.matmul %slice3A, %get3A_195, %dot_general3A_196 {dimension_numbers = #tpu.dot_dimension_numbers<[1], [0], [0], [1], [0, 0, 1, 1], [], []>, transpose_lhs_hint = false} : vector<256x3xf32>, vector<3x8xf32>, vector<256x8xf32> -> vector<256x8xf32>
      %get3A_198 = arith.constant 0 : index
      %get3A_199 = arith.constant 0 : index
      %get3A_200 = vector.load %arg6[%get3A_198, %get3A_199] : memref<1x8xf32, #tpu.memory_space<vmem>>, vector<1x8xf32>
      %add3A_201 = vector.broadcast %get3A_200 : vector<1x8xf32> to vector<256x8xf32>
      %add3A_202 = arith.addf %dot_general3A_197, %add3A_201 : vector<256x8xf32>
      %max3A = arith.constant 0.000000e+00 : f32
      %max3A_203 = vector.broadcast %max3A : f32 to vector<256x8xf32>
      %max3A_204 = arith.maximumf %add3A_202, %max3A_203 : vector<256x8xf32>
      %get3A_205 = arith.constant 0 : index
      %get3A_206 = arith.constant 0 : index
      %get3A_207 = vector.load %arg7[%get3A_205, %get3A_206] : memref<8x8xf32, #tpu.memory_space<vmem>>, vector<8x8xf32>
      %dot_general3A_208 = arith.constant dense<0.000000e+00> : vector<256x8xf32>
      %dot_general3A_209 = tpu.matmul %max3A_204, %get3A_207, %dot_general3A_208 {dimension_numbers = #tpu.dot_dimension_numbers<[1], [0], [0], [1], [0, 0, 1, 1], [], []>, transpose_lhs_hint = false} : vector<256x8xf32>, vector<8x8xf32>, vector<256x8xf32> -> vector<256x8xf32>
      %get3A_210 = arith.constant 0 : index
      %get3A_211 = arith.constant 0 : index
      %get3A_212 = vector.load %arg8[%get3A_210, %get3A_211] : memref<1x8xf32, #tpu.memory_space<vmem>>, vector<1x8xf32>
      %add3A_213 = vector.broadcast %get3A_212 : vector<1x8xf32> to vector<256x8xf32>
      %add3A_214 = arith.addf %dot_general3A_209, %add3A_213 : vector<256x8xf32>
      %max3A_215 = arith.constant 0.000000e+00 : f32
      %max3A_216 = vector.broadcast %max3A_215 : f32 to vector<256x8xf32>
      %max3A_217 = arith.maximumf %add3A_214, %max3A_216 : vector<256x8xf32>
      %get3A_218 = arith.constant 0 : index
      %get3A_219 = arith.constant 0 : index
      %get3A_220 = vector.load %arg9[%get3A_218, %get3A_219] : memref<8x8xf32, #tpu.memory_space<vmem>>, vector<8x8xf32>
      %dot_general3A_221 = arith.constant dense<0.000000e+00> : vector<256x8xf32>
      %dot_general3A_222 = tpu.matmul %max3A_217, %get3A_220, %dot_general3A_221 {dimension_numbers = #tpu.dot_dimension_numbers<[1], [0], [0], [1], [0, 0, 1, 1], [], []>, transpose_lhs_hint = false} : vector<256x8xf32>, vector<8x8xf32>, vector<256x8xf32> -> vector<256x8xf32>
      %get3A_223 = arith.constant 0 : index
      %get3A_224 = arith.constant 0 : index
      %get3A_225 = vector.load %arg10[%get3A_223, %get3A_224] : memref<1x8xf32, #tpu.memory_space<vmem>>, vector<1x8xf32>
      %add3A_226 = vector.broadcast %get3A_225 : vector<1x8xf32> to vector<256x8xf32>
      %add3A_227 = arith.addf %dot_general3A_222, %add3A_226 : vector<256x8xf32>
      %max3A_228 = arith.constant 0.000000e+00 : f32
      %max3A_229 = vector.broadcast %max3A_228 : f32 to vector<256x8xf32>
      %max3A_230 = arith.maximumf %add3A_227, %max3A_229 : vector<256x8xf32>
      %get3A_231 = arith.constant 0 : index
      %get3A_232 = arith.constant 0 : index
      %get3A_233 = arith.constant 0 : index
      %get3A_234 = vector.load %arg15[%get3A_231, %get3A_232, %get3A_233] : memref<256x8x259xf32, #tpu.memory_space<vmem>>, vector<256x8x259xf32>
      %broadcast_in_dim3A_235 = vector.shape_cast %max3A_230 : vector<256x8xf32> to vector<256x8x1xf32>
      %broadcast_in_dim3A_236 = vector.shape_cast %sub3A_192 : vector<256x259xf32> to vector<256x1x259xf32>
      %mul3A_237 = vector.broadcast %broadcast_in_dim3A_235 : vector<256x8x1xf32> to vector<256x8x259xf32>
      %mul3A_238 = vector.broadcast %broadcast_in_dim3A_236 : vector<256x1x259xf32> to vector<256x8x259xf32>
      %mul3A_239 = arith.mulf %mul3A_237, %mul3A_238 : vector<256x8x259xf32>
      %add3A_240 = arith.addf %get3A_234, %mul3A_239 : vector<256x8x259xf32>
      %swap3A_241 = arith.constant 0 : index
      %swap3A_242 = arith.constant 0 : index
      %swap3A_243 = arith.constant 0 : index
      %swap3A_244 = vector.load %arg15[%swap3A_241, %swap3A_242, %swap3A_243] : memref<256x8x259xf32, #tpu.memory_space<vmem>>, vector<256x8x259xf32>
      tpu.vector_store %arg15[%swap3A_241, %swap3A_242, %swap3A_243], %add3A_240 {strides = array<i32>} : memref<256x8x259xf32, #tpu.memory_space<vmem>>, vector<256x8x259xf32>,
      scf.yield %broadcast_in_dim3A_183 : vector<256x1xf32>
    }
    %broadcast_in_dim3A_39 = arith.constant 0.000000e+00 : f32
    %broadcast_in_dim3A_40 = vector.broadcast %broadcast_in_dim3A_39 : f32 to vector<256x256xf32>
    %get3A_41 = arith.constant 0 : index
    %get3A_42 = arith.constant 0 : index
    %get3A_43 = arith.constant 0 : index
    %get3A_44 = vector.load %arg15[%get3A_41, %get3A_42, %get3A_43] : memref<256x8x259xf32, #tpu.memory_space<vmem>>, vector<256x1x259xf32>
    %get3A_45 = vector.shape_cast %get3A_44 : vector<256x1x259xf32> to vector<256x259xf32>
    %get3A_46 = arith.constant 0 : index
    %get3A_47 = arith.constant 0 : index
    %get3A_48 = arith.constant 0 : index
    %get3A_49 = vector.load %arg11[%get3A_46, %get3A_47, %get3A_48] : memref<8x259x256xf32, #tpu.memory_space<vmem>>, vector<1x259x256xf32>
    %get3A_50 = vector.shape_cast %get3A_49 : vector<1x259x256xf32> to vector<259x256xf32>
    %dot_general3A_51 = arith.constant dense<0.000000e+00> : vector<256x256xf32>
    %dot_general3A_52 = tpu.matmul %get3A_45, %get3A_50, %dot_general3A_51 {dimension_numbers = #tpu.dot_dimension_numbers<[1], [0], [0], [1], [0, 0, 1, 1], [], []>, transpose_lhs_hint = false} : vector<256x259xf32>, vector<259x256xf32>, vector<256x256xf32> -> vector<256x256xf32>
    %add3A_53 = arith.addf %broadcast_in_dim3A_40, %dot_general3A_52 : vector<256x256xf32>
    %get3A_54 = arith.constant 0 : index
    %get3A_55 = arith.constant 1 : index
    %get3A_56 = arith.constant 0 : index
    %get3A_57 = vector.load %arg15[%get3A_54, %get3A_55, %get3A_56] : memref<256x8x259xf32, #tpu.memory_space<vmem>>, vector<256x1x259xf32>
    %get3A_58 = vector.shape_cast %get3A_57 : vector<256x1x259xf32> to vector<256x259xf32>
    %get3A_59 = arith.constant 1 : index
    %get3A_60 = arith.constant 0 : index
    %get3A_61 = arith.constant 0 : index
    %get3A_62 = vector.load %arg11[%get3A_59, %get3A_60, %get3A_61] : memref<8x259x256xf32, #tpu.memory_space<vmem>>, vector<1x259x256xf32>
    %get3A_63 = vector.shape_cast %get3A_62 : vector<1x259x256xf32> to vector<259x256xf32>
    %dot_general3A_64 = arith.constant dense<0.000000e+00> : vector<256x256xf32>
    %dot_general3A_65 = tpu.matmul %get3A_58, %get3A_63, %dot_general3A_64 {dimension_numbers = #tpu.dot_dimension_numbers<[1], [0], [0], [1], [0, 0, 1, 1], [], []>, transpose_lhs_hint = false} : vector<256x259xf32>, vector<259x256xf32>, vector<256x256xf32> -> vector<256x256xf32>
    %add3A_66 = arith.addf %add3A_53, %dot_general3A_65 : vector<256x256xf32>
    %get3A_67 = arith.constant 0 : index
    %get3A_68 = arith.constant 2 : index
    %get3A_69 = arith.constant 0 : index
    %get3A_70 = vector.load %arg15[%get3A_67, %get3A_68, %get3A_69] : memref<256x8x259xf32, #tpu.memory_space<vmem>>, vector<256x1x259xf32>
    %get3A_71 = vector.shape_cast %get3A_70 : vector<256x1x259xf32> to vector<256x259xf32>
    %get3A_72 = arith.constant 2 : index
    %get3A_73 = arith.constant 0 : index
    %get3A_74 = arith.constant 0 : index
    %get3A_75 = vector.load %arg11[%get3A_72, %get3A_73, %get3A_74] : memref<8x259x256xf32, #tpu.memory_space<vmem>>, vector<1x259x256xf32>
    %get3A_76 = vector.shape_cast %get3A_75 : vector<1x259x256xf32> to vector<259x256xf32>
    %dot_general3A_77 = arith.constant dense<0.000000e+00> : vector<256x256xf32>
    %dot_general3A_78 = tpu.matmul %get3A_71, %get3A_76, %dot_general3A_77 {dimension_numbers = #tpu.dot_dimension_numbers<[1], [0], [0], [1], [0, 0, 1, 1], [], []>, transpose_lhs_hint = false} : vector<256x259xf32>, vector<259x256xf32>, vector<256x256xf32> -> vector<256x256xf32>
    %add3A_79 = arith.addf %add3A_66, %dot_general3A_78 : vector<256x256xf32>
    %get3A_80 = arith.constant 0 : index
    %get3A_81 = arith.constant 3 : index
    %get3A_82 = arith.constant 0 : index
    %get3A_83 = vector.load %arg15[%get3A_80, %get3A_81, %get3A_82] : memref<256x8x259xf32, #tpu.memory_space<vmem>>, vector<256x1x259xf32>
    %get3A_84 = vector.shape_cast %get3A_83 : vector<256x1x259xf32> to vector<256x259xf32>
    %get3A_85 = arith.constant 3 : index
    %get3A_86 = arith.constant 0 : index
    %get3A_87 = arith.constant 0 : index
    %get3A_88 = vector.load %arg11[%get3A_85, %get3A_86, %get3A_87] : memref<8x259x256xf32, #tpu.memory_space<vmem>>, vector<1x259x256xf32>
    %get3A_89 = vector.shape_cast %get3A_88 : vector<1x259x256xf32> to vector<259x256xf32>
    %dot_general3A_90 = arith.constant dense<0.000000e+00> : vector<256x256xf32>
    %dot_general3A_91 = tpu.matmul %get3A_84, %get3A_89, %dot_general3A_90 {dimension_numbers = #tpu.dot_dimension_numbers<[1], [0], [0], [1], [0, 0, 1, 1], [], []>, transpose_lhs_hint = false} : vector<256x259xf32>, vector<259x256xf32>, vector<256x256xf32> -> vector<256x256xf32>
    %add3A_92 = arith.addf %add3A_79, %dot_general3A_91 : vector<256x256xf32>
    %get3A_93 = arith.constant 0 : index
    %get3A_94 = arith.constant 4 : index
    %get3A_95 = arith.constant 0 : index
    %get3A_96 = vector.load %arg15[%get3A_93, %get3A_94, %get3A_95] : memref<256x8x259xf32, #tpu.memory_space<vmem>>, vector<256x1x259xf32>
    %get3A_97 = vector.shape_cast %get3A_96 : vector<256x1x259xf32> to vector<256x259xf32>
    %get3A_98 = arith.constant 4 : index
    %get3A_99 = arith.constant 0 : index
    %get3A_100 = arith.constant 0 : index
    %get3A_101 = vector.load %arg11[%get3A_98, %get3A_99, %get3A_100] : memref<8x259x256xf32, #tpu.memory_space<vmem>>, vector<1x259x256xf32>
    %get3A_102 = vector.shape_cast %get3A_101 : vector<1x259x256xf32> to vector<259x256xf32>
    %dot_general3A_103 = arith.constant dense<0.000000e+00> : vector<256x256xf32>
    %dot_general3A_104 = tpu.matmul %get3A_97, %get3A_102, %dot_general3A_103 {dimension_numbers = #tpu.dot_dimension_numbers<[1], [0], [0], [1], [0, 0, 1, 1], [], []>, transpose_lhs_hint = false} : vector<256x259xf32>, vector<259x256xf32>, vector<256x256xf32> -> vector<256x256xf32>
    %add3A_105 = arith.addf %add3A_92, %dot_general3A_104 : vector<256x256xf32>
    %get3A_106 = arith.constant 0 : index
    %get3A_107 = arith.constant 5 : index
    %get3A_108 = arith.constant 0 : index
    %get3A_109 = vector.load %arg15[%get3A_106, %get3A_107, %get3A_108] : memref<256x8x259xf32, #tpu.memory_space<vmem>>, vector<256x1x259xf32>
    %get3A_110 = vector.shape_cast %get3A_109 : vector<256x1x259xf32> to vector<256x259xf32>
    %get3A_111 = arith.constant 5 : index
    %get3A_112 = arith.constant 0 : index
    %get3A_113 = arith.constant 0 : index
    %get3A_114 = vector.load %arg11[%get3A_111, %get3A_112, %get3A_113] : memref<8x259x256xf32, #tpu.memory_space<vmem>>, vector<1x259x256xf32>
    %get3A_115 = vector.shape_cast %get3A_114 : vector<1x259x256xf32> to vector<259x256xf32>
    %dot_general3A_116 = arith.constant dense<0.000000e+00> : vector<256x256xf32>
    %dot_general3A_117 = tpu.matmul %get3A_110, %get3A_115, %dot_general3A_116 {dimension_numbers = #tpu.dot_dimension_numbers<[1], [0], [0], [1], [0, 0, 1, 1], [], []>, transpose_lhs_hint = false} : vector<256x259xf32>, vector<259x256xf32>, vector<256x256xf32> -> vector<256x256xf32>
    %add3A_118 = arith.addf %add3A_105, %dot_general3A_117 : vector<256x256xf32>
    %get3A_119 = arith.constant 0 : index
    %get3A_120 = arith.constant 6 : index
    %get3A_121 = arith.constant 0 : index
    %get3A_122 = vector.load %arg15[%get3A_119, %get3A_120, %get3A_121] : memref<256x8x259xf32, #tpu.memory_space<vmem>>, vector<256x1x259xf32>
    %get3A_123 = vector.shape_cast %get3A_122 : vector<256x1x259xf32> to vector<256x259xf32>
    %get3A_124 = arith.constant 6 : index
    %get3A_125 = arith.constant 0 : index
    %get3A_126 = arith.constant 0 : index
    %get3A_127 = vector.load %arg11[%get3A_124, %get3A_125, %get3A_126] : memref<8x259x256xf32, #tpu.memory_space<vmem>>, vector<1x259x256xf32>
    %get3A_128 = vector.shape_cast %get3A_127 : vector<1x259x256xf32> to vector<259x256xf32>
    %dot_general3A_129 = arith.constant dense<0.000000e+00> : vector<256x256xf32>
    %dot_general3A_130 = tpu.matmul %get3A_123, %get3A_128, %dot_general3A_129 {dimension_numbers = #tpu.dot_dimension_numbers<[1], [0], [0], [1], [0, 0, 1, 1], [], []>, transpose_lhs_hint = false} : vector<256x259xf32>, vector<259x256xf32>, vector<256x256xf32> -> vector<256x256xf32>
    %add3A_131 = arith.addf %add3A_118, %dot_general3A_130 : vector<256x256xf32>
    %get3A_132 = arith.constant 0 : index
    %get3A_133 = arith.constant 7 : index
    %get3A_134 = arith.constant 0 : index
    %get3A_135 = vector.load %arg15[%get3A_132, %get3A_133, %get3A_134] : memref<256x8x259xf32, #tpu.memory_space<vmem>>, vector<256x1x259xf32>
    %get3A_136 = vector.shape_cast %get3A_135 : vector<256x1x259xf32> to vector<256x259xf32>
    %get3A_137 = arith.constant 7 : index
    %get3A_138 = arith.constant 0 : index
    %get3A_139 = arith.constant 0 : index
    %get3A_140 = vector.load %arg11[%get3A_137, %get3A_138, %get3A_139] : memref<8x259x256xf32, #tpu.memory_space<vmem>>, vector<1x259x256xf32>
    %get3A_141 = vector.shape_cast %get3A_140 : vector<1x259x256xf32> to vector<259x256xf32>
    %dot_general3A_142 = arith.constant dense<0.000000e+00> : vector<256x256xf32>
    %dot_general3A_143 = tpu.matmul %get3A_136, %get3A_141, %dot_general3A_142 {dimension_numbers = #tpu.dot_dimension_numbers<[1], [0], [0], [1], [0, 0, 1, 1], [], []>, transpose_lhs_hint = false} : vector<256x259xf32>, vector<259x256xf32>, vector<256x256xf32> -> vector<256x256xf32>
    %add3A_144 = arith.addf %add3A_131, %dot_general3A_143 : vector<256x256xf32>
    %get3A_145 = arith.constant 0 : index
    %get3A_146 = arith.constant 0 : index
    %get3A_147 = vector.load %arg12[%get3A_145, %get3A_146] : memref<1x256xf32, #tpu.memory_space<vmem>>, vector<1x256xf32>
    %add3A_148 = vector.broadcast %get3A_147 : vector<1x256xf32> to vector<256x256xf32>
    %add3A_149 = arith.addf %add3A_144, %add3A_148 : vector<256x256xf32>
    %gt3A = arith.constant 0.000000e+00 : f32
    %gt3A_150 = vector.broadcast %gt3A : f32 to vector<256x256xf32>
    %gt3A_151 = arith.cmpf ogt, %add3A_149, %gt3A_150 : vector<256x256xf32>
    %mul3A_152 = arith.constant 1.000000e-01 : f32
    %mul3A_153 = vector.broadcast %mul3A_152 : f32 to vector<256x256xf32>
    %mul3A_154 = arith.mulf %mul3A_153, %add3A_149 : vector<256x256xf32>
    %select_n3A = arith.select %gt3A_151, %add3A_149, %mul3A_154 : vector<256x256xi1>, vector<256x256xf32>
    %swap3A_155 = arith.constant 0 : index
    %swap3A_156 = arith.constant 0 : index
    %swap3A_157 = arith.constant 0 : index
    %swap3A_158 = arith.constant 0 : index
    %swap3A_159 = vector.load %arg13[%swap3A_155, %swap3A_156, %swap3A_157, %swap3A_158] : memref<1x1x256x256xf32, #tpu.memory_space<vmem>>, vector<1x1x256x256xf32>
    %swap3A_160 = vector.shape_cast %swap3A_159 : vector<1x1x256x256xf32> to vector<256x256xf32>
    %swap3A_161 = vector.shape_cast %select_n3A : vector<256x256xf32> to vector<1x1x256x256xf32>
    tpu.vector_store %arg13[%swap3A_155, %swap3A_156, %swap3A_157, %swap3A_158], %swap3A_161 {strides = array<i32>} : memref<1x1x256x256xf32, #tpu.memory_space<vmem>>, vector<1x1x256x256xf32>,
    return
  }
  func.func @transform_0(%arg0: i32, %arg1: i32) -> (i32, i32, i32) {
    %c0_i32 = arith.constant 0 : i32
    %c0_i32_0 = arith.constant 0 : i32
    return %arg0, %arg1, %c0_i32 : i32, i32, i32
  }
  func.func @transform_1(%arg0: i32, %arg1: i32) -> (i32, i32, i32) {
    %c0_i32 = arith.constant 0 : i32
    %c0_i32_0 = arith.constant 0 : i32
    %c0_i32_1 = arith.constant 0 : i32
    return %arg0, %c0_i32, %c0_i32_0 : i32, i32, i32
  }
  func.func @transform_2(%arg0: i32, %arg1: i32) -> (i32, i32, i32) {
    %c0_i32 = arith.constant 0 : i32
    %c0_i32_0 = arith.constant 0 : i32
    %c0_i32_1 = arith.constant 0 : i32
    return %arg0, %c0_i32, %c0_i32_0 : i32, i32, i32
  }
  func.func @transform_3(%arg0: i32, %arg1: i32) -> (i32, i32) {
    %c0_i32 = arith.constant 0 : i32
    %c0_i32_0 = arith.constant 0 : i32
    %c0_i32_1 = arith.constant 0 : i32
    return %c0_i32, %c0_i32_0 : i32, i32
  }
  func.func @transform_4(%arg0: i32, %arg1: i32) -> (i32, i32) {
    %c0_i32 = arith.constant 0 : i32
    %c0_i32_0 = arith.constant 0 : i32
    %c0_i32_1 = arith.constant 0 : i32
    return %c0_i32, %c0_i32_0 : i32, i32
  }
  func.func @transform_5(%arg0: i32, %arg1: i32) -> (i32, i32) {
    %c0_i32 = arith.constant 0 : i32
    %c0_i32_0 = arith.constant 0 : i32
    %c0_i32_1 = arith.constant 0 : i32
    return %c0_i32, %c0_i32_0 : i32, i32
  }
  func.func @transform_6(%arg0: i32, %arg1: i32) -> (i32, i32) {
    %c0_i32 = arith.constant 0 : i32
    %c0_i32_0 = arith.constant 0 : i32
    %c0_i32_1 = arith.constant 0 : i32
    return %c0_i32, %c0_i32_0 : i32, i32
  }
  func.func @transform_7(%arg0: i32, %arg1: i32) -> (i32, i32) {
    %c0_i32 = arith.constant 0 : i32
    %c0_i32_0 = arith.constant 0 : i32
    %c0_i32_1 = arith.constant 0 : i32
    return %c0_i32, %c0_i32_0 : i32, i32
  }
  func.func @transform_8(%arg0: i32, %arg1: i32) -> (i32, i32) {
    %c0_i32 = arith.constant 0 : i32
    %c0_i32_0 = arith.constant 0 : i32
    %c0_i32_1 = arith.constant 0 : i32
    return %c0_i32, %c0_i32_0 : i32, i32
  }
  func.func @transform_9(%arg0: i32, %arg1: i32) -> (i32, i32, i32) {
    %c0_i32 = arith.constant 0 : i32
    %c0_i32_0 = arith.constant 0 : i32
    %c0_i32_1 = arith.constant 0 : i32
    %c0_i32_2 = arith.constant 0 : i32
    return %c0_i32, %c0_i32_0, %c0_i32_1 : i32, i32, i32
  }
  func.func @transform_10(%arg0: i32, %arg1: i32) -> (i32, i32) {
    %c0_i32 = arith.constant 0 : i32
    %c0_i32_0 = arith.constant 0 : i32
    %c0_i32_1 = arith.constant 0 : i32
    return %c0_i32, %c0_i32_0 : i32, i32
  }
  func.func @transform_11(%arg0: i32, %arg1: i32) -> (i32, i32, i32, i32) {
    %c0_i32 = arith.constant 0 : i32
    %c0_i32_0 = arith.constant 0 : i32
    %c0_i32_1 = arith.constant 0 : i32
    return %arg0, %arg1, %c0_i32, %c0_i32_0 : i32, i32, i32, i32
  }
}

module attributes {stable_mosaic.version = 14 : i64} {
  func.func @_linear_leaky_kernel(%arg0: memref<512x256xf32, #tpu.memory_space<vmem>>, %arg1: memref<256x256xf32, #tpu.memory_space<vmem>>, %arg2: memref<1x256xf32, #tpu.memory_space<vmem>>, %arg3: memref<512x256xf32, #tpu.memory_space<vmem>>) attributes {dimension_semantics = [], scalar_prefetch = 0 : i64, scratch_operands = 0 : i64, tpu.core_type = #tpu.core_type<tc>} {
    %get3A = arith.constant 0 : index
    %get3A_0 = arith.constant 0 : index
    %get3A_1 = vector.load %arg0[%get3A, %get3A_0] : memref<512x256xf32, #tpu.memory_space<vmem>>, vector<512x256xf32>
    %get3A_2 = arith.constant 0 : index
    %get3A_3 = arith.constant 0 : index
    %get3A_4 = vector.load %arg1[%get3A_2, %get3A_3] : memref<256x256xf32, #tpu.memory_space<vmem>>, vector<256x256xf32>
    %dot_general3A = arith.constant dense<0.000000e+00> : vector<512x256xf32>
    %dot_general3A_5 = tpu.matmul %get3A_1, %get3A_4, %dot_general3A {dimension_numbers = #tpu.dot_dimension_numbers<[1], [0], [0], [1], [0, 0, 1, 1], [], []>, transpose_lhs_hint = false} : vector<512x256xf32>, vector<256x256xf32>, vector<512x256xf32> -> vector<512x256xf32>
    %get3A_6 = arith.constant 0 : index
    %get3A_7 = arith.constant 0 : index
    %get3A_8 = vector.load %arg2[%get3A_6, %get3A_7] : memref<1x256xf32, #tpu.memory_space<vmem>>, vector<1x256xf32>
    %add3A = vector.broadcast %get3A_8 : vector<1x256xf32> to vector<512x256xf32>
    %add3A_9 = arith.addf %dot_general3A_5, %add3A : vector<512x256xf32>
    %gt3A = arith.constant 0.000000e+00 : f32
    %gt3A_10 = vector.broadcast %gt3A : f32 to vector<512x256xf32>
    %gt3A_11 = arith.cmpf ogt, %add3A_9, %gt3A_10 : vector<512x256xf32>
    %mul3A = arith.constant 1.000000e-01 : f32
    %mul3A_12 = vector.broadcast %mul3A : f32 to vector<512x256xf32>
    %mul3A_13 = arith.mulf %mul3A_12, %add3A_9 : vector<512x256xf32>
    %select_n3A = arith.select %gt3A_11, %add3A_9, %mul3A_13 : vector<512x256xi1>, vector<512x256xf32>
    %swap3A = arith.constant 0 : index
    %swap3A_14 = arith.constant 0 : index
    %swap3A_15 = vector.load %arg3[%swap3A, %swap3A_14] : memref<512x256xf32, #tpu.memory_space<vmem>>, vector<512x256xf32>
    tpu.vector_store %arg3[%swap3A, %swap3A_14], %select_n3A {strides = array<i32>} : memref<512x256xf32, #tpu.memory_space<vmem>>, vector<512x256xf32>,
    return
  }
}

module attributes {stable_mosaic.version = 14 : i64} {
  func.func @_linear_leaky_kernel(%arg0: memref<512x256xf32, #tpu.memory_space<vmem>>, %arg1: memref<256x512xf32, #tpu.memory_space<vmem>>, %arg2: memref<1x512xf32, #tpu.memory_space<vmem>>, %arg3: memref<512x512xf32, #tpu.memory_space<vmem>>) attributes {dimension_semantics = [], scalar_prefetch = 0 : i64, scratch_operands = 0 : i64, tpu.core_type = #tpu.core_type<tc>} {
    %get3A = arith.constant 0 : index
    %get3A_0 = arith.constant 0 : index
    %get3A_1 = vector.load %arg0[%get3A, %get3A_0] : memref<512x256xf32, #tpu.memory_space<vmem>>, vector<512x256xf32>
    %get3A_2 = arith.constant 0 : index
    %get3A_3 = arith.constant 0 : index
    %get3A_4 = vector.load %arg1[%get3A_2, %get3A_3] : memref<256x512xf32, #tpu.memory_space<vmem>>, vector<256x512xf32>
    %dot_general3A = arith.constant dense<0.000000e+00> : vector<512x512xf32>
    %dot_general3A_5 = tpu.matmul %get3A_1, %get3A_4, %dot_general3A {dimension_numbers = #tpu.dot_dimension_numbers<[1], [0], [0], [1], [0, 0, 1, 1], [], []>, transpose_lhs_hint = false} : vector<512x256xf32>, vector<256x512xf32>, vector<512x512xf32> -> vector<512x512xf32>
    %get3A_6 = arith.constant 0 : index
    %get3A_7 = arith.constant 0 : index
    %get3A_8 = vector.load %arg2[%get3A_6, %get3A_7] : memref<1x512xf32, #tpu.memory_space<vmem>>, vector<1x512xf32>
    %add3A = vector.broadcast %get3A_8 : vector<1x512xf32> to vector<512x512xf32>
    %add3A_9 = arith.addf %dot_general3A_5, %add3A : vector<512x512xf32>
    %gt3A = arith.constant 0.000000e+00 : f32
    %gt3A_10 = vector.broadcast %gt3A : f32 to vector<512x512xf32>
    %gt3A_11 = arith.cmpf ogt, %add3A_9, %gt3A_10 : vector<512x512xf32>
    %mul3A = arith.constant 1.000000e-01 : f32
    %mul3A_12 = vector.broadcast %mul3A : f32 to vector<512x512xf32>
    %mul3A_13 = arith.mulf %mul3A_12, %add3A_9 : vector<512x512xf32>
    %select_n3A = arith.select %gt3A_11, %add3A_9, %mul3A_13 : vector<512x512xi1>, vector<512x512xf32>
    %swap3A = arith.constant 0 : index
    %swap3A_14 = arith.constant 0 : index
    %swap3A_15 = vector.load %arg3[%swap3A, %swap3A_14] : memref<512x512xf32, #tpu.memory_space<vmem>>, vector<512x512xf32>
    tpu.vector_store %arg3[%swap3A, %swap3A_14], %select_n3A {strides = array<i32>} : memref<512x512xf32, #tpu.memory_space<vmem>>, vector<512x512xf32>,
    return
  }
}

module attributes {stable_mosaic.version = 14 : i64} {
  func.func @_pcf_kernel(%arg0: i32, %arg1: i32, %arg2: memref<1x64x3xf32, #tpu.memory_space<vmem>>, %arg3: memref<1x3x256xf32, #tpu.memory_space<vmem>>, %arg4: memref<1x256x515xf32, #tpu.memory_space<vmem>>, %arg5: memref<3x8xf32, #tpu.memory_space<vmem>>, %arg6: memref<1x8xf32, #tpu.memory_space<vmem>>, %arg7: memref<8x8xf32, #tpu.memory_space<vmem>>, %arg8: memref<1x8xf32, #tpu.memory_space<vmem>>, %arg9: memref<8x8xf32, #tpu.memory_space<vmem>>, %arg10: memref<1x8xf32, #tpu.memory_space<vmem>>, %arg11: memref<8x515x256xf32, #tpu.memory_space<vmem>>, %arg12: memref<1x256xf32, #tpu.memory_space<vmem>>, %arg13: memref<1x1x64x256xf32, #tpu.memory_space<vmem>>, %arg14: memref<64x256xf32, #tpu.memory_space<vmem>>, %arg15: memref<64x8x515xf32, #tpu.memory_space<vmem>>) attributes {dimension_semantics = [#tpu.dimension_semantics<arbitrary>, #tpu.dimension_semantics<arbitrary>], iteration_bounds = array<i64: 2, 1>, scalar_prefetch = 0 : i64, scratch_operands = 2 : i64, tpu.core_type = #tpu.core_type<tc>, window_params = [{transform_indices = @transform_0, window_bounds = array<i64: 1, 64, 3>}, {transform_indices = @transform_1, window_bounds = array<i64: 1, 3, 256>}, {transform_indices = @transform_2, window_bounds = array<i64: 1, 256, 515>}, {pipeline_mode = #tpu.pipeline_mode<synchronous>, transform_indices = @transform_3, window_bounds = array<i64: 3, 8>}, {pipeline_mode = #tpu.pipeline_mode<synchronous>, transform_indices = @transform_4, window_bounds = array<i64: 1, 8>}, {pipeline_mode = #tpu.pipeline_mode<synchronous>, transform_indices = @transform_5, window_bounds = array<i64: 8, 8>}, {pipeline_mode = #tpu.pipeline_mode<synchronous>, transform_indices = @transform_6, window_bounds = array<i64: 1, 8>}, {pipeline_mode = #tpu.pipeline_mode<synchronous>, transform_indices = @transform_7, window_bounds = array<i64: 8, 8>}, {pipeline_mode = #tpu.pipeline_mode<synchronous>, transform_indices = @transform_8, window_bounds = array<i64: 1, 8>}, {pipeline_mode = #tpu.pipeline_mode<synchronous>, transform_indices = @transform_9, window_bounds = array<i64: 8, 515, 256>}, {pipeline_mode = #tpu.pipeline_mode<synchronous>, transform_indices = @transform_10, window_bounds = array<i64: 1, 256>}, {transform_indices = @transform_11, window_bounds = array<i64: 1, 1, 64, 256>}]} {
    %get3A = arith.constant 0 : index
    %get3A_0 = arith.constant 0 : index
    %get3A_1 = arith.constant 0 : index
    %get3A_2 = vector.load %arg2[%get3A, %get3A_0, %get3A_1] : memref<1x64x3xf32, #tpu.memory_space<vmem>>, vector<1x64x3xf32>
    %get3A_3 = vector.shape_cast %get3A_2 : vector<1x64x3xf32> to vector<64x3xf32>
    %get3A_4 = arith.constant 0 : index
    %get3A_5 = arith.constant 0 : index
    %get3A_6 = arith.constant 0 : index
    %get3A_7 = vector.load %arg3[%get3A_4, %get3A_5, %get3A_6] : memref<1x3x256xf32, #tpu.memory_space<vmem>>, vector<1x3x256xf32>
    %get3A_8 = vector.shape_cast %get3A_7 : vector<1x3x256xf32> to vector<3x256xf32>
    %mul3A = arith.mulf %get3A_3, %get3A_3 : vector<64x3xf32>
    %reduce_sum3A = arith.constant dense<0.000000e+00> : vector<64xf32>
    %reduce_sum3A_9 = vector.multi_reduction <add>, %mul3A, %reduce_sum3A [1] : vector<64x3xf32> to vector<64xf32>
    %broadcast_in_dim3A = vector.shape_cast %reduce_sum3A_9 : vector<64xf32> to vector<64x1xf32>
    %mul3A_10 = arith.mulf %get3A_8, %get3A_8 : vector<3x256xf32>
    %reduce_sum3A_11 = arith.constant dense<0.000000e+00> : vector<256xf32>
    %reduce_sum3A_12 = vector.multi_reduction <add>, %mul3A_10, %reduce_sum3A_11 [0] : vector<3x256xf32> to vector<256xf32>
    %broadcast_in_dim3A_13 = vector.shape_cast %reduce_sum3A_12 : vector<256xf32> to vector<1x256xf32>
    %add3A = vector.broadcast %broadcast_in_dim3A : vector<64x1xf32> to vector<64x256xf32>
    %add3A_14 = vector.broadcast %broadcast_in_dim3A_13 : vector<1x256xf32> to vector<64x256xf32>
    %add3A_15 = arith.addf %add3A, %add3A_14 : vector<64x256xf32>
    %dot_general3A = arith.constant dense<0.000000e+00> : vector<64x256xf32>
    %dot_general3A_16 = tpu.matmul %get3A_3, %get3A_8, %dot_general3A {dimension_numbers = #tpu.dot_dimension_numbers<[1], [0], [0], [1], [0, 0, 1, 1], [], []>, transpose_lhs_hint = false} : vector<64x3xf32>, vector<3x256xf32>, vector<64x256xf32> -> vector<64x256xf32>
    %mul3A_17 = arith.constant 2.000000e+00 : f32
    %mul3A_18 = vector.broadcast %mul3A_17 : f32 to vector<64x256xf32>
    %mul3A_19 = arith.mulf %mul3A_18, %dot_general3A_16 : vector<64x256xf32>
    %sub3A = arith.subf %add3A_15, %mul3A_19 : vector<64x256xf32>
    %swap3A = arith.constant 0 : index
    %swap3A_20 = arith.constant 0 : index
    %swap3A_21 = vector.load %arg14[%swap3A, %swap3A_20] : memref<64x256xf32, #tpu.memory_space<vmem>>, vector<64x256xf32>
    tpu.vector_store %arg14[%swap3A, %swap3A_20], %sub3A {strides = array<i32>} : memref<64x256xf32, #tpu.memory_space<vmem>>, vector<64x256xf32>,
    %broadcast_in_dim3A_22 = arith.constant 0.000000e+00 : f32
    %broadcast_in_dim3A_23 = vector.broadcast %broadcast_in_dim3A_22 : f32 to vector<64x8x515xf32>
    %swap3A_24 = arith.constant 0 : index
    %swap3A_25 = arith.constant 0 : index
    %swap3A_26 = arith.constant 0 : index
    %swap3A_27 = vector.load %arg15[%swap3A_24, %swap3A_25, %swap3A_26] : memref<64x8x515xf32, #tpu.memory_space<vmem>>, vector<64x8x515xf32>
    tpu.vector_store %arg15[%swap3A_24, %swap3A_25, %swap3A_26], %broadcast_in_dim3A_23 {strides = array<i32>} : memref<64x8x515xf32, #tpu.memory_space<vmem>>, vector<64x8x515xf32>,
    %iota3A = tpu.iota {dimensions = array<i32: 1>} : vector<64x256xi32>
    %broadcast_in_dim3A_28 = arith.constant 0.000000e+00 : f32
    %broadcast_in_dim3A_29 = vector.broadcast %broadcast_in_dim3A_28 : f32 to vector<64x512xf32>
    %concatenate3A = tpu.concatenate %get3A_3, %broadcast_in_dim3A_29 in 1 : vector<64x3xf32>, vector<64x512xf32> -> vector<64x515xf32>
    %get3A_30 = arith.constant 0 : index
    %get3A_31 = arith.constant 0 : index
    %get3A_32 = vector.load %arg14[%get3A_30, %get3A_31] : memref<64x256xf32, #tpu.memory_space<vmem>>, vector<64x256xf32>
    %reduce_min3A = arith.constant dense<0x7F800000> : vector<64xf32>
    %reduce_min3A_33 = vector.multi_reduction <minimumf>, %get3A_32, %reduce_min3A [1] : vector<64x256xf32> to vector<64xf32>
    %broadcast_in_dim3A_34 = vector.shape_cast %reduce_min3A_33 : vector<64xf32> to vector<64x1xf32>
    %scan3A = arith.constant 0 : i32
    %scan3A_35 = arith.constant 32 : i32
    %scan3A_36 = arith.addi %scan3A, %scan3A_35 : i32
    %scan3A_37 = arith.constant 1 : i32
    %scan3A_38 = scf.for %scan3A_162 = %scan3A to %scan3A_36 step %scan3A_37 iter_args(%scan3A_163 = %broadcast_in_dim3A_34) -> (vector<64x1xf32>)  : i32 {
      %get3A_164 = arith.constant 0 : index
      %get3A_165 = arith.constant 0 : index
      %get3A_166 = vector.load %arg14[%get3A_164, %get3A_165] : memref<64x256xf32, #tpu.memory_space<vmem>>, vector<64x256xf32>
      %eq3A = vector.broadcast %scan3A_163 : vector<64x1xf32> to vector<64x256xf32>
      %eq3A_167 = arith.cmpf oeq, %get3A_166, %eq3A : vector<64x256xf32>
      %jit3A = arith.constant 256 : i32
      %broadcast_in_dim3A_168 = vector.broadcast %jit3A : i32 to vector<64x256xi32>
      %select_n3A_169 = arith.select %eq3A_167, %iota3A, %broadcast_in_dim3A_168 : vector<64x256xi1>, vector<64x256xi32>
      %reduce_min3A_170 = arith.constant dense<2147483647> : vector<64xi32>
      %reduce_min3A_171 = vector.multi_reduction <minsi>, %select_n3A_169, %reduce_min3A_170 [1] : vector<64x256xi32> to vector<64xi32>
      %broadcast_in_dim3A_172 = vector.shape_cast %reduce_min3A_171 : vector<64xi32> to vector<64x1xi32>
      %eq3A_173 = vector.broadcast %broadcast_in_dim3A_172 : vector<64x1xi32> to vector<64x256xi32>
      %eq3A_174 = arith.cmpi eq, %iota3A, %eq3A_173 : vector<64x256xi32>
      %jit3A_175 = arith.constant 3.000000e+38 : f32
      %broadcast_in_dim3A_176 = vector.broadcast %jit3A_175 : f32 to vector<64x256xf32>
      %select_n3A_177 = arith.select %eq3A_174, %broadcast_in_dim3A_176, %get3A_166 : vector<64x256xi1>, vector<64x256xf32>
      %swap3A_178 = arith.constant 0 : index
      %swap3A_179 = arith.constant 0 : index
      %swap3A_180 = vector.load %arg14[%swap3A_178, %swap3A_179] : memref<64x256xf32, #tpu.memory_space<vmem>>, vector<64x256xf32>
      tpu.vector_store %arg14[%swap3A_178, %swap3A_179], %select_n3A_177 {strides = array<i32>} : memref<64x256xf32, #tpu.memory_space<vmem>>, vector<64x256xf32>,
      %reduce_min3A_181 = arith.constant dense<0x7F800000> : vector<64xf32>
      %reduce_min3A_182 = vector.multi_reduction <minimumf>, %select_n3A_177, %reduce_min3A_181 [1] : vector<64x256xf32> to vector<64xf32>
      %broadcast_in_dim3A_183 = vector.shape_cast %reduce_min3A_182 : vector<64xf32> to vector<64x1xf32>
      %convert_element_type3A = arith.extui %eq3A_174 : vector<64x256xi1> to vector<64x256xi32>
      %convert_element_type3A_184 = arith.sitofp %convert_element_type3A : vector<64x256xi32> to vector<64x256xf32>
      %get3A_185 = arith.constant 0 : index
      %get3A_186 = arith.constant 0 : index
      %get3A_187 = arith.constant 0 : index
      %get3A_188 = vector.load %arg4[%get3A_185, %get3A_186, %get3A_187] : memref<1x256x515xf32, #tpu.memory_space<vmem>>, vector<1x256x515xf32>
      %get3A_189 = vector.shape_cast %get3A_188 : vector<1x256x515xf32> to vector<256x515xf32>
      %dot_general3A_190 = arith.constant dense<0.000000e+00> : vector<64x515xf32>
      %dot_general3A_191 = tpu.matmul %convert_element_type3A_184, %get3A_189, %dot_general3A_190 {dimension_numbers = #tpu.dot_dimension_numbers<[1], [0], [0], [1], [0, 0, 1, 1], [], []>, transpose_lhs_hint = false} : vector<64x256xf32>, vector<256x515xf32>, vector<64x515xf32> -> vector<64x515xf32>
      %sub3A_192 = arith.subf %dot_general3A_191, %concatenate3A : vector<64x515xf32>
      %slice3A = vector.extract_strided_slice %sub3A_192 {offsets = [0, 0], sizes = [64, 3], strides = [1, 1]} : vector<64x515xf32> to vector<64x3xf32>
      %get3A_193 = arith.constant 0 : index
      %get3A_194 = arith.constant 0 : index
      %get3A_195 = vector.load %arg5[%get3A_193, %get3A_194] : memref<3x8xf32, #tpu.memory_space<vmem>>, vector<3x8xf32>
      %dot_general3A_196 = arith.constant dense<0.000000e+00> : vector<64x8xf32>
      %dot_general3A_197 = tpu.matmul %slice3A, %get3A_195, %dot_general3A_196 {dimension_numbers = #tpu.dot_dimension_numbers<[1], [0], [0], [1], [0, 0, 1, 1], [], []>, transpose_lhs_hint = false} : vector<64x3xf32>, vector<3x8xf32>, vector<64x8xf32> -> vector<64x8xf32>
      %get3A_198 = arith.constant 0 : index
      %get3A_199 = arith.constant 0 : index
      %get3A_200 = vector.load %arg6[%get3A_198, %get3A_199] : memref<1x8xf32, #tpu.memory_space<vmem>>, vector<1x8xf32>
      %add3A_201 = vector.broadcast %get3A_200 : vector<1x8xf32> to vector<64x8xf32>
      %add3A_202 = arith.addf %dot_general3A_197, %add3A_201 : vector<64x8xf32>
      %max3A = arith.constant 0.000000e+00 : f32
      %max3A_203 = vector.broadcast %max3A : f32 to vector<64x8xf32>
      %max3A_204 = arith.maximumf %add3A_202, %max3A_203 : vector<64x8xf32>
      %get3A_205 = arith.constant 0 : index
      %get3A_206 = arith.constant 0 : index
      %get3A_207 = vector.load %arg7[%get3A_205, %get3A_206] : memref<8x8xf32, #tpu.memory_space<vmem>>, vector<8x8xf32>
      %dot_general3A_208 = arith.constant dense<0.000000e+00> : vector<64x8xf32>
      %dot_general3A_209 = tpu.matmul %max3A_204, %get3A_207, %dot_general3A_208 {dimension_numbers = #tpu.dot_dimension_numbers<[1], [0], [0], [1], [0, 0, 1, 1], [], []>, transpose_lhs_hint = false} : vector<64x8xf32>, vector<8x8xf32>, vector<64x8xf32> -> vector<64x8xf32>
      %get3A_210 = arith.constant 0 : index
      %get3A_211 = arith.constant 0 : index
      %get3A_212 = vector.load %arg8[%get3A_210, %get3A_211] : memref<1x8xf32, #tpu.memory_space<vmem>>, vector<1x8xf32>
      %add3A_213 = vector.broadcast %get3A_212 : vector<1x8xf32> to vector<64x8xf32>
      %add3A_214 = arith.addf %dot_general3A_209, %add3A_213 : vector<64x8xf32>
      %max3A_215 = arith.constant 0.000000e+00 : f32
      %max3A_216 = vector.broadcast %max3A_215 : f32 to vector<64x8xf32>
      %max3A_217 = arith.maximumf %add3A_214, %max3A_216 : vector<64x8xf32>
      %get3A_218 = arith.constant 0 : index
      %get3A_219 = arith.constant 0 : index
      %get3A_220 = vector.load %arg9[%get3A_218, %get3A_219] : memref<8x8xf32, #tpu.memory_space<vmem>>, vector<8x8xf32>
      %dot_general3A_221 = arith.constant dense<0.000000e+00> : vector<64x8xf32>
      %dot_general3A_222 = tpu.matmul %max3A_217, %get3A_220, %dot_general3A_221 {dimension_numbers = #tpu.dot_dimension_numbers<[1], [0], [0], [1], [0, 0, 1, 1], [], []>, transpose_lhs_hint = false} : vector<64x8xf32>, vector<8x8xf32>, vector<64x8xf32> -> vector<64x8xf32>
      %get3A_223 = arith.constant 0 : index
      %get3A_224 = arith.constant 0 : index
      %get3A_225 = vector.load %arg10[%get3A_223, %get3A_224] : memref<1x8xf32, #tpu.memory_space<vmem>>, vector<1x8xf32>
      %add3A_226 = vector.broadcast %get3A_225 : vector<1x8xf32> to vector<64x8xf32>
      %add3A_227 = arith.addf %dot_general3A_222, %add3A_226 : vector<64x8xf32>
      %max3A_228 = arith.constant 0.000000e+00 : f32
      %max3A_229 = vector.broadcast %max3A_228 : f32 to vector<64x8xf32>
      %max3A_230 = arith.maximumf %add3A_227, %max3A_229 : vector<64x8xf32>
      %get3A_231 = arith.constant 0 : index
      %get3A_232 = arith.constant 0 : index
      %get3A_233 = arith.constant 0 : index
      %get3A_234 = vector.load %arg15[%get3A_231, %get3A_232, %get3A_233] : memref<64x8x515xf32, #tpu.memory_space<vmem>>, vector<64x8x515xf32>
      %broadcast_in_dim3A_235 = vector.shape_cast %max3A_230 : vector<64x8xf32> to vector<64x8x1xf32>
      %broadcast_in_dim3A_236 = vector.shape_cast %sub3A_192 : vector<64x515xf32> to vector<64x1x515xf32>
      %mul3A_237 = vector.broadcast %broadcast_in_dim3A_235 : vector<64x8x1xf32> to vector<64x8x515xf32>
      %mul3A_238 = vector.broadcast %broadcast_in_dim3A_236 : vector<64x1x515xf32> to vector<64x8x515xf32>
      %mul3A_239 = arith.mulf %mul3A_237, %mul3A_238 : vector<64x8x515xf32>
      %add3A_240 = arith.addf %get3A_234, %mul3A_239 : vector<64x8x515xf32>
      %swap3A_241 = arith.constant 0 : index
      %swap3A_242 = arith.constant 0 : index
      %swap3A_243 = arith.constant 0 : index
      %swap3A_244 = vector.load %arg15[%swap3A_241, %swap3A_242, %swap3A_243] : memref<64x8x515xf32, #tpu.memory_space<vmem>>, vector<64x8x515xf32>
      tpu.vector_store %arg15[%swap3A_241, %swap3A_242, %swap3A_243], %add3A_240 {strides = array<i32>} : memref<64x8x515xf32, #tpu.memory_space<vmem>>, vector<64x8x515xf32>,
      scf.yield %broadcast_in_dim3A_183 : vector<64x1xf32>
    }
    %broadcast_in_dim3A_39 = arith.constant 0.000000e+00 : f32
    %broadcast_in_dim3A_40 = vector.broadcast %broadcast_in_dim3A_39 : f32 to vector<64x256xf32>
    %get3A_41 = arith.constant 0 : index
    %get3A_42 = arith.constant 0 : index
    %get3A_43 = arith.constant 0 : index
    %get3A_44 = vector.load %arg15[%get3A_41, %get3A_42, %get3A_43] : memref<64x8x515xf32, #tpu.memory_space<vmem>>, vector<64x1x515xf32>
    %get3A_45 = vector.shape_cast %get3A_44 : vector<64x1x515xf32> to vector<64x515xf32>
    %get3A_46 = arith.constant 0 : index
    %get3A_47 = arith.constant 0 : index
    %get3A_48 = arith.constant 0 : index
    %get3A_49 = vector.load %arg11[%get3A_46, %get3A_47, %get3A_48] : memref<8x515x256xf32, #tpu.memory_space<vmem>>, vector<1x515x256xf32>
    %get3A_50 = vector.shape_cast %get3A_49 : vector<1x515x256xf32> to vector<515x256xf32>
    %dot_general3A_51 = arith.constant dense<0.000000e+00> : vector<64x256xf32>
    %dot_general3A_52 = tpu.matmul %get3A_45, %get3A_50, %dot_general3A_51 {dimension_numbers = #tpu.dot_dimension_numbers<[1], [0], [0], [1], [0, 0, 1, 1], [], []>, transpose_lhs_hint = false} : vector<64x515xf32>, vector<515x256xf32>, vector<64x256xf32> -> vector<64x256xf32>
    %add3A_53 = arith.addf %broadcast_in_dim3A_40, %dot_general3A_52 : vector<64x256xf32>
    %get3A_54 = arith.constant 0 : index
    %get3A_55 = arith.constant 1 : index
    %get3A_56 = arith.constant 0 : index
    %get3A_57 = vector.load %arg15[%get3A_54, %get3A_55, %get3A_56] : memref<64x8x515xf32, #tpu.memory_space<vmem>>, vector<64x1x515xf32>
    %get3A_58 = vector.shape_cast %get3A_57 : vector<64x1x515xf32> to vector<64x515xf32>
    %get3A_59 = arith.constant 1 : index
    %get3A_60 = arith.constant 0 : index
    %get3A_61 = arith.constant 0 : index
    %get3A_62 = vector.load %arg11[%get3A_59, %get3A_60, %get3A_61] : memref<8x515x256xf32, #tpu.memory_space<vmem>>, vector<1x515x256xf32>
    %get3A_63 = vector.shape_cast %get3A_62 : vector<1x515x256xf32> to vector<515x256xf32>
    %dot_general3A_64 = arith.constant dense<0.000000e+00> : vector<64x256xf32>
    %dot_general3A_65 = tpu.matmul %get3A_58, %get3A_63, %dot_general3A_64 {dimension_numbers = #tpu.dot_dimension_numbers<[1], [0], [0], [1], [0, 0, 1, 1], [], []>, transpose_lhs_hint = false} : vector<64x515xf32>, vector<515x256xf32>, vector<64x256xf32> -> vector<64x256xf32>
    %add3A_66 = arith.addf %add3A_53, %dot_general3A_65 : vector<64x256xf32>
    %get3A_67 = arith.constant 0 : index
    %get3A_68 = arith.constant 2 : index
    %get3A_69 = arith.constant 0 : index
    %get3A_70 = vector.load %arg15[%get3A_67, %get3A_68, %get3A_69] : memref<64x8x515xf32, #tpu.memory_space<vmem>>, vector<64x1x515xf32>
    %get3A_71 = vector.shape_cast %get3A_70 : vector<64x1x515xf32> to vector<64x515xf32>
    %get3A_72 = arith.constant 2 : index
    %get3A_73 = arith.constant 0 : index
    %get3A_74 = arith.constant 0 : index
    %get3A_75 = vector.load %arg11[%get3A_72, %get3A_73, %get3A_74] : memref<8x515x256xf32, #tpu.memory_space<vmem>>, vector<1x515x256xf32>
    %get3A_76 = vector.shape_cast %get3A_75 : vector<1x515x256xf32> to vector<515x256xf32>
    %dot_general3A_77 = arith.constant dense<0.000000e+00> : vector<64x256xf32>
    %dot_general3A_78 = tpu.matmul %get3A_71, %get3A_76, %dot_general3A_77 {dimension_numbers = #tpu.dot_dimension_numbers<[1], [0], [0], [1], [0, 0, 1, 1], [], []>, transpose_lhs_hint = false} : vector<64x515xf32>, vector<515x256xf32>, vector<64x256xf32> -> vector<64x256xf32>
    %add3A_79 = arith.addf %add3A_66, %dot_general3A_78 : vector<64x256xf32>
    %get3A_80 = arith.constant 0 : index
    %get3A_81 = arith.constant 3 : index
    %get3A_82 = arith.constant 0 : index
    %get3A_83 = vector.load %arg15[%get3A_80, %get3A_81, %get3A_82] : memref<64x8x515xf32, #tpu.memory_space<vmem>>, vector<64x1x515xf32>
    %get3A_84 = vector.shape_cast %get3A_83 : vector<64x1x515xf32> to vector<64x515xf32>
    %get3A_85 = arith.constant 3 : index
    %get3A_86 = arith.constant 0 : index
    %get3A_87 = arith.constant 0 : index
    %get3A_88 = vector.load %arg11[%get3A_85, %get3A_86, %get3A_87] : memref<8x515x256xf32, #tpu.memory_space<vmem>>, vector<1x515x256xf32>
    %get3A_89 = vector.shape_cast %get3A_88 : vector<1x515x256xf32> to vector<515x256xf32>
    %dot_general3A_90 = arith.constant dense<0.000000e+00> : vector<64x256xf32>
    %dot_general3A_91 = tpu.matmul %get3A_84, %get3A_89, %dot_general3A_90 {dimension_numbers = #tpu.dot_dimension_numbers<[1], [0], [0], [1], [0, 0, 1, 1], [], []>, transpose_lhs_hint = false} : vector<64x515xf32>, vector<515x256xf32>, vector<64x256xf32> -> vector<64x256xf32>
    %add3A_92 = arith.addf %add3A_79, %dot_general3A_91 : vector<64x256xf32>
    %get3A_93 = arith.constant 0 : index
    %get3A_94 = arith.constant 4 : index
    %get3A_95 = arith.constant 0 : index
    %get3A_96 = vector.load %arg15[%get3A_93, %get3A_94, %get3A_95] : memref<64x8x515xf32, #tpu.memory_space<vmem>>, vector<64x1x515xf32>
    %get3A_97 = vector.shape_cast %get3A_96 : vector<64x1x515xf32> to vector<64x515xf32>
    %get3A_98 = arith.constant 4 : index
    %get3A_99 = arith.constant 0 : index
    %get3A_100 = arith.constant 0 : index
    %get3A_101 = vector.load %arg11[%get3A_98, %get3A_99, %get3A_100] : memref<8x515x256xf32, #tpu.memory_space<vmem>>, vector<1x515x256xf32>
    %get3A_102 = vector.shape_cast %get3A_101 : vector<1x515x256xf32> to vector<515x256xf32>
    %dot_general3A_103 = arith.constant dense<0.000000e+00> : vector<64x256xf32>
    %dot_general3A_104 = tpu.matmul %get3A_97, %get3A_102, %dot_general3A_103 {dimension_numbers = #tpu.dot_dimension_numbers<[1], [0], [0], [1], [0, 0, 1, 1], [], []>, transpose_lhs_hint = false} : vector<64x515xf32>, vector<515x256xf32>, vector<64x256xf32> -> vector<64x256xf32>
    %add3A_105 = arith.addf %add3A_92, %dot_general3A_104 : vector<64x256xf32>
    %get3A_106 = arith.constant 0 : index
    %get3A_107 = arith.constant 5 : index
    %get3A_108 = arith.constant 0 : index
    %get3A_109 = vector.load %arg15[%get3A_106, %get3A_107, %get3A_108] : memref<64x8x515xf32, #tpu.memory_space<vmem>>, vector<64x1x515xf32>
    %get3A_110 = vector.shape_cast %get3A_109 : vector<64x1x515xf32> to vector<64x515xf32>
    %get3A_111 = arith.constant 5 : index
    %get3A_112 = arith.constant 0 : index
    %get3A_113 = arith.constant 0 : index
    %get3A_114 = vector.load %arg11[%get3A_111, %get3A_112, %get3A_113] : memref<8x515x256xf32, #tpu.memory_space<vmem>>, vector<1x515x256xf32>
    %get3A_115 = vector.shape_cast %get3A_114 : vector<1x515x256xf32> to vector<515x256xf32>
    %dot_general3A_116 = arith.constant dense<0.000000e+00> : vector<64x256xf32>
    %dot_general3A_117 = tpu.matmul %get3A_110, %get3A_115, %dot_general3A_116 {dimension_numbers = #tpu.dot_dimension_numbers<[1], [0], [0], [1], [0, 0, 1, 1], [], []>, transpose_lhs_hint = false} : vector<64x515xf32>, vector<515x256xf32>, vector<64x256xf32> -> vector<64x256xf32>
    %add3A_118 = arith.addf %add3A_105, %dot_general3A_117 : vector<64x256xf32>
    %get3A_119 = arith.constant 0 : index
    %get3A_120 = arith.constant 6 : index
    %get3A_121 = arith.constant 0 : index
    %get3A_122 = vector.load %arg15[%get3A_119, %get3A_120, %get3A_121] : memref<64x8x515xf32, #tpu.memory_space<vmem>>, vector<64x1x515xf32>
    %get3A_123 = vector.shape_cast %get3A_122 : vector<64x1x515xf32> to vector<64x515xf32>
    %get3A_124 = arith.constant 6 : index
    %get3A_125 = arith.constant 0 : index
    %get3A_126 = arith.constant 0 : index
    %get3A_127 = vector.load %arg11[%get3A_124, %get3A_125, %get3A_126] : memref<8x515x256xf32, #tpu.memory_space<vmem>>, vector<1x515x256xf32>
    %get3A_128 = vector.shape_cast %get3A_127 : vector<1x515x256xf32> to vector<515x256xf32>
    %dot_general3A_129 = arith.constant dense<0.000000e+00> : vector<64x256xf32>
    %dot_general3A_130 = tpu.matmul %get3A_123, %get3A_128, %dot_general3A_129 {dimension_numbers = #tpu.dot_dimension_numbers<[1], [0], [0], [1], [0, 0, 1, 1], [], []>, transpose_lhs_hint = false} : vector<64x515xf32>, vector<515x256xf32>, vector<64x256xf32> -> vector<64x256xf32>
    %add3A_131 = arith.addf %add3A_118, %dot_general3A_130 : vector<64x256xf32>
    %get3A_132 = arith.constant 0 : index
    %get3A_133 = arith.constant 7 : index
    %get3A_134 = arith.constant 0 : index
    %get3A_135 = vector.load %arg15[%get3A_132, %get3A_133, %get3A_134] : memref<64x8x515xf32, #tpu.memory_space<vmem>>, vector<64x1x515xf32>
    %get3A_136 = vector.shape_cast %get3A_135 : vector<64x1x515xf32> to vector<64x515xf32>
    %get3A_137 = arith.constant 7 : index
    %get3A_138 = arith.constant 0 : index
    %get3A_139 = arith.constant 0 : index
    %get3A_140 = vector.load %arg11[%get3A_137, %get3A_138, %get3A_139] : memref<8x515x256xf32, #tpu.memory_space<vmem>>, vector<1x515x256xf32>
    %get3A_141 = vector.shape_cast %get3A_140 : vector<1x515x256xf32> to vector<515x256xf32>
    %dot_general3A_142 = arith.constant dense<0.000000e+00> : vector<64x256xf32>
    %dot_general3A_143 = tpu.matmul %get3A_136, %get3A_141, %dot_general3A_142 {dimension_numbers = #tpu.dot_dimension_numbers<[1], [0], [0], [1], [0, 0, 1, 1], [], []>, transpose_lhs_hint = false} : vector<64x515xf32>, vector<515x256xf32>, vector<64x256xf32> -> vector<64x256xf32>
    %add3A_144 = arith.addf %add3A_131, %dot_general3A_143 : vector<64x256xf32>
    %get3A_145 = arith.constant 0 : index
    %get3A_146 = arith.constant 0 : index
    %get3A_147 = vector.load %arg12[%get3A_145, %get3A_146] : memref<1x256xf32, #tpu.memory_space<vmem>>, vector<1x256xf32>
    %add3A_148 = vector.broadcast %get3A_147 : vector<1x256xf32> to vector<64x256xf32>
    %add3A_149 = arith.addf %add3A_144, %add3A_148 : vector<64x256xf32>
    %gt3A = arith.constant 0.000000e+00 : f32
    %gt3A_150 = vector.broadcast %gt3A : f32 to vector<64x256xf32>
    %gt3A_151 = arith.cmpf ogt, %add3A_149, %gt3A_150 : vector<64x256xf32>
    %mul3A_152 = arith.constant 1.000000e-01 : f32
    %mul3A_153 = vector.broadcast %mul3A_152 : f32 to vector<64x256xf32>
    %mul3A_154 = arith.mulf %mul3A_153, %add3A_149 : vector<64x256xf32>
    %select_n3A = arith.select %gt3A_151, %add3A_149, %mul3A_154 : vector<64x256xi1>, vector<64x256xf32>
    %swap3A_155 = arith.constant 0 : index
    %swap3A_156 = arith.constant 0 : index
    %swap3A_157 = arith.constant 0 : index
    %swap3A_158 = arith.constant 0 : index
    %swap3A_159 = vector.load %arg13[%swap3A_155, %swap3A_156, %swap3A_157, %swap3A_158] : memref<1x1x64x256xf32, #tpu.memory_space<vmem>>, vector<1x1x64x256xf32>
    %swap3A_160 = vector.shape_cast %swap3A_159 : vector<1x1x64x256xf32> to vector<64x256xf32>
    %swap3A_161 = vector.shape_cast %select_n3A : vector<64x256xf32> to vector<1x1x64x256xf32>
    tpu.vector_store %arg13[%swap3A_155, %swap3A_156, %swap3A_157, %swap3A_158], %swap3A_161 {strides = array<i32>} : memref<1x1x64x256xf32, #tpu.memory_space<vmem>>, vector<1x1x64x256xf32>,
    return
  }
  func.func @transform_0(%arg0: i32, %arg1: i32) -> (i32, i32, i32) {
    %c0_i32 = arith.constant 0 : i32
    %c0_i32_0 = arith.constant 0 : i32
    return %arg0, %arg1, %c0_i32 : i32, i32, i32
  }
  func.func @transform_1(%arg0: i32, %arg1: i32) -> (i32, i32, i32) {
    %c0_i32 = arith.constant 0 : i32
    %c0_i32_0 = arith.constant 0 : i32
    %c0_i32_1 = arith.constant 0 : i32
    return %arg0, %c0_i32, %c0_i32_0 : i32, i32, i32
  }
  func.func @transform_2(%arg0: i32, %arg1: i32) -> (i32, i32, i32) {
    %c0_i32 = arith.constant 0 : i32
    %c0_i32_0 = arith.constant 0 : i32
    %c0_i32_1 = arith.constant 0 : i32
    return %arg0, %c0_i32, %c0_i32_0 : i32, i32, i32
  }
  func.func @transform_3(%arg0: i32, %arg1: i32) -> (i32, i32) {
    %c0_i32 = arith.constant 0 : i32
    %c0_i32_0 = arith.constant 0 : i32
    %c0_i32_1 = arith.constant 0 : i32
    return %c0_i32, %c0_i32_0 : i32, i32
  }
  func.func @transform_4(%arg0: i32, %arg1: i32) -> (i32, i32) {
    %c0_i32 = arith.constant 0 : i32
    %c0_i32_0 = arith.constant 0 : i32
    %c0_i32_1 = arith.constant 0 : i32
    return %c0_i32, %c0_i32_0 : i32, i32
  }
  func.func @transform_5(%arg0: i32, %arg1: i32) -> (i32, i32) {
    %c0_i32 = arith.constant 0 : i32
    %c0_i32_0 = arith.constant 0 : i32
    %c0_i32_1 = arith.constant 0 : i32
    return %c0_i32, %c0_i32_0 : i32, i32
  }
  func.func @transform_6(%arg0: i32, %arg1: i32) -> (i32, i32) {
    %c0_i32 = arith.constant 0 : i32
    %c0_i32_0 = arith.constant 0 : i32
    %c0_i32_1 = arith.constant 0 : i32
    return %c0_i32, %c0_i32_0 : i32, i32
  }
  func.func @transform_7(%arg0: i32, %arg1: i32) -> (i32, i32) {
    %c0_i32 = arith.constant 0 : i32
    %c0_i32_0 = arith.constant 0 : i32
    %c0_i32_1 = arith.constant 0 : i32
    return %c0_i32, %c0_i32_0 : i32, i32
  }
  func.func @transform_8(%arg0: i32, %arg1: i32) -> (i32, i32) {
    %c0_i32 = arith.constant 0 : i32
    %c0_i32_0 = arith.constant 0 : i32
    %c0_i32_1 = arith.constant 0 : i32
    return %c0_i32, %c0_i32_0 : i32, i32
  }
  func.func @transform_9(%arg0: i32, %arg1: i32) -> (i32, i32, i32) {
    %c0_i32 = arith.constant 0 : i32
    %c0_i32_0 = arith.constant 0 : i32
    %c0_i32_1 = arith.constant 0 : i32
    %c0_i32_2 = arith.constant 0 : i32
    return %c0_i32, %c0_i32_0, %c0_i32_1 : i32, i32, i32
  }
  func.func @transform_10(%arg0: i32, %arg1: i32) -> (i32, i32) {
    %c0_i32 = arith.constant 0 : i32
    %c0_i32_0 = arith.constant 0 : i32
    %c0_i32_1 = arith.constant 0 : i32
    return %c0_i32, %c0_i32_0 : i32, i32
  }
  func.func @transform_11(%arg0: i32, %arg1: i32) -> (i32, i32, i32, i32) {
    %c0_i32 = arith.constant 0 : i32
    %c0_i32_0 = arith.constant 0 : i32
    %c0_i32_1 = arith.constant 0 : i32
    return %arg0, %arg1, %c0_i32, %c0_i32_0 : i32, i32, i32, i32
  }
}

</mosaic_0001>

<sc_bundles>
// kernel: kernel.23.cloned.1.call-start
scs
__scs_entry_jumppad:
0x0: {  	(pc) =	sbr.rel $0x88, $3  }
0x1: {  	(tag) =	ssettag $0x0;
	lr =	simm.s32 $0x1  }
0x2: {  	[smem:$0x3F67] =	sst lr;
	_ =	strace $0xD0000000  }
0x3: {  	_ = 	snop  }
0x4: {  	_ = 	snop  }
0x5: {  	_ = 	snop  }
0x6: {  	_ = 	snop  }
0x7: {  	_ = 	snop  }
__scs_overlays_trampoline_lowered:
0x8: {  	[smem:$0x3F76] =	sst s0  }
0x9: {  	[smem:$0x3F77] =	sst s1  }
0xa: {  	[smem:$0x3F78] =	sst s2  }
0xb: {  	[smem:$0x3F79] =	sst s3  }
0xc: {  	[smem:$0x3F7A] =	sst s4  }
0xd: {  	[smem:$0x3F7B] =	sst s5  }
0xe: {  	[smem:$0x3F7C] =	sst s6  }
0xf: {  	[smem:$0x3F7D] =	sst s7  }
0x10: {  	[smem:$0x3F7E] =	sst s8  }
0x11: {  	[smem:$0x3F7F] =	sst s9;
	s0 =	simm.s32 @!p0 $0x0  }
0x12: {  	s1 =	sld [smem:$0x3F65];
	s0 =	simm.s32 @p0 $0x1  }
0x13: {  	[smem:$0x3F80] =	sst s0;
	s0 =	simm.s32 @!p1 $0x0  }
0x14: {  	s2 =	sld [smem:$0x3F64];
	s0 =	simm.s32 @p1 $0x1  }
0x15: {  	[smem:$0x3F81] =	sst s0;
	s0 =	simm.s32 @!p2 $0x0  }
0x16: {  	s3 =	sld [smem:$0x3FDB];
	s0 =	simm.s32 @p2 $0x1  }
0x17: {  	s4 =	simm.s32 $0x1BF5;
	[smem:$0x3F83] =	sst s0  }
0x18: {  	s0 =	sld [smem:$0x3F66];
	_ =	swait.ge [sflag:s4], $0x0  }
0x19: {  	s7 =	sld [smem:$0x3F67]  }
0x1a: {  	s8 =	sadd.s32 $0xFFFFE003, lr  }
0x1b: {  	s9 =	sadd.s32 $0xFFFFFEF7, lr;
	s5 =	simm.s32 $0xFFFFFFFF;
	p2 =	slt.u32 s8, $0xFFFFF086  }
0x1c: {  	p1 =	slt.u32 s9, $0xF7A;
	s5 =	simm.s32 @!p2 $0x0  }
0x1d: {  	s5 =	simm.s32 @p1 $0x1;
	p0 =	seq.s32 s7, s2  }
0x1e: {  	s7 =	smul.u32 @!p0 $0xF7A, s2;
	p2 =	seq.s32 @!p0 s5, $0x0  }
0x1f: {  	s9 =	smul.u32 $0xF7A, s1;
	s8 =	simm.s32 @!p0 $0x1BF5;
	p2 =	por !p2, p0  }
0x20: {  	[sflag:s8] =	ssyncset.s32 @!p0 $0xFFFFF086;
	s6 =	sadd.s32 @!p0 s3, s7;
	s7 =	simm.s32 @!p0 $0x108  }
0x21: {  	s3 =	sadd.s32 s3, s9;
	s6 =	sadd.s32 @!p0 $0x88, s6;
	s7 =	simm.s32 @p2 $0x1082  }
0x22: {  	[simem:s7], [sflag:s8] =	dma.local @!p0 [hbm:s6], $0xF7A  }
0x23: {  	s9 =	sor.u32 $0xD0000000, s2;
	s6 =	simm.s32 $0x108;
	_ =	swait.ge @!p0 [sflag:s8], $0x0  }
0x24: {  	s3 =	sadd.s32 $0x88, s3;
	s6 =	simm.s32 @!p1 $0x1082;
	[sflag:s4] =	ssyncset.s32 $0xFFFFF086  }
0x25: {  	[simem:s6], [sflag:s4] =	dma.local [hbm:s3], $0xF7A  }
0x26: {  	[smem:$0x3F67] =	sst s1;
	(tag) =	ssettag s2;
	_ =	strace s9  }
0x27: {  	s1 =	sld [smem:$0x3F77]  }
0x28: {  	s2 =	sld [smem:$0x3F78]  }
0x29: {  	s4 =	sld [smem:$0x3F7A]  }
0x2a: {  	p0 =	seq.s32 s5, $0x0;
	s5 =	sld [smem:$0x3F7B]  }
0x2b: {  	s6 =	sld [smem:$0x3F7C]  }
0x2c: {  	s7 =	sld [smem:$0x3F7D]  }
0x2d: {  	s3 =	simm.s32 $0x108;
	s8 =	sld [smem:$0x3F7E]  }
0x2e: {  	s3 =	simm.s32 @!p0 $0x1082;
	s9 =	sld [smem:$0x3F7F]  }
0x2f: {  	lr =	sadd.s32 s0, s3;
	s0 =	sld [smem:$0x3F76]  }
0x30: {  	s3 =	sld [smem:$0x3F79]  }
0x31: {  	[smem:$0x3F82] =	sst s10  }
0x32: {  	s10 =	sld [smem:$0x3F80];
	_ =	sdelay $0x3  }
0x33: {  	p0 =	seq.s32 s10, $0x1;
	s10 =	sld [smem:$0x3F82];
	_ =	sdelay $0x3  }
0x34: {  	[smem:$0x3F82] =	sst s10  }
0x35: {  	s10 =	sld [smem:$0x3F81];
	_ =	sdelay $0x3  }
0x36: {  	p1 =	seq.s32 s10, $0x1;
	s10 =	sld [smem:$0x3F82];
	_ =	sdelay $0x3  }
0x37: {  	[smem:$0x3F82] =	sst s10  }
0x38: {  	s10 =	sld [smem:$0x3F83]  }
0x39: {  	_ = 	snop;
	(pc) =	sbr.ind lr, $3  }
0x3a: {  	_ = 	snop  }
0x3b: {  	_ = 	snop  }
0x3c: {  	p2 =	seq.s32 s10, $0x1;
	s10 =	sld [smem:$0x3F82]  }
0x3d: {  	_ =	shalt  }
0x3e: {  	_ =	shalt  }
0x3f: {  	_ =	shalt  }
0x40: {  	_ =	shalt  }
0x41: {  	_ =	shalt  }
0x42: {  	_ =	shalt  }
0x43: {  	_ =	shalt  }
0x44: {  	_ =	shalt  }
0x45: {  	_ =	shalt  }
0x46: {  	_ =	shalt  }
0x47: {  	_ =	shalt  }
0x48: {  	_ =	shalt  }
0x49: {  	_ =	shalt  }
0x4a: {  	_ =	shalt  }
0x4b: {  	_ =	shalt  }
0x4c: {  	_ =	shalt  }
0x4d: {  	_ =	shalt  }
0x4e: {  	_ =	shalt  }
0x4f: {  	_ =	shalt  }
0x50: {  	_ =	shalt  }
0x51: {  	_ =	shalt  }
0x52: {  	_ =	shalt  }
0x53: {  	_ =	shalt  }
0x54: {  	_ =	shalt  }
0x55: {  	_ =	shalt  }
0x56: {  	_ =	shalt  }
0x57: {  	_ =	shalt  }
0x58: {  	_ =	shalt  }
0x59: {  	_ =	shalt  }
0x5a: {  	_ =	shalt  }
0x5b: {  	_ =	shalt  }
0x5c: {  	_ =	shalt  }
0x5d: {  	_ =	shalt  }
0x5e: {  	_ =	shalt  }
0x5f: {  	_ =	shalt  }
0x60: {  	_ =	shalt  }
0x61: {  	_ =	shalt  }
0x62: {  	_ =	shalt  }
0x63: {  	_ =	shalt  }
0x64: {  	_ =	shalt  }
0x65: {  	_ =	shalt  }
0x66: {  	_ =	shalt  }
0x67: {  	_ =	shalt  }
0x68: {  	_ =	shalt  }
0x69: {  	_ =	shalt  }
0x6a: {  	_ =	shalt  }
0x6b: {  	_ =	shalt  }
0x6c: {  	_ =	shalt  }
0x6d: {  	_ =	shalt  }
0x6e: {  	_ =	shalt  }
0x6f: {  	_ =	shalt  }
0x70: {  	_ =	shalt  }
0x71: {  	_ =	shalt  }
0x72: {  	_ =	shalt  }
0x73: {  	_ =	shalt  }
0x74: {  	_ =	shalt  }
0x75: {  	_ =	shalt  }
0x76: {  	_ =	shalt  }
0x77: {  	_ =	shalt  }
0x78: {  	_ =	shalt  }
0x79: {  	_ =	shalt  }
0x7a: {  	_ =	shalt  }
0x7b: {  	_ =	shalt  }
0x7c: {  	_ =	shalt  }
0x7d: {  	_ =	shalt  }
0x7e: {  	_ =	shalt  }
0x7f: {  	_ =	shalt  }
0x80: {  	_ =	shalt  }
0x81: {  	_ =	shalt  }
0x82: {  	_ =	shalt  }
0x83: {  	_ =	shalt  }
0x84: {  	_ =	shalt  }
0x85: {  	_ =	shalt  }
0x86: {  	_ =	shalt  }
0x87: {  	_ =	shalt  }
.Lfunc_end0:
.L_simem_size_0:
called_computation_lowered:
.L_overlay_start_0:
0x88: {  	s2 =	sld [smem:$0x3FD9]  }
0x89: {  	s3 =	sld [smem:$0x3FFE];
	_ =	sdelay $0x1  }
0x8a: {  	s1 =	srdreg.scid  }
0x8b: {  	s0 =	sand.u32 $0x1, s1  }
0x8c: {  	s14 =	sshll.u32 s0, $0xA;
	s2 =	sadd.s32 s3, s2  }
0x8d: {  	s2 =	sadd.s32 s2, s14  }
0x8e: {  	[smem:$0x3F8E] =	sst s2  }
0x8f: {  	_ = 	snop  }
0x90: {  	s2 =	sld [smem:$0x3FD0];
	_ =	sdelay $0x2  }
0x91: {  	s15 =	simm.s32 $0xA;
	s4 =	simm.s32 $0x10  }
0x92: {  	[smem:s4], [sflag:s15] =	dma.local [hbm:s2], $0x1  }
0x93: {  	_ =	swait.eq [sflag:s15], $0x1  }
0x94: {  	[sflag:s15] =	ssyncset.done $0x0  }
0x95: {  	[sflag:s15] =	ssyncadd.s32 $0xFFFFFFFF  }
0x96: {  	s2 =	sadd.s32 $0x1, s2;
	s5 =	sld [smem:$0x15]  }
0x97: {  	[smem:s4], [sflag:s15] =	dma.local [hbm:s2], $0x1  }
0x98: {  	_ =	swait.eq [sflag:s15], $0x1  }
0x99: {  	[sflag:s15] =	ssyncset.done $0x0  }
0x9a: {  	[sflag:s15] =	ssyncadd.s32 $0xFFFFFFFF  }
0x9b: {  	s16 =	sld [smem:$0x12];
	(tm) =	ssettm $0x1  }
0x9c: {  	s17 =	sld [smem:$0x3FFB];
	_ =	sdelay $0x3  }
0x9d: {  	_ =	strace s17  }
0x9e: {  	s3 =	sld [smem:$0x3FFC];
	_ =	sdelay $0x3  }
0x9f: {  	_ =	strace s3  }
0xa0: {  	s3 =	sld [smem:$0x3FFD];
	_ =	sdelay $0x3  }
0xa1: {  	_ =	strace s3  }
0xa2: {  	_ =	strace $0x8FFFFFFF  }
0xa3: {  	s18 =	sld [smem:$0x3FDB];
	_ =	sdelay $0x1  }
0xa4: {  	s19 =	simm.s32 $_scs_section_size  }
0xa5: {  	s6 =	simm.s32 $_size__tile_overlayer_lowered;
	s7 =	simm.s32 $_tile_overlayer_lowered  }
0xa6: {  	s22 =	simm.s32 $0x1BFF;
	s21 =	sshll.u32 s7, $0x1;
	s3 =	sadd.s32 s19, s18  }
0xa7: {  	s8 =	simm.s32 $0x0;
	s20 =	sshll.u32 s6, $0x1;
	s6 =	sadd.s32 s21, s3  }
0xa8: {  	[timem:s8], [sflag:s22] =	dma.local [hbm:s6], s20  }
0xa9: {  	_ =	swait.ge [sflag:s22], s20  }
0xaa: {  	s4 =	ssub.s32 $0x0, s20;
	[sflag:s22] =	ssyncset.done $0x0  }
0xab: {  	[sflag:s22] =	ssyncadd.s32 s4;
	_ =	sdelay $0x1  }
0xac: {  	s23 =	simm.s32 $0x1B8B  }
0xad: {  	_ =	swait.ge [sflag:s23], $0x1  }
0xae: {  	[sflag:s23] =	ssyncset.done $0x0  }
0xaf: {  	s25 =	simm.s32 $0x1B8E;
	s24 =	sld [smem:$0x3FFE];
	[sflag:s23] =	ssyncadd.s32 $0xFFFFFFFF  }
0xb0: {  	s26 =	simm.s32 $execute0_lowered;
	[smem:$0x3FD2] =	sst s25  }
0xb1: {  	s6 =	sshll.u32 s26, $0x1;
	_ =	strace $0x80000046;
	[dreg:$0x1] =	wrdreg $0xFFFFFFFF  }
0xb2: {  	s28 =	simm.s32 $_size_execute0_lowered;
	s3 =	sadd.s32 s3, s6;
	[dreg:$0x0] =	wrdreg $0x0  }
0xb3: {  	s6 =	sshll.u32 s28, $0x1;
	[dreg:$0x2] =	wrdreg s3  }
0xb4: {  	[dreg:$0x3] =	wrdreg s6  }
0xb5: {  	[dreg:$0x4] =	wrdreg $0xC0  }
0xb6: {  	_ =	task [dreg:s8], $0x5FFFF  }
0xb7: {  	[dreg:$0x1] =	wrdreg $0xFFFFFFFF  }
0xb8: {  	[dreg:$0x0] =	wrdreg $0x60  }
0xb9: {  	[dreg:$0x2] =	wrdreg s24  }
0xba: {  	[dreg:$0x3] =	wrdreg s16  }
0xbb: {  	[dreg:$0x4] =	wrdreg s5  }
0xbc: {  	[dreg:$0x5] =	wrdreg $0x9  }
0xbd: {  	_ =	task.clear_ibuf [dreg:s8], $0x6FFFF;
	_ =	strace $0x90000046  }
0xbe: {  	s29 =	simm.s32 $0x9;
	_ =	strace $0x8000004F  }
0xbf: {  	_ =	swait.ge [sflag:s29], $0x1  }
0xc0: {  	[sflag:s29] =	ssyncadd.s32 $0xFFFFFFFF  }
0xc1: {  	_ =	strace $0x9000004F  }
0xc2: {  	_ =	sfence  }
0xc3: {  	s30 =	sld [smem:$0x0];
	_ =	sdelay $0x2  }
0xc4: {  	s31 =	sshll.u32 s1, $0xD;
	s1 =	sshrl.u32 s1, $0x2  }
0xc5: {  	s3 =	sand.u32 $0x4000, s31;
	s1 =	sadd.s32 s1, s30  }
0xc6: {  	s0 =	sor.u32 s3, s0;
	s1 =	sshll.u32 s1, $0x11  }
0xc7: {  	s0 =	sor.u32 s1, s0  }
0xc8: {  	s0 =	sadd.s32 $0x8F2B, s0  }
0xc9: {  	[sflag:s0] =	ssyncadd.remote.s32 $0x1  }
0xca: {  	_ =	sfence.sel $0xFFFF  }
0xcb: {  	[dreg:$0x0] =	wrdreg $0xFFFFFFFF;
	(pc) =	sbr.abs _section_cstart, $3  }
0xcc: {  	[dreg:$0x1] =	wrdreg $0xFFFFFFFF  }
0xcd: {  	_ =	task.clear_ibuf [dreg:s8], $0x2FFFF;
	_ =	strace $0x9FFFFFFF  }
0xce: {  	(tm) =	ssettm $0x7FFFFFFF  }
0xcf: {  	_ =	shalt  }
tec
execute0_lowered:
.L_overlay_start_1:
0x0: {  	(tag) =	ssettag $0x1  }
0x1: {  	s7 =	rddreg [dreg:$0x0]  }
0x2: {  	s3 =	rddreg [dreg:$0x1]  }
0x3: {  	s10 =	rddreg [dreg:$0x2];
	s2 =	simm.s32 $0x0  }
0x4: {  	s1 =	stileid.u32;
	[smem:$0x7FF] =	sst s2  }
0x5: {  	s0 =	rddreg [dreg:$0x3];
	s4 =	sshll.u32 s1, $0x5;
	_ =	strace $0x80000047  }
0x6: {  	s3 =	sadd.s32 s3, s4;
	_ =	strace $0x80000048  }
0x7: {  	[tilespmem:s2], [sflag:$0x1] =	stream.linear.gather [hbm4b:s3+s2], $0x80, $0x200038;
	[tilespmem:$0x8100] =	vst v63  }
0x8: {  	_ =	strace $0x90000048  }
0x9: {  	s5 =	simm.s32 $0x80;
	s4 =	sadd.s32 $0x10, s3;
	_ =	strace $0x80000049  }
0xa: {  	[tilespmem:s5], [sflag:$0x2] =	stream.linear.gather [hbm4b:s4+s2], $0x80, $0x200038;
	[tilespmem:$0x8100] =	vst v63  }
0xb: {  	_ =	strace $0x90000049  }
0xc: {  	s6 =	simm.s32 $0x1;
	_ =	strace $0x8000004A  }
0xd: {  	_ =	swait.ge [sflag:s6], $0x80  }
0xe: {  	[sflag:s6] =	ssyncset.done $0x0  }
0xf: {  	[sflag:s6] =	ssyncadd.s32 $0xFFFFFF80  }
0x10: {  	s8 =	simm.s32 $0x100;
	_ =	strace $0x9000004A  }
0x11: {  	s9 =	simm.s32 $0x5;
	s7 =	sadd.s32 $0xC600, s7;
	_ =	strace $0x8000004B  }
0x12: {  	[tilespmem:s8], [sflag:$0x5] =	stream.indirect.gather [hbm4b:s7+s5], $0x80, s2, s5, $0x2000b8;
	[tilespmem:$0x8100] =	vst v63  }
0x13: {  	_ =	swait.ge [sflag:s9], $0x4000  }
0x14: {  	[sflag:s9] =	ssyncset.done $0x0  }
0x15: {  	[sflag:s9] =	ssyncadd.s32 $0xFFFFC000  }
0x16: {  	s11 =	sshll.u32 s1, $0xC;
	_ =	strace $0x9000004B  }
0x17: {  	s10 =	sadd.s32 s10, s11;
	_ =	strace $0x8000004C  }
0x18: {  	[hbm4b:s10+s2] =	stream.linear.scatter [tilespmem:s8], [sflag:$0x3], $0x4000, $0x200038;
	[tilespmem:$0x8100] =	vst v63  }
0x19: {  	_ =	strace $0x9000004C  }
0x1a: {  	s11 =	simm.s32 $0x2;
	_ =	strace $0x8000004A  }
0x1b: {  	_ =	swait.ge [sflag:s11], $0x80  }
0x1c: {  	[sflag:s11] =	ssyncset.done $0x0  }
0x1d: {  	[sflag:s11] =	ssyncadd.s32 $0xFFFFFF80  }
0x1e: {  	_ =	strace $0x9000004A  }
0x1f: {  	s12 =	simm.s32 $0x4100;
	_ =	strace $0x8000004B  }
0x20: {  	[tilespmem:s12], [sflag:$0x5] =	stream.indirect.gather [hbm4b:s7+s5], $0x80, s5, s5, $0x2000b8;
	[tilespmem:$0x8100] =	vst v63  }
0x21: {  	_ =	swait.ge [sflag:s9], $0x4000  }
0x22: {  	[sflag:s9] =	ssyncset.done $0x0  }
0x23: {  	[sflag:s9] =	ssyncadd.s32 $0xFFFFC000  }
0x24: {  	s15 =	srdreg.scid;
	_ =	strace $0x9000004B  }
0x25: {  	s15 =	sand.u32 $0x1, s15;
	s13 =	sadd.s32 $0x800, s10;
	_ =	strace $0x8000004C  }
0x26: {  	[hbm4b:s13+s2] =	stream.linear.scatter [tilespmem:s12], [sflag:$0x4], $0x4000, $0x200038;
	[tilespmem:$0x8100] =	vst v63  }
0x27: {  	s15 =	ssub.s32 $0x2, s15;
	_ =	strace $0x9000004C  }
0x28: {  	s14 =	simm.s32 $0x3;
	s16 =	sshrl.u32 s15, $0x1;
	_ =	strace $0x8000004D  }
0x29: {  	s16 =	ssub.s32 s15, s16;
	_ =	swait.ge [sflag:s14], $0x4000  }
0x2a: {  	s16 =	smax.u32 s16, $0x1;
	[sflag:s14] =	ssyncset.done $0x0  }
0x2b: {  	p0 =	sne.s32 s16, $0x1;
	[sflag:s14] =	ssyncadd.s32 $0xFFFFC000  }
.Ltmp0:
0x2c: {  	_ =	strace $0x9000004D;
	(pc) =	sbr.rel @!p0 .LBB2_2-.Ltmp0, $4  }
0x2d: {  	s15 =	simm.s32 $0x4;
	_ =	strace $0x8000004E  }
0x2e: {  	_ =	swait.ge [sflag:s15], $0x4000  }
0x2f: {  	[sflag:s15] =	ssyncset.done $0x0  }
0x30: {  	s16 =	sadd.s32 $0xFFFFFFFF, s16;
	[sflag:s15] =	ssyncadd.s32 $0xFFFFC000  }
.LBB2_1:
0x31: {  	p0 =	sne.s32 s16, $0x1;
	s16 =	sadd.s32 $0xFFFFFFFF, s16;
	_ =	strace $0x9000004E  }
0x32: {  	_ =	strace $0x80000048  }
0x33: {  	[tilespmem:s2], [sflag:$0x1] =	stream.linear.gather [hbm4b:s3+s2], $0x80, $0x200038;
	[tilespmem:$0x8100] =	vst v63  }
0x34: {  	_ =	strace $0x90000048  }
0x35: {  	_ =	strace $0x80000049  }
0x36: {  	[tilespmem:s5], [sflag:$0x2] =	stream.linear.gather [hbm4b:s4+s2], $0x80, $0x200038;
	[tilespmem:$0x8100] =	vst v63  }
0x37: {  	_ =	strace $0x90000049  }
0x38: {  	_ =	strace $0x8000004A  }
0x39: {  	_ =	swait.ge [sflag:s6], $0x80  }
0x3a: {  	[sflag:s6] =	ssyncset.done $0x0  }
0x3b: {  	[sflag:s6] =	ssyncadd.s32 $0xFFFFFF80  }
0x3c: {  	_ =	strace $0x9000004A  }
0x3d: {  	_ =	strace $0x8000004B  }
0x3e: {  	[tilespmem:s8], [sflag:$0x5] =	stream.indirect.gather [hbm4b:s7+s5], $0x80, s2, s5, $0x2000b8;
	[tilespmem:$0x8100] =	vst v63  }
0x3f: {  	_ =	swait.ge [sflag:s9], $0x4000  }
0x40: {  	[sflag:s9] =	ssyncset.done $0x0  }
0x41: {  	[sflag:s9] =	ssyncadd.s32 $0xFFFFC000  }
0x42: {  	_ =	strace $0x9000004B  }
0x43: {  	_ =	strace $0x8000004C  }
0x44: {  	[hbm4b:s10+s2] =	stream.linear.scatter [tilespmem:s8], [sflag:$0x3], $0x4000, $0x200038;
	[tilespmem:$0x8100] =	vst v63  }
0x45: {  	_ =	strace $0x9000004C  }
0x46: {  	_ =	strace $0x8000004A  }
0x47: {  	_ =	swait.ge [sflag:s11], $0x80  }
0x48: {  	[sflag:s11] =	ssyncset.done $0x0  }
0x49: {  	[sflag:s11] =	ssyncadd.s32 $0xFFFFFF80  }
0x4a: {  	_ =	strace $0x9000004A  }
0x4b: {  	_ =	strace $0x8000004B  }
0x4c: {  	[tilespmem:s12], [sflag:$0x5] =	stream.indirect.gather [hbm4b:s7+s5], $0x80, s5, s5, $0x2000b8;
	[tilespmem:$0x8100] =	vst v63  }
0x4d: {  	_ =	swait.ge [sflag:s9], $0x4000  }
0x4e: {  	[sflag:s9] =	ssyncset.done $0x0  }
0x4f: {  	[sflag:s9] =	ssyncadd.s32 $0xFFFFC000  }
0x50: {  	_ =	strace $0x9000004B  }
0x51: {  	_ =	strace $0x8000004C  }
0x52: {  	[hbm4b:s13+s2] =	stream.linear.scatter [tilespmem:s12], [sflag:$0x4], $0x4000, $0x200038;
	[tilespmem:$0x8100] =	vst v63  }
0x53: {  	_ =	strace $0x9000004C  }
0x54: {  	_ =	strace $0x8000004D  }
0x55: {  	_ =	swait.ge [sflag:s14], $0x4000  }
0x56: {  	[sflag:s14] =	ssyncset.done $0x0  }
0x57: {  	[sflag:s14] =	ssyncadd.s32 $0xFFFFC000  }
.Ltmp1:
0x58: {  	_ =	strace $0x9000004D;
	(pc) =	sbr.rel @p0 .LBB2_1-.Ltmp1, $4  }
0x59: {  	_ =	strace $0x8000004E  }
0x5a: {  	_ =	swait.ge [sflag:s15], $0x4000  }
0x5b: {  	[sflag:s15] =	ssyncset.done $0x0  }
0x5c: {  	[sflag:s15] =	ssyncadd.s32 $0xFFFFC000  }
.LBB2_2:
0x5d: {  	_ =	strace $0x9000004E  }
0x5e: {  	_ =	sfence.sel $0x180000  }
0x5f: {  	[bflag:$0x0] =	sbarrier.arrive $0xFFFF  }
0x60: {  	p0 =	sne.s32 s1, $0x0;
	_ =	strace $0x90000047  }
0x61: {  	s0 =	sadd.s32 @!p0 $0x100000, s0;
	[bflag:$0x2] =	sbarrier.arrive $0xFFFF  }
0x62: {  	[sflag:s0] =	ssyncadd.tile.s32 @!p0 $0x1;
	_ =	shalt  }
.Lfunc_end2:
_tile_overlayer_lowered:
.L_overlay_start_2:
0x63: {  	(tag) =	ssettag $0x2  }
0x64: {  	s0 =	rddreg [dreg:$0x0];
	s2 =	stileid.u32  }
0x65: {  	s1 =	rddreg [dreg:$0x1];
	p0 =	sne.s32 s2, $0x0  }
0x66: {  	s3 =	rddreg [dreg:$0x2];
	[bflag:$0x3] =	sbarrier.arrive $0xFFFF;
	s2 =	simm.s32 @!p0 $0x1C01  }
0x67: {  	[timem:s3], [sflag:s2] =	dma.local @!p0 [hbm:s0], s1  }
0x68: {  	s0 =	simm.s32 @!p0 $0x1  }
0x69: {  	_ =	swait.ge @!p0 [sflag:s0], s1  }
0x6a: {  	s1 =	ssub.s32 @!p0 $0x0, s1;
	[sflag:s0] =	ssyncset.done @!p0 $0x0  }
0x6b: {  	[sflag:s0] =	ssyncadd.s32 @!p0 s1  }
0x6c: {  	[bflag:$0x3] =	sbarrier.arrive $0xFFFF  }
0x6d: {  	_ =	shalt  }

// kernel: kernel.26.cloned.1.call-start
scs
__scs_entry_jumppad:
0x0: {  	(pc) =	sbr.rel $0x88, $3  }
0x1: {  	(tag) =	ssettag $0x0;
	lr =	simm.s32 $0x1  }
0x2: {  	[smem:$0x3F67] =	sst lr;
	_ =	strace $0xD0000000  }
0x3: {  	_ = 	snop  }
0x4: {  	_ = 	snop  }
0x5: {  	_ = 	snop  }
0x6: {  	_ = 	snop  }
0x7: {  	_ = 	snop  }
__scs_overlays_trampoline_lowered:
0x8: {  	[smem:$0x3F76] =	sst s0  }
0x9: {  	[smem:$0x3F77] =	sst s1  }
0xa: {  	[smem:$0x3F78] =	sst s2  }
0xb: {  	[smem:$0x3F79] =	sst s3  }
0xc: {  	[smem:$0x3F7A] =	sst s4  }
0xd: {  	[smem:$0x3F7B] =	sst s5  }
0xe: {  	[smem:$0x3F7C] =	sst s6  }
0xf: {  	[smem:$0x3F7D] =	sst s7  }
0x10: {  	[smem:$0x3F7E] =	sst s8  }
0x11: {  	[smem:$0x3F7F] =	sst s9;
	s0 =	simm.s32 @!p0 $0x0  }
0x12: {  	s1 =	sld [smem:$0x3F65];
	s0 =	simm.s32 @p0 $0x1  }
0x13: {  	[smem:$0x3F80] =	sst s0;
	s0 =	simm.s32 @!p1 $0x0  }
0x14: {  	s2 =	sld [smem:$0x3F64];
	s0 =	simm.s32 @p1 $0x1  }
0x15: {  	[smem:$0x3F81] =	sst s0;
	s0 =	simm.s32 @!p2 $0x0  }
0x16: {  	s3 =	sld [smem:$0x3FDB];
	s0 =	simm.s32 @p2 $0x1  }
0x17: {  	s4 =	simm.s32 $0x1BF5;
	[smem:$0x3F83] =	sst s0  }
0x18: {  	s0 =	sld [smem:$0x3F66];
	_ =	swait.ge [sflag:s4], $0x0  }
0x19: {  	s7 =	sld [smem:$0x3F67]  }
0x1a: {  	s8 =	sadd.s32 $0xFFFFE003, lr  }
0x1b: {  	s9 =	sadd.s32 $0xFFFFFEF7, lr;
	s5 =	simm.s32 $0xFFFFFFFF;
	p2 =	slt.u32 s8, $0xFFFFF086  }
0x1c: {  	p1 =	slt.u32 s9, $0xF7A;
	s5 =	simm.s32 @!p2 $0x0  }
0x1d: {  	s5 =	simm.s32 @p1 $0x1;
	p0 =	seq.s32 s7, s2  }
0x1e: {  	s7 =	smul.u32 @!p0 $0xF7A, s2;
	p2 =	seq.s32 @!p0 s5, $0x0  }
0x1f: {  	s9 =	smul.u32 $0xF7A, s1;
	s8 =	simm.s32 @!p0 $0x1BF5;
	p2 =	por !p2, p0  }
0x20: {  	[sflag:s8] =	ssyncset.s32 @!p0 $0xFFFFF086;
	s6 =	sadd.s32 @!p0 s3, s7;
	s7 =	simm.s32 @!p0 $0x108  }
0x21: {  	s3 =	sadd.s32 s3, s9;
	s6 =	sadd.s32 @!p0 $0x88, s6;
	s7 =	simm.s32 @p2 $0x1082  }
0x22: {  	[simem:s7], [sflag:s8] =	dma.local @!p0 [hbm:s6], $0xF7A  }
0x23: {  	s9 =	sor.u32 $0xD0000000, s2;
	s6 =	simm.s32 $0x108;
	_ =	swait.ge @!p0 [sflag:s8], $0x0  }
0x24: {  	s3 =	sadd.s32 $0x88, s3;
	s6 =	simm.s32 @!p1 $0x1082;
	[sflag:s4] =	ssyncset.s32 $0xFFFFF086  }
0x25: {  	[simem:s6], [sflag:s4] =	dma.local [hbm:s3], $0xF7A  }
0x26: {  	[smem:$0x3F67] =	sst s1;
	(tag) =	ssettag s2;
	_ =	strace s9  }
0x27: {  	s1 =	sld [smem:$0x3F77]  }
0x28: {  	s2 =	sld [smem:$0x3F78]  }
0x29: {  	s4 =	sld [smem:$0x3F7A]  }
0x2a: {  	p0 =	seq.s32 s5, $0x0;
	s5 =	sld [smem:$0x3F7B]  }
0x2b: {  	s6 =	sld [smem:$0x3F7C]  }
0x2c: {  	s7 =	sld [smem:$0x3F7D]  }
0x2d: {  	s3 =	simm.s32 $0x108;
	s8 =	sld [smem:$0x3F7E]  }
0x2e: {  	s3 =	simm.s32 @!p0 $0x1082;
	s9 =	sld [smem:$0x3F7F]  }
0x2f: {  	lr =	sadd.s32 s0, s3;
	s0 =	sld [smem:$0x3F76]  }
0x30: {  	s3 =	sld [smem:$0x3F79]  }
0x31: {  	[smem:$0x3F82] =	sst s10  }
0x32: {  	s10 =	sld [smem:$0x3F80];
	_ =	sdelay $0x3  }
0x33: {  	p0 =	seq.s32 s10, $0x1;
	s10 =	sld [smem:$0x3F82];
	_ =	sdelay $0x3  }
0x34: {  	[smem:$0x3F82] =	sst s10  }
0x35: {  	s10 =	sld [smem:$0x3F81];
	_ =	sdelay $0x3  }
0x36: {  	p1 =	seq.s32 s10, $0x1;
	s10 =	sld [smem:$0x3F82];
	_ =	sdelay $0x3  }
0x37: {  	[smem:$0x3F82] =	sst s10  }
0x38: {  	s10 =	sld [smem:$0x3F83]  }
0x39: {  	_ = 	snop;
	(pc) =	sbr.ind lr, $3  }
0x3a: {  	_ = 	snop  }
0x3b: {  	_ = 	snop  }
0x3c: {  	p2 =	seq.s32 s10, $0x1;
	s10 =	sld [smem:$0x3F82]  }
0x3d: {  	_ =	shalt  }
0x3e: {  	_ =	shalt  }
0x3f: {  	_ =	shalt  }
0x40: {  	_ =	shalt  }
0x41: {  	_ =	shalt  }
0x42: {  	_ =	shalt  }
0x43: {  	_ =	shalt  }
0x44: {  	_ =	shalt  }
0x45: {  	_ =	shalt  }
0x46: {  	_ =	shalt  }
0x47: {  	_ =	shalt  }
0x48: {  	_ =	shalt  }
0x49: {  	_ =	shalt  }
0x4a: {  	_ =	shalt  }
0x4b: {  	_ =	shalt  }
0x4c: {  	_ =	shalt  }
0x4d: {  	_ =	shalt  }
0x4e: {  	_ =	shalt  }
0x4f: {  	_ =	shalt  }
0x50: {  	_ =	shalt  }
0x51: {  	_ =	shalt  }
0x52: {  	_ =	shalt  }
0x53: {  	_ =	shalt  }
0x54: {  	_ =	shalt  }
0x55: {  	_ =	shalt  }
0x56: {  	_ =	shalt  }
0x57: {  	_ =	shalt  }
0x58: {  	_ =	shalt  }
0x59: {  	_ =	shalt  }
0x5a: {  	_ =	shalt  }
0x5b: {  	_ =	shalt  }
0x5c: {  	_ =	shalt  }
0x5d: {  	_ =	shalt  }
0x5e: {  	_ =	shalt  }
0x5f: {  	_ =	shalt  }
0x60: {  	_ =	shalt  }
0x61: {  	_ =	shalt  }
0x62: {  	_ =	shalt  }
0x63: {  	_ =	shalt  }
0x64: {  	_ =	shalt  }
0x65: {  	_ =	shalt  }
0x66: {  	_ =	shalt  }
0x67: {  	_ =	shalt  }
0x68: {  	_ =	shalt  }
0x69: {  	_ =	shalt  }
0x6a: {  	_ =	shalt  }
0x6b: {  	_ =	shalt  }
0x6c: {  	_ =	shalt  }
0x6d: {  	_ =	shalt  }
0x6e: {  	_ =	shalt  }
0x6f: {  	_ =	shalt  }
0x70: {  	_ =	shalt  }
0x71: {  	_ =	shalt  }
0x72: {  	_ =	shalt  }
0x73: {  	_ =	shalt  }
0x74: {  	_ =	shalt  }
0x75: {  	_ =	shalt  }
0x76: {  	_ =	shalt  }
0x77: {  	_ =	shalt  }
0x78: {  	_ =	shalt  }
0x79: {  	_ =	shalt  }
0x7a: {  	_ =	shalt  }
0x7b: {  	_ =	shalt  }
0x7c: {  	_ =	shalt  }
0x7d: {  	_ =	shalt  }
0x7e: {  	_ =	shalt  }
0x7f: {  	_ =	shalt  }
0x80: {  	_ =	shalt  }
0x81: {  	_ =	shalt  }
0x82: {  	_ =	shalt  }
0x83: {  	_ =	shalt  }
0x84: {  	_ =	shalt  }
0x85: {  	_ =	shalt  }
0x86: {  	_ =	shalt  }
0x87: {  	_ =	shalt  }
.Lfunc_end0:
.L_simem_size_0:
called_computation.1_lowered:
.L_overlay_start_0:
0x88: {  	s2 =	sld [smem:$0x3FD9]  }
0x89: {  	s3 =	sld [smem:$0x3FFE];
	_ =	sdelay $0x1  }
0x8a: {  	s1 =	srdreg.scid  }
0x8b: {  	s0 =	sand.u32 $0x1, s1  }
0x8c: {  	s15 =	sshll.u32 s0, $0xA;
	s2 =	sadd.s32 s3, s2  }
0x8d: {  	s2 =	sadd.s32 s2, s15  }
0x8e: {  	[smem:$0x3F8E] =	sst s2  }
0x8f: {  	_ = 	snop  }
0x90: {  	s2 =	sld [smem:$0x3FD0];
	_ =	sdelay $0x2  }
0x91: {  	s16 =	simm.s32 $0xA;
	s4 =	simm.s32 $0x10  }
0x92: {  	[smem:s4], [sflag:s16] =	dma.local [hbm:s2], $0x1  }
0x93: {  	_ =	swait.eq [sflag:s16], $0x1  }
0x94: {  	[sflag:s16] =	ssyncset.done $0x0  }
0x95: {  	s5 =	sld [smem:$0x15];
	[sflag:s16] =	ssyncadd.s32 $0xFFFFFFFF  }
0x96: {  	s2 =	sadd.s32 $0x1, s2;
	s6 =	sld [smem:$0x17]  }
0x97: {  	[smem:s4], [sflag:s16] =	dma.local [hbm:s2], $0x1  }
0x98: {  	_ =	swait.eq [sflag:s16], $0x1  }
0x99: {  	[sflag:s16] =	ssyncset.done $0x0  }
0x9a: {  	[sflag:s16] =	ssyncadd.s32 $0xFFFFFFFF  }
0x9b: {  	s17 =	sld [smem:$0x13];
	(tm) =	ssettm $0x1  }
0x9c: {  	s18 =	sld [smem:$0x3FFB];
	_ =	sdelay $0x3  }
0x9d: {  	_ =	strace s18  }
0x9e: {  	s3 =	sld [smem:$0x3FFC];
	_ =	sdelay $0x3  }
0x9f: {  	_ =	strace s3  }
0xa0: {  	s3 =	sld [smem:$0x3FFD];
	_ =	sdelay $0x3  }
0xa1: {  	_ =	strace s3  }
0xa2: {  	_ =	strace $0x8FFFFFFF  }
0xa3: {  	s19 =	sld [smem:$0x3FDB];
	_ =	sdelay $0x1  }
0xa4: {  	s20 =	simm.s32 $_scs_section_size  }
0xa5: {  	s7 =	simm.s32 $_size__tile_overlayer_lowered;
	s8 =	simm.s32 $_tile_overlayer_lowered  }
0xa6: {  	s23 =	simm.s32 $0x1BFF;
	s22 =	sshll.u32 s8, $0x1;
	s3 =	sadd.s32 s20, s19  }
0xa7: {  	s9 =	simm.s32 $0x0;
	s21 =	sshll.u32 s7, $0x1;
	s7 =	sadd.s32 s22, s3  }
0xa8: {  	[timem:s9], [sflag:s23] =	dma.local [hbm:s7], s21  }
0xa9: {  	_ =	swait.ge [sflag:s23], s21  }
0xaa: {  	s4 =	ssub.s32 $0x0, s21;
	[sflag:s23] =	ssyncset.done $0x0  }
0xab: {  	[sflag:s23] =	ssyncadd.s32 s4;
	_ =	sdelay $0x1  }
0xac: {  	s24 =	simm.s32 $0x1B8B  }
0xad: {  	_ =	swait.ge [sflag:s24], $0x1  }
0xae: {  	[sflag:s24] =	ssyncset.done $0x0  }
0xaf: {  	s25 =	simm.s32 $0x1B8E;
	[sflag:s24] =	ssyncadd.s32 $0xFFFFFFFF  }
0xb0: {  	s26 =	simm.s32 $execute0_lowered;
	[smem:$0x3FD2] =	sst s25  }
0xb1: {  	s4 =	sshll.u32 s26, $0x1;
	_ =	strace $0x80000050;
	[dreg:$0x1] =	wrdreg $0xFFFFFFFF  }
0xb2: {  	s28 =	simm.s32 $_size_execute0_lowered;
	s3 =	sadd.s32 s3, s4;
	[dreg:$0x0] =	wrdreg $0x0  }
0xb3: {  	s4 =	sshll.u32 s28, $0x1;
	[dreg:$0x2] =	wrdreg s3  }
0xb4: {  	[dreg:$0x3] =	wrdreg s4  }
0xb5: {  	[dreg:$0x4] =	wrdreg $0xC0  }
0xb6: {  	_ =	task [dreg:s9], $0x5FFFF  }
0xb7: {  	[dreg:$0x1] =	wrdreg $0xFFFFFFFF  }
0xb8: {  	[dreg:$0x0] =	wrdreg $0x60  }
0xb9: {  	[dreg:$0x2] =	wrdreg s5  }
0xba: {  	[dreg:$0x3] =	wrdreg s17  }
0xbb: {  	[dreg:$0x4] =	wrdreg s6  }
0xbc: {  	[dreg:$0x5] =	wrdreg $0x9  }
0xbd: {  	_ =	task.clear_ibuf [dreg:s9], $0x6FFFF;
	_ =	strace $0x90000050  }
0xbe: {  	s29 =	simm.s32 $0x9;
	_ =	strace $0x80000059  }
0xbf: {  	_ =	swait.ge [sflag:s29], $0x1  }
0xc0: {  	[sflag:s29] =	ssyncadd.s32 $0xFFFFFFFF  }
0xc1: {  	_ =	strace $0x90000059  }
0xc2: {  	_ =	sfence  }
0xc3: {  	s30 =	sld [smem:$0x0];
	_ =	sdelay $0x2  }
0xc4: {  	s31 =	sshll.u32 s1, $0xD;
	s1 =	sshrl.u32 s1, $0x2  }
0xc5: {  	s3 =	sand.u32 $0x4000, s31;
	s1 =	sadd.s32 s1, s30  }
0xc6: {  	s0 =	sor.u32 s3, s0;
	s1 =	sshll.u32 s1, $0x11  }
0xc7: {  	s0 =	sor.u32 s1, s0  }
0xc8: {  	s0 =	sadd.s32 $0x8F2B, s0  }
0xc9: {  	[sflag:s0] =	ssyncadd.remote.s32 $0x1  }
0xca: {  	_ =	sfence.sel $0xFFFF  }
0xcb: {  	[dreg:$0x0] =	wrdreg $0xFFFFFFFF;
	(pc) =	sbr.abs _section_cstart, $3  }
0xcc: {  	[dreg:$0x1] =	wrdreg $0xFFFFFFFF  }
0xcd: {  	_ =	task.clear_ibuf [dreg:s9], $0x2FFFF;
	_ =	strace $0x9FFFFFFF  }
0xce: {  	(tm) =	ssettm $0x7FFFFFFF  }
0xcf: {  	_ =	shalt  }
tec
execute0_lowered:
.L_overlay_start_1:
0x0: {  	(tag) =	ssettag $0x1  }
0x1: {  	s1 =	stileid.u32  }
0x2: {  	p0 =	sgt.u32 s1, $0x7  }
.Ltmp0:
0x3: {  	s2 =	rddreg [dreg:$0x0];
	(pc) =	sbr.rel @p0 .LBB2_4-.Ltmp0, $4  }
0x4: {  	s4 =	rddreg [dreg:$0x1]  }
0x5: {  	s9 =	rddreg [dreg:$0x2];
	s3 =	simm.s32 $0x0  }
0x6: {  	[smem:$0x7FF] =	sst s3  }
0x7: {  	s0 =	rddreg [dreg:$0x3];
	_ =	strace $0x80000051  }
0x8: {  	s10 =	smin.u32 s1, $0x8  }
0x9: {  	s5 =	sshll.u32 s10, $0x4  }
0xa: {  	_ =	strace $0x80000052;
	s4 =	sadd.s32 s4, s5  }
0xb: {  	[tilespmem:s3], [sflag:$0x1] =	stream.linear.gather [hbm4b:s4+s3], $0x80, $0x200038;
	[tilespmem:$0x8100] =	vst v63  }
0xc: {  	_ =	strace $0x90000052  }
0xd: {  	s5 =	simm.s32 $0x1;
	_ =	strace $0x80000054  }
0xe: {  	_ =	swait.ge [sflag:s5], $0x80  }
0xf: {  	[sflag:s5] =	ssyncset.done $0x0  }
0x10: {  	s6 =	simm.s32 $0x80;
	[sflag:s5] =	ssyncadd.s32 $0xFFFFFF80  }
0x11: {  	s7 =	simm.s32 $0x100;
	s11 =	srdreg.scid;
	_ =	strace $0x90000054  }
0x12: {  	s8 =	simm.s32 $0x5;
	s11 =	sand.u32 $0x1, s11;
	_ =	strace $0x80000055  }
0x13: {  	[tilespmem:s7], [sflag:$0x5] =	stream.indirect.gather [hbm4b:s2+s6], $0x80, s3, s6, $0x2000b8;
	[tilespmem:$0x8100] =	vst v63  }
0x14: {  	s31 =	ssub.s32 $0x2, s11;
	_ =	swait.ge [sflag:s8], $0x4000  }
0x15: {  	s11 =	sshrl.u32 s31, $0x1;
	[sflag:s8] =	ssyncset.done $0x0  }
0x16: {  	s11 =	ssub.s32 s31, s11;
	[sflag:s8] =	ssyncadd.s32 $0xFFFFC000  }
0x17: {  	s10 =	sshll.u32 s10, $0xB;
	s11 =	smax.u32 s11, $0x1;
	_ =	strace $0x90000055  }
0x18: {  	s9 =	sadd.s32 s9, s10;
	p0 =	sne.s32 s11, $0x1;
	_ =	strace $0x80000056  }
0x19: {  	[hbm4b:s9+s3] =	stream.linear.scatter [tilespmem:s7], [sflag:$0x3], $0x4000, $0x200038;
	[tilespmem:$0x8100] =	vst v63  }
.Ltmp1:
0x1a: {  	_ =	strace $0x90000056;
	(pc) =	sbr.rel @!p0 .LBB2_3-.Ltmp1, $4  }
0x1b: {  	s10 =	simm.s32 $0x3;
	_ =	strace $0x80000058  }
0x1c: {  	_ =	swait.ge [sflag:s10], $0x4000  }
0x1d: {  	[sflag:s10] =	ssyncset.done $0x0  }
0x1e: {  	s11 =	sadd.s32 $0xFFFFFFFF, s11;
	[sflag:s10] =	ssyncadd.s32 $0xFFFFC000  }
.LBB2_2:
0x1f: {  	p0 =	sne.s32 s11, $0x1;
	s11 =	sadd.s32 $0xFFFFFFFF, s11;
	_ =	strace $0x90000058  }
0x20: {  	_ =	strace $0x80000052  }
0x21: {  	[tilespmem:s3], [sflag:$0x1] =	stream.linear.gather [hbm4b:s4+s3], $0x80, $0x200038;
	[tilespmem:$0x8100] =	vst v63  }
0x22: {  	_ =	strace $0x90000052  }
0x23: {  	_ =	strace $0x80000054  }
0x24: {  	_ =	swait.ge [sflag:s5], $0x80  }
0x25: {  	[sflag:s5] =	ssyncset.done $0x0  }
0x26: {  	[sflag:s5] =	ssyncadd.s32 $0xFFFFFF80  }
0x27: {  	_ =	strace $0x90000054  }
0x28: {  	_ =	strace $0x80000055  }
0x29: {  	[tilespmem:s7], [sflag:$0x5] =	stream.indirect.gather [hbm4b:s2+s6], $0x80, s3, s6, $0x2000b8;
	[tilespmem:$0x8100] =	vst v63  }
0x2a: {  	_ =	swait.ge [sflag:s8], $0x4000  }
0x2b: {  	[sflag:s8] =	ssyncset.done $0x0  }
0x2c: {  	[sflag:s8] =	ssyncadd.s32 $0xFFFFC000  }
0x2d: {  	_ =	strace $0x90000055  }
0x2e: {  	_ =	strace $0x80000056  }
0x2f: {  	[hbm4b:s9+s3] =	stream.linear.scatter [tilespmem:s7], [sflag:$0x3], $0x4000, $0x200038;
	[tilespmem:$0x8100] =	vst v63  }
.Ltmp2:
0x30: {  	_ =	strace $0x90000056;
	(pc) =	sbr.rel @p0 .LBB2_2-.Ltmp2, $4  }
0x31: {  	_ =	strace $0x80000058  }
0x32: {  	_ =	swait.ge [sflag:s10], $0x4000  }
0x33: {  	[sflag:s10] =	ssyncset.done $0x0  }
0x34: {  	[sflag:s10] =	ssyncadd.s32 $0xFFFFC000  }
.LBB2_3:
0x35: {  	_ =	strace $0x90000058  }
.LBB2_4:
0x36: {  	_ =	sfence.sel $0x180000  }
0x37: {  	[bflag:$0x0] =	sbarrier.arrive $0xFFFF  }
0x38: {  	p0 =	sne.s32 s1, $0x0;
	_ =	strace $0x90000051  }
0x39: {  	s0 =	sadd.s32 @!p0 $0x100000, s0;
	[bflag:$0x2] =	sbarrier.arrive $0xFFFF  }
0x3a: {  	[sflag:s0] =	ssyncadd.tile.s32 @!p0 $0x1;
	_ =	shalt  }
.Lfunc_end2:
_tile_overlayer_lowered:
.L_overlay_start_2:
0x3b: {  	(tag) =	ssettag $0x2  }
0x3c: {  	s0 =	rddreg [dreg:$0x0];
	s2 =	stileid.u32  }
0x3d: {  	s1 =	rddreg [dreg:$0x1];
	p0 =	sne.s32 s2, $0x0  }
0x3e: {  	s3 =	rddreg [dreg:$0x2];
	[bflag:$0x3] =	sbarrier.arrive $0xFFFF;
	s2 =	simm.s32 @!p0 $0x1C01  }
0x3f: {  	[timem:s3], [sflag:s2] =	dma.local @!p0 [hbm:s0], s1  }
0x40: {  	s0 =	simm.s32 @!p0 $0x1  }
0x41: {  	_ =	swait.ge @!p0 [sflag:s0], s1  }
0x42: {  	s1 =	ssub.s32 @!p0 $0x0, s1;
	[sflag:s0] =	ssyncset.done @!p0 $0x0  }
0x43: {  	[sflag:s0] =	ssyncadd.s32 @!p0 s1  }
0x44: {  	[bflag:$0x3] =	sbarrier.arrive $0xFFFF  }
0x45: {  	_ =	shalt  }

// kernel: kernel.29.cloned.1.call-start
scs
__scs_entry_jumppad:
0x0: {  	(pc) =	sbr.rel $0x88, $3  }
0x1: {  	(tag) =	ssettag $0x0;
	lr =	simm.s32 $0x1  }
0x2: {  	[smem:$0x3F67] =	sst lr;
	_ =	strace $0xD0000000  }
0x3: {  	_ = 	snop  }
0x4: {  	_ = 	snop  }
0x5: {  	_ = 	snop  }
0x6: {  	_ = 	snop  }
0x7: {  	_ = 	snop  }
__scs_overlays_trampoline_lowered:
0x8: {  	[smem:$0x3F76] =	sst s0  }
0x9: {  	[smem:$0x3F77] =	sst s1  }
0xa: {  	[smem:$0x3F78] =	sst s2  }
0xb: {  	[smem:$0x3F79] =	sst s3  }
0xc: {  	[smem:$0x3F7A] =	sst s4  }
0xd: {  	[smem:$0x3F7B] =	sst s5  }
0xe: {  	[smem:$0x3F7C] =	sst s6  }
0xf: {  	[smem:$0x3F7D] =	sst s7  }
0x10: {  	[smem:$0x3F7E] =	sst s8  }
0x11: {  	[smem:$0x3F7F] =	sst s9;
	s0 =	simm.s32 @!p0 $0x0  }
0x12: {  	s1 =	sld [smem:$0x3F65];
	s0 =	simm.s32 @p0 $0x1  }
0x13: {  	[smem:$0x3F80] =	sst s0;
	s0 =	simm.s32 @!p1 $0x0  }
0x14: {  	s2 =	sld [smem:$0x3F64];
	s0 =	simm.s32 @p1 $0x1  }
0x15: {  	[smem:$0x3F81] =	sst s0;
	s0 =	simm.s32 @!p2 $0x0  }
0x16: {  	s3 =	sld [smem:$0x3FDB];
	s0 =	simm.s32 @p2 $0x1  }
0x17: {  	s4 =	simm.s32 $0x1BF5;
	[smem:$0x3F83] =	sst s0  }
0x18: {  	s0 =	sld [smem:$0x3F66];
	_ =	swait.ge [sflag:s4], $0x0  }
0x19: {  	s7 =	sld [smem:$0x3F67]  }
0x1a: {  	s8 =	sadd.s32 $0xFFFFE003, lr  }
0x1b: {  	s9 =	sadd.s32 $0xFFFFFEF7, lr;
	s5 =	simm.s32 $0xFFFFFFFF;
	p2 =	slt.u32 s8, $0xFFFFF086  }
0x1c: {  	p1 =	slt.u32 s9, $0xF7A;
	s5 =	simm.s32 @!p2 $0x0  }
0x1d: {  	s5 =	simm.s32 @p1 $0x1;
	p0 =	seq.s32 s7, s2  }
0x1e: {  	s7 =	smul.u32 @!p0 $0xF7A, s2;
	p2 =	seq.s32 @!p0 s5, $0x0  }
0x1f: {  	s9 =	smul.u32 $0xF7A, s1;
	s8 =	simm.s32 @!p0 $0x1BF5;
	p2 =	por !p2, p0  }
0x20: {  	[sflag:s8] =	ssyncset.s32 @!p0 $0xFFFFF086;
	s6 =	sadd.s32 @!p0 s3, s7;
	s7 =	simm.s32 @!p0 $0x108  }
0x21: {  	s3 =	sadd.s32 s3, s9;
	s6 =	sadd.s32 @!p0 $0x88, s6;
	s7 =	simm.s32 @p2 $0x1082  }
0x22: {  	[simem:s7], [sflag:s8] =	dma.local @!p0 [hbm:s6], $0xF7A  }
0x23: {  	s9 =	sor.u32 $0xD0000000, s2;
	s6 =	simm.s32 $0x108;
	_ =	swait.ge @!p0 [sflag:s8], $0x0  }
0x24: {  	s3 =	sadd.s32 $0x88, s3;
	s6 =	simm.s32 @!p1 $0x1082;
	[sflag:s4] =	ssyncset.s32 $0xFFFFF086  }
0x25: {  	[simem:s6], [sflag:s4] =	dma.local [hbm:s3], $0xF7A  }
0x26: {  	[smem:$0x3F67] =	sst s1;
	(tag) =	ssettag s2;
	_ =	strace s9  }
0x27: {  	s1 =	sld [smem:$0x3F77]  }
0x28: {  	s2 =	sld [smem:$0x3F78]  }
0x29: {  	s4 =	sld [smem:$0x3F7A]  }
0x2a: {  	p0 =	seq.s32 s5, $0x0;
	s5 =	sld [smem:$0x3F7B]  }
0x2b: {  	s6 =	sld [smem:$0x3F7C]  }
0x2c: {  	s7 =	sld [smem:$0x3F7D]  }
0x2d: {  	s3 =	simm.s32 $0x108;
	s8 =	sld [smem:$0x3F7E]  }
0x2e: {  	s3 =	simm.s32 @!p0 $0x1082;
	s9 =	sld [smem:$0x3F7F]  }
0x2f: {  	lr =	sadd.s32 s0, s3;
	s0 =	sld [smem:$0x3F76]  }
0x30: {  	s3 =	sld [smem:$0x3F79]  }
0x31: {  	[smem:$0x3F82] =	sst s10  }
0x32: {  	s10 =	sld [smem:$0x3F80];
	_ =	sdelay $0x3  }
0x33: {  	p0 =	seq.s32 s10, $0x1;
	s10 =	sld [smem:$0x3F82];
	_ =	sdelay $0x3  }
0x34: {  	[smem:$0x3F82] =	sst s10  }
0x35: {  	s10 =	sld [smem:$0x3F81];
	_ =	sdelay $0x3  }
0x36: {  	p1 =	seq.s32 s10, $0x1;
	s10 =	sld [smem:$0x3F82];
	_ =	sdelay $0x3  }
0x37: {  	[smem:$0x3F82] =	sst s10  }
0x38: {  	s10 =	sld [smem:$0x3F83]  }
0x39: {  	_ = 	snop;
	(pc) =	sbr.ind lr, $3  }
0x3a: {  	_ = 	snop  }
0x3b: {  	_ = 	snop  }
0x3c: {  	p2 =	seq.s32 s10, $0x1;
	s10 =	sld [smem:$0x3F82]  }
0x3d: {  	_ =	shalt  }
0x3e: {  	_ =	shalt  }
0x3f: {  	_ =	shalt  }
0x40: {  	_ =	shalt  }
0x41: {  	_ =	shalt  }
0x42: {  	_ =	shalt  }
0x43: {  	_ =	shalt  }
0x44: {  	_ =	shalt  }
0x45: {  	_ =	shalt  }
0x46: {  	_ =	shalt  }
0x47: {  	_ =	shalt  }
0x48: {  	_ =	shalt  }
0x49: {  	_ =	shalt  }
0x4a: {  	_ =	shalt  }
0x4b: {  	_ =	shalt  }
0x4c: {  	_ =	shalt  }
0x4d: {  	_ =	shalt  }
0x4e: {  	_ =	shalt  }
0x4f: {  	_ =	shalt  }
0x50: {  	_ =	shalt  }
0x51: {  	_ =	shalt  }
0x52: {  	_ =	shalt  }
0x53: {  	_ =	shalt  }
0x54: {  	_ =	shalt  }
0x55: {  	_ =	shalt  }
0x56: {  	_ =	shalt  }
0x57: {  	_ =	shalt  }
0x58: {  	_ =	shalt  }
0x59: {  	_ =	shalt  }
0x5a: {  	_ =	shalt  }
0x5b: {  	_ =	shalt  }
0x5c: {  	_ =	shalt  }
0x5d: {  	_ =	shalt  }
0x5e: {  	_ =	shalt  }
0x5f: {  	_ =	shalt  }
0x60: {  	_ =	shalt  }
0x61: {  	_ =	shalt  }
0x62: {  	_ =	shalt  }
0x63: {  	_ =	shalt  }
0x64: {  	_ =	shalt  }
0x65: {  	_ =	shalt  }
0x66: {  	_ =	shalt  }
0x67: {  	_ =	shalt  }
0x68: {  	_ =	shalt  }
0x69: {  	_ =	shalt  }
0x6a: {  	_ =	shalt  }
0x6b: {  	_ =	shalt  }
0x6c: {  	_ =	shalt  }
0x6d: {  	_ =	shalt  }
0x6e: {  	_ =	shalt  }
0x6f: {  	_ =	shalt  }
0x70: {  	_ =	shalt  }
0x71: {  	_ =	shalt  }
0x72: {  	_ =	shalt  }
0x73: {  	_ =	shalt  }
0x74: {  	_ =	shalt  }
0x75: {  	_ =	shalt  }
0x76: {  	_ =	shalt  }
0x77: {  	_ =	shalt  }
0x78: {  	_ =	shalt  }
0x79: {  	_ =	shalt  }
0x7a: {  	_ =	shalt  }
0x7b: {  	_ =	shalt  }
0x7c: {  	_ =	shalt  }
0x7d: {  	_ =	shalt  }
0x7e: {  	_ =	shalt  }
0x7f: {  	_ =	shalt  }
0x80: {  	_ =	shalt  }
0x81: {  	_ =	shalt  }
0x82: {  	_ =	shalt  }
0x83: {  	_ =	shalt  }
0x84: {  	_ =	shalt  }
0x85: {  	_ =	shalt  }
0x86: {  	_ =	shalt  }
0x87: {  	_ =	shalt  }
.Lfunc_end0:
.L_simem_size_0:
called_computation.2_lowered:
.L_overlay_start_0:
0x88: {  	s2 =	sld [smem:$0x3FD9]  }
0x89: {  	s3 =	sld [smem:$0x3FFE];
	_ =	sdelay $0x1  }
0x8a: {  	s1 =	srdreg.scid  }
0x8b: {  	s0 =	sand.u32 $0x1, s1  }
0x8c: {  	s15 =	sshll.u32 s0, $0xA;
	s2 =	sadd.s32 s3, s2  }
0x8d: {  	s2 =	sadd.s32 s2, s15  }
0x8e: {  	[smem:$0x3F8E] =	sst s2  }
0x8f: {  	_ = 	snop  }
0x90: {  	s2 =	sld [smem:$0x3FD0];
	_ =	sdelay $0x2  }
0x91: {  	s16 =	simm.s32 $0xA;
	s4 =	simm.s32 $0x10  }
0x92: {  	[smem:s4], [sflag:s16] =	dma.local [hbm:s2], $0x1  }
0x93: {  	_ =	swait.eq [sflag:s16], $0x1  }
0x94: {  	[sflag:s16] =	ssyncset.done $0x0  }
0x95: {  	s5 =	sld [smem:$0x16];
	[sflag:s16] =	ssyncadd.s32 $0xFFFFFFFF  }
0x96: {  	s2 =	sadd.s32 $0x1, s2;
	s6 =	sld [smem:$0x17]  }
0x97: {  	[smem:s4], [sflag:s16] =	dma.local [hbm:s2], $0x1  }
0x98: {  	_ =	swait.eq [sflag:s16], $0x1  }
0x99: {  	[sflag:s16] =	ssyncset.done $0x0  }
0x9a: {  	[sflag:s16] =	ssyncadd.s32 $0xFFFFFFFF  }
0x9b: {  	s17 =	sld [smem:$0x14];
	(tm) =	ssettm $0x1  }
0x9c: {  	s18 =	sld [smem:$0x3FFB];
	_ =	sdelay $0x3  }
0x9d: {  	_ =	strace s18  }
0x9e: {  	s3 =	sld [smem:$0x3FFC];
	_ =	sdelay $0x3  }
0x9f: {  	_ =	strace s3  }
0xa0: {  	s3 =	sld [smem:$0x3FFD];
	_ =	sdelay $0x3  }
0xa1: {  	_ =	strace s3  }
0xa2: {  	_ =	strace $0x8FFFFFFF  }
0xa3: {  	s19 =	sld [smem:$0x3FDB];
	_ =	sdelay $0x1  }
0xa4: {  	s20 =	simm.s32 $_scs_section_size  }
0xa5: {  	s7 =	simm.s32 $_size__tile_overlayer_lowered;
	s8 =	simm.s32 $_tile_overlayer_lowered  }
0xa6: {  	s23 =	simm.s32 $0x1BFF;
	s22 =	sshll.u32 s8, $0x1;
	s3 =	sadd.s32 s20, s19  }
0xa7: {  	s9 =	simm.s32 $0x0;
	s21 =	sshll.u32 s7, $0x1;
	s7 =	sadd.s32 s22, s3  }
0xa8: {  	[timem:s9], [sflag:s23] =	dma.local [hbm:s7], s21  }
0xa9: {  	_ =	swait.ge [sflag:s23], s21  }
0xaa: {  	s4 =	ssub.s32 $0x0, s21;
	[sflag:s23] =	ssyncset.done $0x0  }
0xab: {  	[sflag:s23] =	ssyncadd.s32 s4;
	_ =	sdelay $0x1  }
0xac: {  	s24 =	simm.s32 $0x1B8B  }
0xad: {  	_ =	swait.ge [sflag:s24], $0x1  }
0xae: {  	[sflag:s24] =	ssyncset.done $0x0  }
0xaf: {  	s25 =	simm.s32 $0x1B8E;
	[sflag:s24] =	ssyncadd.s32 $0xFFFFFFFF  }
0xb0: {  	s26 =	simm.s32 $execute0_lowered;
	[smem:$0x3FD2] =	sst s25  }
0xb1: {  	s4 =	sshll.u32 s26, $0x1;
	_ =	strace $0x8000005A;
	[dreg:$0x1] =	wrdreg $0xFFFFFFFF  }
0xb2: {  	s28 =	simm.s32 $_size_execute0_lowered;
	s3 =	sadd.s32 s3, s4;
	[dreg:$0x0] =	wrdreg $0x0  }
0xb3: {  	s4 =	sshll.u32 s28, $0x1;
	[dreg:$0x2] =	wrdreg s3  }
0xb4: {  	[dreg:$0x3] =	wrdreg s4  }
0xb5: {  	[dreg:$0x4] =	wrdreg $0xC0  }
0xb6: {  	_ =	task [dreg:s9], $0x5FFFF  }
0xb7: {  	[dreg:$0x1] =	wrdreg $0xFFFFFFFF  }
0xb8: {  	[dreg:$0x0] =	wrdreg $0x60  }
0xb9: {  	[dreg:$0x2] =	wrdreg s6  }
0xba: {  	[dreg:$0x3] =	wrdreg s17  }
0xbb: {  	[dreg:$0x4] =	wrdreg s5  }
0xbc: {  	[dreg:$0x5] =	wrdreg $0x9  }
0xbd: {  	_ =	task.clear_ibuf [dreg:s9], $0x6FFFF;
	_ =	strace $0x9000005A  }
0xbe: {  	s29 =	simm.s32 $0x9;
	_ =	strace $0x80000063  }
0xbf: {  	_ =	swait.ge [sflag:s29], $0x1  }
0xc0: {  	[sflag:s29] =	ssyncadd.s32 $0xFFFFFFFF  }
0xc1: {  	_ =	strace $0x90000063  }
0xc2: {  	_ =	sfence  }
0xc3: {  	s30 =	sld [smem:$0x0];
	_ =	sdelay $0x2  }
0xc4: {  	s31 =	sshll.u32 s1, $0xD;
	s1 =	sshrl.u32 s1, $0x2  }
0xc5: {  	s3 =	sand.u32 $0x4000, s31;
	s1 =	sadd.s32 s1, s30  }
0xc6: {  	s0 =	sor.u32 s3, s0;
	s1 =	sshll.u32 s1, $0x11  }
0xc7: {  	s0 =	sor.u32 s1, s0  }
0xc8: {  	s0 =	sadd.s32 $0x8F2B, s0  }
0xc9: {  	[sflag:s0] =	ssyncadd.remote.s32 $0x1  }
0xca: {  	_ =	sfence.sel $0xFFFF  }
0xcb: {  	[dreg:$0x0] =	wrdreg $0xFFFFFFFF;
	(pc) =	sbr.abs _section_cstart, $3  }
0xcc: {  	[dreg:$0x1] =	wrdreg $0xFFFFFFFF  }
0xcd: {  	_ =	task.clear_ibuf [dreg:s9], $0x2FFFF;
	_ =	strace $0x9FFFFFFF  }
0xce: {  	(tm) =	ssettm $0x7FFFFFFF  }
0xcf: {  	_ =	shalt  }
tec
execute0_lowered:
.L_overlay_start_1:
0x0: {  	(tag) =	ssettag $0x1  }
0x1: {  	s1 =	stileid.u32  }
0x2: {  	p0 =	sgt.u32 s1, $0x3  }
.Ltmp0:
0x3: {  	s2 =	rddreg [dreg:$0x0];
	(pc) =	sbr.rel @p0 .LBB2_4-.Ltmp0, $4  }
0x4: {  	s4 =	rddreg [dreg:$0x1]  }
0x5: {  	s9 =	rddreg [dreg:$0x2];
	s3 =	simm.s32 $0x0  }
0x6: {  	[smem:$0x7FF] =	sst s3  }
0x7: {  	s0 =	rddreg [dreg:$0x3];
	_ =	strace $0x8000005B  }
0x8: {  	s10 =	smin.u32 s1, $0x4  }
0x9: {  	s5 =	sshll.u32 s10, $0x4  }
0xa: {  	_ =	strace $0x8000005C;
	s4 =	sadd.s32 s4, s5  }
0xb: {  	[tilespmem:s3], [sflag:$0x1] =	stream.linear.gather [hbm4b:s4+s3], $0x80, $0x200038;
	[tilespmem:$0x8100] =	vst v63  }
0xc: {  	_ =	strace $0x9000005C  }
0xd: {  	s5 =	simm.s32 $0x1;
	_ =	strace $0x8000005E  }
0xe: {  	_ =	swait.ge [sflag:s5], $0x80  }
0xf: {  	[sflag:s5] =	ssyncset.done $0x0  }
0x10: {  	s6 =	simm.s32 $0x80;
	[sflag:s5] =	ssyncadd.s32 $0xFFFFFF80  }
0x11: {  	s7 =	simm.s32 $0x100;
	s11 =	srdreg.scid;
	_ =	strace $0x9000005E  }
0x12: {  	s8 =	simm.s32 $0x5;
	s11 =	sand.u32 $0x1, s11;
	_ =	strace $0x8000005F  }
0x13: {  	[tilespmem:s7], [sflag:$0x5] =	stream.indirect.gather [hbm4b:s2+s6], $0x80, s3, s6, $0x2000b8;
	[tilespmem:$0x8100] =	vst v63  }
0x14: {  	s31 =	ssub.s32 $0x2, s11;
	_ =	swait.ge [sflag:s8], $0x4000  }
0x15: {  	s11 =	sshrl.u32 s31, $0x1;
	[sflag:s8] =	ssyncset.done $0x0  }
0x16: {  	s11 =	ssub.s32 s31, s11;
	[sflag:s8] =	ssyncadd.s32 $0xFFFFC000  }
0x17: {  	s10 =	sshll.u32 s10, $0xB;
	s11 =	smax.u32 s11, $0x1;
	_ =	strace $0x9000005F  }
0x18: {  	s9 =	sadd.s32 s9, s10;
	p0 =	sne.s32 s11, $0x1;
	_ =	strace $0x80000060  }
0x19: {  	[hbm4b:s9+s3] =	stream.linear.scatter [tilespmem:s7], [sflag:$0x3], $0x4000, $0x200038;
	[tilespmem:$0x8100] =	vst v63  }
.Ltmp1:
0x1a: {  	_ =	strace $0x90000060;
	(pc) =	sbr.rel @!p0 .LBB2_3-.Ltmp1, $4  }
0x1b: {  	s10 =	simm.s32 $0x3;
	_ =	strace $0x80000062  }
0x1c: {  	_ =	swait.ge [sflag:s10], $0x4000  }
0x1d: {  	[sflag:s10] =	ssyncset.done $0x0  }
0x1e: {  	s11 =	sadd.s32 $0xFFFFFFFF, s11;
	[sflag:s10] =	ssyncadd.s32 $0xFFFFC000  }
.LBB2_2:
0x1f: {  	p0 =	sne.s32 s11, $0x1;
	s11 =	sadd.s32 $0xFFFFFFFF, s11;
	_ =	strace $0x90000062  }
0x20: {  	_ =	strace $0x8000005C  }
0x21: {  	[tilespmem:s3], [sflag:$0x1] =	stream.linear.gather [hbm4b:s4+s3], $0x80, $0x200038;
	[tilespmem:$0x8100] =	vst v63  }
0x22: {  	_ =	strace $0x9000005C  }
0x23: {  	_ =	strace $0x8000005E  }
0x24: {  	_ =	swait.ge [sflag:s5], $0x80  }
0x25: {  	[sflag:s5] =	ssyncset.done $0x0  }
0x26: {  	[sflag:s5] =	ssyncadd.s32 $0xFFFFFF80  }
0x27: {  	_ =	strace $0x9000005E  }
0x28: {  	_ =	strace $0x8000005F  }
0x29: {  	[tilespmem:s7], [sflag:$0x5] =	stream.indirect.gather [hbm4b:s2+s6], $0x80, s3, s6, $0x2000b8;
	[tilespmem:$0x8100] =	vst v63  }
0x2a: {  	_ =	swait.ge [sflag:s8], $0x4000  }
0x2b: {  	[sflag:s8] =	ssyncset.done $0x0  }
0x2c: {  	[sflag:s8] =	ssyncadd.s32 $0xFFFFC000  }
0x2d: {  	_ =	strace $0x9000005F  }
0x2e: {  	_ =	strace $0x80000060  }
0x2f: {  	[hbm4b:s9+s3] =	stream.linear.scatter [tilespmem:s7], [sflag:$0x3], $0x4000, $0x200038;
	[tilespmem:$0x8100] =	vst v63  }
.Ltmp2:
0x30: {  	_ =	strace $0x90000060;
	(pc) =	sbr.rel @p0 .LBB2_2-.Ltmp2, $4  }
0x31: {  	_ =	strace $0x80000062  }
0x32: {  	_ =	swait.ge [sflag:s10], $0x4000  }
0x33: {  	[sflag:s10] =	ssyncset.done $0x0  }
0x34: {  	[sflag:s10] =	ssyncadd.s32 $0xFFFFC000  }
.LBB2_3:
0x35: {  	_ =	strace $0x90000062  }
.LBB2_4:
0x36: {  	_ =	sfence.sel $0x180000  }
0x37: {  	[bflag:$0x0] =	sbarrier.arrive $0xFFFF  }
0x38: {  	p0 =	sne.s32 s1, $0x0;
	_ =	strace $0x9000005B  }
0x39: {  	s0 =	sadd.s32 @!p0 $0x100000, s0;
	[bflag:$0x2] =	sbarrier.arrive $0xFFFF  }
0x3a: {  	[sflag:s0] =	ssyncadd.tile.s32 @!p0 $0x1;
	_ =	shalt  }
.Lfunc_end2:
_tile_overlayer_lowered:
.L_overlay_start_2:
0x3b: {  	(tag) =	ssettag $0x2  }
0x3c: {  	s0 =	rddreg [dreg:$0x0];
	s2 =	stileid.u32  }
0x3d: {  	s1 =	rddreg [dreg:$0x1];
	p0 =	sne.s32 s2, $0x0  }
0x3e: {  	s3 =	rddreg [dreg:$0x2];
	[bflag:$0x3] =	sbarrier.arrive $0xFFFF;
	s2 =	simm.s32 @!p0 $0x1C01  }
0x3f: {  	[timem:s3], [sflag:s2] =	dma.local @!p0 [hbm:s0], s1  }
0x40: {  	s0 =	simm.s32 @!p0 $0x1  }
0x41: {  	_ =	swait.ge @!p0 [sflag:s0], s1  }
0x42: {  	s1 =	ssub.s32 @!p0 $0x0, s1;
	[sflag:s0] =	ssyncset.done @!p0 $0x0  }
0x43: {  	[sflag:s0] =	ssyncadd.s32 @!p0 s1  }
0x44: {  	[bflag:$0x3] =	sbarrier.arrive $0xFFFF  }
0x45: {  	_ =	shalt  }

// kernel: kernel.32.cloned.1.call-start
scs
__scs_entry_jumppad:
0x0: {  	(pc) =	sbr.rel $0x88, $3  }
0x1: {  	(tag) =	ssettag $0x0;
	lr =	simm.s32 $0x1  }
0x2: {  	[smem:$0x3F67] =	sst lr;
	_ =	strace $0xD0000000  }
0x3: {  	_ = 	snop  }
0x4: {  	_ = 	snop  }
0x5: {  	_ = 	snop  }
0x6: {  	_ = 	snop  }
0x7: {  	_ = 	snop  }
__scs_overlays_trampoline_lowered:
0x8: {  	[smem:$0x3F76] =	sst s0  }
0x9: {  	[smem:$0x3F77] =	sst s1  }
0xa: {  	[smem:$0x3F78] =	sst s2  }
0xb: {  	[smem:$0x3F79] =	sst s3  }
0xc: {  	[smem:$0x3F7A] =	sst s4  }
0xd: {  	[smem:$0x3F7B] =	sst s5  }
0xe: {  	[smem:$0x3F7C] =	sst s6  }
0xf: {  	[smem:$0x3F7D] =	sst s7  }
0x10: {  	[smem:$0x3F7E] =	sst s8  }
0x11: {  	[smem:$0x3F7F] =	sst s9;
	s0 =	simm.s32 @!p0 $0x0  }
0x12: {  	s1 =	sld [smem:$0x3F65];
	s0 =	simm.s32 @p0 $0x1  }
0x13: {  	[smem:$0x3F80] =	sst s0;
	s0 =	simm.s32 @!p1 $0x0  }
0x14: {  	s2 =	sld [smem:$0x3F64];
	s0 =	simm.s32 @p1 $0x1  }
0x15: {  	[smem:$0x3F81] =	sst s0;
	s0 =	simm.s32 @!p2 $0x0  }
0x16: {  	s3 =	sld [smem:$0x3FDB];
	s0 =	simm.s32 @p2 $0x1  }
0x17: {  	s4 =	simm.s32 $0x1BF5;
	[smem:$0x3F83] =	sst s0  }
0x18: {  	s0 =	sld [smem:$0x3F66];
	_ =	swait.ge [sflag:s4], $0x0  }
0x19: {  	s7 =	sld [smem:$0x3F67]  }
0x1a: {  	s8 =	sadd.s32 $0xFFFFE003, lr  }
0x1b: {  	s9 =	sadd.s32 $0xFFFFFEF7, lr;
	s5 =	simm.s32 $0xFFFFFFFF;
	p2 =	slt.u32 s8, $0xFFFFF086  }
0x1c: {  	p1 =	slt.u32 s9, $0xF7A;
	s5 =	simm.s32 @!p2 $0x0  }
0x1d: {  	s5 =	simm.s32 @p1 $0x1;
	p0 =	seq.s32 s7, s2  }
0x1e: {  	s7 =	smul.u32 @!p0 $0xF7A, s2;
	p2 =	seq.s32 @!p0 s5, $0x0  }
0x1f: {  	s9 =	smul.u32 $0xF7A, s1;
	s8 =	simm.s32 @!p0 $0x1BF5;
	p2 =	por !p2, p0  }
0x20: {  	[sflag:s8] =	ssyncset.s32 @!p0 $0xFFFFF086;
	s6 =	sadd.s32 @!p0 s3, s7;
	s7 =	simm.s32 @!p0 $0x108  }
0x21: {  	s3 =	sadd.s32 s3, s9;
	s6 =	sadd.s32 @!p0 $0x88, s6;
	s7 =	simm.s32 @p2 $0x1082  }
0x22: {  	[simem:s7], [sflag:s8] =	dma.local @!p0 [hbm:s6], $0xF7A  }
0x23: {  	s9 =	sor.u32 $0xD0000000, s2;
	s6 =	simm.s32 $0x108;
	_ =	swait.ge @!p0 [sflag:s8], $0x0  }
0x24: {  	s3 =	sadd.s32 $0x88, s3;
	s6 =	simm.s32 @!p1 $0x1082;
	[sflag:s4] =	ssyncset.s32 $0xFFFFF086  }
0x25: {  	[simem:s6], [sflag:s4] =	dma.local [hbm:s3], $0xF7A  }
0x26: {  	[smem:$0x3F67] =	sst s1;
	(tag) =	ssettag s2;
	_ =	strace s9  }
0x27: {  	s1 =	sld [smem:$0x3F77]  }
0x28: {  	s2 =	sld [smem:$0x3F78]  }
0x29: {  	s4 =	sld [smem:$0x3F7A]  }
0x2a: {  	p0 =	seq.s32 s5, $0x0;
	s5 =	sld [smem:$0x3F7B]  }
0x2b: {  	s6 =	sld [smem:$0x3F7C]  }
0x2c: {  	s7 =	sld [smem:$0x3F7D]  }
0x2d: {  	s3 =	simm.s32 $0x108;
	s8 =	sld [smem:$0x3F7E]  }
0x2e: {  	s3 =	simm.s32 @!p0 $0x1082;
	s9 =	sld [smem:$0x3F7F]  }
0x2f: {  	lr =	sadd.s32 s0, s3;
	s0 =	sld [smem:$0x3F76]  }
0x30: {  	s3 =	sld [smem:$0x3F79]  }
0x31: {  	[smem:$0x3F82] =	sst s10  }
0x32: {  	s10 =	sld [smem:$0x3F80];
	_ =	sdelay $0x3  }
0x33: {  	p0 =	seq.s32 s10, $0x1;
	s10 =	sld [smem:$0x3F82];
	_ =	sdelay $0x3  }
0x34: {  	[smem:$0x3F82] =	sst s10  }
0x35: {  	s10 =	sld [smem:$0x3F81];
	_ =	sdelay $0x3  }
0x36: {  	p1 =	seq.s32 s10, $0x1;
	s10 =	sld [smem:$0x3F82];
	_ =	sdelay $0x3  }
0x37: {  	[smem:$0x3F82] =	sst s10  }
0x38: {  	s10 =	sld [smem:$0x3F83]  }
0x39: {  	_ = 	snop;
	(pc) =	sbr.ind lr, $3  }
0x3a: {  	_ = 	snop  }
0x3b: {  	_ = 	snop  }
0x3c: {  	p2 =	seq.s32 s10, $0x1;
	s10 =	sld [smem:$0x3F82]  }
0x3d: {  	_ =	shalt  }
0x3e: {  	_ =	shalt  }
0x3f: {  	_ =	shalt  }
0x40: {  	_ =	shalt  }
0x41: {  	_ =	shalt  }
0x42: {  	_ =	shalt  }
0x43: {  	_ =	shalt  }
0x44: {  	_ =	shalt  }
0x45: {  	_ =	shalt  }
0x46: {  	_ =	shalt  }
0x47: {  	_ =	shalt  }
0x48: {  	_ =	shalt  }
0x49: {  	_ =	shalt  }
0x4a: {  	_ =	shalt  }
0x4b: {  	_ =	shalt  }
0x4c: {  	_ =	shalt  }
0x4d: {  	_ =	shalt  }
0x4e: {  	_ =	shalt  }
0x4f: {  	_ =	shalt  }
0x50: {  	_ =	shalt  }
0x51: {  	_ =	shalt  }
0x52: {  	_ =	shalt  }
0x53: {  	_ =	shalt  }
0x54: {  	_ =	shalt  }
0x55: {  	_ =	shalt  }
0x56: {  	_ =	shalt  }
0x57: {  	_ =	shalt  }
0x58: {  	_ =	shalt  }
0x59: {  	_ =	shalt  }
0x5a: {  	_ =	shalt  }
0x5b: {  	_ =	shalt  }
0x5c: {  	_ =	shalt  }
0x5d: {  	_ =	shalt  }
0x5e: {  	_ =	shalt  }
0x5f: {  	_ =	shalt  }
0x60: {  	_ =	shalt  }
0x61: {  	_ =	shalt  }
0x62: {  	_ =	shalt  }
0x63: {  	_ =	shalt  }
0x64: {  	_ =	shalt  }
0x65: {  	_ =	shalt  }
0x66: {  	_ =	shalt  }
0x67: {  	_ =	shalt  }
0x68: {  	_ =	shalt  }
0x69: {  	_ =	shalt  }
0x6a: {  	_ =	shalt  }
0x6b: {  	_ =	shalt  }
0x6c: {  	_ =	shalt  }
0x6d: {  	_ =	shalt  }
0x6e: {  	_ =	shalt  }
0x6f: {  	_ =	shalt  }
0x70: {  	_ =	shalt  }
0x71: {  	_ =	shalt  }
0x72: {  	_ =	shalt  }
0x73: {  	_ =	shalt  }
0x74: {  	_ =	shalt  }
0x75: {  	_ =	shalt  }
0x76: {  	_ =	shalt  }
0x77: {  	_ =	shalt  }
0x78: {  	_ =	shalt  }
0x79: {  	_ =	shalt  }
0x7a: {  	_ =	shalt  }
0x7b: {  	_ =	shalt  }
0x7c: {  	_ =	shalt  }
0x7d: {  	_ =	shalt  }
0x7e: {  	_ =	shalt  }
0x7f: {  	_ =	shalt  }
0x80: {  	_ =	shalt  }
0x81: {  	_ =	shalt  }
0x82: {  	_ =	shalt  }
0x83: {  	_ =	shalt  }
0x84: {  	_ =	shalt  }
0x85: {  	_ =	shalt  }
0x86: {  	_ =	shalt  }
0x87: {  	_ =	shalt  }
.Lfunc_end0:
.L_simem_size_0:
called_computation.3_lowered:
.L_overlay_start_0:
0x88: {  	s2 =	sld [smem:$0x3FD9]  }
0x89: {  	s3 =	sld [smem:$0x3FFE];
	_ =	sdelay $0x1  }
0x8a: {  	s1 =	srdreg.scid  }
0x8b: {  	s0 =	sand.u32 $0x1, s1  }
0x8c: {  	s14 =	sshll.u32 s0, $0xA;
	s2 =	sadd.s32 s3, s2  }
0x8d: {  	s2 =	sadd.s32 s2, s14  }
0x8e: {  	[smem:$0x3F8E] =	sst s2  }
0x8f: {  	_ = 	snop  }
0x90: {  	s2 =	sld [smem:$0x3FD0];
	_ =	sdelay $0x2  }
0x91: {  	s15 =	simm.s32 $0xA;
	s4 =	simm.s32 $0x10  }
0x92: {  	[smem:s4], [sflag:s15] =	dma.local [hbm:s2], $0x1  }
0x93: {  	_ =	swait.eq [sflag:s15], $0x1  }
0x94: {  	[sflag:s15] =	ssyncset.done $0x0  }
0x95: {  	[sflag:s15] =	ssyncadd.s32 $0xFFFFFFFF  }
0x96: {  	s16 =	sld [smem:$0x14];
	(tm) =	ssettm $0x1  }
0x97: {  	s17 =	sld [smem:$0x3FFB];
	_ =	sdelay $0x3  }
0x98: {  	_ =	strace s17  }
0x99: {  	s3 =	sld [smem:$0x3FFC];
	_ =	sdelay $0x3  }
0x9a: {  	_ =	strace s3  }
0x9b: {  	s3 =	sld [smem:$0x3FFD];
	_ =	sdelay $0x3  }
0x9c: {  	_ =	strace s3  }
0x9d: {  	_ =	strace $0x8FFFFFFF  }
0x9e: {  	s18 =	sld [smem:$0x3FDB];
	_ =	sdelay $0x1  }
0x9f: {  	s19 =	simm.s32 $_scs_section_size  }
0xa0: {  	s5 =	simm.s32 $_size__tile_overlayer_lowered;
	s6 =	simm.s32 $_tile_overlayer_lowered  }
0xa1: {  	s22 =	simm.s32 $0x1BFF;
	s21 =	sshll.u32 s6, $0x1;
	s3 =	sadd.s32 s19, s18  }
0xa2: {  	s7 =	simm.s32 $0x0;
	s20 =	sshll.u32 s5, $0x1;
	s5 =	sadd.s32 s21, s3  }
0xa3: {  	[timem:s7], [sflag:s22] =	dma.local [hbm:s5], s20  }
0xa4: {  	_ =	swait.ge [sflag:s22], s20  }
0xa5: {  	s4 =	ssub.s32 $0x0, s20;
	[sflag:s22] =	ssyncset.done $0x0  }
0xa6: {  	[sflag:s22] =	ssyncadd.s32 s4;
	_ =	sdelay $0x1  }
0xa7: {  	s23 =	simm.s32 $0x1B8B  }
0xa8: {  	_ =	swait.ge [sflag:s23], $0x1  }
0xa9: {  	[sflag:s23] =	ssyncset.done $0x0  }
0xaa: {  	s25 =	simm.s32 $0x1B8E;
	s24 =	sld [smem:$0x3FFE];
	[sflag:s23] =	ssyncadd.s32 $0xFFFFFFFF  }
0xab: {  	s26 =	simm.s32 $execute0_lowered;
	[smem:$0x3FD2] =	sst s25  }
0xac: {  	s5 =	sshll.u32 s26, $0x1;
	_ =	strace $0x80000064;
	[dreg:$0x1] =	wrdreg $0xFFFFFFFF  }
0xad: {  	s28 =	simm.s32 $_size_execute0_lowered;
	s3 =	sadd.s32 s3, s5;
	[dreg:$0x0] =	wrdreg $0x0  }
0xae: {  	s5 =	sshll.u32 s28, $0x1;
	[dreg:$0x2] =	wrdreg s3  }
0xaf: {  	[dreg:$0x3] =	wrdreg s5  }
0xb0: {  	[dreg:$0x4] =	wrdreg $0xC0  }
0xb1: {  	_ =	task [dreg:s7], $0x5FFFF  }
0xb2: {  	[dreg:$0x1] =	wrdreg $0xFFFFFFFF  }
0xb3: {  	[dreg:$0x0] =	wrdreg $0x60  }
0xb4: {  	[dreg:$0x2] =	wrdreg s24  }
0xb5: {  	[dreg:$0x3] =	wrdreg s16  }
0xb6: {  	[dreg:$0x4] =	wrdreg $0x9  }
0xb7: {  	_ =	task.clear_ibuf [dreg:s7], $0x5FFFF;
	_ =	strace $0x90000064  }
0xb8: {  	s29 =	simm.s32 $0x9;
	_ =	strace $0x8000006D  }
0xb9: {  	_ =	swait.ge [sflag:s29], $0x1  }
0xba: {  	[sflag:s29] =	ssyncadd.s32 $0xFFFFFFFF  }
0xbb: {  	_ =	strace $0x9000006D  }
0xbc: {  	_ =	sfence  }
0xbd: {  	s30 =	sld [smem:$0x0];
	_ =	sdelay $0x2  }
0xbe: {  	s31 =	sshll.u32 s1, $0xD;
	s1 =	sshrl.u32 s1, $0x2  }
0xbf: {  	s3 =	sand.u32 $0x4000, s31;
	s1 =	sadd.s32 s1, s30  }
0xc0: {  	s0 =	sor.u32 s3, s0;
	s1 =	sshll.u32 s1, $0x11  }
0xc1: {  	s0 =	sor.u32 s1, s0  }
0xc2: {  	s0 =	sadd.s32 $0x8F2B, s0  }
0xc3: {  	[sflag:s0] =	ssyncadd.remote.s32 $0x1  }
0xc4: {  	_ =	sfence.sel $0xFFFF  }
0xc5: {  	[dreg:$0x0] =	wrdreg $0xFFFFFFFF;
	(pc) =	sbr.abs _section_cstart, $3  }
0xc6: {  	[dreg:$0x1] =	wrdreg $0xFFFFFFFF  }
0xc7: {  	_ =	task.clear_ibuf [dreg:s7], $0x2FFFF;
	_ =	strace $0x9FFFFFFF  }
0xc8: {  	(tm) =	ssettm $0x7FFFFFFF  }
0xc9: {  	_ =	shalt  }
tec
execute0_lowered:
.L_overlay_start_1:
0x0: {  	(tag) =	ssettag $0x1  }
0x1: {  	s3 =	stileid.u32  }
0x2: {  	p0 =	sne.s32 s3, $0x0  }
.Ltmp0:
0x3: {  	_ = 	snop;
	(pc) =	sbr.rel @p0 .LBB2_4-.Ltmp0, $4  }
0x4: {  	s8 =	rddreg [dreg:$0x0]  }
0x5: {  	s1 =	rddreg [dreg:$0x1];
	s2 =	simm.s32 $0x0  }
0x6: {  	[smem:$0x7FF] =	sst s2  }
0x7: {  	s0 =	rddreg [dreg:$0x2];
	_ =	strace $0x80000065  }
0x8: {  	_ =	strace $0x80000066  }
0x9: {  	[tilespmem:s2], [sflag:$0x1] =	stream.linear.gather [hbm4b:s1+s2], $0x80, $0x200038;
	[tilespmem:$0x8100] =	vst v63  }
0xa: {  	_ =	strace $0x90000066  }
0xb: {  	s3 =	simm.s32 $0x1;
	_ =	strace $0x80000068  }
0xc: {  	_ =	swait.ge [sflag:s3], $0x80  }
0xd: {  	[sflag:s3] =	ssyncset.done $0x0  }
0xe: {  	s4 =	sadd.s32 $0x21600, s8;
	s5 =	simm.s32 $0x80;
	[sflag:s3] =	ssyncadd.s32 $0xFFFFFF80  }
0xf: {  	s6 =	simm.s32 $0x100;
	s9 =	srdreg.scid;
	_ =	strace $0x90000068  }
0x10: {  	s7 =	simm.s32 $0x5;
	s9 =	sand.u32 $0x1, s9;
	_ =	strace $0x80000069  }
0x11: {  	[tilespmem:s6], [sflag:$0x5] =	stream.indirect.gather [hbm4b:s4+s5], $0x80, s2, s5, $0x2000b8;
	[tilespmem:$0x8100] =	vst v63  }
0x12: {  	s9 =	ssub.s32 $0x2, s9;
	_ =	swait.ge [sflag:s7], $0x4000  }
0x13: {  	s10 =	sshrl.u32 s9, $0x1;
	[sflag:s7] =	ssyncset.done $0x0  }
0x14: {  	s10 =	ssub.s32 s9, s10;
	[sflag:s7] =	ssyncadd.s32 $0xFFFFC000  }
0x15: {  	s10 =	smax.u32 s10, $0x1;
	_ =	strace $0x90000069  }
0x16: {  	s8 =	sadd.s32 $0x23600, s8;
	p1 =	sne.s32 s10, $0x1;
	_ =	strace $0x8000006A  }
0x17: {  	[hbm4b:s8+s2] =	stream.linear.scatter [tilespmem:s6], [sflag:$0x3], $0x4000, $0x200038;
	[tilespmem:$0x8100] =	vst v63  }
.Ltmp1:
0x18: {  	_ =	strace $0x9000006A;
	(pc) =	sbr.rel @!p1 .LBB2_3-.Ltmp1, $4  }
0x19: {  	s9 =	simm.s32 $0x3;
	_ =	strace $0x8000006C  }
0x1a: {  	_ =	swait.ge [sflag:s9], $0x4000  }
0x1b: {  	[sflag:s9] =	ssyncset.done $0x0  }
0x1c: {  	s10 =	sadd.s32 $0xFFFFFFFF, s10;
	[sflag:s9] =	ssyncadd.s32 $0xFFFFC000  }
.LBB2_2:
0x1d: {  	p1 =	sne.s32 s10, $0x1;
	s10 =	sadd.s32 $0xFFFFFFFF, s10;
	_ =	strace $0x9000006C  }
0x1e: {  	_ =	strace $0x80000066  }
0x1f: {  	[tilespmem:s2], [sflag:$0x1] =	stream.linear.gather [hbm4b:s1+s2], $0x80, $0x200038;
	[tilespmem:$0x8100] =	vst v63  }
0x20: {  	_ =	strace $0x90000066  }
0x21: {  	_ =	strace $0x80000068  }
0x22: {  	_ =	swait.ge [sflag:s3], $0x80  }
0x23: {  	[sflag:s3] =	ssyncset.done $0x0  }
0x24: {  	[sflag:s3] =	ssyncadd.s32 $0xFFFFFF80  }
0x25: {  	_ =	strace $0x90000068  }
0x26: {  	_ =	strace $0x80000069  }
0x27: {  	[tilespmem:s6], [sflag:$0x5] =	stream.indirect.gather [hbm4b:s4+s5], $0x80, s2, s5, $0x2000b8;
	[tilespmem:$0x8100] =	vst v63  }
0x28: {  	_ =	swait.ge [sflag:s7], $0x4000  }
0x29: {  	[sflag:s7] =	ssyncset.done $0x0  }
0x2a: {  	[sflag:s7] =	ssyncadd.s32 $0xFFFFC000  }
0x2b: {  	_ =	strace $0x90000069  }
0x2c: {  	_ =	strace $0x8000006A  }
0x2d: {  	[hbm4b:s8+s2] =	stream.linear.scatter [tilespmem:s6], [sflag:$0x3], $0x4000, $0x200038;
	[tilespmem:$0x8100] =	vst v63  }
.Ltmp2:
0x2e: {  	_ =	strace $0x9000006A;
	(pc) =	sbr.rel @p1 .LBB2_2-.Ltmp2, $4  }
0x2f: {  	_ =	strace $0x8000006C  }
0x30: {  	_ =	swait.ge [sflag:s9], $0x4000  }
0x31: {  	[sflag:s9] =	ssyncset.done $0x0  }
0x32: {  	[sflag:s9] =	ssyncadd.s32 $0xFFFFC000  }
.LBB2_3:
0x33: {  	_ =	strace $0x9000006C  }
.LBB2_4:
0x34: {  	_ =	sfence.sel $0x180000  }
0x35: {  	[bflag:$0x0] =	sbarrier.arrive $0xFFFF  }
0x36: {  	_ =	strace $0x90000065  }
0x37: {  	s0 =	sadd.s32 @!p0 $0x100000, s0;
	[bflag:$0x2] =	sbarrier.arrive $0xFFFF  }
0x38: {  	[sflag:s0] =	ssyncadd.tile.s32 @!p0 $0x1;
	_ =	shalt  }
.Lfunc_end2:
_tile_overlayer_lowered:
.L_overlay_start_2:
0x39: {  	(tag) =	ssettag $0x2  }
0x3a: {  	s0 =	rddreg [dreg:$0x0];
	s2 =	stileid.u32  }
0x3b: {  	s1 =	rddreg [dreg:$0x1];
	p0 =	sne.s32 s2, $0x0  }
0x3c: {  	s3 =	rddreg [dreg:$0x2];
	[bflag:$0x3] =	sbarrier.arrive $0xFFFF;
	s2 =	simm.s32 @!p0 $0x1C01  }
0x3d: {  	[timem:s3], [sflag:s2] =	dma.local @!p0 [hbm:s0], s1  }
0x3e: {  	s0 =	simm.s32 @!p0 $0x1  }
0x3f: {  	_ =	swait.ge @!p0 [sflag:s0], s1  }
0x40: {  	s1 =	ssub.s32 @!p0 $0x0, s1;
	[sflag:s0] =	ssyncset.done @!p0 $0x0  }
0x41: {  	[sflag:s0] =	ssyncadd.s32 @!p0 s1  }
0x42: {  	[bflag:$0x3] =	sbarrier.arrive $0xFFFF  }
0x43: {  	_ =	shalt  }

</sc_bundles>
